<compile_context>
chip_gen: v7x
topology: tpu7x:2x2x1
jax: 0.10.2.dev20260603
libtpu: 0.0.44.dev20260713+nightly
codegen_flags: <defaults>
</compile_context>

<pallas_src>
import functools

import jax
import jax.numpy as jnp
from jax import lax
from jax.experimental import pallas as pl
from jax.experimental.pallas import tpu as pltpu
from jax.experimental.pallas import tpu_sc as plsc

C = 4096
L = 16
NCHUNK = C // L
NC = 2
NS = 16
NW = NC * NS
RPW = C // NW
LABEL_SMOOTH = 0.1
EPS = LABEL_SMOOTH / (C - 1)
HI = 1.0 - LABEL_SMOOTH


GRP = 16
NGRP = 256 // GRP


def _sc_body(preds_hbm, tgt_hbm, stats_hbm, cval_hbm, cidx_hbm,
             ra0, ra1, ra2, ra3, rb0, rb1, rb2, rb3, tgtbuf,
             gb0, gb1, gb2, gb3, trv, tri,
             stats_v, cval_v, cidx_v, sema, semb):
    wid = lax.axis_index("s") * NC + lax.axis_index("c")
    base = wid * RPW
    pltpu.sync_copy(tgt_hbm.at[pl.ds(base, RPW)], tgtbuf)

    iota = lax.iota(jnp.int32, L)
    zi = jnp.zeros((L,), jnp.int32)
    ninf = jnp.full((L,), -jnp.inf, jnp.float32)

    pltpu.async_copy(preds_hbm.at[base], ra0, sema)
    pltpu.async_copy(preds_hbm.at[base + 1], ra1, sema)
    pltpu.async_copy(preds_hbm.at[base + 2], ra2, sema)
    pltpu.async_copy(preds_hbm.at[base + 3], ra3, sema)

    def do_quad(j, pbufs, psem, obufs, osem):
        row = base + j
        for pb in pbufs:
            pltpu.make_async_copy(preds_hbm.at[base], pb, psem).wait()

        @pl.when(j + 4 < RPW)
        def _():
            for q, ob in enumerate(obufs):
                pltpu.async_copy(preds_hbm.at[row + 4 + q], ob, osem)

        gbufs = (gb0, gb1, gb2, gb3)

        def ga(g, carry):
            m0, m1, m2, m3 = carry

            def gi(t, c2):
                a0, a1, a2, a3 = c2
                o = (g * GRP + t) * L
                return (jnp.maximum(a0, pbufs[0][pl.ds(o, L)]),
                        jnp.maximum(a1, pbufs[1][pl.ds(o, L)]),
                        jnp.maximum(a2, pbufs[2][pl.ds(o, L)]),
                        jnp.maximum(a3, pbufs[3][pl.ds(o, L)]))

            a0, a1, a2, a3 = lax.fori_loop(
                0, GRP, gi, (ninf, ninf, ninf, ninf), unroll=8)
            gb0[pl.ds(g * L, L)] = a0
            gb1[pl.ds(g * L, L)] = a1
            gb2[pl.ds(g * L, L)] = a2
            gb3[pl.ds(g * L, L)] = a3
            return (jnp.maximum(m0, a0), jnp.maximum(m1, a1),
                    jnp.maximum(m2, a2), jnp.maximum(m3, a3))

        m4 = lax.fori_loop(0, NGRP, ga, (ninf, ninf, ninf, ninf))

        bcast3 = jnp.full((L,), 3, jnp.int32)
        taus = []
        for q in range(4):
            srt, _ = plsc.sort_key_val(m4[q], m4[q], descending=True)
            taus.append(srt.at[bcast3].get(mode="promise_in_bounds"))

        for q in range(4):
            for off in (0, 16, 32, 48):
                trv[pl.ds(64 * q + off, L)] = ninf
                tri[pl.ds(64 * q + off, L)] = zi

        def gbq(g, _):
            for q in range(4):
                gm = gbufs[q][pl.ds(g * L, L)]
                hit = jnp.any(gm >= taus[q])
                rowbuf = pbufs[q]
                toff = 64 * q

                @pl.when(hit)
                def _(rowbuf=rowbuf, toff=toff):
                    r0v = trv[pl.ds(toff, L)]
                    r1v = trv[pl.ds(toff + 16, L)]
                    r2v = trv[pl.ds(toff + 32, L)]
                    r3v = trv[pl.ds(toff + 48, L)]
                    r0i = tri[pl.ds(toff, L)]
                    r1i = tri[pl.ds(toff + 16, L)]
                    r2i = tri[pl.ds(toff + 32, L)]
                    r3i = tri[pl.ds(toff + 48, L)]

                    def ins(k, carry):
                        c0v, c1v, c2v, c3v, c0i, c1i, c2i, c3i = carry
                        c = g * GRP + k
                        v = rowbuf[pl.ds(c * L, L)]
                        cols = iota + c * L
                        w0 = v > c0v
                        w1 = v > c1v
                        w2 = v > c2v
                        w3 = v > c3v
                        n0v = jnp.where(w0, v, c0v)
                        n0i = jnp.where(w0, cols, c0i)
                        n1v = jnp.where(w0, c0v, jnp.where(w1, v, c1v))
                        n1i = jnp.where(w0, c0i, jnp.where(w1, cols, c1i))
                        n2v = jnp.where(w1, c1v, jnp.where(w2, v, c2v))
                        n2i = jnp.where(w1, c1i, jnp.where(w2, cols, c2i))
                        n3v = jnp.where(w2, c2v, jnp.where(w3, v, c3v))
                        n3i = jnp.where(w2, c2i, jnp.where(w3, cols, c3i))
                        return (n0v, n1v, n2v, n3v, n0i, n1i, n2i, n3i)

                    r0v, r1v, r2v, r3v, r0i, r1i, r2i, r3i = lax.fori_loop(
                        0, GRP, ins,
                        (r0v, r1v, r2v, r3v, r0i, r1i, r2i, r3i), unroll=4)
                    trv[pl.ds(toff, L)] = r0v
                    trv[pl.ds(toff + 16, L)] = r1v
                    trv[pl.ds(toff + 32, L)] = r2v
                    trv[pl.ds(toff + 48, L)] = r3v
                    tri[pl.ds(toff, L)] = r0i
                    tri[pl.ds(toff + 16, L)] = r1i
                    tri[pl.ds(toff + 32, L)] = r2i
                    tri[pl.ds(toff + 48, L)] = r3i

            return 0

        lax.fori_loop(0, NGRP, gbq, 0)

        for q in range(4):
            tq = plsc.load_gather(tgtbuf, [jnp.full((L,), j + q, jnp.int32)])
            pq = plsc.load_gather(pbufs[q], [tq])
            stats_v[pl.ds((j + q) * L, L)] = pq
            sb = (j + q) * 64
            toff = 64 * q
            cval_v[pl.ds(sb, L)] = trv[pl.ds(toff, L)]
            cval_v[pl.ds(sb + 16, L)] = trv[pl.ds(toff + 16, L)]
            cval_v[pl.ds(sb + 32, L)] = trv[pl.ds(toff + 32, L)]
            cval_v[pl.ds(sb + 48, L)] = trv[pl.ds(toff + 48, L)]
            cidx_v[pl.ds(sb, L)] = tri[pl.ds(toff, L)]
            cidx_v[pl.ds(sb + 16, L)] = tri[pl.ds(toff + 16, L)]
            cidx_v[pl.ds(sb + 32, L)] = tri[pl.ds(toff + 32, L)]
            cidx_v[pl.ds(sb + 48, L)] = tri[pl.ds(toff + 48, L)]

    def oct_step(t, _):
        do_quad(8 * t, (ra0, ra1, ra2, ra3), sema, (rb0, rb1, rb2, rb3), semb)
        do_quad(8 * t + 4, (rb0, rb1, rb2, rb3), semb,
                (ra0, ra1, ra2, ra3), sema)
        return 0

    lax.fori_loop(0, RPW // 8, oct_step, 0)

    pltpu.sync_copy(stats_v, stats_hbm.at[pl.ds(base * L, RPW * L)])
    pltpu.sync_copy(cval_v, cval_hbm.at[pl.ds(base * 64, RPW * 64)])
    pltpu.sync_copy(cidx_v, cidx_hbm.at[pl.ds(base * 64, RPW * 64)])


def _dense_body(preds_ref, out_ref):
    x = preds_ref[...]
    M = jnp.max(x, axis=1)
    S = jnp.sum(jnp.exp(x - M[:, None]), axis=1)
    rs = jnp.sum(x, axis=1)
    z = jnp.zeros_like(M)
    out_ref[...] = jnp.stack([M, S, rs, z, z, z, z, z], axis=0)


def _fin_body(dstats_ref, pt_ref, cval_ref, cidx_ref, tgt_ref, out_ref):
    i = pl.program_id(0)
    R = pt_ref.shape[0]
    dstats = dstats_ref[...]
    M = dstats[0, :]
    S = dstats[1, :]
    rowsum = dstats[2, :]
    pt = jnp.max(pt_ref[...], axis=1)

    lse = M + jnp.log(S)
    full = EPS * (rowsum - C * lse) + (HI - EPS) * (pt - lse)

    cval = cval_ref[...]
    cidx = cidx_ref[...]
    alive = jnp.ones(cval.shape, jnp.bool_)
    tv = []
    ti = []
    for _ in range(4):
        mv = jnp.where(alive, cval, -jnp.inf)
        cur = jnp.max(mv, axis=1)
        cand = mv == cur[:, None]
        curi = jnp.min(jnp.where(cand, cidx, C), axis=1)
        tv.append(cur)
        ti.append(curi)
        alive = alive & ~(cand & (cidx == curi[:, None]))

    rows = i * R + lax.broadcasted_iota(jnp.int32, (R,), 0)
    in0 = ti[0] == rows
    in1 = ti[1] == rows
    in2 = ti[2] == rows
    tgt = tgt_ref[:, 0]

    def term(v, idx):
        w = jnp.where(idx == tgt, HI, EPS)
        return w * (v - lse)

    sk0 = jnp.where(in0, term(tv[1], ti[1]), term(tv[0], ti[0]))
    sk1 = jnp.where(in0 | in1, term(tv[2], ti[2]), term(tv[1], ti[1]))
    sk2 = jnp.where(in0 | in1 | in2, term(tv[3], ti[3]), term(tv[2], ti[2]))
    skipped = sk0 + sk1 + sk2

    loss = -(full - skipped)
    part = jnp.reshape(jnp.sum(loss) * (1.0 / C), (1, 1))

    @pl.when(i == 0)
    def _():
        out_ref[...] = jnp.zeros((1, 1), jnp.float32)

    out_ref[...] += part


def _sc_call(preds2d, targets):
    mesh = plsc.VectorSubcoreMesh(core_axis_name="c", subcore_axis_name="s",
                                  num_cores=NC, num_subcores=NS)
    f = functools.partial(
        pl.kernel,
        mesh=mesh,
        out_type=[
            jax.ShapeDtypeStruct((C * L,), jnp.float32),
            jax.ShapeDtypeStruct((C * 64,), jnp.float32),
            jax.ShapeDtypeStruct((C * 64,), jnp.int32),
        ],
        scratch_types=(
            [pltpu.VMEM((C,), jnp.float32)] * 8 + [
            pltpu.VMEM((RPW,), jnp.int32)] +
            [pltpu.VMEM((NGRP * L,), jnp.float32)] * 4 + [
            pltpu.VMEM((256,), jnp.float32),
            pltpu.VMEM((256,), jnp.int32),
            pltpu.VMEM((RPW * L,), jnp.float32),
            pltpu.VMEM((RPW * 64,), jnp.float32),
            pltpu.VMEM((RPW * 64,), jnp.int32),
            pltpu.SemaphoreType.DMA,
            pltpu.SemaphoreType.DMA,
        ]),
        compiler_params=pltpu.CompilerParams(needs_layout_passes=False),
    )(_sc_body)
    return f(preds2d, targets)


def kernel(preds, targets):
    tgt = targets.astype(jnp.int32)

    RD = 256
    dstats = pl.pallas_call(
        _dense_body,
        grid=(C // RD,),
        in_specs=[pl.BlockSpec((RD, C), lambda i: (i, 0))],
        out_specs=pl.BlockSpec((8, RD), lambda i: (0, i)),
        out_shape=jax.ShapeDtypeStruct((8, C), jnp.float32),
    )(preds)
    ptv, cval, cidx = _sc_call(preds, tgt)

    R = 512
    out = pl.pallas_call(
        _fin_body,
        grid=(C // R,),
        in_specs=[
            pl.BlockSpec((8, R), lambda i: (0, i)),
            pl.BlockSpec((R, 16), lambda i: (i, 0)),
            pl.BlockSpec((R, 64), lambda i: (i, 0)),
            pl.BlockSpec((R, 64), lambda i: (i, 0)),
            pl.BlockSpec((R, 1), lambda i: (i, 0)),
        ],
        out_specs=pl.BlockSpec((1, 1), lambda i: (0, 0)),
        out_shape=jax.ShapeDtypeStruct((1, 1), jnp.float32),
    )(dstats, ptv.reshape(C, 16), cval.reshape(C, 64), cidx.reshape(C, 64),
      tgt.reshape(C, 1))
    return out[0, 0]

# --- scband reference (transcript-rebuilt; emitter-appended) ---
"""Pipeline reference for scband-skip-top-ncross-entropy-64733747085575 (READ-ONLY COPY).

The authoritative reference and input builder live on the scoring server;
editing this copy changes nothing except your own understanding.
"""

import jax, jax.numpy as jnp
import numpy as np

CLASS_NUM = 4096
LABEL_SMOOTH = 0.1
SKIP_NUM = 3


def setup_inputs(seed: int = 0) -> dict:
    key = jax.random.key(seed)
    k1, k2 = jax.random.split(key)
    preds = jax.random.normal(k1, (CLASS_NUM, CLASS_NUM), dtype=jnp.float32)
    targets = jax.random.randint(k2, (CLASS_NUM,), 0, CLASS_NUM, dtype=jnp.int64 if jax.config.jax_enable_x64 else jnp.int32)
    return {"preds": preds, "targets": targets}


def reference(preds, targets):
    C = CLASS_NUM
    logprobs = jax.nn.log_softmax(preds, axis=1)
    tgt = jax.nn.one_hot(targets, C, dtype=jnp.float32)
    tgt = jnp.clip(tgt, LABEL_SMOOTH / (C - 1), 1.0 - LABEL_SMOOTH)
    # descending sort indices per row (torch.sort(..., descending=True))
    sorted_idx = jnp.argsort(-logprobs, axis=1)
    # gt_idx: position of class index i within row i's sorted order
    row_ids = jnp.arange(C)
    gt_pos = jnp.argmax(sorted_idx == row_ids[:, None], axis=1)
    # skip positions: first SKIP_NUM positions among [0..SKIP_NUM], skipping gt_pos
    j = jnp.arange(SKIP_NUM)
    pos = j[None, :] + (gt_pos[:, None] <= j[None, :]).astype(sorted_idx.dtype)
    skip_cls = jnp.take_along_axis(sorted_idx, pos, axis=1)  # [C, SKIP_NUM] class indices to drop
    # loss[i] = -sum over non-skipped classes of target*logprob
    full = jnp.sum(tgt * logprobs, axis=1)
    skipped = jnp.sum(
        jnp.take_along_axis(tgt, skip_cls, axis=1) * jnp.take_along_axis(logprobs, skip_cls, axis=1),
        axis=1,
    )
    loss = -(full - skipped)
    return jnp.mean(loss)

if __name__ == "__main__":
    import jax
    _d = setup_inputs()
    print(jax.jit(kernel)(*tuple(_d.values())))

</pallas_src>

<mosaic_0001>
#map = affine_map<(d0, d1) -> (0, 0)>
#map1 = affine_map<(d0, d1) -> (0)>
module attributes {stable_mosaic.version = 14 : i64} {
  func.func @_sc_body(%arg0: i32, %arg1: i32, %arg2: memref<4096x4096xf32, #tpu.memory_space<hbm>>, %arg3: memref<4096xi32, #tpu.memory_space<hbm>>, %arg4: memref<65536xf32, #tpu.memory_space<hbm>>, %arg5: memref<262144xf32, #tpu.memory_space<hbm>>, %arg6: memref<262144xi32, #tpu.memory_space<hbm>>, %arg7: memref<4096xf32, #tpu.memory_space<vmem>>, %arg8: memref<4096xf32, #tpu.memory_space<vmem>>, %arg9: memref<4096xf32, #tpu.memory_space<vmem>>, %arg10: memref<4096xf32, #tpu.memory_space<vmem>>, %arg11: memref<4096xf32, #tpu.memory_space<vmem>>, %arg12: memref<4096xf32, #tpu.memory_space<vmem>>, %arg13: memref<4096xf32, #tpu.memory_space<vmem>>, %arg14: memref<4096xf32, #tpu.memory_space<vmem>>, %arg15: memref<128xi32, #tpu.memory_space<vmem>>, %arg16: memref<256xf32, #tpu.memory_space<vmem>>, %arg17: memref<256xf32, #tpu.memory_space<vmem>>, %arg18: memref<256xf32, #tpu.memory_space<vmem>>, %arg19: memref<256xf32, #tpu.memory_space<vmem>>, %arg20: memref<256xf32, #tpu.memory_space<vmem>>, %arg21: memref<256xi32, #tpu.memory_space<vmem>>, %arg22: memref<2048xf32, #tpu.memory_space<vmem>>, %arg23: memref<8192xf32, #tpu.memory_space<vmem>>, %arg24: memref<8192xi32, #tpu.memory_space<vmem>>, %arg25: memref<!tpu.dma_semaphore, #tpu.memory_space<semaphore_mem>>, %arg26: memref<!tpu.dma_semaphore, #tpu.memory_space<semaphore_mem>>) attributes {dimension_semantics = [#tpu.dimension_semantics<core_parallel>, #tpu.dimension_semantics<subcore_parallel>], iteration_bounds = array<i64: 2, 16>, scalar_prefetch = 0 : i64, scratch_operands = 20 : i64, tpu.core_type = #tpu.core_type<sc_vector_subcore>, window_params = [{transform_indices = #map}, {transform_indices = #map1}, {transform_indices = #map1}, {transform_indices = #map1}, {transform_indices = #map1}]} {
    %mul3A = arith.constant 2 : i32
    %mul3A_0 = arith.muli %arg1, %mul3A : i32
    %add3A = arith.addi %mul3A_0, %arg0 : i32
    %mul3A_1 = arith.constant 128 : i32
    %mul3A_2 = arith.muli %add3A, %mul3A_1 : i32
    "tpu.region"() ({
      %run_scoped3A = tpu.sem_alloc : memref<!tpu.dma_semaphore, #tpu.memory_space<semaphore_mem>>
      %dma_start3A_47 = tpu.memref_slice %arg3[%mul3A_2] : memref<4096xi32, #tpu.memory_space<hbm>> -> memref<128xi32, #tpu.memory_space<hbm>>
      %dma_start3A_48 = tpu.memref_slice %arg3[%mul3A_2] : memref<4096xi32, #tpu.memory_space<hbm>> -> memref<128xi32, #tpu.memory_space<hbm>>
      tpu.enqueue_dma source(%dma_start3A_48 : memref<128xi32, #tpu.memory_space<hbm>>) target(%arg15 : memref<128xi32, #tpu.memory_space<vmem>>) target_semaphore(%run_scoped3A : memref<!tpu.dma_semaphore, #tpu.memory_space<semaphore_mem>>)
      %dma_wait3A = tpu.memref_slice %arg3[%mul3A_2] : memref<4096xi32, #tpu.memory_space<hbm>> -> memref<128xi32, #tpu.memory_space<hbm>>
      %dma_wait3A_49 = tpu.memref_slice %arg3[%mul3A_2] : memref<4096xi32, #tpu.memory_space<hbm>> -> memref<128xi32, #tpu.memory_space<hbm>>
      tpu.wait_dma2 semaphore(%run_scoped3A : memref<!tpu.dma_semaphore, #tpu.memory_space<semaphore_mem>>) src(%dma_wait3A_49 : memref<128xi32, #tpu.memory_space<hbm>>) dst(%arg15 : memref<128xi32, #tpu.memory_space<vmem>>)
      tpu.yield
    }) : () -> ()
    %iota3A = tpu.iota {dimensions = array<i32: 0>} : vector<16xi32>
    %broadcast_in_dim3A = arith.constant 0 : i32
    %broadcast_in_dim3A_3 = vector.broadcast %broadcast_in_dim3A : i32 to vector<16xi32>
    %broadcast_in_dim3A_4 = arith.constant 0xFF800000 : f32
    %broadcast_in_dim3A_5 = vector.broadcast %broadcast_in_dim3A_4 : f32 to vector<16xf32>
    %dma_start3A = arith.constant 0 : i32
    %dma_start3A_6 = tpu.memref_slice %arg2[%mul3A_2, %dma_start3A] : memref<4096x4096xf32, #tpu.memory_space<hbm>> -> memref<1x4096xf32, #tpu.memory_space<hbm>>
    %dma_start3A_7 = tpu.memref_squeeze %dma_start3A_6 : memref<1x4096xf32, #tpu.memory_space<hbm>> -> memref<4096xf32, #tpu.memory_space<hbm>>
    %dma_start3A_8 = arith.constant 0 : i32
    %dma_start3A_9 = tpu.memref_slice %arg2[%mul3A_2, %dma_start3A_8] : memref<4096x4096xf32, #tpu.memory_space<hbm>> -> memref<1x4096xf32, #tpu.memory_space<hbm>>
    %dma_start3A_10 = tpu.memref_squeeze %dma_start3A_9 : memref<1x4096xf32, #tpu.memory_space<hbm>> -> memref<4096xf32, #tpu.memory_space<hbm>>
    tpu.enqueue_dma source(%dma_start3A_10 : memref<4096xf32, #tpu.memory_space<hbm>>) target(%arg7 : memref<4096xf32, #tpu.memory_space<vmem>>) target_semaphore(%arg25 : memref<!tpu.dma_semaphore, #tpu.memory_space<semaphore_mem>>)
    %add3A_11 = arith.constant 1 : i32
    %add3A_12 = arith.addi %mul3A_2, %add3A_11 : i32
    %dma_start3A_13 = arith.constant 0 : i32
    %dma_start3A_14 = tpu.memref_slice %arg2[%add3A_12, %dma_start3A_13] : memref<4096x4096xf32, #tpu.memory_space<hbm>> -> memref<1x4096xf32, #tpu.memory_space<hbm>>
    %dma_start3A_15 = tpu.memref_squeeze %dma_start3A_14 : memref<1x4096xf32, #tpu.memory_space<hbm>> -> memref<4096xf32, #tpu.memory_space<hbm>>
    %dma_start3A_16 = arith.constant 0 : i32
    %dma_start3A_17 = tpu.memref_slice %arg2[%add3A_12, %dma_start3A_16] : memref<4096x4096xf32, #tpu.memory_space<hbm>> -> memref<1x4096xf32, #tpu.memory_space<hbm>>
    %dma_start3A_18 = tpu.memref_squeeze %dma_start3A_17 : memref<1x4096xf32, #tpu.memory_space<hbm>> -> memref<4096xf32, #tpu.memory_space<hbm>>
    tpu.enqueue_dma source(%dma_start3A_18 : memref<4096xf32, #tpu.memory_space<hbm>>) target(%arg8 : memref<4096xf32, #tpu.memory_space<vmem>>) target_semaphore(%arg25 : memref<!tpu.dma_semaphore, #tpu.memory_space<semaphore_mem>>)
    %add3A_19 = arith.constant 2 : i32
    %add3A_20 = arith.addi %mul3A_2, %add3A_19 : i32
    %dma_start3A_21 = arith.constant 0 : i32
    %dma_start3A_22 = tpu.memref_slice %arg2[%add3A_20, %dma_start3A_21] : memref<4096x4096xf32, #tpu.memory_space<hbm>> -> memref<1x4096xf32, #tpu.memory_space<hbm>>
    %dma_start3A_23 = tpu.memref_squeeze %dma_start3A_22 : memref<1x4096xf32, #tpu.memory_space<hbm>> -> memref<4096xf32, #tpu.memory_space<hbm>>
    %dma_start3A_24 = arith.constant 0 : i32
    %dma_start3A_25 = tpu.memref_slice %arg2[%add3A_20, %dma_start3A_24] : memref<4096x4096xf32, #tpu.memory_space<hbm>> -> memref<1x4096xf32, #tpu.memory_space<hbm>>
    %dma_start3A_26 = tpu.memref_squeeze %dma_start3A_25 : memref<1x4096xf32, #tpu.memory_space<hbm>> -> memref<4096xf32, #tpu.memory_space<hbm>>
    tpu.enqueue_dma source(%dma_start3A_26 : memref<4096xf32, #tpu.memory_space<hbm>>) target(%arg9 : memref<4096xf32, #tpu.memory_space<vmem>>) target_semaphore(%arg25 : memref<!tpu.dma_semaphore, #tpu.memory_space<semaphore_mem>>)
    %add3A_27 = arith.constant 3 : i32
    %add3A_28 = arith.addi %mul3A_2, %add3A_27 : i32
    %dma_start3A_29 = arith.constant 0 : i32
    %dma_start3A_30 = tpu.memref_slice %arg2[%add3A_28, %dma_start3A_29] : memref<4096x4096xf32, #tpu.memory_space<hbm>> -> memref<1x4096xf32, #tpu.memory_space<hbm>>
    %dma_start3A_31 = tpu.memref_squeeze %dma_start3A_30 : memref<1x4096xf32, #tpu.memory_space<hbm>> -> memref<4096xf32, #tpu.memory_space<hbm>>
    %dma_start3A_32 = arith.constant 0 : i32
    %dma_start3A_33 = tpu.memref_slice %arg2[%add3A_28, %dma_start3A_32] : memref<4096x4096xf32, #tpu.memory_space<hbm>> -> memref<1x4096xf32, #tpu.memory_space<hbm>>
    %dma_start3A_34 = tpu.memref_squeeze %dma_start3A_33 : memref<1x4096xf32, #tpu.memory_space<hbm>> -> memref<4096xf32, #tpu.memory_space<hbm>>
    tpu.enqueue_dma source(%dma_start3A_34 : memref<4096xf32, #tpu.memory_space<hbm>>) target(%arg10 : memref<4096xf32, #tpu.memory_space<vmem>>) target_semaphore(%arg25 : memref<!tpu.dma_semaphore, #tpu.memory_space<semaphore_mem>>)
    %scan3A = arith.constant 0 : i32
    %scan3A_35 = arith.constant 0 : i32
    %scan3A_36 = arith.constant 16 : i32
    %scan3A_37 = arith.addi %scan3A_35, %scan3A_36 : i32
    %scan3A_38 = arith.constant 1 : i32
    %scan3A_39 = scf.for %scan3A_47 = %scan3A_35 to %scan3A_37 step %scan3A_38 iter_args(%scan3A_48 = %scan3A) -> (i32)  : i32 {
      %mul3A_49 = arith.constant 8 : i32
      %mul3A_50 = arith.muli %mul3A_49, %scan3A_47 : i32
      %add3A_51 = arith.addi %mul3A_2, %mul3A_50 : i32
      %dma_wait3A = arith.constant 0 : i32
      %dma_wait3A_52 = tpu.memref_slice %arg2[%mul3A_2, %dma_wait3A] : memref<4096x4096xf32, #tpu.memory_space<hbm>> -> memref<1x4096xf32, #tpu.memory_space<hbm>>
      %dma_wait3A_53 = tpu.memref_squeeze %dma_wait3A_52 : memref<1x4096xf32, #tpu.memory_space<hbm>> -> memref<4096xf32, #tpu.memory_space<hbm>>
      %dma_wait3A_54 = arith.constant 0 : i32
      %dma_wait3A_55 = tpu.memref_slice %arg2[%mul3A_2, %dma_wait3A_54] : memref<4096x4096xf32, #tpu.memory_space<hbm>> -> memref<1x4096xf32, #tpu.memory_space<hbm>>
      %dma_wait3A_56 = tpu.memref_squeeze %dma_wait3A_55 : memref<1x4096xf32, #tpu.memory_space<hbm>> -> memref<4096xf32, #tpu.memory_space<hbm>>
      tpu.wait_dma2 semaphore(%arg25 : memref<!tpu.dma_semaphore, #tpu.memory_space<semaphore_mem>>) src(%dma_wait3A_56 : memref<4096xf32, #tpu.memory_space<hbm>>) dst(%arg7 : memref<4096xf32, #tpu.memory_space<vmem>>)
      %dma_wait3A_57 = arith.constant 0 : i32
      %dma_wait3A_58 = tpu.memref_slice %arg2[%mul3A_2, %dma_wait3A_57] : memref<4096x4096xf32, #tpu.memory_space<hbm>> -> memref<1x4096xf32, #tpu.memory_space<hbm>>
      %dma_wait3A_59 = tpu.memref_squeeze %dma_wait3A_58 : memref<1x4096xf32, #tpu.memory_space<hbm>> -> memref<4096xf32, #tpu.memory_space<hbm>>
      %dma_wait3A_60 = arith.constant 0 : i32
      %dma_wait3A_61 = tpu.memref_slice %arg2[%mul3A_2, %dma_wait3A_60] : memref<4096x4096xf32, #tpu.memory_space<hbm>> -> memref<1x4096xf32, #tpu.memory_space<hbm>>
      %dma_wait3A_62 = tpu.memref_squeeze %dma_wait3A_61 : memref<1x4096xf32, #tpu.memory_space<hbm>> -> memref<4096xf32, #tpu.memory_space<hbm>>
      tpu.wait_dma2 semaphore(%arg25 : memref<!tpu.dma_semaphore, #tpu.memory_space<semaphore_mem>>) src(%dma_wait3A_62 : memref<4096xf32, #tpu.memory_space<hbm>>) dst(%arg8 : memref<4096xf32, #tpu.memory_space<vmem>>)
      %dma_wait3A_63 = arith.constant 0 : i32
      %dma_wait3A_64 = tpu.memref_slice %arg2[%mul3A_2, %dma_wait3A_63] : memref<4096x4096xf32, #tpu.memory_space<hbm>> -> memref<1x4096xf32, #tpu.memory_space<hbm>>
      %dma_wait3A_65 = tpu.memref_squeeze %dma_wait3A_64 : memref<1x4096xf32, #tpu.memory_space<hbm>> -> memref<4096xf32, #tpu.memory_space<hbm>>
      %dma_wait3A_66 = arith.constant 0 : i32
      %dma_wait3A_67 = tpu.memref_slice %arg2[%mul3A_2, %dma_wait3A_66] : memref<4096x4096xf32, #tpu.memory_space<hbm>> -> memref<1x4096xf32, #tpu.memory_space<hbm>>
      %dma_wait3A_68 = tpu.memref_squeeze %dma_wait3A_67 : memref<1x4096xf32, #tpu.memory_space<hbm>> -> memref<4096xf32, #tpu.memory_space<hbm>>
      tpu.wait_dma2 semaphore(%arg25 : memref<!tpu.dma_semaphore, #tpu.memory_space<semaphore_mem>>) src(%dma_wait3A_68 : memref<4096xf32, #tpu.memory_space<hbm>>) dst(%arg9 : memref<4096xf32, #tpu.memory_space<vmem>>)
      %dma_wait3A_69 = arith.constant 0 : i32
      %dma_wait3A_70 = tpu.memref_slice %arg2[%mul3A_2, %dma_wait3A_69] : memref<4096x4096xf32, #tpu.memory_space<hbm>> -> memref<1x4096xf32, #tpu.memory_space<hbm>>
      %dma_wait3A_71 = tpu.memref_squeeze %dma_wait3A_70 : memref<1x4096xf32, #tpu.memory_space<hbm>> -> memref<4096xf32, #tpu.memory_space<hbm>>
      %dma_wait3A_72 = arith.constant 0 : i32
      %dma_wait3A_73 = tpu.memref_slice %arg2[%mul3A_2, %dma_wait3A_72] : memref<4096x4096xf32, #tpu.memory_space<hbm>> -> memref<1x4096xf32, #tpu.memory_space<hbm>>
      %dma_wait3A_74 = tpu.memref_squeeze %dma_wait3A_73 : memref<1x4096xf32, #tpu.memory_space<hbm>> -> memref<4096xf32, #tpu.memory_space<hbm>>
      tpu.wait_dma2 semaphore(%arg25 : memref<!tpu.dma_semaphore, #tpu.memory_space<semaphore_mem>>) src(%dma_wait3A_74 : memref<4096xf32, #tpu.memory_space<hbm>>) dst(%arg10 : memref<4096xf32, #tpu.memory_space<vmem>>)
      %add3A_75 = arith.constant 4 : i32
      %add3A_76 = arith.addi %mul3A_50, %add3A_75 : i32
      %lt3A = arith.constant 128 : i32
      %lt3A_77 = arith.cmpi slt, %add3A_76, %lt3A : i32
      %convert_element_type3A = arith.extui %lt3A_77 : i1 to i32
      %cond3A = arith.constant 0 : i32
      %cond3A_78 = arith.cmpi ne, %convert_element_type3A, %cond3A : i32
      scf.if %cond3A_78 {
        %add3A_853 = arith.constant 4 : i32
        %add3A_854 = arith.addi %add3A_51, %add3A_853 : i32
        %add3A_855 = arith.constant 0 : i32
        %add3A_856 = arith.addi %add3A_854, %add3A_855 : i32
        %dma_start3A_857 = arith.constant 0 : i32
        %dma_start3A_858 = tpu.memref_slice %arg2[%add3A_856, %dma_start3A_857] : memref<4096x4096xf32, #tpu.memory_space<hbm>> -> memref<1x4096xf32, #tpu.memory_space<hbm>>
        %dma_start3A_859 = tpu.memref_squeeze %dma_start3A_858 : memref<1x4096xf32, #tpu.memory_space<hbm>> -> memref<4096xf32, #tpu.memory_space<hbm>>
        %dma_start3A_860 = arith.constant 0 : i32
        %dma_start3A_861 = tpu.memref_slice %arg2[%add3A_856, %dma_start3A_860] : memref<4096x4096xf32, #tpu.memory_space<hbm>> -> memref<1x4096xf32, #tpu.memory_space<hbm>>
        %dma_start3A_862 = tpu.memref_squeeze %dma_start3A_861 : memref<1x4096xf32, #tpu.memory_space<hbm>> -> memref<4096xf32, #tpu.memory_space<hbm>>
        tpu.enqueue_dma source(%dma_start3A_862 : memref<4096xf32, #tpu.memory_space<hbm>>) target(%arg11 : memref<4096xf32, #tpu.memory_space<vmem>>) target_semaphore(%arg26 : memref<!tpu.dma_semaphore, #tpu.memory_space<semaphore_mem>>)
        %add3A_863 = arith.constant 4 : i32
        %add3A_864 = arith.addi %add3A_51, %add3A_863 : i32
        %add3A_865 = arith.constant 1 : i32
        %add3A_866 = arith.addi %add3A_864, %add3A_865 : i32
        %dma_start3A_867 = arith.constant 0 : i32
        %dma_start3A_868 = tpu.memref_slice %arg2[%add3A_866, %dma_start3A_867] : memref<4096x4096xf32, #tpu.memory_space<hbm>> -> memref<1x4096xf32, #tpu.memory_space<hbm>>
        %dma_start3A_869 = tpu.memref_squeeze %dma_start3A_868 : memref<1x4096xf32, #tpu.memory_space<hbm>> -> memref<4096xf32, #tpu.memory_space<hbm>>
        %dma_start3A_870 = arith.constant 0 : i32
        %dma_start3A_871 = tpu.memref_slice %arg2[%add3A_866, %dma_start3A_870] : memref<4096x4096xf32, #tpu.memory_space<hbm>> -> memref<1x4096xf32, #tpu.memory_space<hbm>>
        %dma_start3A_872 = tpu.memref_squeeze %dma_start3A_871 : memref<1x4096xf32, #tpu.memory_space<hbm>> -> memref<4096xf32, #tpu.memory_space<hbm>>
        tpu.enqueue_dma source(%dma_start3A_872 : memref<4096xf32, #tpu.memory_space<hbm>>) target(%arg12 : memref<4096xf32, #tpu.memory_space<vmem>>) target_semaphore(%arg26 : memref<!tpu.dma_semaphore, #tpu.memory_space<semaphore_mem>>)
        %add3A_873 = arith.constant 4 : i32
        %add3A_874 = arith.addi %add3A_51, %add3A_873 : i32
        %add3A_875 = arith.constant 2 : i32
        %add3A_876 = arith.addi %add3A_874, %add3A_875 : i32
        %dma_start3A_877 = arith.constant 0 : i32
        %dma_start3A_878 = tpu.memref_slice %arg2[%add3A_876, %dma_start3A_877] : memref<4096x4096xf32, #tpu.memory_space<hbm>> -> memref<1x4096xf32, #tpu.memory_space<hbm>>
        %dma_start3A_879 = tpu.memref_squeeze %dma_start3A_878 : memref<1x4096xf32, #tpu.memory_space<hbm>> -> memref<4096xf32, #tpu.memory_space<hbm>>
        %dma_start3A_880 = arith.constant 0 : i32
        %dma_start3A_881 = tpu.memref_slice %arg2[%add3A_876, %dma_start3A_880] : memref<4096x4096xf32, #tpu.memory_space<hbm>> -> memref<1x4096xf32, #tpu.memory_space<hbm>>
        %dma_start3A_882 = tpu.memref_squeeze %dma_start3A_881 : memref<1x4096xf32, #tpu.memory_space<hbm>> -> memref<4096xf32, #tpu.memory_space<hbm>>
        tpu.enqueue_dma source(%dma_start3A_882 : memref<4096xf32, #tpu.memory_space<hbm>>) target(%arg13 : memref<4096xf32, #tpu.memory_space<vmem>>) target_semaphore(%arg26 : memref<!tpu.dma_semaphore, #tpu.memory_space<semaphore_mem>>)
        %add3A_883 = arith.constant 4 : i32
        %add3A_884 = arith.addi %add3A_51, %add3A_883 : i32
        %add3A_885 = arith.constant 3 : i32
        %add3A_886 = arith.addi %add3A_884, %add3A_885 : i32
        %dma_start3A_887 = arith.constant 0 : i32
        %dma_start3A_888 = tpu.memref_slice %arg2[%add3A_886, %dma_start3A_887] : memref<4096x4096xf32, #tpu.memory_space<hbm>> -> memref<1x4096xf32, #tpu.memory_space<hbm>>
        %dma_start3A_889 = tpu.memref_squeeze %dma_start3A_888 : memref<1x4096xf32, #tpu.memory_space<hbm>> -> memref<4096xf32, #tpu.memory_space<hbm>>
        %dma_start3A_890 = arith.constant 0 : i32
        %dma_start3A_891 = tpu.memref_slice %arg2[%add3A_886, %dma_start3A_890] : memref<4096x4096xf32, #tpu.memory_space<hbm>> -> memref<1x4096xf32, #tpu.memory_space<hbm>>
        %dma_start3A_892 = tpu.memref_squeeze %dma_start3A_891 : memref<1x4096xf32, #tpu.memory_space<hbm>> -> memref<4096xf32, #tpu.memory_space<hbm>>
        tpu.enqueue_dma source(%dma_start3A_892 : memref<4096xf32, #tpu.memory_space<hbm>>) target(%arg14 : memref<4096xf32, #tpu.memory_space<vmem>>) target_semaphore(%arg26 : memref<!tpu.dma_semaphore, #tpu.memory_space<semaphore_mem>>)
      } else {
      }
      %scan3A_79 = arith.constant 0 : i32
      %scan3A_80 = arith.constant 16 : i32
      %scan3A_81 = arith.addi %scan3A_79, %scan3A_80 : i32
      %scan3A_82 = arith.constant 1 : i32
      %scan3A_83:4 = scf.for %scan3A_853 = %scan3A_79 to %scan3A_81 step %scan3A_82 iter_args(%scan3A_854 = %broadcast_in_dim3A_5, %scan3A_855 = %broadcast_in_dim3A_5, %scan3A_856 = %broadcast_in_dim3A_5, %scan3A_857 = %broadcast_in_dim3A_5) -> (vector<16xf32>, vector<16xf32>, vector<16xf32>, vector<16xf32>)  : i32 {
        %scan3A_858 = arith.constant 0 : i32
        %scan3A_859 = arith.constant 16 : i32
        %scan3A_860 = arith.addi %scan3A_858, %scan3A_859 : i32
        %scan3A_861 = arith.constant 8 : i32
        %scan3A_862:4 = scf.for %scan3A_883 = %scan3A_858 to %scan3A_860 step %scan3A_861 iter_args(%scan3A_884 = %broadcast_in_dim3A_5, %scan3A_885 = %broadcast_in_dim3A_5, %scan3A_886 = %broadcast_in_dim3A_5, %scan3A_887 = %broadcast_in_dim3A_5) -> (vector<16xf32>, vector<16xf32>, vector<16xf32>, vector<16xf32>)  : i32 {
          %mul3A_888 = arith.constant 16 : i32
          %mul3A_889 = arith.muli %scan3A_853, %mul3A_888 : i32
          %add3A_890 = arith.addi %mul3A_889, %scan3A_883 : i32
          %mul3A_891 = arith.constant 16 : i32
          %mul3A_892 = arith.muli %add3A_890, %mul3A_891 : i32
          %get3A_893 = arith.index_cast %mul3A_892 : i32 to index
          %get3A_894 = tpu.vector_load %arg7[%get3A_893] {strides = array<i32>} : memref<4096xf32, #tpu.memory_space<vmem>>, vector<16xf32>,
          %max3A_895 = arith.maximumf %scan3A_884, %get3A_894 : vector<16xf32>
          %get3A_896 = arith.index_cast %mul3A_892 : i32 to index
          %get3A_897 = tpu.vector_load %arg8[%get3A_896] {strides = array<i32>} : memref<4096xf32, #tpu.memory_space<vmem>>, vector<16xf32>,
          %max3A_898 = arith.maximumf %scan3A_885, %get3A_897 : vector<16xf32>
          %get3A_899 = arith.index_cast %mul3A_892 : i32 to index
          %get3A_900 = tpu.vector_load %arg9[%get3A_899] {strides = array<i32>} : memref<4096xf32, #tpu.memory_space<vmem>>, vector<16xf32>,
          %max3A_901 = arith.maximumf %scan3A_886, %get3A_900 : vector<16xf32>
          %get3A_902 = arith.index_cast %mul3A_892 : i32 to index
          %get3A_903 = tpu.vector_load %arg10[%get3A_902] {strides = array<i32>} : memref<4096xf32, #tpu.memory_space<vmem>>, vector<16xf32>,
          %max3A_904 = arith.maximumf %scan3A_887, %get3A_903 : vector<16xf32>
          %scan3A_905 = arith.constant 1 : i32
          %scan3A_906 = arith.addi %scan3A_883, %scan3A_905 : i32
          %mul3A_907 = arith.constant 16 : i32
          %mul3A_908 = arith.muli %scan3A_853, %mul3A_907 : i32
          %add3A_909 = arith.addi %mul3A_908, %scan3A_906 : i32
          %mul3A_910 = arith.constant 16 : i32
          %mul3A_911 = arith.muli %add3A_909, %mul3A_910 : i32
          %get3A_912 = arith.index_cast %mul3A_911 : i32 to index
          %get3A_913 = tpu.vector_load %arg7[%get3A_912] {strides = array<i32>} : memref<4096xf32, #tpu.memory_space<vmem>>, vector<16xf32>,
          %max3A_914 = arith.maximumf %max3A_895, %get3A_913 : vector<16xf32>
          %get3A_915 = arith.index_cast %mul3A_911 : i32 to index
          %get3A_916 = tpu.vector_load %arg8[%get3A_915] {strides = array<i32>} : memref<4096xf32, #tpu.memory_space<vmem>>, vector<16xf32>,
          %max3A_917 = arith.maximumf %max3A_898, %get3A_916 : vector<16xf32>
          %get3A_918 = arith.index_cast %mul3A_911 : i32 to index
          %get3A_919 = tpu.vector_load %arg9[%get3A_918] {strides = array<i32>} : memref<4096xf32, #tpu.memory_space<vmem>>, vector<16xf32>,
          %max3A_920 = arith.maximumf %max3A_901, %get3A_919 : vector<16xf32>
          %get3A_921 = arith.index_cast %mul3A_911 : i32 to index
          %get3A_922 = tpu.vector_load %arg10[%get3A_921] {strides = array<i32>} : memref<4096xf32, #tpu.memory_space<vmem>>, vector<16xf32>,
          %max3A_923 = arith.maximumf %max3A_904, %get3A_922 : vector<16xf32>
          %scan3A_924 = arith.constant 2 : i32
          %scan3A_925 = arith.addi %scan3A_883, %scan3A_924 : i32
          %mul3A_926 = arith.constant 16 : i32
          %mul3A_927 = arith.muli %scan3A_853, %mul3A_926 : i32
          %add3A_928 = arith.addi %mul3A_927, %scan3A_925 : i32
          %mul3A_929 = arith.constant 16 : i32
          %mul3A_930 = arith.muli %add3A_928, %mul3A_929 : i32
          %get3A_931 = arith.index_cast %mul3A_930 : i32 to index
          %get3A_932 = tpu.vector_load %arg7[%get3A_931] {strides = array<i32>} : memref<4096xf32, #tpu.memory_space<vmem>>, vector<16xf32>,
          %max3A_933 = arith.maximumf %max3A_914, %get3A_932 : vector<16xf32>
          %get3A_934 = arith.index_cast %mul3A_930 : i32 to index
          %get3A_935 = tpu.vector_load %arg8[%get3A_934] {strides = array<i32>} : memref<4096xf32, #tpu.memory_space<vmem>>, vector<16xf32>,
          %max3A_936 = arith.maximumf %max3A_917, %get3A_935 : vector<16xf32>
          %get3A_937 = arith.index_cast %mul3A_930 : i32 to index
          %get3A_938 = tpu.vector_load %arg9[%get3A_937] {strides = array<i32>} : memref<4096xf32, #tpu.memory_space<vmem>>, vector<16xf32>,
          %max3A_939 = arith.maximumf %max3A_920, %get3A_938 : vector<16xf32>
          %get3A_940 = arith.index_cast %mul3A_930 : i32 to index
          %get3A_941 = tpu.vector_load %arg10[%get3A_940] {strides = array<i32>} : memref<4096xf32, #tpu.memory_space<vmem>>, vector<16xf32>,
          %max3A_942 = arith.maximumf %max3A_923, %get3A_941 : vector<16xf32>
          %scan3A_943 = arith.constant 3 : i32
          %scan3A_944 = arith.addi %scan3A_883, %scan3A_943 : i32
          %mul3A_945 = arith.constant 16 : i32
          %mul3A_946 = arith.muli %scan3A_853, %mul3A_945 : i32
          %add3A_947 = arith.addi %mul3A_946, %scan3A_944 : i32
          %mul3A_948 = arith.constant 16 : i32
          %mul3A_949 = arith.muli %add3A_947, %mul3A_948 : i32
          %get3A_950 = arith.index_cast %mul3A_949 : i32 to index
          %get3A_951 = tpu.vector_load %arg7[%get3A_950] {strides = array<i32>} : memref<4096xf32, #tpu.memory_space<vmem>>, vector<16xf32>,
          %max3A_952 = arith.maximumf %max3A_933, %get3A_951 : vector<16xf32>
          %get3A_953 = arith.index_cast %mul3A_949 : i32 to index
          %get3A_954 = tpu.vector_load %arg8[%get3A_953] {strides = array<i32>} : memref<4096xf32, #tpu.memory_space<vmem>>, vector<16xf32>,
          %max3A_955 = arith.maximumf %max3A_936, %get3A_954 : vector<16xf32>
          %get3A_956 = arith.index_cast %mul3A_949 : i32 to index
          %get3A_957 = tpu.vector_load %arg9[%get3A_956] {strides = array<i32>} : memref<4096xf32, #tpu.memory_space<vmem>>, vector<16xf32>,
          %max3A_958 = arith.maximumf %max3A_939, %get3A_957 : vector<16xf32>
          %get3A_959 = arith.index_cast %mul3A_949 : i32 to index
          %get3A_960 = tpu.vector_load %arg10[%get3A_959] {strides = array<i32>} : memref<4096xf32, #tpu.memory_space<vmem>>, vector<16xf32>,
          %max3A_961 = arith.maximumf %max3A_942, %get3A_960 : vector<16xf32>
          %scan3A_962 = arith.constant 4 : i32
          %scan3A_963 = arith.addi %scan3A_883, %scan3A_962 : i32
          %mul3A_964 = arith.constant 16 : i32
          %mul3A_965 = arith.muli %scan3A_853, %mul3A_964 : i32
          %add3A_966 = arith.addi %mul3A_965, %scan3A_963 : i32
          %mul3A_967 = arith.constant 16 : i32
          %mul3A_968 = arith.muli %add3A_966, %mul3A_967 : i32
          %get3A_969 = arith.index_cast %mul3A_968 : i32 to index
          %get3A_970 = tpu.vector_load %arg7[%get3A_969] {strides = array<i32>} : memref<4096xf32, #tpu.memory_space<vmem>>, vector<16xf32>,
          %max3A_971 = arith.maximumf %max3A_952, %get3A_970 : vector<16xf32>
          %get3A_972 = arith.index_cast %mul3A_968 : i32 to index
          %get3A_973 = tpu.vector_load %arg8[%get3A_972] {strides = array<i32>} : memref<4096xf32, #tpu.memory_space<vmem>>, vector<16xf32>,
          %max3A_974 = arith.maximumf %max3A_955, %get3A_973 : vector<16xf32>
          %get3A_975 = arith.index_cast %mul3A_968 : i32 to index
          %get3A_976 = tpu.vector_load %arg9[%get3A_975] {strides = array<i32>} : memref<4096xf32, #tpu.memory_space<vmem>>, vector<16xf32>,
          %max3A_977 = arith.maximumf %max3A_958, %get3A_976 : vector<16xf32>
          %get3A_978 = arith.index_cast %mul3A_968 : i32 to index
          %get3A_979 = tpu.vector_load %arg10[%get3A_978] {strides = array<i32>} : memref<4096xf32, #tpu.memory_space<vmem>>, vector<16xf32>,
          %max3A_980 = arith.maximumf %max3A_961, %get3A_979 : vector<16xf32>
          %scan3A_981 = arith.constant 5 : i32
          %scan3A_982 = arith.addi %scan3A_883, %scan3A_981 : i32
          %mul3A_983 = arith.constant 16 : i32
          %mul3A_984 = arith.muli %scan3A_853, %mul3A_983 : i32
          %add3A_985 = arith.addi %mul3A_984, %scan3A_982 : i32
          %mul3A_986 = arith.constant 16 : i32
          %mul3A_987 = arith.muli %add3A_985, %mul3A_986 : i32
          %get3A_988 = arith.index_cast %mul3A_987 : i32 to index
          %get3A_989 = tpu.vector_load %arg7[%get3A_988] {strides = array<i32>} : memref<4096xf32, #tpu.memory_space<vmem>>, vector<16xf32>,
          %max3A_990 = arith.maximumf %max3A_971, %get3A_989 : vector<16xf32>
          %get3A_991 = arith.index_cast %mul3A_987 : i32 to index
          %get3A_992 = tpu.vector_load %arg8[%get3A_991] {strides = array<i32>} : memref<4096xf32, #tpu.memory_space<vmem>>, vector<16xf32>,
          %max3A_993 = arith.maximumf %max3A_974, %get3A_992 : vector<16xf32>
          %get3A_994 = arith.index_cast %mul3A_987 : i32 to index
          %get3A_995 = tpu.vector_load %arg9[%get3A_994] {strides = array<i32>} : memref<4096xf32, #tpu.memory_space<vmem>>, vector<16xf32>,
          %max3A_996 = arith.maximumf %max3A_977, %get3A_995 : vector<16xf32>
          %get3A_997 = arith.index_cast %mul3A_987 : i32 to index
          %get3A_998 = tpu.vector_load %arg10[%get3A_997] {strides = array<i32>} : memref<4096xf32, #tpu.memory_space<vmem>>, vector<16xf32>,
          %max3A_999 = arith.maximumf %max3A_980, %get3A_998 : vector<16xf32>
          %scan3A_1000 = arith.constant 6 : i32
          %scan3A_1001 = arith.addi %scan3A_883, %scan3A_1000 : i32
          %mul3A_1002 = arith.constant 16 : i32
          %mul3A_1003 = arith.muli %scan3A_853, %mul3A_1002 : i32
          %add3A_1004 = arith.addi %mul3A_1003, %scan3A_1001 : i32
          %mul3A_1005 = arith.constant 16 : i32
          %mul3A_1006 = arith.muli %add3A_1004, %mul3A_1005 : i32
          %get3A_1007 = arith.index_cast %mul3A_1006 : i32 to index
          %get3A_1008 = tpu.vector_load %arg7[%get3A_1007] {strides = array<i32>} : memref<4096xf32, #tpu.memory_space<vmem>>, vector<16xf32>,
          %max3A_1009 = arith.maximumf %max3A_990, %get3A_1008 : vector<16xf32>
          %get3A_1010 = arith.index_cast %mul3A_1006 : i32 to index
          %get3A_1011 = tpu.vector_load %arg8[%get3A_1010] {strides = array<i32>} : memref<4096xf32, #tpu.memory_space<vmem>>, vector<16xf32>,
          %max3A_1012 = arith.maximumf %max3A_993, %get3A_1011 : vector<16xf32>
          %get3A_1013 = arith.index_cast %mul3A_1006 : i32 to index
          %get3A_1014 = tpu.vector_load %arg9[%get3A_1013] {strides = array<i32>} : memref<4096xf32, #tpu.memory_space<vmem>>, vector<16xf32>,
          %max3A_1015 = arith.maximumf %max3A_996, %get3A_1014 : vector<16xf32>
          %get3A_1016 = arith.index_cast %mul3A_1006 : i32 to index
          %get3A_1017 = tpu.vector_load %arg10[%get3A_1016] {strides = array<i32>} : memref<4096xf32, #tpu.memory_space<vmem>>, vector<16xf32>,
          %max3A_1018 = arith.maximumf %max3A_999, %get3A_1017 : vector<16xf32>
          %scan3A_1019 = arith.constant 7 : i32
          %scan3A_1020 = arith.addi %scan3A_883, %scan3A_1019 : i32
          %mul3A_1021 = arith.constant 16 : i32
          %mul3A_1022 = arith.muli %scan3A_853, %mul3A_1021 : i32
          %add3A_1023 = arith.addi %mul3A_1022, %scan3A_1020 : i32
          %mul3A_1024 = arith.constant 16 : i32
          %mul3A_1025 = arith.muli %add3A_1023, %mul3A_1024 : i32
          %get3A_1026 = arith.index_cast %mul3A_1025 : i32 to index
          %get3A_1027 = tpu.vector_load %arg7[%get3A_1026] {strides = array<i32>} : memref<4096xf32, #tpu.memory_space<vmem>>, vector<16xf32>,
          %max3A_1028 = arith.maximumf %max3A_1009, %get3A_1027 : vector<16xf32>
          %get3A_1029 = arith.index_cast %mul3A_1025 : i32 to index
          %get3A_1030 = tpu.vector_load %arg8[%get3A_1029] {strides = array<i32>} : memref<4096xf32, #tpu.memory_space<vmem>>, vector<16xf32>,
          %max3A_1031 = arith.maximumf %max3A_1012, %get3A_1030 : vector<16xf32>
          %get3A_1032 = arith.index_cast %mul3A_1025 : i32 to index
          %get3A_1033 = tpu.vector_load %arg9[%get3A_1032] {strides = array<i32>} : memref<4096xf32, #tpu.memory_space<vmem>>, vector<16xf32>,
          %max3A_1034 = arith.maximumf %max3A_1015, %get3A_1033 : vector<16xf32>
          %get3A_1035 = arith.index_cast %mul3A_1025 : i32 to index
          %get3A_1036 = tpu.vector_load %arg10[%get3A_1035] {strides = array<i32>} : memref<4096xf32, #tpu.memory_space<vmem>>, vector<16xf32>,
          %max3A_1037 = arith.maximumf %max3A_1018, %get3A_1036 : vector<16xf32>
          scf.yield %max3A_1028, %max3A_1031, %max3A_1034, %max3A_1037 : vector<16xf32>, vector<16xf32>, vector<16xf32>, vector<16xf32>
        }
        %scan3A_863 = arith.constant 16 : i32
        %mul3A_864 = arith.constant 16 : i32
        %mul3A_865 = arith.muli %scan3A_853, %mul3A_864 : i32
        %swap3A_866 = arith.index_cast %mul3A_865 : i32 to index
        %swap3A_867 = tpu.vector_load %arg16[%swap3A_866] {strides = array<i32>} : memref<256xf32, #tpu.memory_space<vmem>>, vector<16xf32>,
        tpu.vector_store %arg16[%swap3A_866], %scan3A_862#0 {strides = array<i32>} : memref<256xf32, #tpu.memory_space<vmem>>, vector<16xf32>,
        %mul3A_868 = arith.constant 16 : i32
        %mul3A_869 = arith.muli %scan3A_853, %mul3A_868 : i32
        %swap3A_870 = arith.index_cast %mul3A_869 : i32 to index
        %swap3A_871 = tpu.vector_load %arg17[%swap3A_870] {strides = array<i32>} : memref<256xf32, #tpu.memory_space<vmem>>, vector<16xf32>,
        tpu.vector_store %arg17[%swap3A_870], %scan3A_862#1 {strides = array<i32>} : memref<256xf32, #tpu.memory_space<vmem>>, vector<16xf32>,
        %mul3A_872 = arith.constant 16 : i32
        %mul3A_873 = arith.muli %scan3A_853, %mul3A_872 : i32
        %swap3A_874 = arith.index_cast %mul3A_873 : i32 to index
        %swap3A_875 = tpu.vector_load %arg18[%swap3A_874] {strides = array<i32>} : memref<256xf32, #tpu.memory_space<vmem>>, vector<16xf32>,
        tpu.vector_store %arg18[%swap3A_874], %scan3A_862#2 {strides = array<i32>} : memref<256xf32, #tpu.memory_space<vmem>>, vector<16xf32>,
        %mul3A_876 = arith.constant 16 : i32
        %mul3A_877 = arith.muli %scan3A_853, %mul3A_876 : i32
        %swap3A_878 = arith.index_cast %mul3A_877 : i32 to index
        %swap3A_879 = tpu.vector_load %arg19[%swap3A_878] {strides = array<i32>} : memref<256xf32, #tpu.memory_space<vmem>>, vector<16xf32>,
        tpu.vector_store %arg19[%swap3A_878], %scan3A_862#3 {strides = array<i32>} : memref<256xf32, #tpu.memory_space<vmem>>, vector<16xf32>,
        %max3A = arith.maximumf %scan3A_854, %scan3A_862#0 : vector<16xf32>
        %max3A_880 = arith.maximumf %scan3A_855, %scan3A_862#1 : vector<16xf32>
        %max3A_881 = arith.maximumf %scan3A_856, %scan3A_862#2 : vector<16xf32>
        %max3A_882 = arith.maximumf %scan3A_857, %scan3A_862#3 : vector<16xf32>
        scf.yield %max3A, %max3A_880, %max3A_881, %max3A_882 : vector<16xf32>, vector<16xf32>, vector<16xf32>, vector<16xf32>
      }
      %scan3A_84 = arith.constant 16 : i32
      %broadcast_in_dim3A_85 = arith.constant 3 : i32
      %broadcast_in_dim3A_86 = vector.broadcast %broadcast_in_dim3A_85 : i32 to vector<16xi32>
      %masked_sort3A = arith.constant dense<true> : vector<16xi1>
      %masked_sort3A_87, %masked_sort3A_88, %masked_sort3A_89 = tpu.sort %scan3A_83#0, %scan3A_83#0 masked %masked_sort3A {descending = true} : (vector<16xf32>, vector<16xf32>, vector<16xi1>) -> (vector<16xi1>, vector<16xf32>, vector<16xf32>)
      %lt3A_90 = arith.constant 0 : i32
      %lt3A_91 = vector.broadcast %lt3A_90 : i32 to vector<16xi32>
      %lt3A_92 = arith.cmpi slt, %broadcast_in_dim3A_86, %lt3A_91 : vector<16xi32>
      %add3A_93 = arith.constant 16 : i32
      %add3A_94 = vector.broadcast %add3A_93 : i32 to vector<16xi32>
      %add3A_95 = arith.addi %broadcast_in_dim3A_86, %add3A_94 : vector<16xi32>
      %select_n3A = arith.select %lt3A_92, %add3A_95, %broadcast_in_dim3A_86 : vector<16xi1>, vector<16xi32>
      %broadcast_in_dim3A_96 = vector.shape_cast %select_n3A : vector<16xi32> to vector<16x1xi32>
      %gather3A = vector.shape_cast %broadcast_in_dim3A_96 : vector<16x1xi32> to vector<16xi32>
      %gather3A_97 = tpu.dynamic_gather %masked_sort3A_88[%gather3A] in [0] : vector<16xf32>, vector<16xi32> -> vector<16xf32>
      %masked_sort3A_98 = arith.constant dense<true> : vector<16xi1>
      %masked_sort3A_99, %masked_sort3A_100, %masked_sort3A_101 = tpu.sort %scan3A_83#1, %scan3A_83#1 masked %masked_sort3A_98 {descending = true} : (vector<16xf32>, vector<16xf32>, vector<16xi1>) -> (vector<16xi1>, vector<16xf32>, vector<16xf32>)
      %lt3A_102 = arith.constant 0 : i32
      %lt3A_103 = vector.broadcast %lt3A_102 : i32 to vector<16xi32>
      %lt3A_104 = arith.cmpi slt, %broadcast_in_dim3A_86, %lt3A_103 : vector<16xi32>
      %add3A_105 = arith.constant 16 : i32
      %add3A_106 = vector.broadcast %add3A_105 : i32 to vector<16xi32>
      %add3A_107 = arith.addi %broadcast_in_dim3A_86, %add3A_106 : vector<16xi32>
      %select_n3A_108 = arith.select %lt3A_104, %add3A_107, %broadcast_in_dim3A_86 : vector<16xi1>, vector<16xi32>
      %broadcast_in_dim3A_109 = vector.shape_cast %select_n3A_108 : vector<16xi32> to vector<16x1xi32>
      %gather3A_110 = vector.shape_cast %broadcast_in_dim3A_109 : vector<16x1xi32> to vector<16xi32>
      %gather3A_111 = tpu.dynamic_gather %masked_sort3A_100[%gather3A_110] in [0] : vector<16xf32>, vector<16xi32> -> vector<16xf32>
      %masked_sort3A_112 = arith.constant dense<true> : vector<16xi1>
      %masked_sort3A_113, %masked_sort3A_114, %masked_sort3A_115 = tpu.sort %scan3A_83#2, %scan3A_83#2 masked %masked_sort3A_112 {descending = true} : (vector<16xf32>, vector<16xf32>, vector<16xi1>) -> (vector<16xi1>, vector<16xf32>, vector<16xf32>)
      %lt3A_116 = arith.constant 0 : i32
      %lt3A_117 = vector.broadcast %lt3A_116 : i32 to vector<16xi32>
      %lt3A_118 = arith.cmpi slt, %broadcast_in_dim3A_86, %lt3A_117 : vector<16xi32>
      %add3A_119 = arith.constant 16 : i32
      %add3A_120 = vector.broadcast %add3A_119 : i32 to vector<16xi32>
      %add3A_121 = arith.addi %broadcast_in_dim3A_86, %add3A_120 : vector<16xi32>
      %select_n3A_122 = arith.select %lt3A_118, %add3A_121, %broadcast_in_dim3A_86 : vector<16xi1>, vector<16xi32>
      %broadcast_in_dim3A_123 = vector.shape_cast %select_n3A_122 : vector<16xi32> to vector<16x1xi32>
      %gather3A_124 = vector.shape_cast %broadcast_in_dim3A_123 : vector<16x1xi32> to vector<16xi32>
      %gather3A_125 = tpu.dynamic_gather %masked_sort3A_114[%gather3A_124] in [0] : vector<16xf32>, vector<16xi32> -> vector<16xf32>
      %masked_sort3A_126 = arith.constant dense<true> : vector<16xi1>
      %masked_sort3A_127, %masked_sort3A_128, %masked_sort3A_129 = tpu.sort %scan3A_83#3, %scan3A_83#3 masked %masked_sort3A_126 {descending = true} : (vector<16xf32>, vector<16xf32>, vector<16xi1>) -> (vector<16xi1>, vector<16xf32>, vector<16xf32>)
      %lt3A_130 = arith.constant 0 : i32
      %lt3A_131 = vector.broadcast %lt3A_130 : i32 to vector<16xi32>
      %lt3A_132 = arith.cmpi slt, %broadcast_in_dim3A_86, %lt3A_131 : vector<16xi32>
      %add3A_133 = arith.constant 16 : i32
      %add3A_134 = vector.broadcast %add3A_133 : i32 to vector<16xi32>
      %add3A_135 = arith.addi %broadcast_in_dim3A_86, %add3A_134 : vector<16xi32>
      %select_n3A_136 = arith.select %lt3A_132, %add3A_135, %broadcast_in_dim3A_86 : vector<16xi1>, vector<16xi32>
      %broadcast_in_dim3A_137 = vector.shape_cast %select_n3A_136 : vector<16xi32> to vector<16x1xi32>
      %gather3A_138 = vector.shape_cast %broadcast_in_dim3A_137 : vector<16x1xi32> to vector<16xi32>
      %gather3A_139 = tpu.dynamic_gather %masked_sort3A_128[%gather3A_138] in [0] : vector<16xf32>, vector<16xi32> -> vector<16xf32>
      %swap3A = arith.constant 0 : index
      %swap3A_140 = tpu.vector_load %arg20[%swap3A] {strides = array<i32>} : memref<256xf32, #tpu.memory_space<vmem>>, vector<16xf32>,
      tpu.vector_store %arg20[%swap3A], %broadcast_in_dim3A_5 {strides = array<i32>} : memref<256xf32, #tpu.memory_space<vmem>>, vector<16xf32>,
      %swap3A_141 = arith.constant 0 : index
      %swap3A_142 = tpu.vector_load %arg21[%swap3A_141] {strides = array<i32>} : memref<256xi32, #tpu.memory_space<vmem>>, vector<16xi32>,
      tpu.vector_store %arg21[%swap3A_141], %broadcast_in_dim3A_3 {strides = array<i32>} : memref<256xi32, #tpu.memory_space<vmem>>, vector<16xi32>,
      %swap3A_143 = arith.constant 16 : index
      %swap3A_144 = tpu.vector_load %arg20[%swap3A_143] {strides = array<i32>} : memref<256xf32, #tpu.memory_space<vmem>>, vector<16xf32>,
      tpu.vector_store %arg20[%swap3A_143], %broadcast_in_dim3A_5 {strides = array<i32>} : memref<256xf32, #tpu.memory_space<vmem>>, vector<16xf32>,
      %swap3A_145 = arith.constant 16 : index
      %swap3A_146 = tpu.vector_load %arg21[%swap3A_145] {strides = array<i32>} : memref<256xi32, #tpu.memory_space<vmem>>, vector<16xi32>,
      tpu.vector_store %arg21[%swap3A_145], %broadcast_in_dim3A_3 {strides = array<i32>} : memref<256xi32, #tpu.memory_space<vmem>>, vector<16xi32>,
      %swap3A_147 = arith.constant 32 : index
      %swap3A_148 = tpu.vector_load %arg20[%swap3A_147] {strides = array<i32>} : memref<256xf32, #tpu.memory_space<vmem>>, vector<16xf32>,
      tpu.vector_store %arg20[%swap3A_147], %broadcast_in_dim3A_5 {strides = array<i32>} : memref<256xf32, #tpu.memory_space<vmem>>, vector<16xf32>,
      %swap3A_149 = arith.constant 32 : index
      %swap3A_150 = tpu.vector_load %arg21[%swap3A_149] {strides = array<i32>} : memref<256xi32, #tpu.memory_space<vmem>>, vector<16xi32>,
      tpu.vector_store %arg21[%swap3A_149], %broadcast_in_dim3A_3 {strides = array<i32>} : memref<256xi32, #tpu.memory_space<vmem>>, vector<16xi32>,
      %swap3A_151 = arith.constant 48 : index
      %swap3A_152 = tpu.vector_load %arg20[%swap3A_151] {strides = array<i32>} : memref<256xf32, #tpu.memory_space<vmem>>, vector<16xf32>,
      tpu.vector_store %arg20[%swap3A_151], %broadcast_in_dim3A_5 {strides = array<i32>} : memref<256xf32, #tpu.memory_space<vmem>>, vector<16xf32>,
      %swap3A_153 = arith.constant 48 : index
      %swap3A_154 = tpu.vector_load %arg21[%swap3A_153] {strides = array<i32>} : memref<256xi32, #tpu.memory_space<vmem>>, vector<16xi32>,
      tpu.vector_store %arg21[%swap3A_153], %broadcast_in_dim3A_3 {strides = array<i32>} : memref<256xi32, #tpu.memory_space<vmem>>, vector<16xi32>,
      %swap3A_155 = arith.constant 64 : index
      %swap3A_156 = tpu.vector_load %arg20[%swap3A_155] {strides = array<i32>} : memref<256xf32, #tpu.memory_space<vmem>>, vector<16xf32>,
      tpu.vector_store %arg20[%swap3A_155], %broadcast_in_dim3A_5 {strides = array<i32>} : memref<256xf32, #tpu.memory_space<vmem>>, vector<16xf32>,
      %swap3A_157 = arith.constant 64 : index
      %swap3A_158 = tpu.vector_load %arg21[%swap3A_157] {strides = array<i32>} : memref<256xi32, #tpu.memory_space<vmem>>, vector<16xi32>,
      tpu.vector_store %arg21[%swap3A_157], %broadcast_in_dim3A_3 {strides = array<i32>} : memref<256xi32, #tpu.memory_space<vmem>>, vector<16xi32>,
      %swap3A_159 = arith.constant 80 : index
      %swap3A_160 = tpu.vector_load %arg20[%swap3A_159] {strides = array<i32>} : memref<256xf32, #tpu.memory_space<vmem>>, vector<16xf32>,
      tpu.vector_store %arg20[%swap3A_159], %broadcast_in_dim3A_5 {strides = array<i32>} : memref<256xf32, #tpu.memory_space<vmem>>, vector<16xf32>,
      %swap3A_161 = arith.constant 80 : index
      %swap3A_162 = tpu.vector_load %arg21[%swap3A_161] {strides = array<i32>} : memref<256xi32, #tpu.memory_space<vmem>>, vector<16xi32>,
      tpu.vector_store %arg21[%swap3A_161], %broadcast_in_dim3A_3 {strides = array<i32>} : memref<256xi32, #tpu.memory_space<vmem>>, vector<16xi32>,
      %swap3A_163 = arith.constant 96 : index
      %swap3A_164 = tpu.vector_load %arg20[%swap3A_163] {strides = array<i32>} : memref<256xf32, #tpu.memory_space<vmem>>, vector<16xf32>,
      tpu.vector_store %arg20[%swap3A_163], %broadcast_in_dim3A_5 {strides = array<i32>} : memref<256xf32, #tpu.memory_space<vmem>>, vector<16xf32>,
      %swap3A_165 = arith.constant 96 : index
      %swap3A_166 = tpu.vector_load %arg21[%swap3A_165] {strides = array<i32>} : memref<256xi32, #tpu.memory_space<vmem>>, vector<16xi32>,
      tpu.vector_store %arg21[%swap3A_165], %broadcast_in_dim3A_3 {strides = array<i32>} : memref<256xi32, #tpu.memory_space<vmem>>, vector<16xi32>,
      %swap3A_167 = arith.constant 112 : index
      %swap3A_168 = tpu.vector_load %arg20[%swap3A_167] {strides = array<i32>} : memref<256xf32, #tpu.memory_space<vmem>>, vector<16xf32>,
      tpu.vector_store %arg20[%swap3A_167], %broadcast_in_dim3A_5 {strides = array<i32>} : memref<256xf32, #tpu.memory_space<vmem>>, vector<16xf32>,
      %swap3A_169 = arith.constant 112 : index
      %swap3A_170 = tpu.vector_load %arg21[%swap3A_169] {strides = array<i32>} : memref<256xi32, #tpu.memory_space<vmem>>, vector<16xi32>,
      tpu.vector_store %arg21[%swap3A_169], %broadcast_in_dim3A_3 {strides = array<i32>} : memref<256xi32, #tpu.memory_space<vmem>>, vector<16xi32>,
      %swap3A_171 = arith.constant 128 : index
      %swap3A_172 = tpu.vector_load %arg20[%swap3A_171] {strides = array<i32>} : memref<256xf32, #tpu.memory_space<vmem>>, vector<16xf32>,
      tpu.vector_store %arg20[%swap3A_171], %broadcast_in_dim3A_5 {strides = array<i32>} : memref<256xf32, #tpu.memory_space<vmem>>, vector<16xf32>,
      %swap3A_173 = arith.constant 128 : index
      %swap3A_174 = tpu.vector_load %arg21[%swap3A_173] {strides = array<i32>} : memref<256xi32, #tpu.memory_space<vmem>>, vector<16xi32>,
      tpu.vector_store %arg21[%swap3A_173], %broadcast_in_dim3A_3 {strides = array<i32>} : memref<256xi32, #tpu.memory_space<vmem>>, vector<16xi32>,
      %swap3A_175 = arith.constant 144 : index
      %swap3A_176 = tpu.vector_load %arg20[%swap3A_175] {strides = array<i32>} : memref<256xf32, #tpu.memory_space<vmem>>, vector<16xf32>,
      tpu.vector_store %arg20[%swap3A_175], %broadcast_in_dim3A_5 {strides = array<i32>} : memref<256xf32, #tpu.memory_space<vmem>>, vector<16xf32>,
      %swap3A_177 = arith.constant 144 : index
      %swap3A_178 = tpu.vector_load %arg21[%swap3A_177] {strides = array<i32>} : memref<256xi32, #tpu.memory_space<vmem>>, vector<16xi32>,
      tpu.vector_store %arg21[%swap3A_177], %broadcast_in_dim3A_3 {strides = array<i32>} : memref<256xi32, #tpu.memory_space<vmem>>, vector<16xi32>,
      %swap3A_179 = arith.constant 160 : index
      %swap3A_180 = tpu.vector_load %arg20[%swap3A_179] {strides = array<i32>} : memref<256xf32, #tpu.memory_space<vmem>>, vector<16xf32>,
      tpu.vector_store %arg20[%swap3A_179], %broadcast_in_dim3A_5 {strides = array<i32>} : memref<256xf32, #tpu.memory_space<vmem>>, vector<16xf32>,
      %swap3A_181 = arith.constant 160 : index
      %swap3A_182 = tpu.vector_load %arg21[%swap3A_181] {strides = array<i32>} : memref<256xi32, #tpu.memory_space<vmem>>, vector<16xi32>,
      tpu.vector_store %arg21[%swap3A_181], %broadcast_in_dim3A_3 {strides = array<i32>} : memref<256xi32, #tpu.memory_space<vmem>>, vector<16xi32>,
      %swap3A_183 = arith.constant 176 : index
      %swap3A_184 = tpu.vector_load %arg20[%swap3A_183] {strides = array<i32>} : memref<256xf32, #tpu.memory_space<vmem>>, vector<16xf32>,
      tpu.vector_store %arg20[%swap3A_183], %broadcast_in_dim3A_5 {strides = array<i32>} : memref<256xf32, #tpu.memory_space<vmem>>, vector<16xf32>,
      %swap3A_185 = arith.constant 176 : index
      %swap3A_186 = tpu.vector_load %arg21[%swap3A_185] {strides = array<i32>} : memref<256xi32, #tpu.memory_space<vmem>>, vector<16xi32>,
      tpu.vector_store %arg21[%swap3A_185], %broadcast_in_dim3A_3 {strides = array<i32>} : memref<256xi32, #tpu.memory_space<vmem>>, vector<16xi32>,
      %swap3A_187 = arith.constant 192 : index
      %swap3A_188 = tpu.vector_load %arg20[%swap3A_187] {strides = array<i32>} : memref<256xf32, #tpu.memory_space<vmem>>, vector<16xf32>,
      tpu.vector_store %arg20[%swap3A_187], %broadcast_in_dim3A_5 {strides = array<i32>} : memref<256xf32, #tpu.memory_space<vmem>>, vector<16xf32>,
      %swap3A_189 = arith.constant 192 : index
      %swap3A_190 = tpu.vector_load %arg21[%swap3A_189] {strides = array<i32>} : memref<256xi32, #tpu.memory_space<vmem>>, vector<16xi32>,
      tpu.vector_store %arg21[%swap3A_189], %broadcast_in_dim3A_3 {strides = array<i32>} : memref<256xi32, #tpu.memory_space<vmem>>, vector<16xi32>,
      %swap3A_191 = arith.constant 208 : index
      %swap3A_192 = tpu.vector_load %arg20[%swap3A_191] {strides = array<i32>} : memref<256xf32, #tpu.memory_space<vmem>>, vector<16xf32>,
      tpu.vector_store %arg20[%swap3A_191], %broadcast_in_dim3A_5 {strides = array<i32>} : memref<256xf32, #tpu.memory_space<vmem>>, vector<16xf32>,
      %swap3A_193 = arith.constant 208 : index
      %swap3A_194 = tpu.vector_load %arg21[%swap3A_193] {strides = array<i32>} : memref<256xi32, #tpu.memory_space<vmem>>, vector<16xi32>,
      tpu.vector_store %arg21[%swap3A_193], %broadcast_in_dim3A_3 {strides = array<i32>} : memref<256xi32, #tpu.memory_space<vmem>>, vector<16xi32>,
      %swap3A_195 = arith.constant 224 : index
      %swap3A_196 = tpu.vector_load %arg20[%swap3A_195] {strides = array<i32>} : memref<256xf32, #tpu.memory_space<vmem>>, vector<16xf32>,
      tpu.vector_store %arg20[%swap3A_195], %broadcast_in_dim3A_5 {strides = array<i32>} : memref<256xf32, #tpu.memory_space<vmem>>, vector<16xf32>,
      %swap3A_197 = arith.constant 224 : index
      %swap3A_198 = tpu.vector_load %arg21[%swap3A_197] {strides = array<i32>} : memref<256xi32, #tpu.memory_space<vmem>>, vector<16xi32>,
      tpu.vector_store %arg21[%swap3A_197], %broadcast_in_dim3A_3 {strides = array<i32>} : memref<256xi32, #tpu.memory_space<vmem>>, vector<16xi32>,
      %swap3A_199 = arith.constant 240 : index
      %swap3A_200 = tpu.vector_load %arg20[%swap3A_199] {strides = array<i32>} : memref<256xf32, #tpu.memory_space<vmem>>, vector<16xf32>,
      tpu.vector_store %arg20[%swap3A_199], %broadcast_in_dim3A_5 {strides = array<i32>} : memref<256xf32, #tpu.memory_space<vmem>>, vector<16xf32>,
      %swap3A_201 = arith.constant 240 : index
      %swap3A_202 = tpu.vector_load %arg21[%swap3A_201] {strides = array<i32>} : memref<256xi32, #tpu.memory_space<vmem>>, vector<16xi32>,
      tpu.vector_store %arg21[%swap3A_201], %broadcast_in_dim3A_3 {strides = array<i32>} : memref<256xi32, #tpu.memory_space<vmem>>, vector<16xi32>,
      %scan3A_203 = arith.constant 0 : i32
      %scan3A_204 = arith.constant 0 : i32
      %scan3A_205 = arith.constant 16 : i32
      %scan3A_206 = arith.addi %scan3A_204, %scan3A_205 : i32
      %scan3A_207 = arith.constant 1 : i32
      %scan3A_208 = scf.for %scan3A_853 = %scan3A_204 to %scan3A_206 step %scan3A_207 iter_args(%scan3A_854 = %scan3A_203) -> (i32)  : i32 {
        %mul3A_855 = arith.constant 16 : i32
        %mul3A_856 = arith.muli %scan3A_853, %mul3A_855 : i32
        %get3A_857 = arith.index_cast %mul3A_856 : i32 to index
        %get3A_858 = tpu.vector_load %arg16[%get3A_857] {strides = array<i32>} : memref<256xf32, #tpu.memory_space<vmem>>, vector<16xf32>,
        %ge3A = arith.cmpf oge, %get3A_858, %gather3A_97 : vector<16xf32>
        %reduce_or3A = arith.constant 1.000000e+00 : f32
        %reduce_or3A_859 = arith.constant 0.000000e+00 : f32
        %reduce_or3A_860 = vector.broadcast %reduce_or3A : f32 to vector<16xf32>
        %reduce_or3A_861 = vector.broadcast %reduce_or3A_859 : f32 to vector<16xf32>
        %reduce_or3A_862 = arith.select %ge3A, %reduce_or3A_860, %reduce_or3A_861 : vector<16xi1>, vector<16xf32>
        %reduce_or3A_863 = arith.constant true
        %reduce_or3A_864 = vector.broadcast %reduce_or3A_863 : i1 to vector<16xi1>
        %reduce_or3A_865 = tpu.scan <max>, %reduce_or3A_862 masked %reduce_or3A_864 : vector<16xf32>, vector<16xi1> -> vector<16xf32>
        %reduce_or3A_866 = vector.extract %reduce_or3A_865[15] : f32 from vector<16xf32>
        %reduce_or3A_867 = arith.constant 0.000000e+00 : f32
        %reduce_or3A_868 = arith.cmpf ogt, %reduce_or3A_866, %reduce_or3A_867 : f32
        %convert_element_type3A_869 = arith.extui %reduce_or3A_868 : i1 to i32
        %cond3A_870 = arith.constant 0 : i32
        %cond3A_871 = arith.cmpi ne, %convert_element_type3A_869, %cond3A_870 : i32
        scf.if %cond3A_871 {
          %get3A_930 = arith.constant 0 : index
          %get3A_931 = tpu.vector_load %arg20[%get3A_930] {strides = array<i32>} : memref<256xf32, #tpu.memory_space<vmem>>, vector<16xf32>,
          %get3A_932 = arith.constant 16 : index
          %get3A_933 = tpu.vector_load %arg20[%get3A_932] {strides = array<i32>} : memref<256xf32, #tpu.memory_space<vmem>>, vector<16xf32>,
          %get3A_934 = arith.constant 32 : index
          %get3A_935 = tpu.vector_load %arg20[%get3A_934] {strides = array<i32>} : memref<256xf32, #tpu.memory_space<vmem>>, vector<16xf32>,
          %get3A_936 = arith.constant 48 : index
          %get3A_937 = tpu.vector_load %arg20[%get3A_936] {strides = array<i32>} : memref<256xf32, #tpu.memory_space<vmem>>, vector<16xf32>,
          %get3A_938 = arith.constant 0 : index
          %get3A_939 = tpu.vector_load %arg21[%get3A_938] {strides = array<i32>} : memref<256xi32, #tpu.memory_space<vmem>>, vector<16xi32>,
          %get3A_940 = arith.constant 16 : index
          %get3A_941 = tpu.vector_load %arg21[%get3A_940] {strides = array<i32>} : memref<256xi32, #tpu.memory_space<vmem>>, vector<16xi32>,
          %get3A_942 = arith.constant 32 : index
          %get3A_943 = tpu.vector_load %arg21[%get3A_942] {strides = array<i32>} : memref<256xi32, #tpu.memory_space<vmem>>, vector<16xi32>,
          %get3A_944 = arith.constant 48 : index
          %get3A_945 = tpu.vector_load %arg21[%get3A_944] {strides = array<i32>} : memref<256xi32, #tpu.memory_space<vmem>>, vector<16xi32>,
          %scan3A_946 = arith.constant 0 : i32
          %scan3A_947 = arith.constant 16 : i32
          %scan3A_948 = arith.addi %scan3A_946, %scan3A_947 : i32
          %scan3A_949 = arith.constant 4 : i32
          %scan3A_950:8 = scf.for %scan3A_968 = %scan3A_946 to %scan3A_948 step %scan3A_949 iter_args(%scan3A_969 = %get3A_931, %scan3A_970 = %get3A_933, %scan3A_971 = %get3A_935, %scan3A_972 = %get3A_937, %scan3A_973 = %get3A_939, %scan3A_974 = %get3A_941, %scan3A_975 = %get3A_943, %scan3A_976 = %get3A_945) -> (vector<16xf32>, vector<16xf32>, vector<16xf32>, vector<16xf32>, vector<16xi32>, vector<16xi32>, vector<16xi32>, vector<16xi32>)  : i32 {
            %mul3A_977 = arith.constant 16 : i32
            %mul3A_978 = arith.muli %scan3A_853, %mul3A_977 : i32
            %add3A_979 = arith.addi %mul3A_978, %scan3A_968 : i32
            %mul3A_980 = arith.constant 16 : i32
            %mul3A_981 = arith.muli %add3A_979, %mul3A_980 : i32
            %get3A_982 = arith.index_cast %mul3A_981 : i32 to index
            %get3A_983 = tpu.vector_load %arg7[%get3A_982] {strides = array<i32>} : memref<4096xf32, #tpu.memory_space<vmem>>, vector<16xf32>,
            %mul3A_984 = arith.constant 16 : i32
            %mul3A_985 = arith.muli %add3A_979, %mul3A_984 : i32
            %add3A_986 = vector.broadcast %mul3A_985 : i32 to vector<16xi32>
            %add3A_987 = arith.addi %iota3A, %add3A_986 : vector<16xi32>
            %gt3A = arith.cmpf ogt, %get3A_983, %scan3A_969 : vector<16xf32>
            %gt3A_988 = arith.cmpf ogt, %get3A_983, %scan3A_970 : vector<16xf32>
            %gt3A_989 = arith.cmpf ogt, %get3A_983, %scan3A_971 : vector<16xf32>
            %gt3A_990 = arith.cmpf ogt, %get3A_983, %scan3A_972 : vector<16xf32>
            %select_n3A_991 = arith.select %gt3A, %get3A_983, %scan3A_969 : vector<16xi1>, vector<16xf32>
            %select_n3A_992 = arith.select %gt3A, %add3A_987, %scan3A_973 : vector<16xi1>, vector<16xi32>
            %select_n3A_993 = arith.select %gt3A_988, %get3A_983, %scan3A_970 : vector<16xi1>, vector<16xf32>
            %select_n3A_994 = arith.select %gt3A, %scan3A_969, %select_n3A_993 : vector<16xi1>, vector<16xf32>
            %select_n3A_995 = arith.select %gt3A_988, %add3A_987, %scan3A_974 : vector<16xi1>, vector<16xi32>
            %select_n3A_996 = arith.select %gt3A, %scan3A_973, %select_n3A_995 : vector<16xi1>, vector<16xi32>
            %select_n3A_997 = arith.select %gt3A_989, %get3A_983, %scan3A_971 : vector<16xi1>, vector<16xf32>
            %select_n3A_998 = arith.select %gt3A_988, %scan3A_970, %select_n3A_997 : vector<16xi1>, vector<16xf32>
            %select_n3A_999 = arith.select %gt3A_989, %add3A_987, %scan3A_975 : vector<16xi1>, vector<16xi32>
            %select_n3A_1000 = arith.select %gt3A_988, %scan3A_974, %select_n3A_999 : vector<16xi1>, vector<16xi32>
            %select_n3A_1001 = arith.select %gt3A_990, %get3A_983, %scan3A_972 : vector<16xi1>, vector<16xf32>
            %select_n3A_1002 = arith.select %gt3A_989, %scan3A_971, %select_n3A_1001 : vector<16xi1>, vector<16xf32>
            %select_n3A_1003 = arith.select %gt3A_990, %add3A_987, %scan3A_976 : vector<16xi1>, vector<16xi32>
            %select_n3A_1004 = arith.select %gt3A_989, %scan3A_975, %select_n3A_1003 : vector<16xi1>, vector<16xi32>
            %scan3A_1005 = arith.constant 1 : i32
            %scan3A_1006 = arith.addi %scan3A_968, %scan3A_1005 : i32
            %mul3A_1007 = arith.constant 16 : i32
            %mul3A_1008 = arith.muli %scan3A_853, %mul3A_1007 : i32
            %add3A_1009 = arith.addi %mul3A_1008, %scan3A_1006 : i32
            %mul3A_1010 = arith.constant 16 : i32
            %mul3A_1011 = arith.muli %add3A_1009, %mul3A_1010 : i32
            %get3A_1012 = arith.index_cast %mul3A_1011 : i32 to index
            %get3A_1013 = tpu.vector_load %arg7[%get3A_1012] {strides = array<i32>} : memref<4096xf32, #tpu.memory_space<vmem>>, vector<16xf32>,
            %mul3A_1014 = arith.constant 16 : i32
            %mul3A_1015 = arith.muli %add3A_1009, %mul3A_1014 : i32
            %add3A_1016 = vector.broadcast %mul3A_1015 : i32 to vector<16xi32>
            %add3A_1017 = arith.addi %iota3A, %add3A_1016 : vector<16xi32>
            %gt3A_1018 = arith.cmpf ogt, %get3A_1013, %select_n3A_991 : vector<16xf32>
            %gt3A_1019 = arith.cmpf ogt, %get3A_1013, %select_n3A_994 : vector<16xf32>
            %gt3A_1020 = arith.cmpf ogt, %get3A_1013, %select_n3A_998 : vector<16xf32>
            %gt3A_1021 = arith.cmpf ogt, %get3A_1013, %select_n3A_1002 : vector<16xf32>
            %select_n3A_1022 = arith.select %gt3A_1018, %get3A_1013, %select_n3A_991 : vector<16xi1>, vector<16xf32>
            %select_n3A_1023 = arith.select %gt3A_1018, %add3A_1017, %select_n3A_992 : vector<16xi1>, vector<16xi32>
            %select_n3A_1024 = arith.select %gt3A_1019, %get3A_1013, %select_n3A_994 : vector<16xi1>, vector<16xf32>
            %select_n3A_1025 = arith.select %gt3A_1018, %select_n3A_991, %select_n3A_1024 : vector<16xi1>, vector<16xf32>
            %select_n3A_1026 = arith.select %gt3A_1019, %add3A_1017, %select_n3A_996 : vector<16xi1>, vector<16xi32>
            %select_n3A_1027 = arith.select %gt3A_1018, %select_n3A_992, %select_n3A_1026 : vector<16xi1>, vector<16xi32>
            %select_n3A_1028 = arith.select %gt3A_1020, %get3A_1013, %select_n3A_998 : vector<16xi1>, vector<16xf32>
            %select_n3A_1029 = arith.select %gt3A_1019, %select_n3A_994, %select_n3A_1028 : vector<16xi1>, vector<16xf32>
            %select_n3A_1030 = arith.select %gt3A_1020, %add3A_1017, %select_n3A_1000 : vector<16xi1>, vector<16xi32>
            %select_n3A_1031 = arith.select %gt3A_1019, %select_n3A_996, %select_n3A_1030 : vector<16xi1>, vector<16xi32>
            %select_n3A_1032 = arith.select %gt3A_1021, %get3A_1013, %select_n3A_1002 : vector<16xi1>, vector<16xf32>
            %select_n3A_1033 = arith.select %gt3A_1020, %select_n3A_998, %select_n3A_1032 : vector<16xi1>, vector<16xf32>
            %select_n3A_1034 = arith.select %gt3A_1021, %add3A_1017, %select_n3A_1004 : vector<16xi1>, vector<16xi32>
            %select_n3A_1035 = arith.select %gt3A_1020, %select_n3A_1000, %select_n3A_1034 : vector<16xi1>, vector<16xi32>
            %scan3A_1036 = arith.constant 2 : i32
            %scan3A_1037 = arith.addi %scan3A_968, %scan3A_1036 : i32
            %mul3A_1038 = arith.constant 16 : i32
            %mul3A_1039 = arith.muli %scan3A_853, %mul3A_1038 : i32
            %add3A_1040 = arith.addi %mul3A_1039, %scan3A_1037 : i32
            %mul3A_1041 = arith.constant 16 : i32
            %mul3A_1042 = arith.muli %add3A_1040, %mul3A_1041 : i32
            %get3A_1043 = arith.index_cast %mul3A_1042 : i32 to index
            %get3A_1044 = tpu.vector_load %arg7[%get3A_1043] {strides = array<i32>} : memref<4096xf32, #tpu.memory_space<vmem>>, vector<16xf32>,
            %mul3A_1045 = arith.constant 16 : i32
            %mul3A_1046 = arith.muli %add3A_1040, %mul3A_1045 : i32
            %add3A_1047 = vector.broadcast %mul3A_1046 : i32 to vector<16xi32>
            %add3A_1048 = arith.addi %iota3A, %add3A_1047 : vector<16xi32>
            %gt3A_1049 = arith.cmpf ogt, %get3A_1044, %select_n3A_1022 : vector<16xf32>
            %gt3A_1050 = arith.cmpf ogt, %get3A_1044, %select_n3A_1025 : vector<16xf32>
            %gt3A_1051 = arith.cmpf ogt, %get3A_1044, %select_n3A_1029 : vector<16xf32>
            %gt3A_1052 = arith.cmpf ogt, %get3A_1044, %select_n3A_1033 : vector<16xf32>
            %select_n3A_1053 = arith.select %gt3A_1049, %get3A_1044, %select_n3A_1022 : vector<16xi1>, vector<16xf32>
            %select_n3A_1054 = arith.select %gt3A_1049, %add3A_1048, %select_n3A_1023 : vector<16xi1>, vector<16xi32>
            %select_n3A_1055 = arith.select %gt3A_1050, %get3A_1044, %select_n3A_1025 : vector<16xi1>, vector<16xf32>
            %select_n3A_1056 = arith.select %gt3A_1049, %select_n3A_1022, %select_n3A_1055 : vector<16xi1>, vector<16xf32>
            %select_n3A_1057 = arith.select %gt3A_1050, %add3A_1048, %select_n3A_1027 : vector<16xi1>, vector<16xi32>
            %select_n3A_1058 = arith.select %gt3A_1049, %select_n3A_1023, %select_n3A_1057 : vector<16xi1>, vector<16xi32>
            %select_n3A_1059 = arith.select %gt3A_1051, %get3A_1044, %select_n3A_1029 : vector<16xi1>, vector<16xf32>
            %select_n3A_1060 = arith.select %gt3A_1050, %select_n3A_1025, %select_n3A_1059 : vector<16xi1>, vector<16xf32>
            %select_n3A_1061 = arith.select %gt3A_1051, %add3A_1048, %select_n3A_1031 : vector<16xi1>, vector<16xi32>
            %select_n3A_1062 = arith.select %gt3A_1050, %select_n3A_1027, %select_n3A_1061 : vector<16xi1>, vector<16xi32>
            %select_n3A_1063 = arith.select %gt3A_1052, %get3A_1044, %select_n3A_1033 : vector<16xi1>, vector<16xf32>
            %select_n3A_1064 = arith.select %gt3A_1051, %select_n3A_1029, %select_n3A_1063 : vector<16xi1>, vector<16xf32>
            %select_n3A_1065 = arith.select %gt3A_1052, %add3A_1048, %select_n3A_1035 : vector<16xi1>, vector<16xi32>
            %select_n3A_1066 = arith.select %gt3A_1051, %select_n3A_1031, %select_n3A_1065 : vector<16xi1>, vector<16xi32>
            %scan3A_1067 = arith.constant 3 : i32
            %scan3A_1068 = arith.addi %scan3A_968, %scan3A_1067 : i32
            %mul3A_1069 = arith.constant 16 : i32
            %mul3A_1070 = arith.muli %scan3A_853, %mul3A_1069 : i32
            %add3A_1071 = arith.addi %mul3A_1070, %scan3A_1068 : i32
            %mul3A_1072 = arith.constant 16 : i32
            %mul3A_1073 = arith.muli %add3A_1071, %mul3A_1072 : i32
            %get3A_1074 = arith.index_cast %mul3A_1073 : i32 to index
            %get3A_1075 = tpu.vector_load %arg7[%get3A_1074] {strides = array<i32>} : memref<4096xf32, #tpu.memory_space<vmem>>, vector<16xf32>,
            %mul3A_1076 = arith.constant 16 : i32
            %mul3A_1077 = arith.muli %add3A_1071, %mul3A_1076 : i32
            %add3A_1078 = vector.broadcast %mul3A_1077 : i32 to vector<16xi32>
            %add3A_1079 = arith.addi %iota3A, %add3A_1078 : vector<16xi32>
            %gt3A_1080 = arith.cmpf ogt, %get3A_1075, %select_n3A_1053 : vector<16xf32>
            %gt3A_1081 = arith.cmpf ogt, %get3A_1075, %select_n3A_1056 : vector<16xf32>
            %gt3A_1082 = arith.cmpf ogt, %get3A_1075, %select_n3A_1060 : vector<16xf32>
            %gt3A_1083 = arith.cmpf ogt, %get3A_1075, %select_n3A_1064 : vector<16xf32>
            %select_n3A_1084 = arith.select %gt3A_1080, %get3A_1075, %select_n3A_1053 : vector<16xi1>, vector<16xf32>
            %select_n3A_1085 = arith.select %gt3A_1080, %add3A_1079, %select_n3A_1054 : vector<16xi1>, vector<16xi32>
            %select_n3A_1086 = arith.select %gt3A_1081, %get3A_1075, %select_n3A_1056 : vector<16xi1>, vector<16xf32>
            %select_n3A_1087 = arith.select %gt3A_1080, %select_n3A_1053, %select_n3A_1086 : vector<16xi1>, vector<16xf32>
            %select_n3A_1088 = arith.select %gt3A_1081, %add3A_1079, %select_n3A_1058 : vector<16xi1>, vector<16xi32>
            %select_n3A_1089 = arith.select %gt3A_1080, %select_n3A_1054, %select_n3A_1088 : vector<16xi1>, vector<16xi32>
            %select_n3A_1090 = arith.select %gt3A_1082, %get3A_1075, %select_n3A_1060 : vector<16xi1>, vector<16xf32>
            %select_n3A_1091 = arith.select %gt3A_1081, %select_n3A_1056, %select_n3A_1090 : vector<16xi1>, vector<16xf32>
            %select_n3A_1092 = arith.select %gt3A_1082, %add3A_1079, %select_n3A_1062 : vector<16xi1>, vector<16xi32>
            %select_n3A_1093 = arith.select %gt3A_1081, %select_n3A_1058, %select_n3A_1092 : vector<16xi1>, vector<16xi32>
            %select_n3A_1094 = arith.select %gt3A_1083, %get3A_1075, %select_n3A_1064 : vector<16xi1>, vector<16xf32>
            %select_n3A_1095 = arith.select %gt3A_1082, %select_n3A_1060, %select_n3A_1094 : vector<16xi1>, vector<16xf32>
            %select_n3A_1096 = arith.select %gt3A_1083, %add3A_1079, %select_n3A_1066 : vector<16xi1>, vector<16xi32>
            %select_n3A_1097 = arith.select %gt3A_1082, %select_n3A_1062, %select_n3A_1096 : vector<16xi1>, vector<16xi32>
            scf.yield %select_n3A_1084, %select_n3A_1087, %select_n3A_1091, %select_n3A_1095, %select_n3A_1085, %select_n3A_1089, %select_n3A_1093, %select_n3A_1097 : vector<16xf32>, vector<16xf32>, vector<16xf32>, vector<16xf32>, vector<16xi32>, vector<16xi32>, vector<16xi32>, vector<16xi32>
          }
          %scan3A_951 = arith.constant 16 : i32
          %swap3A_952 = arith.constant 0 : index
          %swap3A_953 = tpu.vector_load %arg20[%swap3A_952] {strides = array<i32>} : memref<256xf32, #tpu.memory_space<vmem>>, vector<16xf32>,
          tpu.vector_store %arg20[%swap3A_952], %scan3A_950#0 {strides = array<i32>} : memref<256xf32, #tpu.memory_space<vmem>>, vector<16xf32>,
          %swap3A_954 = arith.constant 16 : index
          %swap3A_955 = tpu.vector_load %arg20[%swap3A_954] {strides = array<i32>} : memref<256xf32, #tpu.memory_space<vmem>>, vector<16xf32>,
          tpu.vector_store %arg20[%swap3A_954], %scan3A_950#1 {strides = array<i32>} : memref<256xf32, #tpu.memory_space<vmem>>, vector<16xf32>,
          %swap3A_956 = arith.constant 32 : index
          %swap3A_957 = tpu.vector_load %arg20[%swap3A_956] {strides = array<i32>} : memref<256xf32, #tpu.memory_space<vmem>>, vector<16xf32>,
          tpu.vector_store %arg20[%swap3A_956], %scan3A_950#2 {strides = array<i32>} : memref<256xf32, #tpu.memory_space<vmem>>, vector<16xf32>,
          %swap3A_958 = arith.constant 48 : index
          %swap3A_959 = tpu.vector_load %arg20[%swap3A_958] {strides = array<i32>} : memref<256xf32, #tpu.memory_space<vmem>>, vector<16xf32>,
          tpu.vector_store %arg20[%swap3A_958], %scan3A_950#3 {strides = array<i32>} : memref<256xf32, #tpu.memory_space<vmem>>, vector<16xf32>,
          %swap3A_960 = arith.constant 0 : index
          %swap3A_961 = tpu.vector_load %arg21[%swap3A_960] {strides = array<i32>} : memref<256xi32, #tpu.memory_space<vmem>>, vector<16xi32>,
          tpu.vector_store %arg21[%swap3A_960], %scan3A_950#4 {strides = array<i32>} : memref<256xi32, #tpu.memory_space<vmem>>, vector<16xi32>,
          %swap3A_962 = arith.constant 16 : index
          %swap3A_963 = tpu.vector_load %arg21[%swap3A_962] {strides = array<i32>} : memref<256xi32, #tpu.memory_space<vmem>>, vector<16xi32>,
          tpu.vector_store %arg21[%swap3A_962], %scan3A_950#5 {strides = array<i32>} : memref<256xi32, #tpu.memory_space<vmem>>, vector<16xi32>,
          %swap3A_964 = arith.constant 32 : index
          %swap3A_965 = tpu.vector_load %arg21[%swap3A_964] {strides = array<i32>} : memref<256xi32, #tpu.memory_space<vmem>>, vector<16xi32>,
          tpu.vector_store %arg21[%swap3A_964], %scan3A_950#6 {strides = array<i32>} : memref<256xi32, #tpu.memory_space<vmem>>, vector<16xi32>,
          %swap3A_966 = arith.constant 48 : index
          %swap3A_967 = tpu.vector_load %arg21[%swap3A_966] {strides = array<i32>} : memref<256xi32, #tpu.memory_space<vmem>>, vector<16xi32>,
          tpu.vector_store %arg21[%swap3A_966], %scan3A_950#7 {strides = array<i32>} : memref<256xi32, #tpu.memory_space<vmem>>, vector<16xi32>,
        } else {
        }
        %mul3A_872 = arith.constant 16 : i32
        %mul3A_873 = arith.muli %scan3A_853, %mul3A_872 : i32
        %get3A_874 = arith.index_cast %mul3A_873 : i32 to index
        %get3A_875 = tpu.vector_load %arg17[%get3A_874] {strides = array<i32>} : memref<256xf32, #tpu.memory_space<vmem>>, vector<16xf32>,
        %ge3A_876 = arith.cmpf oge, %get3A_875, %gather3A_111 : vector<16xf32>
        %reduce_or3A_877 = arith.constant 1.000000e+00 : f32
        %reduce_or3A_878 = arith.constant 0.000000e+00 : f32
        %reduce_or3A_879 = vector.broadcast %reduce_or3A_877 : f32 to vector<16xf32>
        %reduce_or3A_880 = vector.broadcast %reduce_or3A_878 : f32 to vector<16xf32>
        %reduce_or3A_881 = arith.select %ge3A_876, %reduce_or3A_879, %reduce_or3A_880 : vector<16xi1>, vector<16xf32>
        %reduce_or3A_882 = arith.constant true
        %reduce_or3A_883 = vector.broadcast %reduce_or3A_882 : i1 to vector<16xi1>
        %reduce_or3A_884 = tpu.scan <max>, %reduce_or3A_881 masked %reduce_or3A_883 : vector<16xf32>, vector<16xi1> -> vector<16xf32>
        %reduce_or3A_885 = vector.extract %reduce_or3A_884[15] : f32 from vector<16xf32>
        %reduce_or3A_886 = arith.constant 0.000000e+00 : f32
        %reduce_or3A_887 = arith.cmpf ogt, %reduce_or3A_885, %reduce_or3A_886 : f32
        %convert_element_type3A_888 = arith.extui %reduce_or3A_887 : i1 to i32
        %cond3A_889 = arith.constant 0 : i32
        %cond3A_890 = arith.cmpi ne, %convert_element_type3A_888, %cond3A_889 : i32
        scf.if %cond3A_890 {
          %get3A_930 = arith.constant 64 : index
          %get3A_931 = tpu.vector_load %arg20[%get3A_930] {strides = array<i32>} : memref<256xf32, #tpu.memory_space<vmem>>, vector<16xf32>,
          %get3A_932 = arith.constant 80 : index
          %get3A_933 = tpu.vector_load %arg20[%get3A_932] {strides = array<i32>} : memref<256xf32, #tpu.memory_space<vmem>>, vector<16xf32>,
          %get3A_934 = arith.constant 96 : index
          %get3A_935 = tpu.vector_load %arg20[%get3A_934] {strides = array<i32>} : memref<256xf32, #tpu.memory_space<vmem>>, vector<16xf32>,
          %get3A_936 = arith.constant 112 : index
          %get3A_937 = tpu.vector_load %arg20[%get3A_936] {strides = array<i32>} : memref<256xf32, #tpu.memory_space<vmem>>, vector<16xf32>,
          %get3A_938 = arith.constant 64 : index
          %get3A_939 = tpu.vector_load %arg21[%get3A_938] {strides = array<i32>} : memref<256xi32, #tpu.memory_space<vmem>>, vector<16xi32>,
          %get3A_940 = arith.constant 80 : index
          %get3A_941 = tpu.vector_load %arg21[%get3A_940] {strides = array<i32>} : memref<256xi32, #tpu.memory_space<vmem>>, vector<16xi32>,
          %get3A_942 = arith.constant 96 : index
          %get3A_943 = tpu.vector_load %arg21[%get3A_942] {strides = array<i32>} : memref<256xi32, #tpu.memory_space<vmem>>, vector<16xi32>,
          %get3A_944 = arith.constant 112 : index
          %get3A_945 = tpu.vector_load %arg21[%get3A_944] {strides = array<i32>} : memref<256xi32, #tpu.memory_space<vmem>>, vector<16xi32>,
          %scan3A_946 = arith.constant 0 : i32
          %scan3A_947 = arith.constant 16 : i32
          %scan3A_948 = arith.addi %scan3A_946, %scan3A_947 : i32
          %scan3A_949 = arith.constant 4 : i32
          %scan3A_950:8 = scf.for %scan3A_968 = %scan3A_946 to %scan3A_948 step %scan3A_949 iter_args(%scan3A_969 = %get3A_931, %scan3A_970 = %get3A_933, %scan3A_971 = %get3A_935, %scan3A_972 = %get3A_937, %scan3A_973 = %get3A_939, %scan3A_974 = %get3A_941, %scan3A_975 = %get3A_943, %scan3A_976 = %get3A_945) -> (vector<16xf32>, vector<16xf32>, vector<16xf32>, vector<16xf32>, vector<16xi32>, vector<16xi32>, vector<16xi32>, vector<16xi32>)  : i32 {
            %mul3A_977 = arith.constant 16 : i32
            %mul3A_978 = arith.muli %scan3A_853, %mul3A_977 : i32
            %add3A_979 = arith.addi %mul3A_978, %scan3A_968 : i32
            %mul3A_980 = arith.constant 16 : i32
            %mul3A_981 = arith.muli %add3A_979, %mul3A_980 : i32
            %get3A_982 = arith.index_cast %mul3A_981 : i32 to index
            %get3A_983 = tpu.vector_load %arg8[%get3A_982] {strides = array<i32>} : memref<4096xf32, #tpu.memory_space<vmem>>, vector<16xf32>,
            %mul3A_984 = arith.constant 16 : i32
            %mul3A_985 = arith.muli %add3A_979, %mul3A_984 : i32
            %add3A_986 = vector.broadcast %mul3A_985 : i32 to vector<16xi32>
            %add3A_987 = arith.addi %iota3A, %add3A_986 : vector<16xi32>
            %gt3A = arith.cmpf ogt, %get3A_983, %scan3A_969 : vector<16xf32>
            %gt3A_988 = arith.cmpf ogt, %get3A_983, %scan3A_970 : vector<16xf32>
            %gt3A_989 = arith.cmpf ogt, %get3A_983, %scan3A_971 : vector<16xf32>
            %gt3A_990 = arith.cmpf ogt, %get3A_983, %scan3A_972 : vector<16xf32>
            %select_n3A_991 = arith.select %gt3A, %get3A_983, %scan3A_969 : vector<16xi1>, vector<16xf32>
            %select_n3A_992 = arith.select %gt3A, %add3A_987, %scan3A_973 : vector<16xi1>, vector<16xi32>
            %select_n3A_993 = arith.select %gt3A_988, %get3A_983, %scan3A_970 : vector<16xi1>, vector<16xf32>
            %select_n3A_994 = arith.select %gt3A, %scan3A_969, %select_n3A_993 : vector<16xi1>, vector<16xf32>
            %select_n3A_995 = arith.select %gt3A_988, %add3A_987, %scan3A_974 : vector<16xi1>, vector<16xi32>
            %select_n3A_996 = arith.select %gt3A, %scan3A_973, %select_n3A_995 : vector<16xi1>, vector<16xi32>
            %select_n3A_997 = arith.select %gt3A_989, %get3A_983, %scan3A_971 : vector<16xi1>, vector<16xf32>
            %select_n3A_998 = arith.select %gt3A_988, %scan3A_970, %select_n3A_997 : vector<16xi1>, vector<16xf32>
            %select_n3A_999 = arith.select %gt3A_989, %add3A_987, %scan3A_975 : vector<16xi1>, vector<16xi32>
            %select_n3A_1000 = arith.select %gt3A_988, %scan3A_974, %select_n3A_999 : vector<16xi1>, vector<16xi32>
            %select_n3A_1001 = arith.select %gt3A_990, %get3A_983, %scan3A_972 : vector<16xi1>, vector<16xf32>
            %select_n3A_1002 = arith.select %gt3A_989, %scan3A_971, %select_n3A_1001 : vector<16xi1>, vector<16xf32>
            %select_n3A_1003 = arith.select %gt3A_990, %add3A_987, %scan3A_976 : vector<16xi1>, vector<16xi32>
            %select_n3A_1004 = arith.select %gt3A_989, %scan3A_975, %select_n3A_1003 : vector<16xi1>, vector<16xi32>
            %scan3A_1005 = arith.constant 1 : i32
            %scan3A_1006 = arith.addi %scan3A_968, %scan3A_1005 : i32
            %mul3A_1007 = arith.constant 16 : i32
            %mul3A_1008 = arith.muli %scan3A_853, %mul3A_1007 : i32
            %add3A_1009 = arith.addi %mul3A_1008, %scan3A_1006 : i32
            %mul3A_1010 = arith.constant 16 : i32
            %mul3A_1011 = arith.muli %add3A_1009, %mul3A_1010 : i32
            %get3A_1012 = arith.index_cast %mul3A_1011 : i32 to index
            %get3A_1013 = tpu.vector_load %arg8[%get3A_1012] {strides = array<i32>} : memref<4096xf32, #tpu.memory_space<vmem>>, vector<16xf32>,
            %mul3A_1014 = arith.constant 16 : i32
            %mul3A_1015 = arith.muli %add3A_1009, %mul3A_1014 : i32
            %add3A_1016 = vector.broadcast %mul3A_1015 : i32 to vector<16xi32>
            %add3A_1017 = arith.addi %iota3A, %add3A_1016 : vector<16xi32>
            %gt3A_1018 = arith.cmpf ogt, %get3A_1013, %select_n3A_991 : vector<16xf32>
            %gt3A_1019 = arith.cmpf ogt, %get3A_1013, %select_n3A_994 : vector<16xf32>
            %gt3A_1020 = arith.cmpf ogt, %get3A_1013, %select_n3A_998 : vector<16xf32>
            %gt3A_1021 = arith.cmpf ogt, %get3A_1013, %select_n3A_1002 : vector<16xf32>
            %select_n3A_1022 = arith.select %gt3A_1018, %get3A_1013, %select_n3A_991 : vector<16xi1>, vector<16xf32>
            %select_n3A_1023 = arith.select %gt3A_1018, %add3A_1017, %select_n3A_992 : vector<16xi1>, vector<16xi32>
            %select_n3A_1024 = arith.select %gt3A_1019, %get3A_1013, %select_n3A_994 : vector<16xi1>, vector<16xf32>
            %select_n3A_1025 = arith.select %gt3A_1018, %select_n3A_991, %select_n3A_1024 : vector<16xi1>, vector<16xf32>
            %select_n3A_1026 = arith.select %gt3A_1019, %add3A_1017, %select_n3A_996 : vector<16xi1>, vector<16xi32>
            %select_n3A_1027 = arith.select %gt3A_1018, %select_n3A_992, %select_n3A_1026 : vector<16xi1>, vector<16xi32>
            %select_n3A_1028 = arith.select %gt3A_1020, %get3A_1013, %select_n3A_998 : vector<16xi1>, vector<16xf32>
            %select_n3A_1029 = arith.select %gt3A_1019, %select_n3A_994, %select_n3A_1028 : vector<16xi1>, vector<16xf32>
            %select_n3A_1030 = arith.select %gt3A_1020, %add3A_1017, %select_n3A_1000 : vector<16xi1>, vector<16xi32>
            %select_n3A_1031 = arith.select %gt3A_1019, %select_n3A_996, %select_n3A_1030 : vector<16xi1>, vector<16xi32>
            %select_n3A_1032 = arith.select %gt3A_1021, %get3A_1013, %select_n3A_1002 : vector<16xi1>, vector<16xf32>
            %select_n3A_1033 = arith.select %gt3A_1020, %select_n3A_998, %select_n3A_1032 : vector<16xi1>, vector<16xf32>
            %select_n3A_1034 = arith.select %gt3A_1021, %add3A_1017, %select_n3A_1004 : vector<16xi1>, vector<16xi32>
            %select_n3A_1035 = arith.select %gt3A_1020, %select_n3A_1000, %select_n3A_1034 : vector<16xi1>, vector<16xi32>
            %scan3A_1036 = arith.constant 2 : i32
            %scan3A_1037 = arith.addi %scan3A_968, %scan3A_1036 : i32
            %mul3A_1038 = arith.constant 16 : i32
            %mul3A_1039 = arith.muli %scan3A_853, %mul3A_1038 : i32
            %add3A_1040 = arith.addi %mul3A_1039, %scan3A_1037 : i32
            %mul3A_1041 = arith.constant 16 : i32
            %mul3A_1042 = arith.muli %add3A_1040, %mul3A_1041 : i32
            %get3A_1043 = arith.index_cast %mul3A_1042 : i32 to index
            %get3A_1044 = tpu.vector_load %arg8[%get3A_1043] {strides = array<i32>} : memref<4096xf32, #tpu.memory_space<vmem>>, vector<16xf32>,
            %mul3A_1045 = arith.constant 16 : i32
            %mul3A_1046 = arith.muli %add3A_1040, %mul3A_1045 : i32
            %add3A_1047 = vector.broadcast %mul3A_1046 : i32 to vector<16xi32>
            %add3A_1048 = arith.addi %iota3A, %add3A_1047 : vector<16xi32>
            %gt3A_1049 = arith.cmpf ogt, %get3A_1044, %select_n3A_1022 : vector<16xf32>
            %gt3A_1050 = arith.cmpf ogt, %get3A_1044, %select_n3A_1025 : vector<16xf32>
            %gt3A_1051 = arith.cmpf ogt, %get3A_1044, %select_n3A_1029 : vector<16xf32>
            %gt3A_1052 = arith.cmpf ogt, %get3A_1044, %select_n3A_1033 : vector<16xf32>
            %select_n3A_1053 = arith.select %gt3A_1049, %get3A_1044, %select_n3A_1022 : vector<16xi1>, vector<16xf32>
            %select_n3A_1054 = arith.select %gt3A_1049, %add3A_1048, %select_n3A_1023 : vector<16xi1>, vector<16xi32>
            %select_n3A_1055 = arith.select %gt3A_1050, %get3A_1044, %select_n3A_1025 : vector<16xi1>, vector<16xf32>
            %select_n3A_1056 = arith.select %gt3A_1049, %select_n3A_1022, %select_n3A_1055 : vector<16xi1>, vector<16xf32>
            %select_n3A_1057 = arith.select %gt3A_1050, %add3A_1048, %select_n3A_1027 : vector<16xi1>, vector<16xi32>
            %select_n3A_1058 = arith.select %gt3A_1049, %select_n3A_1023, %select_n3A_1057 : vector<16xi1>, vector<16xi32>
            %select_n3A_1059 = arith.select %gt3A_1051, %get3A_1044, %select_n3A_1029 : vector<16xi1>, vector<16xf32>
            %select_n3A_1060 = arith.select %gt3A_1050, %select_n3A_1025, %select_n3A_1059 : vector<16xi1>, vector<16xf32>
            %select_n3A_1061 = arith.select %gt3A_1051, %add3A_1048, %select_n3A_1031 : vector<16xi1>, vector<16xi32>
            %select_n3A_1062 = arith.select %gt3A_1050, %select_n3A_1027, %select_n3A_1061 : vector<16xi1>, vector<16xi32>
            %select_n3A_1063 = arith.select %gt3A_1052, %get3A_1044, %select_n3A_1033 : vector<16xi1>, vector<16xf32>
            %select_n3A_1064 = arith.select %gt3A_1051, %select_n3A_1029, %select_n3A_1063 : vector<16xi1>, vector<16xf32>
            %select_n3A_1065 = arith.select %gt3A_1052, %add3A_1048, %select_n3A_1035 : vector<16xi1>, vector<16xi32>
            %select_n3A_1066 = arith.select %gt3A_1051, %select_n3A_1031, %select_n3A_1065 : vector<16xi1>, vector<16xi32>
            %scan3A_1067 = arith.constant 3 : i32
            %scan3A_1068 = arith.addi %scan3A_968, %scan3A_1067 : i32
            %mul3A_1069 = arith.constant 16 : i32
            %mul3A_1070 = arith.muli %scan3A_853, %mul3A_1069 : i32
            %add3A_1071 = arith.addi %mul3A_1070, %scan3A_1068 : i32
            %mul3A_1072 = arith.constant 16 : i32
            %mul3A_1073 = arith.muli %add3A_1071, %mul3A_1072 : i32
            %get3A_1074 = arith.index_cast %mul3A_1073 : i32 to index
            %get3A_1075 = tpu.vector_load %arg8[%get3A_1074] {strides = array<i32>} : memref<4096xf32, #tpu.memory_space<vmem>>, vector<16xf32>,
            %mul3A_1076 = arith.constant 16 : i32
            %mul3A_1077 = arith.muli %add3A_1071, %mul3A_1076 : i32
            %add3A_1078 = vector.broadcast %mul3A_1077 : i32 to vector<16xi32>
            %add3A_1079 = arith.addi %iota3A, %add3A_1078 : vector<16xi32>
            %gt3A_1080 = arith.cmpf ogt, %get3A_1075, %select_n3A_1053 : vector<16xf32>
            %gt3A_1081 = arith.cmpf ogt, %get3A_1075, %select_n3A_1056 : vector<16xf32>
            %gt3A_1082 = arith.cmpf ogt, %get3A_1075, %select_n3A_1060 : vector<16xf32>
            %gt3A_1083 = arith.cmpf ogt, %get3A_1075, %select_n3A_1064 : vector<16xf32>
            %select_n3A_1084 = arith.select %gt3A_1080, %get3A_1075, %select_n3A_1053 : vector<16xi1>, vector<16xf32>
            %select_n3A_1085 = arith.select %gt3A_1080, %add3A_1079, %select_n3A_1054 : vector<16xi1>, vector<16xi32>
            %select_n3A_1086 = arith.select %gt3A_1081, %get3A_1075, %select_n3A_1056 : vector<16xi1>, vector<16xf32>
            %select_n3A_1087 = arith.select %gt3A_1080, %select_n3A_1053, %select_n3A_1086 : vector<16xi1>, vector<16xf32>
            %select_n3A_1088 = arith.select %gt3A_1081, %add3A_1079, %select_n3A_1058 : vector<16xi1>, vector<16xi32>
            %select_n3A_1089 = arith.select %gt3A_1080, %select_n3A_1054, %select_n3A_1088 : vector<16xi1>, vector<16xi32>
            %select_n3A_1090 = arith.select %gt3A_1082, %get3A_1075, %select_n3A_1060 : vector<16xi1>, vector<16xf32>
            %select_n3A_1091 = arith.select %gt3A_1081, %select_n3A_1056, %select_n3A_1090 : vector<16xi1>, vector<16xf32>
            %select_n3A_1092 = arith.select %gt3A_1082, %add3A_1079, %select_n3A_1062 : vector<16xi1>, vector<16xi32>
            %select_n3A_1093 = arith.select %gt3A_1081, %select_n3A_1058, %select_n3A_1092 : vector<16xi1>, vector<16xi32>
            %select_n3A_1094 = arith.select %gt3A_1083, %get3A_1075, %select_n3A_1064 : vector<16xi1>, vector<16xf32>
            %select_n3A_1095 = arith.select %gt3A_1082, %select_n3A_1060, %select_n3A_1094 : vector<16xi1>, vector<16xf32>
            %select_n3A_1096 = arith.select %gt3A_1083, %add3A_1079, %select_n3A_1066 : vector<16xi1>, vector<16xi32>
            %select_n3A_1097 = arith.select %gt3A_1082, %select_n3A_1062, %select_n3A_1096 : vector<16xi1>, vector<16xi32>
            scf.yield %select_n3A_1084, %select_n3A_1087, %select_n3A_1091, %select_n3A_1095, %select_n3A_1085, %select_n3A_1089, %select_n3A_1093, %select_n3A_1097 : vector<16xf32>, vector<16xf32>, vector<16xf32>, vector<16xf32>, vector<16xi32>, vector<16xi32>, vector<16xi32>, vector<16xi32>
          }
          %scan3A_951 = arith.constant 16 : i32
          %swap3A_952 = arith.constant 64 : index
          %swap3A_953 = tpu.vector_load %arg20[%swap3A_952] {strides = array<i32>} : memref<256xf32, #tpu.memory_space<vmem>>, vector<16xf32>,
          tpu.vector_store %arg20[%swap3A_952], %scan3A_950#0 {strides = array<i32>} : memref<256xf32, #tpu.memory_space<vmem>>, vector<16xf32>,
          %swap3A_954 = arith.constant 80 : index
          %swap3A_955 = tpu.vector_load %arg20[%swap3A_954] {strides = array<i32>} : memref<256xf32, #tpu.memory_space<vmem>>, vector<16xf32>,
          tpu.vector_store %arg20[%swap3A_954], %scan3A_950#1 {strides = array<i32>} : memref<256xf32, #tpu.memory_space<vmem>>, vector<16xf32>,
          %swap3A_956 = arith.constant 96 : index
          %swap3A_957 = tpu.vector_load %arg20[%swap3A_956] {strides = array<i32>} : memref<256xf32, #tpu.memory_space<vmem>>, vector<16xf32>,
          tpu.vector_store %arg20[%swap3A_956], %scan3A_950#2 {strides = array<i32>} : memref<256xf32, #tpu.memory_space<vmem>>, vector<16xf32>,
          %swap3A_958 = arith.constant 112 : index
          %swap3A_959 = tpu.vector_load %arg20[%swap3A_958] {strides = array<i32>} : memref<256xf32, #tpu.memory_space<vmem>>, vector<16xf32>,
          tpu.vector_store %arg20[%swap3A_958], %scan3A_950#3 {strides = array<i32>} : memref<256xf32, #tpu.memory_space<vmem>>, vector<16xf32>,
          %swap3A_960 = arith.constant 64 : index
          %swap3A_961 = tpu.vector_load %arg21[%swap3A_960] {strides = array<i32>} : memref<256xi32, #tpu.memory_space<vmem>>, vector<16xi32>,
          tpu.vector_store %arg21[%swap3A_960], %scan3A_950#4 {strides = array<i32>} : memref<256xi32, #tpu.memory_space<vmem>>, vector<16xi32>,
          %swap3A_962 = arith.constant 80 : index
          %swap3A_963 = tpu.vector_load %arg21[%swap3A_962] {strides = array<i32>} : memref<256xi32, #tpu.memory_space<vmem>>, vector<16xi32>,
          tpu.vector_store %arg21[%swap3A_962], %scan3A_950#5 {strides = array<i32>} : memref<256xi32, #tpu.memory_space<vmem>>, vector<16xi32>,
          %swap3A_964 = arith.constant 96 : index
          %swap3A_965 = tpu.vector_load %arg21[%swap3A_964] {strides = array<i32>} : memref<256xi32, #tpu.memory_space<vmem>>, vector<16xi32>,
          tpu.vector_store %arg21[%swap3A_964], %scan3A_950#6 {strides = array<i32>} : memref<256xi32, #tpu.memory_space<vmem>>, vector<16xi32>,
          %swap3A_966 = arith.constant 112 : index
          %swap3A_967 = tpu.vector_load %arg21[%swap3A_966] {strides = array<i32>} : memref<256xi32, #tpu.memory_space<vmem>>, vector<16xi32>,
          tpu.vector_store %arg21[%swap3A_966], %scan3A_950#7 {strides = array<i32>} : memref<256xi32, #tpu.memory_space<vmem>>, vector<16xi32>,
        } else {
        }
        %mul3A_891 = arith.constant 16 : i32
        %mul3A_892 = arith.muli %scan3A_853, %mul3A_891 : i32
        %get3A_893 = arith.index_cast %mul3A_892 : i32 to index
        %get3A_894 = tpu.vector_load %arg18[%get3A_893] {strides = array<i32>} : memref<256xf32, #tpu.memory_space<vmem>>, vector<16xf32>,
        %ge3A_895 = arith.cmpf oge, %get3A_894, %gather3A_125 : vector<16xf32>
        %reduce_or3A_896 = arith.constant 1.000000e+00 : f32
        %reduce_or3A_897 = arith.constant 0.000000e+00 : f32
        %reduce_or3A_898 = vector.broadcast %reduce_or3A_896 : f32 to vector<16xf32>
        %reduce_or3A_899 = vector.broadcast %reduce_or3A_897 : f32 to vector<16xf32>
        %reduce_or3A_900 = arith.select %ge3A_895, %reduce_or3A_898, %reduce_or3A_899 : vector<16xi1>, vector<16xf32>
        %reduce_or3A_901 = arith.constant true
        %reduce_or3A_902 = vector.broadcast %reduce_or3A_901 : i1 to vector<16xi1>
        %reduce_or3A_903 = tpu.scan <max>, %reduce_or3A_900 masked %reduce_or3A_902 : vector<16xf32>, vector<16xi1> -> vector<16xf32>
        %reduce_or3A_904 = vector.extract %reduce_or3A_903[15] : f32 from vector<16xf32>
        %reduce_or3A_905 = arith.constant 0.000000e+00 : f32
        %reduce_or3A_906 = arith.cmpf ogt, %reduce_or3A_904, %reduce_or3A_905 : f32
        %convert_element_type3A_907 = arith.extui %reduce_or3A_906 : i1 to i32
        %cond3A_908 = arith.constant 0 : i32
        %cond3A_909 = arith.cmpi ne, %convert_element_type3A_907, %cond3A_908 : i32
        scf.if %cond3A_909 {
          %get3A_930 = arith.constant 128 : index
          %get3A_931 = tpu.vector_load %arg20[%get3A_930] {strides = array<i32>} : memref<256xf32, #tpu.memory_space<vmem>>, vector<16xf32>,
          %get3A_932 = arith.constant 144 : index
          %get3A_933 = tpu.vector_load %arg20[%get3A_932] {strides = array<i32>} : memref<256xf32, #tpu.memory_space<vmem>>, vector<16xf32>,
          %get3A_934 = arith.constant 160 : index
          %get3A_935 = tpu.vector_load %arg20[%get3A_934] {strides = array<i32>} : memref<256xf32, #tpu.memory_space<vmem>>, vector<16xf32>,
          %get3A_936 = arith.constant 176 : index
          %get3A_937 = tpu.vector_load %arg20[%get3A_936] {strides = array<i32>} : memref<256xf32, #tpu.memory_space<vmem>>, vector<16xf32>,
          %get3A_938 = arith.constant 128 : index
          %get3A_939 = tpu.vector_load %arg21[%get3A_938] {strides = array<i32>} : memref<256xi32, #tpu.memory_space<vmem>>, vector<16xi32>,
          %get3A_940 = arith.constant 144 : index
          %get3A_941 = tpu.vector_load %arg21[%get3A_940] {strides = array<i32>} : memref<256xi32, #tpu.memory_space<vmem>>, vector<16xi32>,
          %get3A_942 = arith.constant 160 : index
          %get3A_943 = tpu.vector_load %arg21[%get3A_942] {strides = array<i32>} : memref<256xi32, #tpu.memory_space<vmem>>, vector<16xi32>,
          %get3A_944 = arith.constant 176 : index
          %get3A_945 = tpu.vector_load %arg21[%get3A_944] {strides = array<i32>} : memref<256xi32, #tpu.memory_space<vmem>>, vector<16xi32>,
          %scan3A_946 = arith.constant 0 : i32
          %scan3A_947 = arith.constant 16 : i32
          %scan3A_948 = arith.addi %scan3A_946, %scan3A_947 : i32
          %scan3A_949 = arith.constant 4 : i32
          %scan3A_950:8 = scf.for %scan3A_968 = %scan3A_946 to %scan3A_948 step %scan3A_949 iter_args(%scan3A_969 = %get3A_931, %scan3A_970 = %get3A_933, %scan3A_971 = %get3A_935, %scan3A_972 = %get3A_937, %scan3A_973 = %get3A_939, %scan3A_974 = %get3A_941, %scan3A_975 = %get3A_943, %scan3A_976 = %get3A_945) -> (vector<16xf32>, vector<16xf32>, vector<16xf32>, vector<16xf32>, vector<16xi32>, vector<16xi32>, vector<16xi32>, vector<16xi32>)  : i32 {
            %mul3A_977 = arith.constant 16 : i32
            %mul3A_978 = arith.muli %scan3A_853, %mul3A_977 : i32
            %add3A_979 = arith.addi %mul3A_978, %scan3A_968 : i32
            %mul3A_980 = arith.constant 16 : i32
            %mul3A_981 = arith.muli %add3A_979, %mul3A_980 : i32
            %get3A_982 = arith.index_cast %mul3A_981 : i32 to index
            %get3A_983 = tpu.vector_load %arg9[%get3A_982] {strides = array<i32>} : memref<4096xf32, #tpu.memory_space<vmem>>, vector<16xf32>,
            %mul3A_984 = arith.constant 16 : i32
            %mul3A_985 = arith.muli %add3A_979, %mul3A_984 : i32
            %add3A_986 = vector.broadcast %mul3A_985 : i32 to vector<16xi32>
            %add3A_987 = arith.addi %iota3A, %add3A_986 : vector<16xi32>
            %gt3A = arith.cmpf ogt, %get3A_983, %scan3A_969 : vector<16xf32>
            %gt3A_988 = arith.cmpf ogt, %get3A_983, %scan3A_970 : vector<16xf32>
            %gt3A_989 = arith.cmpf ogt, %get3A_983, %scan3A_971 : vector<16xf32>
            %gt3A_990 = arith.cmpf ogt, %get3A_983, %scan3A_972 : vector<16xf32>
            %select_n3A_991 = arith.select %gt3A, %get3A_983, %scan3A_969 : vector<16xi1>, vector<16xf32>
            %select_n3A_992 = arith.select %gt3A, %add3A_987, %scan3A_973 : vector<16xi1>, vector<16xi32>
            %select_n3A_993 = arith.select %gt3A_988, %get3A_983, %scan3A_970 : vector<16xi1>, vector<16xf32>
            %select_n3A_994 = arith.select %gt3A, %scan3A_969, %select_n3A_993 : vector<16xi1>, vector<16xf32>
            %select_n3A_995 = arith.select %gt3A_988, %add3A_987, %scan3A_974 : vector<16xi1>, vector<16xi32>
            %select_n3A_996 = arith.select %gt3A, %scan3A_973, %select_n3A_995 : vector<16xi1>, vector<16xi32>
            %select_n3A_997 = arith.select %gt3A_989, %get3A_983, %scan3A_971 : vector<16xi1>, vector<16xf32>
            %select_n3A_998 = arith.select %gt3A_988, %scan3A_970, %select_n3A_997 : vector<16xi1>, vector<16xf32>
            %select_n3A_999 = arith.select %gt3A_989, %add3A_987, %scan3A_975 : vector<16xi1>, vector<16xi32>
            %select_n3A_1000 = arith.select %gt3A_988, %scan3A_974, %select_n3A_999 : vector<16xi1>, vector<16xi32>
            %select_n3A_1001 = arith.select %gt3A_990, %get3A_983, %scan3A_972 : vector<16xi1>, vector<16xf32>
            %select_n3A_1002 = arith.select %gt3A_989, %scan3A_971, %select_n3A_1001 : vector<16xi1>, vector<16xf32>
            %select_n3A_1003 = arith.select %gt3A_990, %add3A_987, %scan3A_976 : vector<16xi1>, vector<16xi32>
            %select_n3A_1004 = arith.select %gt3A_989, %scan3A_975, %select_n3A_1003 : vector<16xi1>, vector<16xi32>
            %scan3A_1005 = arith.constant 1 : i32
            %scan3A_1006 = arith.addi %scan3A_968, %scan3A_1005 : i32
            %mul3A_1007 = arith.constant 16 : i32
            %mul3A_1008 = arith.muli %scan3A_853, %mul3A_1007 : i32
            %add3A_1009 = arith.addi %mul3A_1008, %scan3A_1006 : i32
            %mul3A_1010 = arith.constant 16 : i32
            %mul3A_1011 = arith.muli %add3A_1009, %mul3A_1010 : i32
            %get3A_1012 = arith.index_cast %mul3A_1011 : i32 to index
            %get3A_1013 = tpu.vector_load %arg9[%get3A_1012] {strides = array<i32>} : memref<4096xf32, #tpu.memory_space<vmem>>, vector<16xf32>,
            %mul3A_1014 = arith.constant 16 : i32
            %mul3A_1015 = arith.muli %add3A_1009, %mul3A_1014 : i32
            %add3A_1016 = vector.broadcast %mul3A_1015 : i32 to vector<16xi32>
            %add3A_1017 = arith.addi %iota3A, %add3A_1016 : vector<16xi32>
            %gt3A_1018 = arith.cmpf ogt, %get3A_1013, %select_n3A_991 : vector<16xf32>
            %gt3A_1019 = arith.cmpf ogt, %get3A_1013, %select_n3A_994 : vector<16xf32>
            %gt3A_1020 = arith.cmpf ogt, %get3A_1013, %select_n3A_998 : vector<16xf32>
            %gt3A_1021 = arith.cmpf ogt, %get3A_1013, %select_n3A_1002 : vector<16xf32>
            %select_n3A_1022 = arith.select %gt3A_1018, %get3A_1013, %select_n3A_991 : vector<16xi1>, vector<16xf32>
            %select_n3A_1023 = arith.select %gt3A_1018, %add3A_1017, %select_n3A_992 : vector<16xi1>, vector<16xi32>
            %select_n3A_1024 = arith.select %gt3A_1019, %get3A_1013, %select_n3A_994 : vector<16xi1>, vector<16xf32>
            %select_n3A_1025 = arith.select %gt3A_1018, %select_n3A_991, %select_n3A_1024 : vector<16xi1>, vector<16xf32>
            %select_n3A_1026 = arith.select %gt3A_1019, %add3A_1017, %select_n3A_996 : vector<16xi1>, vector<16xi32>
            %select_n3A_1027 = arith.select %gt3A_1018, %select_n3A_992, %select_n3A_1026 : vector<16xi1>, vector<16xi32>
            %select_n3A_1028 = arith.select %gt3A_1020, %get3A_1013, %select_n3A_998 : vector<16xi1>, vector<16xf32>
            %select_n3A_1029 = arith.select %gt3A_1019, %select_n3A_994, %select_n3A_1028 : vector<16xi1>, vector<16xf32>
            %select_n3A_1030 = arith.select %gt3A_1020, %add3A_1017, %select_n3A_1000 : vector<16xi1>, vector<16xi32>
            %select_n3A_1031 = arith.select %gt3A_1019, %select_n3A_996, %select_n3A_1030 : vector<16xi1>, vector<16xi32>
            %select_n3A_1032 = arith.select %gt3A_1021, %get3A_1013, %select_n3A_1002 : vector<16xi1>, vector<16xf32>
            %select_n3A_1033 = arith.select %gt3A_1020, %select_n3A_998, %select_n3A_1032 : vector<16xi1>, vector<16xf32>
            %select_n3A_1034 = arith.select %gt3A_1021, %add3A_1017, %select_n3A_1004 : vector<16xi1>, vector<16xi32>
            %select_n3A_1035 = arith.select %gt3A_1020, %select_n3A_1000, %select_n3A_1034 : vector<16xi1>, vector<16xi32>
            %scan3A_1036 = arith.constant 2 : i32
            %scan3A_1037 = arith.addi %scan3A_968, %scan3A_1036 : i32
            %mul3A_1038 = arith.constant 16 : i32
            %mul3A_1039 = arith.muli %scan3A_853, %mul3A_1038 : i32
            %add3A_1040 = arith.addi %mul3A_1039, %scan3A_1037 : i32
            %mul3A_1041 = arith.constant 16 : i32
            %mul3A_1042 = arith.muli %add3A_1040, %mul3A_1041 : i32
            %get3A_1043 = arith.index_cast %mul3A_1042 : i32 to index
            %get3A_1044 = tpu.vector_load %arg9[%get3A_1043] {strides = array<i32>} : memref<4096xf32, #tpu.memory_space<vmem>>, vector<16xf32>,
            %mul3A_1045 = arith.constant 16 : i32
            %mul3A_1046 = arith.muli %add3A_1040, %mul3A_1045 : i32
            %add3A_1047 = vector.broadcast %mul3A_1046 : i32 to vector<16xi32>
            %add3A_1048 = arith.addi %iota3A, %add3A_1047 : vector<16xi32>
            %gt3A_1049 = arith.cmpf ogt, %get3A_1044, %select_n3A_1022 : vector<16xf32>
            %gt3A_1050 = arith.cmpf ogt, %get3A_1044, %select_n3A_1025 : vector<16xf32>
            %gt3A_1051 = arith.cmpf ogt, %get3A_1044, %select_n3A_1029 : vector<16xf32>
            %gt3A_1052 = arith.cmpf ogt, %get3A_1044, %select_n3A_1033 : vector<16xf32>
            %select_n3A_1053 = arith.select %gt3A_1049, %get3A_1044, %select_n3A_1022 : vector<16xi1>, vector<16xf32>
            %select_n3A_1054 = arith.select %gt3A_1049, %add3A_1048, %select_n3A_1023 : vector<16xi1>, vector<16xi32>
            %select_n3A_1055 = arith.select %gt3A_1050, %get3A_1044, %select_n3A_1025 : vector<16xi1>, vector<16xf32>
            %select_n3A_1056 = arith.select %gt3A_1049, %select_n3A_1022, %select_n3A_1055 : vector<16xi1>, vector<16xf32>
            %select_n3A_1057 = arith.select %gt3A_1050, %add3A_1048, %select_n3A_1027 : vector<16xi1>, vector<16xi32>
            %select_n3A_1058 = arith.select %gt3A_1049, %select_n3A_1023, %select_n3A_1057 : vector<16xi1>, vector<16xi32>
            %select_n3A_1059 = arith.select %gt3A_1051, %get3A_1044, %select_n3A_1029 : vector<16xi1>, vector<16xf32>
            %select_n3A_1060 = arith.select %gt3A_1050, %select_n3A_1025, %select_n3A_1059 : vector<16xi1>, vector<16xf32>
            %select_n3A_1061 = arith.select %gt3A_1051, %add3A_1048, %select_n3A_1031 : vector<16xi1>, vector<16xi32>
            %select_n3A_1062 = arith.select %gt3A_1050, %select_n3A_1027, %select_n3A_1061 : vector<16xi1>, vector<16xi32>
            %select_n3A_1063 = arith.select %gt3A_1052, %get3A_1044, %select_n3A_1033 : vector<16xi1>, vector<16xf32>
            %select_n3A_1064 = arith.select %gt3A_1051, %select_n3A_1029, %select_n3A_1063 : vector<16xi1>, vector<16xf32>
            %select_n3A_1065 = arith.select %gt3A_1052, %add3A_1048, %select_n3A_1035 : vector<16xi1>, vector<16xi32>
            %select_n3A_1066 = arith.select %gt3A_1051, %select_n3A_1031, %select_n3A_1065 : vector<16xi1>, vector<16xi32>
            %scan3A_1067 = arith.constant 3 : i32
            %scan3A_1068 = arith.addi %scan3A_968, %scan3A_1067 : i32
            %mul3A_1069 = arith.constant 16 : i32
            %mul3A_1070 = arith.muli %scan3A_853, %mul3A_1069 : i32
            %add3A_1071 = arith.addi %mul3A_1070, %scan3A_1068 : i32
            %mul3A_1072 = arith.constant 16 : i32
            %mul3A_1073 = arith.muli %add3A_1071, %mul3A_1072 : i32
            %get3A_1074 = arith.index_cast %mul3A_1073 : i32 to index
            %get3A_1075 = tpu.vector_load %arg9[%get3A_1074] {strides = array<i32>} : memref<4096xf32, #tpu.memory_space<vmem>>, vector<16xf32>,
            %mul3A_1076 = arith.constant 16 : i32
            %mul3A_1077 = arith.muli %add3A_1071, %mul3A_1076 : i32
            %add3A_1078 = vector.broadcast %mul3A_1077 : i32 to vector<16xi32>
            %add3A_1079 = arith.addi %iota3A, %add3A_1078 : vector<16xi32>
            %gt3A_1080 = arith.cmpf ogt, %get3A_1075, %select_n3A_1053 : vector<16xf32>
            %gt3A_1081 = arith.cmpf ogt, %get3A_1075, %select_n3A_1056 : vector<16xf32>
            %gt3A_1082 = arith.cmpf ogt, %get3A_1075, %select_n3A_1060 : vector<16xf32>
            %gt3A_1083 = arith.cmpf ogt, %get3A_1075, %select_n3A_1064 : vector<16xf32>
            %select_n3A_1084 = arith.select %gt3A_1080, %get3A_1075, %select_n3A_1053 : vector<16xi1>, vector<16xf32>
            %select_n3A_1085 = arith.select %gt3A_1080, %add3A_1079, %select_n3A_1054 : vector<16xi1>, vector<16xi32>
            %select_n3A_1086 = arith.select %gt3A_1081, %get3A_1075, %select_n3A_1056 : vector<16xi1>, vector<16xf32>
            %select_n3A_1087 = arith.select %gt3A_1080, %select_n3A_1053, %select_n3A_1086 : vector<16xi1>, vector<16xf32>
            %select_n3A_1088 = arith.select %gt3A_1081, %add3A_1079, %select_n3A_1058 : vector<16xi1>, vector<16xi32>
            %select_n3A_1089 = arith.select %gt3A_1080, %select_n3A_1054, %select_n3A_1088 : vector<16xi1>, vector<16xi32>
            %select_n3A_1090 = arith.select %gt3A_1082, %get3A_1075, %select_n3A_1060 : vector<16xi1>, vector<16xf32>
            %select_n3A_1091 = arith.select %gt3A_1081, %select_n3A_1056, %select_n3A_1090 : vector<16xi1>, vector<16xf32>
            %select_n3A_1092 = arith.select %gt3A_1082, %add3A_1079, %select_n3A_1062 : vector<16xi1>, vector<16xi32>
            %select_n3A_1093 = arith.select %gt3A_1081, %select_n3A_1058, %select_n3A_1092 : vector<16xi1>, vector<16xi32>
            %select_n3A_1094 = arith.select %gt3A_1083, %get3A_1075, %select_n3A_1064 : vector<16xi1>, vector<16xf32>
            %select_n3A_1095 = arith.select %gt3A_1082, %select_n3A_1060, %select_n3A_1094 : vector<16xi1>, vector<16xf32>
            %select_n3A_1096 = arith.select %gt3A_1083, %add3A_1079, %select_n3A_1066 : vector<16xi1>, vector<16xi32>
            %select_n3A_1097 = arith.select %gt3A_1082, %select_n3A_1062, %select_n3A_1096 : vector<16xi1>, vector<16xi32>
            scf.yield %select_n3A_1084, %select_n3A_1087, %select_n3A_1091, %select_n3A_1095, %select_n3A_1085, %select_n3A_1089, %select_n3A_1093, %select_n3A_1097 : vector<16xf32>, vector<16xf32>, vector<16xf32>, vector<16xf32>, vector<16xi32>, vector<16xi32>, vector<16xi32>, vector<16xi32>
          }
          %scan3A_951 = arith.constant 16 : i32
          %swap3A_952 = arith.constant 128 : index
          %swap3A_953 = tpu.vector_load %arg20[%swap3A_952] {strides = array<i32>} : memref<256xf32, #tpu.memory_space<vmem>>, vector<16xf32>,
          tpu.vector_store %arg20[%swap3A_952], %scan3A_950#0 {strides = array<i32>} : memref<256xf32, #tpu.memory_space<vmem>>, vector<16xf32>,
          %swap3A_954 = arith.constant 144 : index
          %swap3A_955 = tpu.vector_load %arg20[%swap3A_954] {strides = array<i32>} : memref<256xf32, #tpu.memory_space<vmem>>, vector<16xf32>,
          tpu.vector_store %arg20[%swap3A_954], %scan3A_950#1 {strides = array<i32>} : memref<256xf32, #tpu.memory_space<vmem>>, vector<16xf32>,
          %swap3A_956 = arith.constant 160 : index
          %swap3A_957 = tpu.vector_load %arg20[%swap3A_956] {strides = array<i32>} : memref<256xf32, #tpu.memory_space<vmem>>, vector<16xf32>,
          tpu.vector_store %arg20[%swap3A_956], %scan3A_950#2 {strides = array<i32>} : memref<256xf32, #tpu.memory_space<vmem>>, vector<16xf32>,
          %swap3A_958 = arith.constant 176 : index
          %swap3A_959 = tpu.vector_load %arg20[%swap3A_958] {strides = array<i32>} : memref<256xf32, #tpu.memory_space<vmem>>, vector<16xf32>,
          tpu.vector_store %arg20[%swap3A_958], %scan3A_950#3 {strides = array<i32>} : memref<256xf32, #tpu.memory_space<vmem>>, vector<16xf32>,
          %swap3A_960 = arith.constant 128 : index
          %swap3A_961 = tpu.vector_load %arg21[%swap3A_960] {strides = array<i32>} : memref<256xi32, #tpu.memory_space<vmem>>, vector<16xi32>,
          tpu.vector_store %arg21[%swap3A_960], %scan3A_950#4 {strides = array<i32>} : memref<256xi32, #tpu.memory_space<vmem>>, vector<16xi32>,
          %swap3A_962 = arith.constant 144 : index
          %swap3A_963 = tpu.vector_load %arg21[%swap3A_962] {strides = array<i32>} : memref<256xi32, #tpu.memory_space<vmem>>, vector<16xi32>,
          tpu.vector_store %arg21[%swap3A_962], %scan3A_950#5 {strides = array<i32>} : memref<256xi32, #tpu.memory_space<vmem>>, vector<16xi32>,
          %swap3A_964 = arith.constant 160 : index
          %swap3A_965 = tpu.vector_load %arg21[%swap3A_964] {strides = array<i32>} : memref<256xi32, #tpu.memory_space<vmem>>, vector<16xi32>,
          tpu.vector_store %arg21[%swap3A_964], %scan3A_950#6 {strides = array<i32>} : memref<256xi32, #tpu.memory_space<vmem>>, vector<16xi32>,
          %swap3A_966 = arith.constant 176 : index
          %swap3A_967 = tpu.vector_load %arg21[%swap3A_966] {strides = array<i32>} : memref<256xi32, #tpu.memory_space<vmem>>, vector<16xi32>,
          tpu.vector_store %arg21[%swap3A_966], %scan3A_950#7 {strides = array<i32>} : memref<256xi32, #tpu.memory_space<vmem>>, vector<16xi32>,
        } else {
        }
        %mul3A_910 = arith.constant 16 : i32
        %mul3A_911 = arith.muli %scan3A_853, %mul3A_910 : i32
        %get3A_912 = arith.index_cast %mul3A_911 : i32 to index
        %get3A_913 = tpu.vector_load %arg19[%get3A_912] {strides = array<i32>} : memref<256xf32, #tpu.memory_space<vmem>>, vector<16xf32>,
        %ge3A_914 = arith.cmpf oge, %get3A_913, %gather3A_139 : vector<16xf32>
        %reduce_or3A_915 = arith.constant 1.000000e+00 : f32
        %reduce_or3A_916 = arith.constant 0.000000e+00 : f32
        %reduce_or3A_917 = vector.broadcast %reduce_or3A_915 : f32 to vector<16xf32>
        %reduce_or3A_918 = vector.broadcast %reduce_or3A_916 : f32 to vector<16xf32>
        %reduce_or3A_919 = arith.select %ge3A_914, %reduce_or3A_917, %reduce_or3A_918 : vector<16xi1>, vector<16xf32>
        %reduce_or3A_920 = arith.constant true
        %reduce_or3A_921 = vector.broadcast %reduce_or3A_920 : i1 to vector<16xi1>
        %reduce_or3A_922 = tpu.scan <max>, %reduce_or3A_919 masked %reduce_or3A_921 : vector<16xf32>, vector<16xi1> -> vector<16xf32>
        %reduce_or3A_923 = vector.extract %reduce_or3A_922[15] : f32 from vector<16xf32>
        %reduce_or3A_924 = arith.constant 0.000000e+00 : f32
        %reduce_or3A_925 = arith.cmpf ogt, %reduce_or3A_923, %reduce_or3A_924 : f32
        %convert_element_type3A_926 = arith.extui %reduce_or3A_925 : i1 to i32
        %cond3A_927 = arith.constant 0 : i32
        %cond3A_928 = arith.cmpi ne, %convert_element_type3A_926, %cond3A_927 : i32
        scf.if %cond3A_928 {
          %get3A_930 = arith.constant 192 : index
          %get3A_931 = tpu.vector_load %arg20[%get3A_930] {strides = array<i32>} : memref<256xf32, #tpu.memory_space<vmem>>, vector<16xf32>,
          %get3A_932 = arith.constant 208 : index
          %get3A_933 = tpu.vector_load %arg20[%get3A_932] {strides = array<i32>} : memref<256xf32, #tpu.memory_space<vmem>>, vector<16xf32>,
          %get3A_934 = arith.constant 224 : index
          %get3A_935 = tpu.vector_load %arg20[%get3A_934] {strides = array<i32>} : memref<256xf32, #tpu.memory_space<vmem>>, vector<16xf32>,
          %get3A_936 = arith.constant 240 : index
          %get3A_937 = tpu.vector_load %arg20[%get3A_936] {strides = array<i32>} : memref<256xf32, #tpu.memory_space<vmem>>, vector<16xf32>,
          %get3A_938 = arith.constant 192 : index
          %get3A_939 = tpu.vector_load %arg21[%get3A_938] {strides = array<i32>} : memref<256xi32, #tpu.memory_space<vmem>>, vector<16xi32>,
          %get3A_940 = arith.constant 208 : index
          %get3A_941 = tpu.vector_load %arg21[%get3A_940] {strides = array<i32>} : memref<256xi32, #tpu.memory_space<vmem>>, vector<16xi32>,
          %get3A_942 = arith.constant 224 : index
          %get3A_943 = tpu.vector_load %arg21[%get3A_942] {strides = array<i32>} : memref<256xi32, #tpu.memory_space<vmem>>, vector<16xi32>,
          %get3A_944 = arith.constant 240 : index
          %get3A_945 = tpu.vector_load %arg21[%get3A_944] {strides = array<i32>} : memref<256xi32, #tpu.memory_space<vmem>>, vector<16xi32>,
          %scan3A_946 = arith.constant 0 : i32
          %scan3A_947 = arith.constant 16 : i32
          %scan3A_948 = arith.addi %scan3A_946, %scan3A_947 : i32
          %scan3A_949 = arith.constant 4 : i32
          %scan3A_950:8 = scf.for %scan3A_968 = %scan3A_946 to %scan3A_948 step %scan3A_949 iter_args(%scan3A_969 = %get3A_931, %scan3A_970 = %get3A_933, %scan3A_971 = %get3A_935, %scan3A_972 = %get3A_937, %scan3A_973 = %get3A_939, %scan3A_974 = %get3A_941, %scan3A_975 = %get3A_943, %scan3A_976 = %get3A_945) -> (vector<16xf32>, vector<16xf32>, vector<16xf32>, vector<16xf32>, vector<16xi32>, vector<16xi32>, vector<16xi32>, vector<16xi32>)  : i32 {
            %mul3A_977 = arith.constant 16 : i32
            %mul3A_978 = arith.muli %scan3A_853, %mul3A_977 : i32
            %add3A_979 = arith.addi %mul3A_978, %scan3A_968 : i32
            %mul3A_980 = arith.constant 16 : i32
            %mul3A_981 = arith.muli %add3A_979, %mul3A_980 : i32
            %get3A_982 = arith.index_cast %mul3A_981 : i32 to index
            %get3A_983 = tpu.vector_load %arg10[%get3A_982] {strides = array<i32>} : memref<4096xf32, #tpu.memory_space<vmem>>, vector<16xf32>,
            %mul3A_984 = arith.constant 16 : i32
            %mul3A_985 = arith.muli %add3A_979, %mul3A_984 : i32
            %add3A_986 = vector.broadcast %mul3A_985 : i32 to vector<16xi32>
            %add3A_987 = arith.addi %iota3A, %add3A_986 : vector<16xi32>
            %gt3A = arith.cmpf ogt, %get3A_983, %scan3A_969 : vector<16xf32>
            %gt3A_988 = arith.cmpf ogt, %get3A_983, %scan3A_970 : vector<16xf32>
            %gt3A_989 = arith.cmpf ogt, %get3A_983, %scan3A_971 : vector<16xf32>
            %gt3A_990 = arith.cmpf ogt, %get3A_983, %scan3A_972 : vector<16xf32>
            %select_n3A_991 = arith.select %gt3A, %get3A_983, %scan3A_969 : vector<16xi1>, vector<16xf32>
            %select_n3A_992 = arith.select %gt3A, %add3A_987, %scan3A_973 : vector<16xi1>, vector<16xi32>
            %select_n3A_993 = arith.select %gt3A_988, %get3A_983, %scan3A_970 : vector<16xi1>, vector<16xf32>
            %select_n3A_994 = arith.select %gt3A, %scan3A_969, %select_n3A_993 : vector<16xi1>, vector<16xf32>
            %select_n3A_995 = arith.select %gt3A_988, %add3A_987, %scan3A_974 : vector<16xi1>, vector<16xi32>
            %select_n3A_996 = arith.select %gt3A, %scan3A_973, %select_n3A_995 : vector<16xi1>, vector<16xi32>
            %select_n3A_997 = arith.select %gt3A_989, %get3A_983, %scan3A_971 : vector<16xi1>, vector<16xf32>
            %select_n3A_998 = arith.select %gt3A_988, %scan3A_970, %select_n3A_997 : vector<16xi1>, vector<16xf32>
            %select_n3A_999 = arith.select %gt3A_989, %add3A_987, %scan3A_975 : vector<16xi1>, vector<16xi32>
            %select_n3A_1000 = arith.select %gt3A_988, %scan3A_974, %select_n3A_999 : vector<16xi1>, vector<16xi32>
            %select_n3A_1001 = arith.select %gt3A_990, %get3A_983, %scan3A_972 : vector<16xi1>, vector<16xf32>
            %select_n3A_1002 = arith.select %gt3A_989, %scan3A_971, %select_n3A_1001 : vector<16xi1>, vector<16xf32>
            %select_n3A_1003 = arith.select %gt3A_990, %add3A_987, %scan3A_976 : vector<16xi1>, vector<16xi32>
            %select_n3A_1004 = arith.select %gt3A_989, %scan3A_975, %select_n3A_1003 : vector<16xi1>, vector<16xi32>
            %scan3A_1005 = arith.constant 1 : i32
            %scan3A_1006 = arith.addi %scan3A_968, %scan3A_1005 : i32
            %mul3A_1007 = arith.constant 16 : i32
            %mul3A_1008 = arith.muli %scan3A_853, %mul3A_1007 : i32
            %add3A_1009 = arith.addi %mul3A_1008, %scan3A_1006 : i32
            %mul3A_1010 = arith.constant 16 : i32
            %mul3A_1011 = arith.muli %add3A_1009, %mul3A_1010 : i32
            %get3A_1012 = arith.index_cast %mul3A_1011 : i32 to index
            %get3A_1013 = tpu.vector_load %arg10[%get3A_1012] {strides = array<i32>} : memref<4096xf32, #tpu.memory_space<vmem>>, vector<16xf32>,
            %mul3A_1014 = arith.constant 16 : i32
            %mul3A_1015 = arith.muli %add3A_1009, %mul3A_1014 : i32
            %add3A_1016 = vector.broadcast %mul3A_1015 : i32 to vector<16xi32>
            %add3A_1017 = arith.addi %iota3A, %add3A_1016 : vector<16xi32>
            %gt3A_1018 = arith.cmpf ogt, %get3A_1013, %select_n3A_991 : vector<16xf32>
            %gt3A_1019 = arith.cmpf ogt, %get3A_1013, %select_n3A_994 : vector<16xf32>
            %gt3A_1020 = arith.cmpf ogt, %get3A_1013, %select_n3A_998 : vector<16xf32>
            %gt3A_1021 = arith.cmpf ogt, %get3A_1013, %select_n3A_1002 : vector<16xf32>
            %select_n3A_1022 = arith.select %gt3A_1018, %get3A_1013, %select_n3A_991 : vector<16xi1>, vector<16xf32>
            %select_n3A_1023 = arith.select %gt3A_1018, %add3A_1017, %select_n3A_992 : vector<16xi1>, vector<16xi32>
            %select_n3A_1024 = arith.select %gt3A_1019, %get3A_1013, %select_n3A_994 : vector<16xi1>, vector<16xf32>
            %select_n3A_1025 = arith.select %gt3A_1018, %select_n3A_991, %select_n3A_1024 : vector<16xi1>, vector<16xf32>
            %select_n3A_1026 = arith.select %gt3A_1019, %add3A_1017, %select_n3A_996 : vector<16xi1>, vector<16xi32>
            %select_n3A_1027 = arith.select %gt3A_1018, %select_n3A_992, %select_n3A_1026 : vector<16xi1>, vector<16xi32>
            %select_n3A_1028 = arith.select %gt3A_1020, %get3A_1013, %select_n3A_998 : vector<16xi1>, vector<16xf32>
            %select_n3A_1029 = arith.select %gt3A_1019, %select_n3A_994, %select_n3A_1028 : vector<16xi1>, vector<16xf32>
            %select_n3A_1030 = arith.select %gt3A_1020, %add3A_1017, %select_n3A_1000 : vector<16xi1>, vector<16xi32>
            %select_n3A_1031 = arith.select %gt3A_1019, %select_n3A_996, %select_n3A_1030 : vector<16xi1>, vector<16xi32>
            %select_n3A_1032 = arith.select %gt3A_1021, %get3A_1013, %select_n3A_1002 : vector<16xi1>, vector<16xf32>
            %select_n3A_1033 = arith.select %gt3A_1020, %select_n3A_998, %select_n3A_1032 : vector<16xi1>, vector<16xf32>
            %select_n3A_1034 = arith.select %gt3A_1021, %add3A_1017, %select_n3A_1004 : vector<16xi1>, vector<16xi32>
            %select_n3A_1035 = arith.select %gt3A_1020, %select_n3A_1000, %select_n3A_1034 : vector<16xi1>, vector<16xi32>
            %scan3A_1036 = arith.constant 2 : i32
            %scan3A_1037 = arith.addi %scan3A_968, %scan3A_1036 : i32
            %mul3A_1038 = arith.constant 16 : i32
            %mul3A_1039 = arith.muli %scan3A_853, %mul3A_1038 : i32
            %add3A_1040 = arith.addi %mul3A_1039, %scan3A_1037 : i32
            %mul3A_1041 = arith.constant 16 : i32
            %mul3A_1042 = arith.muli %add3A_1040, %mul3A_1041 : i32
            %get3A_1043 = arith.index_cast %mul3A_1042 : i32 to index
            %get3A_1044 = tpu.vector_load %arg10[%get3A_1043] {strides = array<i32>} : memref<4096xf32, #tpu.memory_space<vmem>>, vector<16xf32>,
            %mul3A_1045 = arith.constant 16 : i32
            %mul3A_1046 = arith.muli %add3A_1040, %mul3A_1045 : i32
            %add3A_1047 = vector.broadcast %mul3A_1046 : i32 to vector<16xi32>
            %add3A_1048 = arith.addi %iota3A, %add3A_1047 : vector<16xi32>
            %gt3A_1049 = arith.cmpf ogt, %get3A_1044, %select_n3A_1022 : vector<16xf32>
            %gt3A_1050 = arith.cmpf ogt, %get3A_1044, %select_n3A_1025 : vector<16xf32>
            %gt3A_1051 = arith.cmpf ogt, %get3A_1044, %select_n3A_1029 : vector<16xf32>
            %gt3A_1052 = arith.cmpf ogt, %get3A_1044, %select_n3A_1033 : vector<16xf32>
            %select_n3A_1053 = arith.select %gt3A_1049, %get3A_1044, %select_n3A_1022 : vector<16xi1>, vector<16xf32>
            %select_n3A_1054 = arith.select %gt3A_1049, %add3A_1048, %select_n3A_1023 : vector<16xi1>, vector<16xi32>
            %select_n3A_1055 = arith.select %gt3A_1050, %get3A_1044, %select_n3A_1025 : vector<16xi1>, vector<16xf32>
            %select_n3A_1056 = arith.select %gt3A_1049, %select_n3A_1022, %select_n3A_1055 : vector<16xi1>, vector<16xf32>
            %select_n3A_1057 = arith.select %gt3A_1050, %add3A_1048, %select_n3A_1027 : vector<16xi1>, vector<16xi32>
            %select_n3A_1058 = arith.select %gt3A_1049, %select_n3A_1023, %select_n3A_1057 : vector<16xi1>, vector<16xi32>
            %select_n3A_1059 = arith.select %gt3A_1051, %get3A_1044, %select_n3A_1029 : vector<16xi1>, vector<16xf32>
            %select_n3A_1060 = arith.select %gt3A_1050, %select_n3A_1025, %select_n3A_1059 : vector<16xi1>, vector<16xf32>
            %select_n3A_1061 = arith.select %gt3A_1051, %add3A_1048, %select_n3A_1031 : vector<16xi1>, vector<16xi32>
            %select_n3A_1062 = arith.select %gt3A_1050, %select_n3A_1027, %select_n3A_1061 : vector<16xi1>, vector<16xi32>
            %select_n3A_1063 = arith.select %gt3A_1052, %get3A_1044, %select_n3A_1033 : vector<16xi1>, vector<16xf32>
            %select_n3A_1064 = arith.select %gt3A_1051, %select_n3A_1029, %select_n3A_1063 : vector<16xi1>, vector<16xf32>
            %select_n3A_1065 = arith.select %gt3A_1052, %add3A_1048, %select_n3A_1035 : vector<16xi1>, vector<16xi32>
            %select_n3A_1066 = arith.select %gt3A_1051, %select_n3A_1031, %select_n3A_1065 : vector<16xi1>, vector<16xi32>
            %scan3A_1067 = arith.constant 3 : i32
            %scan3A_1068 = arith.addi %scan3A_968, %scan3A_1067 : i32
            %mul3A_1069 = arith.constant 16 : i32
            %mul3A_1070 = arith.muli %scan3A_853, %mul3A_1069 : i32
            %add3A_1071 = arith.addi %mul3A_1070, %scan3A_1068 : i32
            %mul3A_1072 = arith.constant 16 : i32
            %mul3A_1073 = arith.muli %add3A_1071, %mul3A_1072 : i32
            %get3A_1074 = arith.index_cast %mul3A_1073 : i32 to index
            %get3A_1075 = tpu.vector_load %arg10[%get3A_1074] {strides = array<i32>} : memref<4096xf32, #tpu.memory_space<vmem>>, vector<16xf32>,
            %mul3A_1076 = arith.constant 16 : i32
            %mul3A_1077 = arith.muli %add3A_1071, %mul3A_1076 : i32
            %add3A_1078 = vector.broadcast %mul3A_1077 : i32 to vector<16xi32>
            %add3A_1079 = arith.addi %iota3A, %add3A_1078 : vector<16xi32>
            %gt3A_1080 = arith.cmpf ogt, %get3A_1075, %select_n3A_1053 : vector<16xf32>
            %gt3A_1081 = arith.cmpf ogt, %get3A_1075, %select_n3A_1056 : vector<16xf32>
            %gt3A_1082 = arith.cmpf ogt, %get3A_1075, %select_n3A_1060 : vector<16xf32>
            %gt3A_1083 = arith.cmpf ogt, %get3A_1075, %select_n3A_1064 : vector<16xf32>
            %select_n3A_1084 = arith.select %gt3A_1080, %get3A_1075, %select_n3A_1053 : vector<16xi1>, vector<16xf32>
            %select_n3A_1085 = arith.select %gt3A_1080, %add3A_1079, %select_n3A_1054 : vector<16xi1>, vector<16xi32>
            %select_n3A_1086 = arith.select %gt3A_1081, %get3A_1075, %select_n3A_1056 : vector<16xi1>, vector<16xf32>
            %select_n3A_1087 = arith.select %gt3A_1080, %select_n3A_1053, %select_n3A_1086 : vector<16xi1>, vector<16xf32>
            %select_n3A_1088 = arith.select %gt3A_1081, %add3A_1079, %select_n3A_1058 : vector<16xi1>, vector<16xi32>
            %select_n3A_1089 = arith.select %gt3A_1080, %select_n3A_1054, %select_n3A_1088 : vector<16xi1>, vector<16xi32>
            %select_n3A_1090 = arith.select %gt3A_1082, %get3A_1075, %select_n3A_1060 : vector<16xi1>, vector<16xf32>
            %select_n3A_1091 = arith.select %gt3A_1081, %select_n3A_1056, %select_n3A_1090 : vector<16xi1>, vector<16xf32>
            %select_n3A_1092 = arith.select %gt3A_1082, %add3A_1079, %select_n3A_1062 : vector<16xi1>, vector<16xi32>
            %select_n3A_1093 = arith.select %gt3A_1081, %select_n3A_1058, %select_n3A_1092 : vector<16xi1>, vector<16xi32>
            %select_n3A_1094 = arith.select %gt3A_1083, %get3A_1075, %select_n3A_1064 : vector<16xi1>, vector<16xf32>
            %select_n3A_1095 = arith.select %gt3A_1082, %select_n3A_1060, %select_n3A_1094 : vector<16xi1>, vector<16xf32>
            %select_n3A_1096 = arith.select %gt3A_1083, %add3A_1079, %select_n3A_1066 : vector<16xi1>, vector<16xi32>
            %select_n3A_1097 = arith.select %gt3A_1082, %select_n3A_1062, %select_n3A_1096 : vector<16xi1>, vector<16xi32>
            scf.yield %select_n3A_1084, %select_n3A_1087, %select_n3A_1091, %select_n3A_1095, %select_n3A_1085, %select_n3A_1089, %select_n3A_1093, %select_n3A_1097 : vector<16xf32>, vector<16xf32>, vector<16xf32>, vector<16xf32>, vector<16xi32>, vector<16xi32>, vector<16xi32>, vector<16xi32>
          }
          %scan3A_951 = arith.constant 16 : i32
          %swap3A_952 = arith.constant 192 : index
          %swap3A_953 = tpu.vector_load %arg20[%swap3A_952] {strides = array<i32>} : memref<256xf32, #tpu.memory_space<vmem>>, vector<16xf32>,
          tpu.vector_store %arg20[%swap3A_952], %scan3A_950#0 {strides = array<i32>} : memref<256xf32, #tpu.memory_space<vmem>>, vector<16xf32>,
          %swap3A_954 = arith.constant 208 : index
          %swap3A_955 = tpu.vector_load %arg20[%swap3A_954] {strides = array<i32>} : memref<256xf32, #tpu.memory_space<vmem>>, vector<16xf32>,
          tpu.vector_store %arg20[%swap3A_954], %scan3A_950#1 {strides = array<i32>} : memref<256xf32, #tpu.memory_space<vmem>>, vector<16xf32>,
          %swap3A_956 = arith.constant 224 : index
          %swap3A_957 = tpu.vector_load %arg20[%swap3A_956] {strides = array<i32>} : memref<256xf32, #tpu.memory_space<vmem>>, vector<16xf32>,
          tpu.vector_store %arg20[%swap3A_956], %scan3A_950#2 {strides = array<i32>} : memref<256xf32, #tpu.memory_space<vmem>>, vector<16xf32>,
          %swap3A_958 = arith.constant 240 : index
          %swap3A_959 = tpu.vector_load %arg20[%swap3A_958] {strides = array<i32>} : memref<256xf32, #tpu.memory_space<vmem>>, vector<16xf32>,
          tpu.vector_store %arg20[%swap3A_958], %scan3A_950#3 {strides = array<i32>} : memref<256xf32, #tpu.memory_space<vmem>>, vector<16xf32>,
          %swap3A_960 = arith.constant 192 : index
          %swap3A_961 = tpu.vector_load %arg21[%swap3A_960] {strides = array<i32>} : memref<256xi32, #tpu.memory_space<vmem>>, vector<16xi32>,
          tpu.vector_store %arg21[%swap3A_960], %scan3A_950#4 {strides = array<i32>} : memref<256xi32, #tpu.memory_space<vmem>>, vector<16xi32>,
          %swap3A_962 = arith.constant 208 : index
          %swap3A_963 = tpu.vector_load %arg21[%swap3A_962] {strides = array<i32>} : memref<256xi32, #tpu.memory_space<vmem>>, vector<16xi32>,
          tpu.vector_store %arg21[%swap3A_962], %scan3A_950#5 {strides = array<i32>} : memref<256xi32, #tpu.memory_space<vmem>>, vector<16xi32>,
          %swap3A_964 = arith.constant 224 : index
          %swap3A_965 = tpu.vector_load %arg21[%swap3A_964] {strides = array<i32>} : memref<256xi32, #tpu.memory_space<vmem>>, vector<16xi32>,
          tpu.vector_store %arg21[%swap3A_964], %scan3A_950#6 {strides = array<i32>} : memref<256xi32, #tpu.memory_space<vmem>>, vector<16xi32>,
          %swap3A_966 = arith.constant 240 : index
          %swap3A_967 = tpu.vector_load %arg21[%swap3A_966] {strides = array<i32>} : memref<256xi32, #tpu.memory_space<vmem>>, vector<16xi32>,
          tpu.vector_store %arg21[%swap3A_966], %scan3A_950#7 {strides = array<i32>} : memref<256xi32, #tpu.memory_space<vmem>>, vector<16xi32>,
        } else {
        }
        %scan3A_929 = arith.constant 0 : i32
        scf.yield %scan3A_929 : i32
      }
      %scan3A_209 = arith.constant 16 : i32
      %add3A_210 = arith.constant 0 : i32
      %add3A_211 = arith.addi %mul3A_50, %add3A_210 : i32
      %broadcast_in_dim3A_212 = vector.broadcast %add3A_211 : i32 to vector<16xi32>
      %gather3A_213 = tpu.vector_load_idx %arg15[%broadcast_in_dim3A_212] : memref<128xi32, #tpu.memory_space<vmem>>[vector<16xi32>], vector<16xi32>,
      %gather3A_214 = tpu.vector_load_idx %arg7[%gather3A_213] : memref<4096xf32, #tpu.memory_space<vmem>>[vector<16xi32>], vector<16xf32>,
      %add3A_215 = arith.constant 0 : i32
      %add3A_216 = arith.addi %mul3A_50, %add3A_215 : i32
      %mul3A_217 = arith.constant 16 : i32
      %mul3A_218 = arith.muli %add3A_216, %mul3A_217 : i32
      %swap3A_219 = arith.index_cast %mul3A_218 : i32 to index
      %swap3A_220 = tpu.vector_load %arg22[%swap3A_219] {strides = array<i32>} : memref<2048xf32, #tpu.memory_space<vmem>>, vector<16xf32>,
      tpu.vector_store %arg22[%swap3A_219], %gather3A_214 {strides = array<i32>} : memref<2048xf32, #tpu.memory_space<vmem>>, vector<16xf32>,
      %add3A_221 = arith.constant 0 : i32
      %add3A_222 = arith.addi %mul3A_50, %add3A_221 : i32
      %mul3A_223 = arith.constant 64 : i32
      %mul3A_224 = arith.muli %add3A_222, %mul3A_223 : i32
      %get3A = arith.constant 0 : index
      %get3A_225 = tpu.vector_load %arg20[%get3A] {strides = array<i32>} : memref<256xf32, #tpu.memory_space<vmem>>, vector<16xf32>,
      %swap3A_226 = arith.index_cast %mul3A_224 : i32 to index
      %swap3A_227 = tpu.vector_load %arg23[%swap3A_226] {strides = array<i32>} : memref<8192xf32, #tpu.memory_space<vmem>>, vector<16xf32>,
      tpu.vector_store %arg23[%swap3A_226], %get3A_225 {strides = array<i32>} : memref<8192xf32, #tpu.memory_space<vmem>>, vector<16xf32>,
      %get3A_228 = arith.constant 16 : index
      %get3A_229 = tpu.vector_load %arg20[%get3A_228] {strides = array<i32>} : memref<256xf32, #tpu.memory_space<vmem>>, vector<16xf32>,
      %add3A_230 = arith.constant 16 : i32
      %add3A_231 = arith.addi %mul3A_224, %add3A_230 : i32
      %swap3A_232 = arith.index_cast %add3A_231 : i32 to index
      %swap3A_233 = tpu.vector_load %arg23[%swap3A_232] {strides = array<i32>} : memref<8192xf32, #tpu.memory_space<vmem>>, vector<16xf32>,
      tpu.vector_store %arg23[%swap3A_232], %get3A_229 {strides = array<i32>} : memref<8192xf32, #tpu.memory_space<vmem>>, vector<16xf32>,
      %get3A_234 = arith.constant 32 : index
      %get3A_235 = tpu.vector_load %arg20[%get3A_234] {strides = array<i32>} : memref<256xf32, #tpu.memory_space<vmem>>, vector<16xf32>,
      %add3A_236 = arith.constant 32 : i32
      %add3A_237 = arith.addi %mul3A_224, %add3A_236 : i32
      %swap3A_238 = arith.index_cast %add3A_237 : i32 to index
      %swap3A_239 = tpu.vector_load %arg23[%swap3A_238] {strides = array<i32>} : memref<8192xf32, #tpu.memory_space<vmem>>, vector<16xf32>,
      tpu.vector_store %arg23[%swap3A_238], %get3A_235 {strides = array<i32>} : memref<8192xf32, #tpu.memory_space<vmem>>, vector<16xf32>,
      %get3A_240 = arith.constant 48 : index
      %get3A_241 = tpu.vector_load %arg20[%get3A_240] {strides = array<i32>} : memref<256xf32, #tpu.memory_space<vmem>>, vector<16xf32>,
      %add3A_242 = arith.constant 48 : i32
      %add3A_243 = arith.addi %mul3A_224, %add3A_242 : i32
      %swap3A_244 = arith.index_cast %add3A_243 : i32 to index
      %swap3A_245 = tpu.vector_load %arg23[%swap3A_244] {strides = array<i32>} : memref<8192xf32, #tpu.memory_space<vmem>>, vector<16xf32>,
      tpu.vector_store %arg23[%swap3A_244], %get3A_241 {strides = array<i32>} : memref<8192xf32, #tpu.memory_space<vmem>>, vector<16xf32>,
      %get3A_246 = arith.constant 0 : index
      %get3A_247 = tpu.vector_load %arg21[%get3A_246] {strides = array<i32>} : memref<256xi32, #tpu.memory_space<vmem>>, vector<16xi32>,
      %swap3A_248 = arith.index_cast %mul3A_224 : i32 to index
      %swap3A_249 = tpu.vector_load %arg24[%swap3A_248] {strides = array<i32>} : memref<8192xi32, #tpu.memory_space<vmem>>, vector<16xi32>,
      tpu.vector_store %arg24[%swap3A_248], %get3A_247 {strides = array<i32>} : memref<8192xi32, #tpu.memory_space<vmem>>, vector<16xi32>,
      %get3A_250 = arith.constant 16 : index
      %get3A_251 = tpu.vector_load %arg21[%get3A_250] {strides = array<i32>} : memref<256xi32, #tpu.memory_space<vmem>>, vector<16xi32>,
      %add3A_252 = arith.constant 16 : i32
      %add3A_253 = arith.addi %mul3A_224, %add3A_252 : i32
      %swap3A_254 = arith.index_cast %add3A_253 : i32 to index
      %swap3A_255 = tpu.vector_load %arg24[%swap3A_254] {strides = array<i32>} : memref<8192xi32, #tpu.memory_space<vmem>>, vector<16xi32>,
      tpu.vector_store %arg24[%swap3A_254], %get3A_251 {strides = array<i32>} : memref<8192xi32, #tpu.memory_space<vmem>>, vector<16xi32>,
      %get3A_256 = arith.constant 32 : index
      %get3A_257 = tpu.vector_load %arg21[%get3A_256] {strides = array<i32>} : memref<256xi32, #tpu.memory_space<vmem>>, vector<16xi32>,
      %add3A_258 = arith.constant 32 : i32
      %add3A_259 = arith.addi %mul3A_224, %add3A_258 : i32
      %swap3A_260 = arith.index_cast %add3A_259 : i32 to index
      %swap3A_261 = tpu.vector_load %arg24[%swap3A_260] {strides = array<i32>} : memref<8192xi32, #tpu.memory_space<vmem>>, vector<16xi32>,
      tpu.vector_store %arg24[%swap3A_260], %get3A_257 {strides = array<i32>} : memref<8192xi32, #tpu.memory_space<vmem>>, vector<16xi32>,
      %get3A_262 = arith.constant 48 : index
      %get3A_263 = tpu.vector_load %arg21[%get3A_262] {strides = array<i32>} : memref<256xi32, #tpu.memory_space<vmem>>, vector<16xi32>,
      %add3A_264 = arith.constant 48 : i32
      %add3A_265 = arith.addi %mul3A_224, %add3A_264 : i32
      %swap3A_266 = arith.index_cast %add3A_265 : i32 to index
      %swap3A_267 = tpu.vector_load %arg24[%swap3A_266] {strides = array<i32>} : memref<8192xi32, #tpu.memory_space<vmem>>, vector<16xi32>,
      tpu.vector_store %arg24[%swap3A_266], %get3A_263 {strides = array<i32>} : memref<8192xi32, #tpu.memory_space<vmem>>, vector<16xi32>,
      %add3A_268 = arith.constant 1 : i32
      %add3A_269 = arith.addi %mul3A_50, %add3A_268 : i32
      %broadcast_in_dim3A_270 = vector.broadcast %add3A_269 : i32 to vector<16xi32>
      %gather3A_271 = tpu.vector_load_idx %arg15[%broadcast_in_dim3A_270] : memref<128xi32, #tpu.memory_space<vmem>>[vector<16xi32>], vector<16xi32>,
      %gather3A_272 = tpu.vector_load_idx %arg8[%gather3A_271] : memref<4096xf32, #tpu.memory_space<vmem>>[vector<16xi32>], vector<16xf32>,
      %add3A_273 = arith.constant 1 : i32
      %add3A_274 = arith.addi %mul3A_50, %add3A_273 : i32
      %mul3A_275 = arith.constant 16 : i32
      %mul3A_276 = arith.muli %add3A_274, %mul3A_275 : i32
      %swap3A_277 = arith.index_cast %mul3A_276 : i32 to index
      %swap3A_278 = tpu.vector_load %arg22[%swap3A_277] {strides = array<i32>} : memref<2048xf32, #tpu.memory_space<vmem>>, vector<16xf32>,
      tpu.vector_store %arg22[%swap3A_277], %gather3A_272 {strides = array<i32>} : memref<2048xf32, #tpu.memory_space<vmem>>, vector<16xf32>,
      %add3A_279 = arith.constant 1 : i32
      %add3A_280 = arith.addi %mul3A_50, %add3A_279 : i32
      %mul3A_281 = arith.constant 64 : i32
      %mul3A_282 = arith.muli %add3A_280, %mul3A_281 : i32
      %get3A_283 = arith.constant 64 : index
      %get3A_284 = tpu.vector_load %arg20[%get3A_283] {strides = array<i32>} : memref<256xf32, #tpu.memory_space<vmem>>, vector<16xf32>,
      %swap3A_285 = arith.index_cast %mul3A_282 : i32 to index
      %swap3A_286 = tpu.vector_load %arg23[%swap3A_285] {strides = array<i32>} : memref<8192xf32, #tpu.memory_space<vmem>>, vector<16xf32>,
      tpu.vector_store %arg23[%swap3A_285], %get3A_284 {strides = array<i32>} : memref<8192xf32, #tpu.memory_space<vmem>>, vector<16xf32>,
      %get3A_287 = arith.constant 80 : index
      %get3A_288 = tpu.vector_load %arg20[%get3A_287] {strides = array<i32>} : memref<256xf32, #tpu.memory_space<vmem>>, vector<16xf32>,
      %add3A_289 = arith.constant 16 : i32
      %add3A_290 = arith.addi %mul3A_282, %add3A_289 : i32
      %swap3A_291 = arith.index_cast %add3A_290 : i32 to index
      %swap3A_292 = tpu.vector_load %arg23[%swap3A_291] {strides = array<i32>} : memref<8192xf32, #tpu.memory_space<vmem>>, vector<16xf32>,
      tpu.vector_store %arg23[%swap3A_291], %get3A_288 {strides = array<i32>} : memref<8192xf32, #tpu.memory_space<vmem>>, vector<16xf32>,
      %get3A_293 = arith.constant 96 : index
      %get3A_294 = tpu.vector_load %arg20[%get3A_293] {strides = array<i32>} : memref<256xf32, #tpu.memory_space<vmem>>, vector<16xf32>,
      %add3A_295 = arith.constant 32 : i32
      %add3A_296 = arith.addi %mul3A_282, %add3A_295 : i32
      %swap3A_297 = arith.index_cast %add3A_296 : i32 to index
      %swap3A_298 = tpu.vector_load %arg23[%swap3A_297] {strides = array<i32>} : memref<8192xf32, #tpu.memory_space<vmem>>, vector<16xf32>,
      tpu.vector_store %arg23[%swap3A_297], %get3A_294 {strides = array<i32>} : memref<8192xf32, #tpu.memory_space<vmem>>, vector<16xf32>,
      %get3A_299 = arith.constant 112 : index
      %get3A_300 = tpu.vector_load %arg20[%get3A_299] {strides = array<i32>} : memref<256xf32, #tpu.memory_space<vmem>>, vector<16xf32>,
      %add3A_301 = arith.constant 48 : i32
      %add3A_302 = arith.addi %mul3A_282, %add3A_301 : i32
      %swap3A_303 = arith.index_cast %add3A_302 : i32 to index
      %swap3A_304 = tpu.vector_load %arg23[%swap3A_303] {strides = array<i32>} : memref<8192xf32, #tpu.memory_space<vmem>>, vector<16xf32>,
      tpu.vector_store %arg23[%swap3A_303], %get3A_300 {strides = array<i32>} : memref<8192xf32, #tpu.memory_space<vmem>>, vector<16xf32>,
      %get3A_305 = arith.constant 64 : index
      %get3A_306 = tpu.vector_load %arg21[%get3A_305] {strides = array<i32>} : memref<256xi32, #tpu.memory_space<vmem>>, vector<16xi32>,
      %swap3A_307 = arith.index_cast %mul3A_282 : i32 to index
      %swap3A_308 = tpu.vector_load %arg24[%swap3A_307] {strides = array<i32>} : memref<8192xi32, #tpu.memory_space<vmem>>, vector<16xi32>,
      tpu.vector_store %arg24[%swap3A_307], %get3A_306 {strides = array<i32>} : memref<8192xi32, #tpu.memory_space<vmem>>, vector<16xi32>,
      %get3A_309 = arith.constant 80 : index
      %get3A_310 = tpu.vector_load %arg21[%get3A_309] {strides = array<i32>} : memref<256xi32, #tpu.memory_space<vmem>>, vector<16xi32>,
      %add3A_311 = arith.constant 16 : i32
      %add3A_312 = arith.addi %mul3A_282, %add3A_311 : i32
      %swap3A_313 = arith.index_cast %add3A_312 : i32 to index
      %swap3A_314 = tpu.vector_load %arg24[%swap3A_313] {strides = array<i32>} : memref<8192xi32, #tpu.memory_space<vmem>>, vector<16xi32>,
      tpu.vector_store %arg24[%swap3A_313], %get3A_310 {strides = array<i32>} : memref<8192xi32, #tpu.memory_space<vmem>>, vector<16xi32>,
      %get3A_315 = arith.constant 96 : index
      %get3A_316 = tpu.vector_load %arg21[%get3A_315] {strides = array<i32>} : memref<256xi32, #tpu.memory_space<vmem>>, vector<16xi32>,
      %add3A_317 = arith.constant 32 : i32
      %add3A_318 = arith.addi %mul3A_282, %add3A_317 : i32
      %swap3A_319 = arith.index_cast %add3A_318 : i32 to index
      %swap3A_320 = tpu.vector_load %arg24[%swap3A_319] {strides = array<i32>} : memref<8192xi32, #tpu.memory_space<vmem>>, vector<16xi32>,
      tpu.vector_store %arg24[%swap3A_319], %get3A_316 {strides = array<i32>} : memref<8192xi32, #tpu.memory_space<vmem>>, vector<16xi32>,
      %get3A_321 = arith.constant 112 : index
      %get3A_322 = tpu.vector_load %arg21[%get3A_321] {strides = array<i32>} : memref<256xi32, #tpu.memory_space<vmem>>, vector<16xi32>,
      %add3A_323 = arith.constant 48 : i32
      %add3A_324 = arith.addi %mul3A_282, %add3A_323 : i32
      %swap3A_325 = arith.index_cast %add3A_324 : i32 to index
      %swap3A_326 = tpu.vector_load %arg24[%swap3A_325] {strides = array<i32>} : memref<8192xi32, #tpu.memory_space<vmem>>, vector<16xi32>,
      tpu.vector_store %arg24[%swap3A_325], %get3A_322 {strides = array<i32>} : memref<8192xi32, #tpu.memory_space<vmem>>, vector<16xi32>,
      %add3A_327 = arith.constant 2 : i32
      %add3A_328 = arith.addi %mul3A_50, %add3A_327 : i32
      %broadcast_in_dim3A_329 = vector.broadcast %add3A_328 : i32 to vector<16xi32>
      %gather3A_330 = tpu.vector_load_idx %arg15[%broadcast_in_dim3A_329] : memref<128xi32, #tpu.memory_space<vmem>>[vector<16xi32>], vector<16xi32>,
      %gather3A_331 = tpu.vector_load_idx %arg9[%gather3A_330] : memref<4096xf32, #tpu.memory_space<vmem>>[vector<16xi32>], vector<16xf32>,
      %add3A_332 = arith.constant 2 : i32
      %add3A_333 = arith.addi %mul3A_50, %add3A_332 : i32
      %mul3A_334 = arith.constant 16 : i32
      %mul3A_335 = arith.muli %add3A_333, %mul3A_334 : i32
      %swap3A_336 = arith.index_cast %mul3A_335 : i32 to index
      %swap3A_337 = tpu.vector_load %arg22[%swap3A_336] {strides = array<i32>} : memref<2048xf32, #tpu.memory_space<vmem>>, vector<16xf32>,
      tpu.vector_store %arg22[%swap3A_336], %gather3A_331 {strides = array<i32>} : memref<2048xf32, #tpu.memory_space<vmem>>, vector<16xf32>,
      %add3A_338 = arith.constant 2 : i32
      %add3A_339 = arith.addi %mul3A_50, %add3A_338 : i32
      %mul3A_340 = arith.constant 64 : i32
      %mul3A_341 = arith.muli %add3A_339, %mul3A_340 : i32
      %get3A_342 = arith.constant 128 : index
      %get3A_343 = tpu.vector_load %arg20[%get3A_342] {strides = array<i32>} : memref<256xf32, #tpu.memory_space<vmem>>, vector<16xf32>,
      %swap3A_344 = arith.index_cast %mul3A_341 : i32 to index
      %swap3A_345 = tpu.vector_load %arg23[%swap3A_344] {strides = array<i32>} : memref<8192xf32, #tpu.memory_space<vmem>>, vector<16xf32>,
      tpu.vector_store %arg23[%swap3A_344], %get3A_343 {strides = array<i32>} : memref<8192xf32, #tpu.memory_space<vmem>>, vector<16xf32>,
      %get3A_346 = arith.constant 144 : index
      %get3A_347 = tpu.vector_load %arg20[%get3A_346] {strides = array<i32>} : memref<256xf32, #tpu.memory_space<vmem>>, vector<16xf32>,
      %add3A_348 = arith.constant 16 : i32
      %add3A_349 = arith.addi %mul3A_341, %add3A_348 : i32
      %swap3A_350 = arith.index_cast %add3A_349 : i32 to index
      %swap3A_351 = tpu.vector_load %arg23[%swap3A_350] {strides = array<i32>} : memref<8192xf32, #tpu.memory_space<vmem>>, vector<16xf32>,
      tpu.vector_store %arg23[%swap3A_350], %get3A_347 {strides = array<i32>} : memref<8192xf32, #tpu.memory_space<vmem>>, vector<16xf32>,
      %get3A_352 = arith.constant 160 : index
      %get3A_353 = tpu.vector_load %arg20[%get3A_352] {strides = array<i32>} : memref<256xf32, #tpu.memory_space<vmem>>, vector<16xf32>,
      %add3A_354 = arith.constant 32 : i32
      %add3A_355 = arith.addi %mul3A_341, %add3A_354 : i32
      %swap3A_356 = arith.index_cast %add3A_355 : i32 to index
      %swap3A_357 = tpu.vector_load %arg23[%swap3A_356] {strides = array<i32>} : memref<8192xf32, #tpu.memory_space<vmem>>, vector<16xf32>,
      tpu.vector_store %arg23[%swap3A_356], %get3A_353 {strides = array<i32>} : memref<8192xf32, #tpu.memory_space<vmem>>, vector<16xf32>,
      %get3A_358 = arith.constant 176 : index
      %get3A_359 = tpu.vector_load %arg20[%get3A_358] {strides = array<i32>} : memref<256xf32, #tpu.memory_space<vmem>>, vector<16xf32>,
      %add3A_360 = arith.constant 48 : i32
      %add3A_361 = arith.addi %mul3A_341, %add3A_360 : i32
      %swap3A_362 = arith.index_cast %add3A_361 : i32 to index
      %swap3A_363 = tpu.vector_load %arg23[%swap3A_362] {strides = array<i32>} : memref<8192xf32, #tpu.memory_space<vmem>>, vector<16xf32>,
      tpu.vector_store %arg23[%swap3A_362], %get3A_359 {strides = array<i32>} : memref<8192xf32, #tpu.memory_space<vmem>>, vector<16xf32>,
      %get3A_364 = arith.constant 128 : index
      %get3A_365 = tpu.vector_load %arg21[%get3A_364] {strides = array<i32>} : memref<256xi32, #tpu.memory_space<vmem>>, vector<16xi32>,
      %swap3A_366 = arith.index_cast %mul3A_341 : i32 to index
      %swap3A_367 = tpu.vector_load %arg24[%swap3A_366] {strides = array<i32>} : memref<8192xi32, #tpu.memory_space<vmem>>, vector<16xi32>,
      tpu.vector_store %arg24[%swap3A_366], %get3A_365 {strides = array<i32>} : memref<8192xi32, #tpu.memory_space<vmem>>, vector<16xi32>,
      %get3A_368 = arith.constant 144 : index
      %get3A_369 = tpu.vector_load %arg21[%get3A_368] {strides = array<i32>} : memref<256xi32, #tpu.memory_space<vmem>>, vector<16xi32>,
      %add3A_370 = arith.constant 16 : i32
      %add3A_371 = arith.addi %mul3A_341, %add3A_370 : i32
      %swap3A_372 = arith.index_cast %add3A_371 : i32 to index
      %swap3A_373 = tpu.vector_load %arg24[%swap3A_372] {strides = array<i32>} : memref<8192xi32, #tpu.memory_space<vmem>>, vector<16xi32>,
      tpu.vector_store %arg24[%swap3A_372], %get3A_369 {strides = array<i32>} : memref<8192xi32, #tpu.memory_space<vmem>>, vector<16xi32>,
      %get3A_374 = arith.constant 160 : index
      %get3A_375 = tpu.vector_load %arg21[%get3A_374] {strides = array<i32>} : memref<256xi32, #tpu.memory_space<vmem>>, vector<16xi32>,
      %add3A_376 = arith.constant 32 : i32
      %add3A_377 = arith.addi %mul3A_341, %add3A_376 : i32
      %swap3A_378 = arith.index_cast %add3A_377 : i32 to index
      %swap3A_379 = tpu.vector_load %arg24[%swap3A_378] {strides = array<i32>} : memref<8192xi32, #tpu.memory_space<vmem>>, vector<16xi32>,
      tpu.vector_store %arg24[%swap3A_378], %get3A_375 {strides = array<i32>} : memref<8192xi32, #tpu.memory_space<vmem>>, vector<16xi32>,
      %get3A_380 = arith.constant 176 : index
      %get3A_381 = tpu.vector_load %arg21[%get3A_380] {strides = array<i32>} : memref<256xi32, #tpu.memory_space<vmem>>, vector<16xi32>,
      %add3A_382 = arith.constant 48 : i32
      %add3A_383 = arith.addi %mul3A_341, %add3A_382 : i32
      %swap3A_384 = arith.index_cast %add3A_383 : i32 to index
      %swap3A_385 = tpu.vector_load %arg24[%swap3A_384] {strides = array<i32>} : memref<8192xi32, #tpu.memory_space<vmem>>, vector<16xi32>,
      tpu.vector_store %arg24[%swap3A_384], %get3A_381 {strides = array<i32>} : memref<8192xi32, #tpu.memory_space<vmem>>, vector<16xi32>,
      %add3A_386 = arith.constant 3 : i32
      %add3A_387 = arith.addi %mul3A_50, %add3A_386 : i32
      %broadcast_in_dim3A_388 = vector.broadcast %add3A_387 : i32 to vector<16xi32>
      %gather3A_389 = tpu.vector_load_idx %arg15[%broadcast_in_dim3A_388] : memref<128xi32, #tpu.memory_space<vmem>>[vector<16xi32>], vector<16xi32>,
      %gather3A_390 = tpu.vector_load_idx %arg10[%gather3A_389] : memref<4096xf32, #tpu.memory_space<vmem>>[vector<16xi32>], vector<16xf32>,
      %add3A_391 = arith.constant 3 : i32
      %add3A_392 = arith.addi %mul3A_50, %add3A_391 : i32
      %mul3A_393 = arith.constant 16 : i32
      %mul3A_394 = arith.muli %add3A_392, %mul3A_393 : i32
      %swap3A_395 = arith.index_cast %mul3A_394 : i32 to index
      %swap3A_396 = tpu.vector_load %arg22[%swap3A_395] {strides = array<i32>} : memref<2048xf32, #tpu.memory_space<vmem>>, vector<16xf32>,
      tpu.vector_store %arg22[%swap3A_395], %gather3A_390 {strides = array<i32>} : memref<2048xf32, #tpu.memory_space<vmem>>, vector<16xf32>,
      %add3A_397 = arith.constant 3 : i32
      %add3A_398 = arith.addi %mul3A_50, %add3A_397 : i32
      %mul3A_399 = arith.constant 64 : i32
      %mul3A_400 = arith.muli %add3A_398, %mul3A_399 : i32
      %get3A_401 = arith.constant 192 : index
      %get3A_402 = tpu.vector_load %arg20[%get3A_401] {strides = array<i32>} : memref<256xf32, #tpu.memory_space<vmem>>, vector<16xf32>,
      %swap3A_403 = arith.index_cast %mul3A_400 : i32 to index
      %swap3A_404 = tpu.vector_load %arg23[%swap3A_403] {strides = array<i32>} : memref<8192xf32, #tpu.memory_space<vmem>>, vector<16xf32>,
      tpu.vector_store %arg23[%swap3A_403], %get3A_402 {strides = array<i32>} : memref<8192xf32, #tpu.memory_space<vmem>>, vector<16xf32>,
      %get3A_405 = arith.constant 208 : index
      %get3A_406 = tpu.vector_load %arg20[%get3A_405] {strides = array<i32>} : memref<256xf32, #tpu.memory_space<vmem>>, vector<16xf32>,
      %add3A_407 = arith.constant 16 : i32
      %add3A_408 = arith.addi %mul3A_400, %add3A_407 : i32
      %swap3A_409 = arith.index_cast %add3A_408 : i32 to index
      %swap3A_410 = tpu.vector_load %arg23[%swap3A_409] {strides = array<i32>} : memref<8192xf32, #tpu.memory_space<vmem>>, vector<16xf32>,
      tpu.vector_store %arg23[%swap3A_409], %get3A_406 {strides = array<i32>} : memref<8192xf32, #tpu.memory_space<vmem>>, vector<16xf32>,
      %get3A_411 = arith.constant 224 : index
      %get3A_412 = tpu.vector_load %arg20[%get3A_411] {strides = array<i32>} : memref<256xf32, #tpu.memory_space<vmem>>, vector<16xf32>,
      %add3A_413 = arith.constant 32 : i32
      %add3A_414 = arith.addi %mul3A_400, %add3A_413 : i32
      %swap3A_415 = arith.index_cast %add3A_414 : i32 to index
      %swap3A_416 = tpu.vector_load %arg23[%swap3A_415] {strides = array<i32>} : memref<8192xf32, #tpu.memory_space<vmem>>, vector<16xf32>,
      tpu.vector_store %arg23[%swap3A_415], %get3A_412 {strides = array<i32>} : memref<8192xf32, #tpu.memory_space<vmem>>, vector<16xf32>,
      %get3A_417 = arith.constant 240 : index
      %get3A_418 = tpu.vector_load %arg20[%get3A_417] {strides = array<i32>} : memref<256xf32, #tpu.memory_space<vmem>>, vector<16xf32>,
      %add3A_419 = arith.constant 48 : i32
      %add3A_420 = arith.addi %mul3A_400, %add3A_419 : i32
      %swap3A_421 = arith.index_cast %add3A_420 : i32 to index
      %swap3A_422 = tpu.vector_load %arg23[%swap3A_421] {strides = array<i32>} : memref<8192xf32, #tpu.memory_space<vmem>>, vector<16xf32>,
      tpu.vector_store %arg23[%swap3A_421], %get3A_418 {strides = array<i32>} : memref<8192xf32, #tpu.memory_space<vmem>>, vector<16xf32>,
      %get3A_423 = arith.constant 192 : index
      %get3A_424 = tpu.vector_load %arg21[%get3A_423] {strides = array<i32>} : memref<256xi32, #tpu.memory_space<vmem>>, vector<16xi32>,
      %swap3A_425 = arith.index_cast %mul3A_400 : i32 to index
      %swap3A_426 = tpu.vector_load %arg24[%swap3A_425] {strides = array<i32>} : memref<8192xi32, #tpu.memory_space<vmem>>, vector<16xi32>,
      tpu.vector_store %arg24[%swap3A_425], %get3A_424 {strides = array<i32>} : memref<8192xi32, #tpu.memory_space<vmem>>, vector<16xi32>,
      %get3A_427 = arith.constant 208 : index
      %get3A_428 = tpu.vector_load %arg21[%get3A_427] {strides = array<i32>} : memref<256xi32, #tpu.memory_space<vmem>>, vector<16xi32>,
      %add3A_429 = arith.constant 16 : i32
      %add3A_430 = arith.addi %mul3A_400, %add3A_429 : i32
      %swap3A_431 = arith.index_cast %add3A_430 : i32 to index
      %swap3A_432 = tpu.vector_load %arg24[%swap3A_431] {strides = array<i32>} : memref<8192xi32, #tpu.memory_space<vmem>>, vector<16xi32>,
      tpu.vector_store %arg24[%swap3A_431], %get3A_428 {strides = array<i32>} : memref<8192xi32, #tpu.memory_space<vmem>>, vector<16xi32>,
      %get3A_433 = arith.constant 224 : index
      %get3A_434 = tpu.vector_load %arg21[%get3A_433] {strides = array<i32>} : memref<256xi32, #tpu.memory_space<vmem>>, vector<16xi32>,
      %add3A_435 = arith.constant 32 : i32
      %add3A_436 = arith.addi %mul3A_400, %add3A_435 : i32
      %swap3A_437 = arith.index_cast %add3A_436 : i32 to index
      %swap3A_438 = tpu.vector_load %arg24[%swap3A_437] {strides = array<i32>} : memref<8192xi32, #tpu.memory_space<vmem>>, vector<16xi32>,
      tpu.vector_store %arg24[%swap3A_437], %get3A_434 {strides = array<i32>} : memref<8192xi32, #tpu.memory_space<vmem>>, vector<16xi32>,
      %get3A_439 = arith.constant 240 : index
      %get3A_440 = tpu.vector_load %arg21[%get3A_439] {strides = array<i32>} : memref<256xi32, #tpu.memory_space<vmem>>, vector<16xi32>,
      %add3A_441 = arith.constant 48 : i32
      %add3A_442 = arith.addi %mul3A_400, %add3A_441 : i32
      %swap3A_443 = arith.index_cast %add3A_442 : i32 to index
      %swap3A_444 = tpu.vector_load %arg24[%swap3A_443] {strides = array<i32>} : memref<8192xi32, #tpu.memory_space<vmem>>, vector<16xi32>,
      tpu.vector_store %arg24[%swap3A_443], %get3A_440 {strides = array<i32>} : memref<8192xi32, #tpu.memory_space<vmem>>, vector<16xi32>,
      %mul3A_445 = arith.constant 8 : i32
      %mul3A_446 = arith.muli %mul3A_445, %scan3A_47 : i32
      %add3A_447 = arith.constant 4 : i32
      %add3A_448 = arith.addi %mul3A_446, %add3A_447 : i32
      %add3A_449 = arith.addi %mul3A_2, %add3A_448 : i32
      %dma_wait3A_450 = arith.constant 0 : i32
      %dma_wait3A_451 = tpu.memref_slice %arg2[%mul3A_2, %dma_wait3A_450] : memref<4096x4096xf32, #tpu.memory_space<hbm>> -> memref<1x4096xf32, #tpu.memory_space<hbm>>
      %dma_wait3A_452 = tpu.memref_squeeze %dma_wait3A_451 : memref<1x4096xf32, #tpu.memory_space<hbm>> -> memref<4096xf32, #tpu.memory_space<hbm>>
      %dma_wait3A_453 = arith.constant 0 : i32
      %dma_wait3A_454 = tpu.memref_slice %arg2[%mul3A_2, %dma_wait3A_453] : memref<4096x4096xf32, #tpu.memory_space<hbm>> -> memref<1x4096xf32, #tpu.memory_space<hbm>>
      %dma_wait3A_455 = tpu.memref_squeeze %dma_wait3A_454 : memref<1x4096xf32, #tpu.memory_space<hbm>> -> memref<4096xf32, #tpu.memory_space<hbm>>
      tpu.wait_dma2 semaphore(%arg26 : memref<!tpu.dma_semaphore, #tpu.memory_space<semaphore_mem>>) src(%dma_wait3A_455 : memref<4096xf32, #tpu.memory_space<hbm>>) dst(%arg11 : memref<4096xf32, #tpu.memory_space<vmem>>)
      %dma_wait3A_456 = arith.constant 0 : i32
      %dma_wait3A_457 = tpu.memref_slice %arg2[%mul3A_2, %dma_wait3A_456] : memref<4096x4096xf32, #tpu.memory_space<hbm>> -> memref<1x4096xf32, #tpu.memory_space<hbm>>
      %dma_wait3A_458 = tpu.memref_squeeze %dma_wait3A_457 : memref<1x4096xf32, #tpu.memory_space<hbm>> -> memref<4096xf32, #tpu.memory_space<hbm>>
      %dma_wait3A_459 = arith.constant 0 : i32
      %dma_wait3A_460 = tpu.memref_slice %arg2[%mul3A_2, %dma_wait3A_459] : memref<4096x4096xf32, #tpu.memory_space<hbm>> -> memref<1x4096xf32, #tpu.memory_space<hbm>>
      %dma_wait3A_461 = tpu.memref_squeeze %dma_wait3A_460 : memref<1x4096xf32, #tpu.memory_space<hbm>> -> memref<4096xf32, #tpu.memory_space<hbm>>
      tpu.wait_dma2 semaphore(%arg26 : memref<!tpu.dma_semaphore, #tpu.memory_space<semaphore_mem>>) src(%dma_wait3A_461 : memref<4096xf32, #tpu.memory_space<hbm>>) dst(%arg12 : memref<4096xf32, #tpu.memory_space<vmem>>)
      %dma_wait3A_462 = arith.constant 0 : i32
      %dma_wait3A_463 = tpu.memref_slice %arg2[%mul3A_2, %dma_wait3A_462] : memref<4096x4096xf32, #tpu.memory_space<hbm>> -> memref<1x4096xf32, #tpu.memory_space<hbm>>
      %dma_wait3A_464 = tpu.memref_squeeze %dma_wait3A_463 : memref<1x4096xf32, #tpu.memory_space<hbm>> -> memref<4096xf32, #tpu.memory_space<hbm>>
      %dma_wait3A_465 = arith.constant 0 : i32
      %dma_wait3A_466 = tpu.memref_slice %arg2[%mul3A_2, %dma_wait3A_465] : memref<4096x4096xf32, #tpu.memory_space<hbm>> -> memref<1x4096xf32, #tpu.memory_space<hbm>>
      %dma_wait3A_467 = tpu.memref_squeeze %dma_wait3A_466 : memref<1x4096xf32, #tpu.memory_space<hbm>> -> memref<4096xf32, #tpu.memory_space<hbm>>
      tpu.wait_dma2 semaphore(%arg26 : memref<!tpu.dma_semaphore, #tpu.memory_space<semaphore_mem>>) src(%dma_wait3A_467 : memref<4096xf32, #tpu.memory_space<hbm>>) dst(%arg13 : memref<4096xf32, #tpu.memory_space<vmem>>)
      %dma_wait3A_468 = arith.constant 0 : i32
      %dma_wait3A_469 = tpu.memref_slice %arg2[%mul3A_2, %dma_wait3A_468] : memref<4096x4096xf32, #tpu.memory_space<hbm>> -> memref<1x4096xf32, #tpu.memory_space<hbm>>
      %dma_wait3A_470 = tpu.memref_squeeze %dma_wait3A_469 : memref<1x4096xf32, #tpu.memory_space<hbm>> -> memref<4096xf32, #tpu.memory_space<hbm>>
      %dma_wait3A_471 = arith.constant 0 : i32
      %dma_wait3A_472 = tpu.memref_slice %arg2[%mul3A_2, %dma_wait3A_471] : memref<4096x4096xf32, #tpu.memory_space<hbm>> -> memref<1x4096xf32, #tpu.memory_space<hbm>>
      %dma_wait3A_473 = tpu.memref_squeeze %dma_wait3A_472 : memref<1x4096xf32, #tpu.memory_space<hbm>> -> memref<4096xf32, #tpu.memory_space<hbm>>
      tpu.wait_dma2 semaphore(%arg26 : memref<!tpu.dma_semaphore, #tpu.memory_space<semaphore_mem>>) src(%dma_wait3A_473 : memref<4096xf32, #tpu.memory_space<hbm>>) dst(%arg14 : memref<4096xf32, #tpu.memory_space<vmem>>)
      %add3A_474 = arith.constant 4 : i32
      %add3A_475 = arith.addi %add3A_448, %add3A_474 : i32
      %lt3A_476 = arith.constant 128 : i32
      %lt3A_477 = arith.cmpi slt, %add3A_475, %lt3A_476 : i32
      %convert_element_type3A_478 = arith.extui %lt3A_477 : i1 to i32
      %cond3A_479 = arith.constant 0 : i32
      %cond3A_480 = arith.cmpi ne, %convert_element_type3A_478, %cond3A_479 : i32
      scf.if %cond3A_480 {
        %add3A_853 = arith.constant 4 : i32
        %add3A_854 = arith.addi %add3A_449, %add3A_853 : i32
        %add3A_855 = arith.constant 0 : i32
        %add3A_856 = arith.addi %add3A_854, %add3A_855 : i32
        %dma_start3A_857 = arith.constant 0 : i32
        %dma_start3A_858 = tpu.memref_slice %arg2[%add3A_856, %dma_start3A_857] : memref<4096x4096xf32, #tpu.memory_space<hbm>> -> memref<1x4096xf32, #tpu.memory_space<hbm>>
        %dma_start3A_859 = tpu.memref_squeeze %dma_start3A_858 : memref<1x4096xf32, #tpu.memory_space<hbm>> -> memref<4096xf32, #tpu.memory_space<hbm>>
        %dma_start3A_860 = arith.constant 0 : i32
        %dma_start3A_861 = tpu.memref_slice %arg2[%add3A_856, %dma_start3A_860] : memref<4096x4096xf32, #tpu.memory_space<hbm>> -> memref<1x4096xf32, #tpu.memory_space<hbm>>
        %dma_start3A_862 = tpu.memref_squeeze %dma_start3A_861 : memref<1x4096xf32, #tpu.memory_space<hbm>> -> memref<4096xf32, #tpu.memory_space<hbm>>
        tpu.enqueue_dma source(%dma_start3A_862 : memref<4096xf32, #tpu.memory_space<hbm>>) target(%arg7 : memref<4096xf32, #tpu.memory_space<vmem>>) target_semaphore(%arg25 : memref<!tpu.dma_semaphore, #tpu.memory_space<semaphore_mem>>)
        %add3A_863 = arith.constant 4 : i32
        %add3A_864 = arith.addi %add3A_449, %add3A_863 : i32
        %add3A_865 = arith.constant 1 : i32
        %add3A_866 = arith.addi %add3A_864, %add3A_865 : i32
        %dma_start3A_867 = arith.constant 0 : i32
        %dma_start3A_868 = tpu.memref_slice %arg2[%add3A_866, %dma_start3A_867] : memref<4096x4096xf32, #tpu.memory_space<hbm>> -> memref<1x4096xf32, #tpu.memory_space<hbm>>
        %dma_start3A_869 = tpu.memref_squeeze %dma_start3A_868 : memref<1x4096xf32, #tpu.memory_space<hbm>> -> memref<4096xf32, #tpu.memory_space<hbm>>
        %dma_start3A_870 = arith.constant 0 : i32
        %dma_start3A_871 = tpu.memref_slice %arg2[%add3A_866, %dma_start3A_870] : memref<4096x4096xf32, #tpu.memory_space<hbm>> -> memref<1x4096xf32, #tpu.memory_space<hbm>>
        %dma_start3A_872 = tpu.memref_squeeze %dma_start3A_871 : memref<1x4096xf32, #tpu.memory_space<hbm>> -> memref<4096xf32, #tpu.memory_space<hbm>>
        tpu.enqueue_dma source(%dma_start3A_872 : memref<4096xf32, #tpu.memory_space<hbm>>) target(%arg8 : memref<4096xf32, #tpu.memory_space<vmem>>) target_semaphore(%arg25 : memref<!tpu.dma_semaphore, #tpu.memory_space<semaphore_mem>>)
        %add3A_873 = arith.constant 4 : i32
        %add3A_874 = arith.addi %add3A_449, %add3A_873 : i32
        %add3A_875 = arith.constant 2 : i32
        %add3A_876 = arith.addi %add3A_874, %add3A_875 : i32
        %dma_start3A_877 = arith.constant 0 : i32
        %dma_start3A_878 = tpu.memref_slice %arg2[%add3A_876, %dma_start3A_877] : memref<4096x4096xf32, #tpu.memory_space<hbm>> -> memref<1x4096xf32, #tpu.memory_space<hbm>>
        %dma_start3A_879 = tpu.memref_squeeze %dma_start3A_878 : memref<1x4096xf32, #tpu.memory_space<hbm>> -> memref<4096xf32, #tpu.memory_space<hbm>>
        %dma_start3A_880 = arith.constant 0 : i32
        %dma_start3A_881 = tpu.memref_slice %arg2[%add3A_876, %dma_start3A_880] : memref<4096x4096xf32, #tpu.memory_space<hbm>> -> memref<1x4096xf32, #tpu.memory_space<hbm>>
        %dma_start3A_882 = tpu.memref_squeeze %dma_start3A_881 : memref<1x4096xf32, #tpu.memory_space<hbm>> -> memref<4096xf32, #tpu.memory_space<hbm>>
        tpu.enqueue_dma source(%dma_start3A_882 : memref<4096xf32, #tpu.memory_space<hbm>>) target(%arg9 : memref<4096xf32, #tpu.memory_space<vmem>>) target_semaphore(%arg25 : memref<!tpu.dma_semaphore, #tpu.memory_space<semaphore_mem>>)
        %add3A_883 = arith.constant 4 : i32
        %add3A_884 = arith.addi %add3A_449, %add3A_883 : i32
        %add3A_885 = arith.constant 3 : i32
        %add3A_886 = arith.addi %add3A_884, %add3A_885 : i32
        %dma_start3A_887 = arith.constant 0 : i32
        %dma_start3A_888 = tpu.memref_slice %arg2[%add3A_886, %dma_start3A_887] : memref<4096x4096xf32, #tpu.memory_space<hbm>> -> memref<1x4096xf32, #tpu.memory_space<hbm>>
        %dma_start3A_889 = tpu.memref_squeeze %dma_start3A_888 : memref<1x4096xf32, #tpu.memory_space<hbm>> -> memref<4096xf32, #tpu.memory_space<hbm>>
        %dma_start3A_890 = arith.constant 0 : i32
        %dma_start3A_891 = tpu.memref_slice %arg2[%add3A_886, %dma_start3A_890] : memref<4096x4096xf32, #tpu.memory_space<hbm>> -> memref<1x4096xf32, #tpu.memory_space<hbm>>
        %dma_start3A_892 = tpu.memref_squeeze %dma_start3A_891 : memref<1x4096xf32, #tpu.memory_space<hbm>> -> memref<4096xf32, #tpu.memory_space<hbm>>
        tpu.enqueue_dma source(%dma_start3A_892 : memref<4096xf32, #tpu.memory_space<hbm>>) target(%arg10 : memref<4096xf32, #tpu.memory_space<vmem>>) target_semaphore(%arg25 : memref<!tpu.dma_semaphore, #tpu.memory_space<semaphore_mem>>)
      } else {
      }
      %scan3A_481 = arith.constant 0 : i32
      %scan3A_482 = arith.constant 16 : i32
      %scan3A_483 = arith.addi %scan3A_481, %scan3A_482 : i32
      %scan3A_484 = arith.constant 1 : i32
      %scan3A_485:4 = scf.for %scan3A_853 = %scan3A_481 to %scan3A_483 step %scan3A_484 iter_args(%scan3A_854 = %broadcast_in_dim3A_5, %scan3A_855 = %broadcast_in_dim3A_5, %scan3A_856 = %broadcast_in_dim3A_5, %scan3A_857 = %broadcast_in_dim3A_5) -> (vector<16xf32>, vector<16xf32>, vector<16xf32>, vector<16xf32>)  : i32 {
        %scan3A_858 = arith.constant 0 : i32
        %scan3A_859 = arith.constant 16 : i32
        %scan3A_860 = arith.addi %scan3A_858, %scan3A_859 : i32
        %scan3A_861 = arith.constant 8 : i32
        %scan3A_862:4 = scf.for %scan3A_883 = %scan3A_858 to %scan3A_860 step %scan3A_861 iter_args(%scan3A_884 = %broadcast_in_dim3A_5, %scan3A_885 = %broadcast_in_dim3A_5, %scan3A_886 = %broadcast_in_dim3A_5, %scan3A_887 = %broadcast_in_dim3A_5) -> (vector<16xf32>, vector<16xf32>, vector<16xf32>, vector<16xf32>)  : i32 {
          %mul3A_888 = arith.constant 16 : i32
          %mul3A_889 = arith.muli %scan3A_853, %mul3A_888 : i32
          %add3A_890 = arith.addi %mul3A_889, %scan3A_883 : i32
          %mul3A_891 = arith.constant 16 : i32
          %mul3A_892 = arith.muli %add3A_890, %mul3A_891 : i32
          %get3A_893 = arith.index_cast %mul3A_892 : i32 to index
          %get3A_894 = tpu.vector_load %arg11[%get3A_893] {strides = array<i32>} : memref<4096xf32, #tpu.memory_space<vmem>>, vector<16xf32>,
          %max3A_895 = arith.maximumf %scan3A_884, %get3A_894 : vector<16xf32>
          %get3A_896 = arith.index_cast %mul3A_892 : i32 to index
          %get3A_897 = tpu.vector_load %arg12[%get3A_896] {strides = array<i32>} : memref<4096xf32, #tpu.memory_space<vmem>>, vector<16xf32>,
          %max3A_898 = arith.maximumf %scan3A_885, %get3A_897 : vector<16xf32>
          %get3A_899 = arith.index_cast %mul3A_892 : i32 to index
          %get3A_900 = tpu.vector_load %arg13[%get3A_899] {strides = array<i32>} : memref<4096xf32, #tpu.memory_space<vmem>>, vector<16xf32>,
          %max3A_901 = arith.maximumf %scan3A_886, %get3A_900 : vector<16xf32>
          %get3A_902 = arith.index_cast %mul3A_892 : i32 to index
          %get3A_903 = tpu.vector_load %arg14[%get3A_902] {strides = array<i32>} : memref<4096xf32, #tpu.memory_space<vmem>>, vector<16xf32>,
          %max3A_904 = arith.maximumf %scan3A_887, %get3A_903 : vector<16xf32>
          %scan3A_905 = arith.constant 1 : i32
          %scan3A_906 = arith.addi %scan3A_883, %scan3A_905 : i32
          %mul3A_907 = arith.constant 16 : i32
          %mul3A_908 = arith.muli %scan3A_853, %mul3A_907 : i32
          %add3A_909 = arith.addi %mul3A_908, %scan3A_906 : i32
          %mul3A_910 = arith.constant 16 : i32
          %mul3A_911 = arith.muli %add3A_909, %mul3A_910 : i32
          %get3A_912 = arith.index_cast %mul3A_911 : i32 to index
          %get3A_913 = tpu.vector_load %arg11[%get3A_912] {strides = array<i32>} : memref<4096xf32, #tpu.memory_space<vmem>>, vector<16xf32>,
          %max3A_914 = arith.maximumf %max3A_895, %get3A_913 : vector<16xf32>
          %get3A_915 = arith.index_cast %mul3A_911 : i32 to index
          %get3A_916 = tpu.vector_load %arg12[%get3A_915] {strides = array<i32>} : memref<4096xf32, #tpu.memory_space<vmem>>, vector<16xf32>,
          %max3A_917 = arith.maximumf %max3A_898, %get3A_916 : vector<16xf32>
          %get3A_918 = arith.index_cast %mul3A_911 : i32 to index
          %get3A_919 = tpu.vector_load %arg13[%get3A_918] {strides = array<i32>} : memref<4096xf32, #tpu.memory_space<vmem>>, vector<16xf32>,
          %max3A_920 = arith.maximumf %max3A_901, %get3A_919 : vector<16xf32>
          %get3A_921 = arith.index_cast %mul3A_911 : i32 to index
          %get3A_922 = tpu.vector_load %arg14[%get3A_921] {strides = array<i32>} : memref<4096xf32, #tpu.memory_space<vmem>>, vector<16xf32>,
          %max3A_923 = arith.maximumf %max3A_904, %get3A_922 : vector<16xf32>
          %scan3A_924 = arith.constant 2 : i32
          %scan3A_925 = arith.addi %scan3A_883, %scan3A_924 : i32
          %mul3A_926 = arith.constant 16 : i32
          %mul3A_927 = arith.muli %scan3A_853, %mul3A_926 : i32
          %add3A_928 = arith.addi %mul3A_927, %scan3A_925 : i32
          %mul3A_929 = arith.constant 16 : i32
          %mul3A_930 = arith.muli %add3A_928, %mul3A_929 : i32
          %get3A_931 = arith.index_cast %mul3A_930 : i32 to index
          %get3A_932 = tpu.vector_load %arg11[%get3A_931] {strides = array<i32>} : memref<4096xf32, #tpu.memory_space<vmem>>, vector<16xf32>,
          %max3A_933 = arith.maximumf %max3A_914, %get3A_932 : vector<16xf32>
          %get3A_934 = arith.index_cast %mul3A_930 : i32 to index
          %get3A_935 = tpu.vector_load %arg12[%get3A_934] {strides = array<i32>} : memref<4096xf32, #tpu.memory_space<vmem>>, vector<16xf32>,
          %max3A_936 = arith.maximumf %max3A_917, %get3A_935 : vector<16xf32>
          %get3A_937 = arith.index_cast %mul3A_930 : i32 to index
          %get3A_938 = tpu.vector_load %arg13[%get3A_937] {strides = array<i32>} : memref<4096xf32, #tpu.memory_space<vmem>>, vector<16xf32>,
          %max3A_939 = arith.maximumf %max3A_920, %get3A_938 : vector<16xf32>
          %get3A_940 = arith.index_cast %mul3A_930 : i32 to index
          %get3A_941 = tpu.vector_load %arg14[%get3A_940] {strides = array<i32>} : memref<4096xf32, #tpu.memory_space<vmem>>, vector<16xf32>,
          %max3A_942 = arith.maximumf %max3A_923, %get3A_941 : vector<16xf32>
          %scan3A_943 = arith.constant 3 : i32
          %scan3A_944 = arith.addi %scan3A_883, %scan3A_943 : i32
          %mul3A_945 = arith.constant 16 : i32
          %mul3A_946 = arith.muli %scan3A_853, %mul3A_945 : i32
          %add3A_947 = arith.addi %mul3A_946, %scan3A_944 : i32
          %mul3A_948 = arith.constant 16 : i32
          %mul3A_949 = arith.muli %add3A_947, %mul3A_948 : i32
          %get3A_950 = arith.index_cast %mul3A_949 : i32 to index
          %get3A_951 = tpu.vector_load %arg11[%get3A_950] {strides = array<i32>} : memref<4096xf32, #tpu.memory_space<vmem>>, vector<16xf32>,
          %max3A_952 = arith.maximumf %max3A_933, %get3A_951 : vector<16xf32>
          %get3A_953 = arith.index_cast %mul3A_949 : i32 to index
          %get3A_954 = tpu.vector_load %arg12[%get3A_953] {strides = array<i32>} : memref<4096xf32, #tpu.memory_space<vmem>>, vector<16xf32>,
          %max3A_955 = arith.maximumf %max3A_936, %get3A_954 : vector<16xf32>
          %get3A_956 = arith.index_cast %mul3A_949 : i32 to index
          %get3A_957 = tpu.vector_load %arg13[%get3A_956] {strides = array<i32>} : memref<4096xf32, #tpu.memory_space<vmem>>, vector<16xf32>,
          %max3A_958 = arith.maximumf %max3A_939, %get3A_957 : vector<16xf32>
          %get3A_959 = arith.index_cast %mul3A_949 : i32 to index
          %get3A_960 = tpu.vector_load %arg14[%get3A_959] {strides = array<i32>} : memref<4096xf32, #tpu.memory_space<vmem>>, vector<16xf32>,
          %max3A_961 = arith.maximumf %max3A_942, %get3A_960 : vector<16xf32>
          %scan3A_962 = arith.constant 4 : i32
          %scan3A_963 = arith.addi %scan3A_883, %scan3A_962 : i32
          %mul3A_964 = arith.constant 16 : i32
          %mul3A_965 = arith.muli %scan3A_853, %mul3A_964 : i32
          %add3A_966 = arith.addi %mul3A_965, %scan3A_963 : i32
          %mul3A_967 = arith.constant 16 : i32
          %mul3A_968 = arith.muli %add3A_966, %mul3A_967 : i32
          %get3A_969 = arith.index_cast %mul3A_968 : i32 to index
          %get3A_970 = tpu.vector_load %arg11[%get3A_969] {strides = array<i32>} : memref<4096xf32, #tpu.memory_space<vmem>>, vector<16xf32>,
          %max3A_971 = arith.maximumf %max3A_952, %get3A_970 : vector<16xf32>
          %get3A_972 = arith.index_cast %mul3A_968 : i32 to index
          %get3A_973 = tpu.vector_load %arg12[%get3A_972] {strides = array<i32>} : memref<4096xf32, #tpu.memory_space<vmem>>, vector<16xf32>,
          %max3A_974 = arith.maximumf %max3A_955, %get3A_973 : vector<16xf32>
          %get3A_975 = arith.index_cast %mul3A_968 : i32 to index
          %get3A_976 = tpu.vector_load %arg13[%get3A_975] {strides = array<i32>} : memref<4096xf32, #tpu.memory_space<vmem>>, vector<16xf32>,
          %max3A_977 = arith.maximumf %max3A_958, %get3A_976 : vector<16xf32>
          %get3A_978 = arith.index_cast %mul3A_968 : i32 to index
          %get3A_979 = tpu.vector_load %arg14[%get3A_978] {strides = array<i32>} : memref<4096xf32, #tpu.memory_space<vmem>>, vector<16xf32>,
          %max3A_980 = arith.maximumf %max3A_961, %get3A_979 : vector<16xf32>
          %scan3A_981 = arith.constant 5 : i32
          %scan3A_982 = arith.addi %scan3A_883, %scan3A_981 : i32
          %mul3A_983 = arith.constant 16 : i32
          %mul3A_984 = arith.muli %scan3A_853, %mul3A_983 : i32
          %add3A_985 = arith.addi %mul3A_984, %scan3A_982 : i32
          %mul3A_986 = arith.constant 16 : i32
          %mul3A_987 = arith.muli %add3A_985, %mul3A_986 : i32
          %get3A_988 = arith.index_cast %mul3A_987 : i32 to index
          %get3A_989 = tpu.vector_load %arg11[%get3A_988] {strides = array<i32>} : memref<4096xf32, #tpu.memory_space<vmem>>, vector<16xf32>,
          %max3A_990 = arith.maximumf %max3A_971, %get3A_989 : vector<16xf32>
          %get3A_991 = arith.index_cast %mul3A_987 : i32 to index
          %get3A_992 = tpu.vector_load %arg12[%get3A_991] {strides = array<i32>} : memref<4096xf32, #tpu.memory_space<vmem>>, vector<16xf32>,
          %max3A_993 = arith.maximumf %max3A_974, %get3A_992 : vector<16xf32>
          %get3A_994 = arith.index_cast %mul3A_987 : i32 to index
          %get3A_995 = tpu.vector_load %arg13[%get3A_994] {strides = array<i32>} : memref<4096xf32, #tpu.memory_space<vmem>>, vector<16xf32>,
          %max3A_996 = arith.maximumf %max3A_977, %get3A_995 : vector<16xf32>
          %get3A_997 = arith.index_cast %mul3A_987 : i32 to index
          %get3A_998 = tpu.vector_load %arg14[%get3A_997] {strides = array<i32>} : memref<4096xf32, #tpu.memory_space<vmem>>, vector<16xf32>,
          %max3A_999 = arith.maximumf %max3A_980, %get3A_998 : vector<16xf32>
          %scan3A_1000 = arith.constant 6 : i32
          %scan3A_1001 = arith.addi %scan3A_883, %scan3A_1000 : i32
          %mul3A_1002 = arith.constant 16 : i32
          %mul3A_1003 = arith.muli %scan3A_853, %mul3A_1002 : i32
          %add3A_1004 = arith.addi %mul3A_1003, %scan3A_1001 : i32
          %mul3A_1005 = arith.constant 16 : i32
          %mul3A_1006 = arith.muli %add3A_1004, %mul3A_1005 : i32
          %get3A_1007 = arith.index_cast %mul3A_1006 : i32 to index
          %get3A_1008 = tpu.vector_load %arg11[%get3A_1007] {strides = array<i32>} : memref<4096xf32, #tpu.memory_space<vmem>>, vector<16xf32>,
          %max3A_1009 = arith.maximumf %max3A_990, %get3A_1008 : vector<16xf32>
          %get3A_1010 = arith.index_cast %mul3A_1006 : i32 to index
          %get3A_1011 = tpu.vector_load %arg12[%get3A_1010] {strides = array<i32>} : memref<4096xf32, #tpu.memory_space<vmem>>, vector<16xf32>,
          %max3A_1012 = arith.maximumf %max3A_993, %get3A_1011 : vector<16xf32>
          %get3A_1013 = arith.index_cast %mul3A_1006 : i32 to index
          %get3A_1014 = tpu.vector_load %arg13[%get3A_1013] {strides = array<i32>} : memref<4096xf32, #tpu.memory_space<vmem>>, vector<16xf32>,
          %max3A_1015 = arith.maximumf %max3A_996, %get3A_1014 : vector<16xf32>
          %get3A_1016 = arith.index_cast %mul3A_1006 : i32 to index
          %get3A_1017 = tpu.vector_load %arg14[%get3A_1016] {strides = array<i32>} : memref<4096xf32, #tpu.memory_space<vmem>>, vector<16xf32>,
          %max3A_1018 = arith.maximumf %max3A_999, %get3A_1017 : vector<16xf32>
          %scan3A_1019 = arith.constant 7 : i32
          %scan3A_1020 = arith.addi %scan3A_883, %scan3A_1019 : i32
          %mul3A_1021 = arith.constant 16 : i32
          %mul3A_1022 = arith.muli %scan3A_853, %mul3A_1021 : i32
          %add3A_1023 = arith.addi %mul3A_1022, %scan3A_1020 : i32
          %mul3A_1024 = arith.constant 16 : i32
          %mul3A_1025 = arith.muli %add3A_1023, %mul3A_1024 : i32
          %get3A_1026 = arith.index_cast %mul3A_1025 : i32 to index
          %get3A_1027 = tpu.vector_load %arg11[%get3A_1026] {strides = array<i32>} : memref<4096xf32, #tpu.memory_space<vmem>>, vector<16xf32>,
          %max3A_1028 = arith.maximumf %max3A_1009, %get3A_1027 : vector<16xf32>
          %get3A_1029 = arith.index_cast %mul3A_1025 : i32 to index
          %get3A_1030 = tpu.vector_load %arg12[%get3A_1029] {strides = array<i32>} : memref<4096xf32, #tpu.memory_space<vmem>>, vector<16xf32>,
          %max3A_1031 = arith.maximumf %max3A_1012, %get3A_1030 : vector<16xf32>
          %get3A_1032 = arith.index_cast %mul3A_1025 : i32 to index
          %get3A_1033 = tpu.vector_load %arg13[%get3A_1032] {strides = array<i32>} : memref<4096xf32, #tpu.memory_space<vmem>>, vector<16xf32>,
          %max3A_1034 = arith.maximumf %max3A_1015, %get3A_1033 : vector<16xf32>
          %get3A_1035 = arith.index_cast %mul3A_1025 : i32 to index
          %get3A_1036 = tpu.vector_load %arg14[%get3A_1035] {strides = array<i32>} : memref<4096xf32, #tpu.memory_space<vmem>>, vector<16xf32>,
          %max3A_1037 = arith.maximumf %max3A_1018, %get3A_1036 : vector<16xf32>
          scf.yield %max3A_1028, %max3A_1031, %max3A_1034, %max3A_1037 : vector<16xf32>, vector<16xf32>, vector<16xf32>, vector<16xf32>
        }
        %scan3A_863 = arith.constant 16 : i32
        %mul3A_864 = arith.constant 16 : i32
        %mul3A_865 = arith.muli %scan3A_853, %mul3A_864 : i32
        %swap3A_866 = arith.index_cast %mul3A_865 : i32 to index
        %swap3A_867 = tpu.vector_load %arg16[%swap3A_866] {strides = array<i32>} : memref<256xf32, #tpu.memory_space<vmem>>, vector<16xf32>,
        tpu.vector_store %arg16[%swap3A_866], %scan3A_862#0 {strides = array<i32>} : memref<256xf32, #tpu.memory_space<vmem>>, vector<16xf32>,
        %mul3A_868 = arith.constant 16 : i32
        %mul3A_869 = arith.muli %scan3A_853, %mul3A_868 : i32
        %swap3A_870 = arith.index_cast %mul3A_869 : i32 to index
        %swap3A_871 = tpu.vector_load %arg17[%swap3A_870] {strides = array<i32>} : memref<256xf32, #tpu.memory_space<vmem>>, vector<16xf32>,
        tpu.vector_store %arg17[%swap3A_870], %scan3A_862#1 {strides = array<i32>} : memref<256xf32, #tpu.memory_space<vmem>>, vector<16xf32>,
        %mul3A_872 = arith.constant 16 : i32
        %mul3A_873 = arith.muli %scan3A_853, %mul3A_872 : i32
        %swap3A_874 = arith.index_cast %mul3A_873 : i32 to index
        %swap3A_875 = tpu.vector_load %arg18[%swap3A_874] {strides = array<i32>} : memref<256xf32, #tpu.memory_space<vmem>>, vector<16xf32>,
        tpu.vector_store %arg18[%swap3A_874], %scan3A_862#2 {strides = array<i32>} : memref<256xf32, #tpu.memory_space<vmem>>, vector<16xf32>,
        %mul3A_876 = arith.constant 16 : i32
        %mul3A_877 = arith.muli %scan3A_853, %mul3A_876 : i32
        %swap3A_878 = arith.index_cast %mul3A_877 : i32 to index
        %swap3A_879 = tpu.vector_load %arg19[%swap3A_878] {strides = array<i32>} : memref<256xf32, #tpu.memory_space<vmem>>, vector<16xf32>,
        tpu.vector_store %arg19[%swap3A_878], %scan3A_862#3 {strides = array<i32>} : memref<256xf32, #tpu.memory_space<vmem>>, vector<16xf32>,
        %max3A = arith.maximumf %scan3A_854, %scan3A_862#0 : vector<16xf32>
        %max3A_880 = arith.maximumf %scan3A_855, %scan3A_862#1 : vector<16xf32>
        %max3A_881 = arith.maximumf %scan3A_856, %scan3A_862#2 : vector<16xf32>
        %max3A_882 = arith.maximumf %scan3A_857, %scan3A_862#3 : vector<16xf32>
        scf.yield %max3A, %max3A_880, %max3A_881, %max3A_882 : vector<16xf32>, vector<16xf32>, vector<16xf32>, vector<16xf32>
      }
      %scan3A_486 = arith.constant 16 : i32
      %broadcast_in_dim3A_487 = arith.constant 3 : i32
      %broadcast_in_dim3A_488 = vector.broadcast %broadcast_in_dim3A_487 : i32 to vector<16xi32>
      %masked_sort3A_489 = arith.constant dense<true> : vector<16xi1>
      %masked_sort3A_490, %masked_sort3A_491, %masked_sort3A_492 = tpu.sort %scan3A_485#0, %scan3A_485#0 masked %masked_sort3A_489 {descending = true} : (vector<16xf32>, vector<16xf32>, vector<16xi1>) -> (vector<16xi1>, vector<16xf32>, vector<16xf32>)
      %lt3A_493 = arith.constant 0 : i32
      %lt3A_494 = vector.broadcast %lt3A_493 : i32 to vector<16xi32>
      %lt3A_495 = arith.cmpi slt, %broadcast_in_dim3A_488, %lt3A_494 : vector<16xi32>
      %add3A_496 = arith.constant 16 : i32
      %add3A_497 = vector.broadcast %add3A_496 : i32 to vector<16xi32>
      %add3A_498 = arith.addi %broadcast_in_dim3A_488, %add3A_497 : vector<16xi32>
      %select_n3A_499 = arith.select %lt3A_495, %add3A_498, %broadcast_in_dim3A_488 : vector<16xi1>, vector<16xi32>
      %broadcast_in_dim3A_500 = vector.shape_cast %select_n3A_499 : vector<16xi32> to vector<16x1xi32>
      %gather3A_501 = vector.shape_cast %broadcast_in_dim3A_500 : vector<16x1xi32> to vector<16xi32>
      %gather3A_502 = tpu.dynamic_gather %masked_sort3A_491[%gather3A_501] in [0] : vector<16xf32>, vector<16xi32> -> vector<16xf32>
      %masked_sort3A_503 = arith.constant dense<true> : vector<16xi1>
      %masked_sort3A_504, %masked_sort3A_505, %masked_sort3A_506 = tpu.sort %scan3A_485#1, %scan3A_485#1 masked %masked_sort3A_503 {descending = true} : (vector<16xf32>, vector<16xf32>, vector<16xi1>) -> (vector<16xi1>, vector<16xf32>, vector<16xf32>)
      %lt3A_507 = arith.constant 0 : i32
      %lt3A_508 = vector.broadcast %lt3A_507 : i32 to vector<16xi32>
      %lt3A_509 = arith.cmpi slt, %broadcast_in_dim3A_488, %lt3A_508 : vector<16xi32>
      %add3A_510 = arith.constant 16 : i32
      %add3A_511 = vector.broadcast %add3A_510 : i32 to vector<16xi32>
      %add3A_512 = arith.addi %broadcast_in_dim3A_488, %add3A_511 : vector<16xi32>
      %select_n3A_513 = arith.select %lt3A_509, %add3A_512, %broadcast_in_dim3A_488 : vector<16xi1>, vector<16xi32>
      %broadcast_in_dim3A_514 = vector.shape_cast %select_n3A_513 : vector<16xi32> to vector<16x1xi32>
      %gather3A_515 = vector.shape_cast %broadcast_in_dim3A_514 : vector<16x1xi32> to vector<16xi32>
      %gather3A_516 = tpu.dynamic_gather %masked_sort3A_505[%gather3A_515] in [0] : vector<16xf32>, vector<16xi32> -> vector<16xf32>
      %masked_sort3A_517 = arith.constant dense<true> : vector<16xi1>
      %masked_sort3A_518, %masked_sort3A_519, %masked_sort3A_520 = tpu.sort %scan3A_485#2, %scan3A_485#2 masked %masked_sort3A_517 {descending = true} : (vector<16xf32>, vector<16xf32>, vector<16xi1>) -> (vector<16xi1>, vector<16xf32>, vector<16xf32>)
      %lt3A_521 = arith.constant 0 : i32
      %lt3A_522 = vector.broadcast %lt3A_521 : i32 to vector<16xi32>
      %lt3A_523 = arith.cmpi slt, %broadcast_in_dim3A_488, %lt3A_522 : vector<16xi32>
      %add3A_524 = arith.constant 16 : i32
      %add3A_525 = vector.broadcast %add3A_524 : i32 to vector<16xi32>
      %add3A_526 = arith.addi %broadcast_in_dim3A_488, %add3A_525 : vector<16xi32>
      %select_n3A_527 = arith.select %lt3A_523, %add3A_526, %broadcast_in_dim3A_488 : vector<16xi1>, vector<16xi32>
      %broadcast_in_dim3A_528 = vector.shape_cast %select_n3A_527 : vector<16xi32> to vector<16x1xi32>
      %gather3A_529 = vector.shape_cast %broadcast_in_dim3A_528 : vector<16x1xi32> to vector<16xi32>
      %gather3A_530 = tpu.dynamic_gather %masked_sort3A_519[%gather3A_529] in [0] : vector<16xf32>, vector<16xi32> -> vector<16xf32>
      %masked_sort3A_531 = arith.constant dense<true> : vector<16xi1>
      %masked_sort3A_532, %masked_sort3A_533, %masked_sort3A_534 = tpu.sort %scan3A_485#3, %scan3A_485#3 masked %masked_sort3A_531 {descending = true} : (vector<16xf32>, vector<16xf32>, vector<16xi1>) -> (vector<16xi1>, vector<16xf32>, vector<16xf32>)
      %lt3A_535 = arith.constant 0 : i32
      %lt3A_536 = vector.broadcast %lt3A_535 : i32 to vector<16xi32>
      %lt3A_537 = arith.cmpi slt, %broadcast_in_dim3A_488, %lt3A_536 : vector<16xi32>
      %add3A_538 = arith.constant 16 : i32
      %add3A_539 = vector.broadcast %add3A_538 : i32 to vector<16xi32>
      %add3A_540 = arith.addi %broadcast_in_dim3A_488, %add3A_539 : vector<16xi32>
      %select_n3A_541 = arith.select %lt3A_537, %add3A_540, %broadcast_in_dim3A_488 : vector<16xi1>, vector<16xi32>
      %broadcast_in_dim3A_542 = vector.shape_cast %select_n3A_541 : vector<16xi32> to vector<16x1xi32>
      %gather3A_543 = vector.shape_cast %broadcast_in_dim3A_542 : vector<16x1xi32> to vector<16xi32>
      %gather3A_544 = tpu.dynamic_gather %masked_sort3A_533[%gather3A_543] in [0] : vector<16xf32>, vector<16xi32> -> vector<16xf32>
      %swap3A_545 = arith.constant 0 : index
      %swap3A_546 = tpu.vector_load %arg20[%swap3A_545] {strides = array<i32>} : memref<256xf32, #tpu.memory_space<vmem>>, vector<16xf32>,
      tpu.vector_store %arg20[%swap3A_545], %broadcast_in_dim3A_5 {strides = array<i32>} : memref<256xf32, #tpu.memory_space<vmem>>, vector<16xf32>,
      %swap3A_547 = arith.constant 0 : index
      %swap3A_548 = tpu.vector_load %arg21[%swap3A_547] {strides = array<i32>} : memref<256xi32, #tpu.memory_space<vmem>>, vector<16xi32>,
      tpu.vector_store %arg21[%swap3A_547], %broadcast_in_dim3A_3 {strides = array<i32>} : memref<256xi32, #tpu.memory_space<vmem>>, vector<16xi32>,
      %swap3A_549 = arith.constant 16 : index
      %swap3A_550 = tpu.vector_load %arg20[%swap3A_549] {strides = array<i32>} : memref<256xf32, #tpu.memory_space<vmem>>, vector<16xf32>,
      tpu.vector_store %arg20[%swap3A_549], %broadcast_in_dim3A_5 {strides = array<i32>} : memref<256xf32, #tpu.memory_space<vmem>>, vector<16xf32>,
      %swap3A_551 = arith.constant 16 : index
      %swap3A_552 = tpu.vector_load %arg21[%swap3A_551] {strides = array<i32>} : memref<256xi32, #tpu.memory_space<vmem>>, vector<16xi32>,
      tpu.vector_store %arg21[%swap3A_551], %broadcast_in_dim3A_3 {strides = array<i32>} : memref<256xi32, #tpu.memory_space<vmem>>, vector<16xi32>,
      %swap3A_553 = arith.constant 32 : index
      %swap3A_554 = tpu.vector_load %arg20[%swap3A_553] {strides = array<i32>} : memref<256xf32, #tpu.memory_space<vmem>>, vector<16xf32>,
      tpu.vector_store %arg20[%swap3A_553], %broadcast_in_dim3A_5 {strides = array<i32>} : memref<256xf32, #tpu.memory_space<vmem>>, vector<16xf32>,
      %swap3A_555 = arith.constant 32 : index
      %swap3A_556 = tpu.vector_load %arg21[%swap3A_555] {strides = array<i32>} : memref<256xi32, #tpu.memory_space<vmem>>, vector<16xi32>,
      tpu.vector_store %arg21[%swap3A_555], %broadcast_in_dim3A_3 {strides = array<i32>} : memref<256xi32, #tpu.memory_space<vmem>>, vector<16xi32>,
      %swap3A_557 = arith.constant 48 : index
      %swap3A_558 = tpu.vector_load %arg20[%swap3A_557] {strides = array<i32>} : memref<256xf32, #tpu.memory_space<vmem>>, vector<16xf32>,
      tpu.vector_store %arg20[%swap3A_557], %broadcast_in_dim3A_5 {strides = array<i32>} : memref<256xf32, #tpu.memory_space<vmem>>, vector<16xf32>,
      %swap3A_559 = arith.constant 48 : index
      %swap3A_560 = tpu.vector_load %arg21[%swap3A_559] {strides = array<i32>} : memref<256xi32, #tpu.memory_space<vmem>>, vector<16xi32>,
      tpu.vector_store %arg21[%swap3A_559], %broadcast_in_dim3A_3 {strides = array<i32>} : memref<256xi32, #tpu.memory_space<vmem>>, vector<16xi32>,
      %swap3A_561 = arith.constant 64 : index
      %swap3A_562 = tpu.vector_load %arg20[%swap3A_561] {strides = array<i32>} : memref<256xf32, #tpu.memory_space<vmem>>, vector<16xf32>,
      tpu.vector_store %arg20[%swap3A_561], %broadcast_in_dim3A_5 {strides = array<i32>} : memref<256xf32, #tpu.memory_space<vmem>>, vector<16xf32>,
      %swap3A_563 = arith.constant 64 : index
      %swap3A_564 = tpu.vector_load %arg21[%swap3A_563] {strides = array<i32>} : memref<256xi32, #tpu.memory_space<vmem>>, vector<16xi32>,
      tpu.vector_store %arg21[%swap3A_563], %broadcast_in_dim3A_3 {strides = array<i32>} : memref<256xi32, #tpu.memory_space<vmem>>, vector<16xi32>,
      %swap3A_565 = arith.constant 80 : index
      %swap3A_566 = tpu.vector_load %arg20[%swap3A_565] {strides = array<i32>} : memref<256xf32, #tpu.memory_space<vmem>>, vector<16xf32>,
      tpu.vector_store %arg20[%swap3A_565], %broadcast_in_dim3A_5 {strides = array<i32>} : memref<256xf32, #tpu.memory_space<vmem>>, vector<16xf32>,
      %swap3A_567 = arith.constant 80 : index
      %swap3A_568 = tpu.vector_load %arg21[%swap3A_567] {strides = array<i32>} : memref<256xi32, #tpu.memory_space<vmem>>, vector<16xi32>,
      tpu.vector_store %arg21[%swap3A_567], %broadcast_in_dim3A_3 {strides = array<i32>} : memref<256xi32, #tpu.memory_space<vmem>>, vector<16xi32>,
      %swap3A_569 = arith.constant 96 : index
      %swap3A_570 = tpu.vector_load %arg20[%swap3A_569] {strides = array<i32>} : memref<256xf32, #tpu.memory_space<vmem>>, vector<16xf32>,
      tpu.vector_store %arg20[%swap3A_569], %broadcast_in_dim3A_5 {strides = array<i32>} : memref<256xf32, #tpu.memory_space<vmem>>, vector<16xf32>,
      %swap3A_571 = arith.constant 96 : index
      %swap3A_572 = tpu.vector_load %arg21[%swap3A_571] {strides = array<i32>} : memref<256xi32, #tpu.memory_space<vmem>>, vector<16xi32>,
      tpu.vector_store %arg21[%swap3A_571], %broadcast_in_dim3A_3 {strides = array<i32>} : memref<256xi32, #tpu.memory_space<vmem>>, vector<16xi32>,
      %swap3A_573 = arith.constant 112 : index
      %swap3A_574 = tpu.vector_load %arg20[%swap3A_573] {strides = array<i32>} : memref<256xf32, #tpu.memory_space<vmem>>, vector<16xf32>,
      tpu.vector_store %arg20[%swap3A_573], %broadcast_in_dim3A_5 {strides = array<i32>} : memref<256xf32, #tpu.memory_space<vmem>>, vector<16xf32>,
      %swap3A_575 = arith.constant 112 : index
      %swap3A_576 = tpu.vector_load %arg21[%swap3A_575] {strides = array<i32>} : memref<256xi32, #tpu.memory_space<vmem>>, vector<16xi32>,
      tpu.vector_store %arg21[%swap3A_575], %broadcast_in_dim3A_3 {strides = array<i32>} : memref<256xi32, #tpu.memory_space<vmem>>, vector<16xi32>,
      %swap3A_577 = arith.constant 128 : index
      %swap3A_578 = tpu.vector_load %arg20[%swap3A_577] {strides = array<i32>} : memref<256xf32, #tpu.memory_space<vmem>>, vector<16xf32>,
      tpu.vector_store %arg20[%swap3A_577], %broadcast_in_dim3A_5 {strides = array<i32>} : memref<256xf32, #tpu.memory_space<vmem>>, vector<16xf32>,
      %swap3A_579 = arith.constant 128 : index
      %swap3A_580 = tpu.vector_load %arg21[%swap3A_579] {strides = array<i32>} : memref<256xi32, #tpu.memory_space<vmem>>, vector<16xi32>,
      tpu.vector_store %arg21[%swap3A_579], %broadcast_in_dim3A_3 {strides = array<i32>} : memref<256xi32, #tpu.memory_space<vmem>>, vector<16xi32>,
      %swap3A_581 = arith.constant 144 : index
      %swap3A_582 = tpu.vector_load %arg20[%swap3A_581] {strides = array<i32>} : memref<256xf32, #tpu.memory_space<vmem>>, vector<16xf32>,
      tpu.vector_store %arg20[%swap3A_581], %broadcast_in_dim3A_5 {strides = array<i32>} : memref<256xf32, #tpu.memory_space<vmem>>, vector<16xf32>,
      %swap3A_583 = arith.constant 144 : index
      %swap3A_584 = tpu.vector_load %arg21[%swap3A_583] {strides = array<i32>} : memref<256xi32, #tpu.memory_space<vmem>>, vector<16xi32>,
      tpu.vector_store %arg21[%swap3A_583], %broadcast_in_dim3A_3 {strides = array<i32>} : memref<256xi32, #tpu.memory_space<vmem>>, vector<16xi32>,
      %swap3A_585 = arith.constant 160 : index
      %swap3A_586 = tpu.vector_load %arg20[%swap3A_585] {strides = array<i32>} : memref<256xf32, #tpu.memory_space<vmem>>, vector<16xf32>,
      tpu.vector_store %arg20[%swap3A_585], %broadcast_in_dim3A_5 {strides = array<i32>} : memref<256xf32, #tpu.memory_space<vmem>>, vector<16xf32>,
      %swap3A_587 = arith.constant 160 : index
      %swap3A_588 = tpu.vector_load %arg21[%swap3A_587] {strides = array<i32>} : memref<256xi32, #tpu.memory_space<vmem>>, vector<16xi32>,
      tpu.vector_store %arg21[%swap3A_587], %broadcast_in_dim3A_3 {strides = array<i32>} : memref<256xi32, #tpu.memory_space<vmem>>, vector<16xi32>,
      %swap3A_589 = arith.constant 176 : index
      %swap3A_590 = tpu.vector_load %arg20[%swap3A_589] {strides = array<i32>} : memref<256xf32, #tpu.memory_space<vmem>>, vector<16xf32>,
      tpu.vector_store %arg20[%swap3A_589], %broadcast_in_dim3A_5 {strides = array<i32>} : memref<256xf32, #tpu.memory_space<vmem>>, vector<16xf32>,
      %swap3A_591 = arith.constant 176 : index
      %swap3A_592 = tpu.vector_load %arg21[%swap3A_591] {strides = array<i32>} : memref<256xi32, #tpu.memory_space<vmem>>, vector<16xi32>,
      tpu.vector_store %arg21[%swap3A_591], %broadcast_in_dim3A_3 {strides = array<i32>} : memref<256xi32, #tpu.memory_space<vmem>>, vector<16xi32>,
      %swap3A_593 = arith.constant 192 : index
      %swap3A_594 = tpu.vector_load %arg20[%swap3A_593] {strides = array<i32>} : memref<256xf32, #tpu.memory_space<vmem>>, vector<16xf32>,
      tpu.vector_store %arg20[%swap3A_593], %broadcast_in_dim3A_5 {strides = array<i32>} : memref<256xf32, #tpu.memory_space<vmem>>, vector<16xf32>,
      %swap3A_595 = arith.constant 192 : index
      %swap3A_596 = tpu.vector_load %arg21[%swap3A_595] {strides = array<i32>} : memref<256xi32, #tpu.memory_space<vmem>>, vector<16xi32>,
      tpu.vector_store %arg21[%swap3A_595], %broadcast_in_dim3A_3 {strides = array<i32>} : memref<256xi32, #tpu.memory_space<vmem>>, vector<16xi32>,
      %swap3A_597 = arith.constant 208 : index
      %swap3A_598 = tpu.vector_load %arg20[%swap3A_597] {strides = array<i32>} : memref<256xf32, #tpu.memory_space<vmem>>, vector<16xf32>,
      tpu.vector_store %arg20[%swap3A_597], %broadcast_in_dim3A_5 {strides = array<i32>} : memref<256xf32, #tpu.memory_space<vmem>>, vector<16xf32>,
      %swap3A_599 = arith.constant 208 : index
      %swap3A_600 = tpu.vector_load %arg21[%swap3A_599] {strides = array<i32>} : memref<256xi32, #tpu.memory_space<vmem>>, vector<16xi32>,
      tpu.vector_store %arg21[%swap3A_599], %broadcast_in_dim3A_3 {strides = array<i32>} : memref<256xi32, #tpu.memory_space<vmem>>, vector<16xi32>,
      %swap3A_601 = arith.constant 224 : index
      %swap3A_602 = tpu.vector_load %arg20[%swap3A_601] {strides = array<i32>} : memref<256xf32, #tpu.memory_space<vmem>>, vector<16xf32>,
      tpu.vector_store %arg20[%swap3A_601], %broadcast_in_dim3A_5 {strides = array<i32>} : memref<256xf32, #tpu.memory_space<vmem>>, vector<16xf32>,
      %swap3A_603 = arith.constant 224 : index
      %swap3A_604 = tpu.vector_load %arg21[%swap3A_603] {strides = array<i32>} : memref<256xi32, #tpu.memory_space<vmem>>, vector<16xi32>,
      tpu.vector_store %arg21[%swap3A_603], %broadcast_in_dim3A_3 {strides = array<i32>} : memref<256xi32, #tpu.memory_space<vmem>>, vector<16xi32>,
      %swap3A_605 = arith.constant 240 : index
      %swap3A_606 = tpu.vector_load %arg20[%swap3A_605] {strides = array<i32>} : memref<256xf32, #tpu.memory_space<vmem>>, vector<16xf32>,
      tpu.vector_store %arg20[%swap3A_605], %broadcast_in_dim3A_5 {strides = array<i32>} : memref<256xf32, #tpu.memory_space<vmem>>, vector<16xf32>,
      %swap3A_607 = arith.constant 240 : index
      %swap3A_608 = tpu.vector_load %arg21[%swap3A_607] {strides = array<i32>} : memref<256xi32, #tpu.memory_space<vmem>>, vector<16xi32>,
      tpu.vector_store %arg21[%swap3A_607], %broadcast_in_dim3A_3 {strides = array<i32>} : memref<256xi32, #tpu.memory_space<vmem>>, vector<16xi32>,
      %scan3A_609 = arith.constant 0 : i32
      %scan3A_610 = arith.constant 0 : i32
      %scan3A_611 = arith.constant 16 : i32
      %scan3A_612 = arith.addi %scan3A_610, %scan3A_611 : i32
      %scan3A_613 = arith.constant 1 : i32
      %scan3A_614 = scf.for %scan3A_853 = %scan3A_610 to %scan3A_612 step %scan3A_613 iter_args(%scan3A_854 = %scan3A_609) -> (i32)  : i32 {
        %mul3A_855 = arith.constant 16 : i32
        %mul3A_856 = arith.muli %scan3A_853, %mul3A_855 : i32
        %get3A_857 = arith.index_cast %mul3A_856 : i32 to index
        %get3A_858 = tpu.vector_load %arg16[%get3A_857] {strides = array<i32>} : memref<256xf32, #tpu.memory_space<vmem>>, vector<16xf32>,
        %ge3A = arith.cmpf oge, %get3A_858, %gather3A_502 : vector<16xf32>
        %reduce_or3A = arith.constant 1.000000e+00 : f32
        %reduce_or3A_859 = arith.constant 0.000000e+00 : f32
        %reduce_or3A_860 = vector.broadcast %reduce_or3A : f32 to vector<16xf32>
        %reduce_or3A_861 = vector.broadcast %reduce_or3A_859 : f32 to vector<16xf32>
        %reduce_or3A_862 = arith.select %ge3A, %reduce_or3A_860, %reduce_or3A_861 : vector<16xi1>, vector<16xf32>
        %reduce_or3A_863 = arith.constant true
        %reduce_or3A_864 = vector.broadcast %reduce_or3A_863 : i1 to vector<16xi1>
        %reduce_or3A_865 = tpu.scan <max>, %reduce_or3A_862 masked %reduce_or3A_864 : vector<16xf32>, vector<16xi1> -> vector<16xf32>
        %reduce_or3A_866 = vector.extract %reduce_or3A_865[15] : f32 from vector<16xf32>
        %reduce_or3A_867 = arith.constant 0.000000e+00 : f32
        %reduce_or3A_868 = arith.cmpf ogt, %reduce_or3A_866, %reduce_or3A_867 : f32
        %convert_element_type3A_869 = arith.extui %reduce_or3A_868 : i1 to i32
        %cond3A_870 = arith.constant 0 : i32
        %cond3A_871 = arith.cmpi ne, %convert_element_type3A_869, %cond3A_870 : i32
        scf.if %cond3A_871 {
          %get3A_930 = arith.constant 0 : index
          %get3A_931 = tpu.vector_load %arg20[%get3A_930] {strides = array<i32>} : memref<256xf32, #tpu.memory_space<vmem>>, vector<16xf32>,
          %get3A_932 = arith.constant 16 : index
          %get3A_933 = tpu.vector_load %arg20[%get3A_932] {strides = array<i32>} : memref<256xf32, #tpu.memory_space<vmem>>, vector<16xf32>,
          %get3A_934 = arith.constant 32 : index
          %get3A_935 = tpu.vector_load %arg20[%get3A_934] {strides = array<i32>} : memref<256xf32, #tpu.memory_space<vmem>>, vector<16xf32>,
          %get3A_936 = arith.constant 48 : index
          %get3A_937 = tpu.vector_load %arg20[%get3A_936] {strides = array<i32>} : memref<256xf32, #tpu.memory_space<vmem>>, vector<16xf32>,
          %get3A_938 = arith.constant 0 : index
          %get3A_939 = tpu.vector_load %arg21[%get3A_938] {strides = array<i32>} : memref<256xi32, #tpu.memory_space<vmem>>, vector<16xi32>,
          %get3A_940 = arith.constant 16 : index
          %get3A_941 = tpu.vector_load %arg21[%get3A_940] {strides = array<i32>} : memref<256xi32, #tpu.memory_space<vmem>>, vector<16xi32>,
          %get3A_942 = arith.constant 32 : index
          %get3A_943 = tpu.vector_load %arg21[%get3A_942] {strides = array<i32>} : memref<256xi32, #tpu.memory_space<vmem>>, vector<16xi32>,
          %get3A_944 = arith.constant 48 : index
          %get3A_945 = tpu.vector_load %arg21[%get3A_944] {strides = array<i32>} : memref<256xi32, #tpu.memory_space<vmem>>, vector<16xi32>,
          %scan3A_946 = arith.constant 0 : i32
          %scan3A_947 = arith.constant 16 : i32
          %scan3A_948 = arith.addi %scan3A_946, %scan3A_947 : i32
          %scan3A_949 = arith.constant 4 : i32
          %scan3A_950:8 = scf.for %scan3A_968 = %scan3A_946 to %scan3A_948 step %scan3A_949 iter_args(%scan3A_969 = %get3A_931, %scan3A_970 = %get3A_933, %scan3A_971 = %get3A_935, %scan3A_972 = %get3A_937, %scan3A_973 = %get3A_939, %scan3A_974 = %get3A_941, %scan3A_975 = %get3A_943, %scan3A_976 = %get3A_945) -> (vector<16xf32>, vector<16xf32>, vector<16xf32>, vector<16xf32>, vector<16xi32>, vector<16xi32>, vector<16xi32>, vector<16xi32>)  : i32 {
            %mul3A_977 = arith.constant 16 : i32
            %mul3A_978 = arith.muli %scan3A_853, %mul3A_977 : i32
            %add3A_979 = arith.addi %mul3A_978, %scan3A_968 : i32
            %mul3A_980 = arith.constant 16 : i32
            %mul3A_981 = arith.muli %add3A_979, %mul3A_980 : i32
            %get3A_982 = arith.index_cast %mul3A_981 : i32 to index
            %get3A_983 = tpu.vector_load %arg11[%get3A_982] {strides = array<i32>} : memref<4096xf32, #tpu.memory_space<vmem>>, vector<16xf32>,
            %mul3A_984 = arith.constant 16 : i32
            %mul3A_985 = arith.muli %add3A_979, %mul3A_984 : i32
            %add3A_986 = vector.broadcast %mul3A_985 : i32 to vector<16xi32>
            %add3A_987 = arith.addi %iota3A, %add3A_986 : vector<16xi32>
            %gt3A = arith.cmpf ogt, %get3A_983, %scan3A_969 : vector<16xf32>
            %gt3A_988 = arith.cmpf ogt, %get3A_983, %scan3A_970 : vector<16xf32>
            %gt3A_989 = arith.cmpf ogt, %get3A_983, %scan3A_971 : vector<16xf32>
            %gt3A_990 = arith.cmpf ogt, %get3A_983, %scan3A_972 : vector<16xf32>
            %select_n3A_991 = arith.select %gt3A, %get3A_983, %scan3A_969 : vector<16xi1>, vector<16xf32>
            %select_n3A_992 = arith.select %gt3A, %add3A_987, %scan3A_973 : vector<16xi1>, vector<16xi32>
            %select_n3A_993 = arith.select %gt3A_988, %get3A_983, %scan3A_970 : vector<16xi1>, vector<16xf32>
            %select_n3A_994 = arith.select %gt3A, %scan3A_969, %select_n3A_993 : vector<16xi1>, vector<16xf32>
            %select_n3A_995 = arith.select %gt3A_988, %add3A_987, %scan3A_974 : vector<16xi1>, vector<16xi32>
            %select_n3A_996 = arith.select %gt3A, %scan3A_973, %select_n3A_995 : vector<16xi1>, vector<16xi32>
            %select_n3A_997 = arith.select %gt3A_989, %get3A_983, %scan3A_971 : vector<16xi1>, vector<16xf32>
            %select_n3A_998 = arith.select %gt3A_988, %scan3A_970, %select_n3A_997 : vector<16xi1>, vector<16xf32>
            %select_n3A_999 = arith.select %gt3A_989, %add3A_987, %scan3A_975 : vector<16xi1>, vector<16xi32>
            %select_n3A_1000 = arith.select %gt3A_988, %scan3A_974, %select_n3A_999 : vector<16xi1>, vector<16xi32>
            %select_n3A_1001 = arith.select %gt3A_990, %get3A_983, %scan3A_972 : vector<16xi1>, vector<16xf32>
            %select_n3A_1002 = arith.select %gt3A_989, %scan3A_971, %select_n3A_1001 : vector<16xi1>, vector<16xf32>
            %select_n3A_1003 = arith.select %gt3A_990, %add3A_987, %scan3A_976 : vector<16xi1>, vector<16xi32>
            %select_n3A_1004 = arith.select %gt3A_989, %scan3A_975, %select_n3A_1003 : vector<16xi1>, vector<16xi32>
            %scan3A_1005 = arith.constant 1 : i32
            %scan3A_1006 = arith.addi %scan3A_968, %scan3A_1005 : i32
            %mul3A_1007 = arith.constant 16 : i32
            %mul3A_1008 = arith.muli %scan3A_853, %mul3A_1007 : i32
            %add3A_1009 = arith.addi %mul3A_1008, %scan3A_1006 : i32
            %mul3A_1010 = arith.constant 16 : i32
            %mul3A_1011 = arith.muli %add3A_1009, %mul3A_1010 : i32
            %get3A_1012 = arith.index_cast %mul3A_1011 : i32 to index
            %get3A_1013 = tpu.vector_load %arg11[%get3A_1012] {strides = array<i32>} : memref<4096xf32, #tpu.memory_space<vmem>>, vector<16xf32>,
            %mul3A_1014 = arith.constant 16 : i32
            %mul3A_1015 = arith.muli %add3A_1009, %mul3A_1014 : i32
            %add3A_1016 = vector.broadcast %mul3A_1015 : i32 to vector<16xi32>
            %add3A_1017 = arith.addi %iota3A, %add3A_1016 : vector<16xi32>
            %gt3A_1018 = arith.cmpf ogt, %get3A_1013, %select_n3A_991 : vector<16xf32>
            %gt3A_1019 = arith.cmpf ogt, %get3A_1013, %select_n3A_994 : vector<16xf32>
            %gt3A_1020 = arith.cmpf ogt, %get3A_1013, %select_n3A_998 : vector<16xf32>
            %gt3A_1021 = arith.cmpf ogt, %get3A_1013, %select_n3A_1002 : vector<16xf32>
            %select_n3A_1022 = arith.select %gt3A_1018, %get3A_1013, %select_n3A_991 : vector<16xi1>, vector<16xf32>
            %select_n3A_1023 = arith.select %gt3A_1018, %add3A_1017, %select_n3A_992 : vector<16xi1>, vector<16xi32>
            %select_n3A_1024 = arith.select %gt3A_1019, %get3A_1013, %select_n3A_994 : vector<16xi1>, vector<16xf32>
            %select_n3A_1025 = arith.select %gt3A_1018, %select_n3A_991, %select_n3A_1024 : vector<16xi1>, vector<16xf32>
            %select_n3A_1026 = arith.select %gt3A_1019, %add3A_1017, %select_n3A_996 : vector<16xi1>, vector<16xi32>
            %select_n3A_1027 = arith.select %gt3A_1018, %select_n3A_992, %select_n3A_1026 : vector<16xi1>, vector<16xi32>
            %select_n3A_1028 = arith.select %gt3A_1020, %get3A_1013, %select_n3A_998 : vector<16xi1>, vector<16xf32>
            %select_n3A_1029 = arith.select %gt3A_1019, %select_n3A_994, %select_n3A_1028 : vector<16xi1>, vector<16xf32>
            %select_n3A_1030 = arith.select %gt3A_1020, %add3A_1017, %select_n3A_1000 : vector<16xi1>, vector<16xi32>
            %select_n3A_1031 = arith.select %gt3A_1019, %select_n3A_996, %select_n3A_1030 : vector<16xi1>, vector<16xi32>
            %select_n3A_1032 = arith.select %gt3A_1021, %get3A_1013, %select_n3A_1002 : vector<16xi1>, vector<16xf32>
            %select_n3A_1033 = arith.select %gt3A_1020, %select_n3A_998, %select_n3A_1032 : vector<16xi1>, vector<16xf32>
            %select_n3A_1034 = arith.select %gt3A_1021, %add3A_1017, %select_n3A_1004 : vector<16xi1>, vector<16xi32>
            %select_n3A_1035 = arith.select %gt3A_1020, %select_n3A_1000, %select_n3A_1034 : vector<16xi1>, vector<16xi32>
            %scan3A_1036 = arith.constant 2 : i32
            %scan3A_1037 = arith.addi %scan3A_968, %scan3A_1036 : i32
            %mul3A_1038 = arith.constant 16 : i32
            %mul3A_1039 = arith.muli %scan3A_853, %mul3A_1038 : i32
            %add3A_1040 = arith.addi %mul3A_1039, %scan3A_1037 : i32
            %mul3A_1041 = arith.constant 16 : i32
            %mul3A_1042 = arith.muli %add3A_1040, %mul3A_1041 : i32
            %get3A_1043 = arith.index_cast %mul3A_1042 : i32 to index
            %get3A_1044 = tpu.vector_load %arg11[%get3A_1043] {strides = array<i32>} : memref<4096xf32, #tpu.memory_space<vmem>>, vector<16xf32>,
            %mul3A_1045 = arith.constant 16 : i32
            %mul3A_1046 = arith.muli %add3A_1040, %mul3A_1045 : i32
            %add3A_1047 = vector.broadcast %mul3A_1046 : i32 to vector<16xi32>
            %add3A_1048 = arith.addi %iota3A, %add3A_1047 : vector<16xi32>
            %gt3A_1049 = arith.cmpf ogt, %get3A_1044, %select_n3A_1022 : vector<16xf32>
            %gt3A_1050 = arith.cmpf ogt, %get3A_1044, %select_n3A_1025 : vector<16xf32>
            %gt3A_1051 = arith.cmpf ogt, %get3A_1044, %select_n3A_1029 : vector<16xf32>
            %gt3A_1052 = arith.cmpf ogt, %get3A_1044, %select_n3A_1033 : vector<16xf32>
            %select_n3A_1053 = arith.select %gt3A_1049, %get3A_1044, %select_n3A_1022 : vector<16xi1>, vector<16xf32>
            %select_n3A_1054 = arith.select %gt3A_1049, %add3A_1048, %select_n3A_1023 : vector<16xi1>, vector<16xi32>
            %select_n3A_1055 = arith.select %gt3A_1050, %get3A_1044, %select_n3A_1025 : vector<16xi1>, vector<16xf32>
            %select_n3A_1056 = arith.select %gt3A_1049, %select_n3A_1022, %select_n3A_1055 : vector<16xi1>, vector<16xf32>
            %select_n3A_1057 = arith.select %gt3A_1050, %add3A_1048, %select_n3A_1027 : vector<16xi1>, vector<16xi32>
            %select_n3A_1058 = arith.select %gt3A_1049, %select_n3A_1023, %select_n3A_1057 : vector<16xi1>, vector<16xi32>
            %select_n3A_1059 = arith.select %gt3A_1051, %get3A_1044, %select_n3A_1029 : vector<16xi1>, vector<16xf32>
            %select_n3A_1060 = arith.select %gt3A_1050, %select_n3A_1025, %select_n3A_1059 : vector<16xi1>, vector<16xf32>
            %select_n3A_1061 = arith.select %gt3A_1051, %add3A_1048, %select_n3A_1031 : vector<16xi1>, vector<16xi32>
            %select_n3A_1062 = arith.select %gt3A_1050, %select_n3A_1027, %select_n3A_1061 : vector<16xi1>, vector<16xi32>
            %select_n3A_1063 = arith.select %gt3A_1052, %get3A_1044, %select_n3A_1033 : vector<16xi1>, vector<16xf32>
            %select_n3A_1064 = arith.select %gt3A_1051, %select_n3A_1029, %select_n3A_1063 : vector<16xi1>, vector<16xf32>
            %select_n3A_1065 = arith.select %gt3A_1052, %add3A_1048, %select_n3A_1035 : vector<16xi1>, vector<16xi32>
            %select_n3A_1066 = arith.select %gt3A_1051, %select_n3A_1031, %select_n3A_1065 : vector<16xi1>, vector<16xi32>
            %scan3A_1067 = arith.constant 3 : i32
            %scan3A_1068 = arith.addi %scan3A_968, %scan3A_1067 : i32
            %mul3A_1069 = arith.constant 16 : i32
            %mul3A_1070 = arith.muli %scan3A_853, %mul3A_1069 : i32
            %add3A_1071 = arith.addi %mul3A_1070, %scan3A_1068 : i32
            %mul3A_1072 = arith.constant 16 : i32
            %mul3A_1073 = arith.muli %add3A_1071, %mul3A_1072 : i32
            %get3A_1074 = arith.index_cast %mul3A_1073 : i32 to index
            %get3A_1075 = tpu.vector_load %arg11[%get3A_1074] {strides = array<i32>} : memref<4096xf32, #tpu.memory_space<vmem>>, vector<16xf32>,
            %mul3A_1076 = arith.constant 16 : i32
            %mul3A_1077 = arith.muli %add3A_1071, %mul3A_1076 : i32
            %add3A_1078 = vector.broadcast %mul3A_1077 : i32 to vector<16xi32>
            %add3A_1079 = arith.addi %iota3A, %add3A_1078 : vector<16xi32>
            %gt3A_1080 = arith.cmpf ogt, %get3A_1075, %select_n3A_1053 : vector<16xf32>
            %gt3A_1081 = arith.cmpf ogt, %get3A_1075, %select_n3A_1056 : vector<16xf32>
            %gt3A_1082 = arith.cmpf ogt, %get3A_1075, %select_n3A_1060 : vector<16xf32>
            %gt3A_1083 = arith.cmpf ogt, %get3A_1075, %select_n3A_1064 : vector<16xf32>
            %select_n3A_1084 = arith.select %gt3A_1080, %get3A_1075, %select_n3A_1053 : vector<16xi1>, vector<16xf32>
            %select_n3A_1085 = arith.select %gt3A_1080, %add3A_1079, %select_n3A_1054 : vector<16xi1>, vector<16xi32>
            %select_n3A_1086 = arith.select %gt3A_1081, %get3A_1075, %select_n3A_1056 : vector<16xi1>, vector<16xf32>
            %select_n3A_1087 = arith.select %gt3A_1080, %select_n3A_1053, %select_n3A_1086 : vector<16xi1>, vector<16xf32>
            %select_n3A_1088 = arith.select %gt3A_1081, %add3A_1079, %select_n3A_1058 : vector<16xi1>, vector<16xi32>
            %select_n3A_1089 = arith.select %gt3A_1080, %select_n3A_1054, %select_n3A_1088 : vector<16xi1>, vector<16xi32>
            %select_n3A_1090 = arith.select %gt3A_1082, %get3A_1075, %select_n3A_1060 : vector<16xi1>, vector<16xf32>
            %select_n3A_1091 = arith.select %gt3A_1081, %select_n3A_1056, %select_n3A_1090 : vector<16xi1>, vector<16xf32>
            %select_n3A_1092 = arith.select %gt3A_1082, %add3A_1079, %select_n3A_1062 : vector<16xi1>, vector<16xi32>
            %select_n3A_1093 = arith.select %gt3A_1081, %select_n3A_1058, %select_n3A_1092 : vector<16xi1>, vector<16xi32>
            %select_n3A_1094 = arith.select %gt3A_1083, %get3A_1075, %select_n3A_1064 : vector<16xi1>, vector<16xf32>
            %select_n3A_1095 = arith.select %gt3A_1082, %select_n3A_1060, %select_n3A_1094 : vector<16xi1>, vector<16xf32>
            %select_n3A_1096 = arith.select %gt3A_1083, %add3A_1079, %select_n3A_1066 : vector<16xi1>, vector<16xi32>
            %select_n3A_1097 = arith.select %gt3A_1082, %select_n3A_1062, %select_n3A_1096 : vector<16xi1>, vector<16xi32>
            scf.yield %select_n3A_1084, %select_n3A_1087, %select_n3A_1091, %select_n3A_1095, %select_n3A_1085, %select_n3A_1089, %select_n3A_1093, %select_n3A_1097 : vector<16xf32>, vector<16xf32>, vector<16xf32>, vector<16xf32>, vector<16xi32>, vector<16xi32>, vector<16xi32>, vector<16xi32>
          }
          %scan3A_951 = arith.constant 16 : i32
          %swap3A_952 = arith.constant 0 : index
          %swap3A_953 = tpu.vector_load %arg20[%swap3A_952] {strides = array<i32>} : memref<256xf32, #tpu.memory_space<vmem>>, vector<16xf32>,
          tpu.vector_store %arg20[%swap3A_952], %scan3A_950#0 {strides = array<i32>} : memref<256xf32, #tpu.memory_space<vmem>>, vector<16xf32>,
          %swap3A_954 = arith.constant 16 : index
          %swap3A_955 = tpu.vector_load %arg20[%swap3A_954] {strides = array<i32>} : memref<256xf32, #tpu.memory_space<vmem>>, vector<16xf32>,
          tpu.vector_store %arg20[%swap3A_954], %scan3A_950#1 {strides = array<i32>} : memref<256xf32, #tpu.memory_space<vmem>>, vector<16xf32>,
          %swap3A_956 = arith.constant 32 : index
          %swap3A_957 = tpu.vector_load %arg20[%swap3A_956] {strides = array<i32>} : memref<256xf32, #tpu.memory_space<vmem>>, vector<16xf32>,
          tpu.vector_store %arg20[%swap3A_956], %scan3A_950#2 {strides = array<i32>} : memref<256xf32, #tpu.memory_space<vmem>>, vector<16xf32>,
          %swap3A_958 = arith.constant 48 : index
          %swap3A_959 = tpu.vector_load %arg20[%swap3A_958] {strides = array<i32>} : memref<256xf32, #tpu.memory_space<vmem>>, vector<16xf32>,
          tpu.vector_store %arg20[%swap3A_958], %scan3A_950#3 {strides = array<i32>} : memref<256xf32, #tpu.memory_space<vmem>>, vector<16xf32>,
          %swap3A_960 = arith.constant 0 : index
          %swap3A_961 = tpu.vector_load %arg21[%swap3A_960] {strides = array<i32>} : memref<256xi32, #tpu.memory_space<vmem>>, vector<16xi32>,
          tpu.vector_store %arg21[%swap3A_960], %scan3A_950#4 {strides = array<i32>} : memref<256xi32, #tpu.memory_space<vmem>>, vector<16xi32>,
          %swap3A_962 = arith.constant 16 : index
          %swap3A_963 = tpu.vector_load %arg21[%swap3A_962] {strides = array<i32>} : memref<256xi32, #tpu.memory_space<vmem>>, vector<16xi32>,
          tpu.vector_store %arg21[%swap3A_962], %scan3A_950#5 {strides = array<i32>} : memref<256xi32, #tpu.memory_space<vmem>>, vector<16xi32>,
          %swap3A_964 = arith.constant 32 : index
          %swap3A_965 = tpu.vector_load %arg21[%swap3A_964] {strides = array<i32>} : memref<256xi32, #tpu.memory_space<vmem>>, vector<16xi32>,
          tpu.vector_store %arg21[%swap3A_964], %scan3A_950#6 {strides = array<i32>} : memref<256xi32, #tpu.memory_space<vmem>>, vector<16xi32>,
          %swap3A_966 = arith.constant 48 : index
          %swap3A_967 = tpu.vector_load %arg21[%swap3A_966] {strides = array<i32>} : memref<256xi32, #tpu.memory_space<vmem>>, vector<16xi32>,
          tpu.vector_store %arg21[%swap3A_966], %scan3A_950#7 {strides = array<i32>} : memref<256xi32, #tpu.memory_space<vmem>>, vector<16xi32>,
        } else {
        }
        %mul3A_872 = arith.constant 16 : i32
        %mul3A_873 = arith.muli %scan3A_853, %mul3A_872 : i32
        %get3A_874 = arith.index_cast %mul3A_873 : i32 to index
        %get3A_875 = tpu.vector_load %arg17[%get3A_874] {strides = array<i32>} : memref<256xf32, #tpu.memory_space<vmem>>, vector<16xf32>,
        %ge3A_876 = arith.cmpf oge, %get3A_875, %gather3A_516 : vector<16xf32>
        %reduce_or3A_877 = arith.constant 1.000000e+00 : f32
        %reduce_or3A_878 = arith.constant 0.000000e+00 : f32
        %reduce_or3A_879 = vector.broadcast %reduce_or3A_877 : f32 to vector<16xf32>
        %reduce_or3A_880 = vector.broadcast %reduce_or3A_878 : f32 to vector<16xf32>
        %reduce_or3A_881 = arith.select %ge3A_876, %reduce_or3A_879, %reduce_or3A_880 : vector<16xi1>, vector<16xf32>
        %reduce_or3A_882 = arith.constant true
        %reduce_or3A_883 = vector.broadcast %reduce_or3A_882 : i1 to vector<16xi1>
        %reduce_or3A_884 = tpu.scan <max>, %reduce_or3A_881 masked %reduce_or3A_883 : vector<16xf32>, vector<16xi1> -> vector<16xf32>
        %reduce_or3A_885 = vector.extract %reduce_or3A_884[15] : f32 from vector<16xf32>
        %reduce_or3A_886 = arith.constant 0.000000e+00 : f32
        %reduce_or3A_887 = arith.cmpf ogt, %reduce_or3A_885, %reduce_or3A_886 : f32
        %convert_element_type3A_888 = arith.extui %reduce_or3A_887 : i1 to i32
        %cond3A_889 = arith.constant 0 : i32
        %cond3A_890 = arith.cmpi ne, %convert_element_type3A_888, %cond3A_889 : i32
        scf.if %cond3A_890 {
          %get3A_930 = arith.constant 64 : index
          %get3A_931 = tpu.vector_load %arg20[%get3A_930] {strides = array<i32>} : memref<256xf32, #tpu.memory_space<vmem>>, vector<16xf32>,
          %get3A_932 = arith.constant 80 : index
          %get3A_933 = tpu.vector_load %arg20[%get3A_932] {strides = array<i32>} : memref<256xf32, #tpu.memory_space<vmem>>, vector<16xf32>,
          %get3A_934 = arith.constant 96 : index
          %get3A_935 = tpu.vector_load %arg20[%get3A_934] {strides = array<i32>} : memref<256xf32, #tpu.memory_space<vmem>>, vector<16xf32>,
          %get3A_936 = arith.constant 112 : index
          %get3A_937 = tpu.vector_load %arg20[%get3A_936] {strides = array<i32>} : memref<256xf32, #tpu.memory_space<vmem>>, vector<16xf32>,
          %get3A_938 = arith.constant 64 : index
          %get3A_939 = tpu.vector_load %arg21[%get3A_938] {strides = array<i32>} : memref<256xi32, #tpu.memory_space<vmem>>, vector<16xi32>,
          %get3A_940 = arith.constant 80 : index
          %get3A_941 = tpu.vector_load %arg21[%get3A_940] {strides = array<i32>} : memref<256xi32, #tpu.memory_space<vmem>>, vector<16xi32>,
          %get3A_942 = arith.constant 96 : index
          %get3A_943 = tpu.vector_load %arg21[%get3A_942] {strides = array<i32>} : memref<256xi32, #tpu.memory_space<vmem>>, vector<16xi32>,
          %get3A_944 = arith.constant 112 : index
          %get3A_945 = tpu.vector_load %arg21[%get3A_944] {strides = array<i32>} : memref<256xi32, #tpu.memory_space<vmem>>, vector<16xi32>,
          %scan3A_946 = arith.constant 0 : i32
          %scan3A_947 = arith.constant 16 : i32
          %scan3A_948 = arith.addi %scan3A_946, %scan3A_947 : i32
          %scan3A_949 = arith.constant 4 : i32
          %scan3A_950:8 = scf.for %scan3A_968 = %scan3A_946 to %scan3A_948 step %scan3A_949 iter_args(%scan3A_969 = %get3A_931, %scan3A_970 = %get3A_933, %scan3A_971 = %get3A_935, %scan3A_972 = %get3A_937, %scan3A_973 = %get3A_939, %scan3A_974 = %get3A_941, %scan3A_975 = %get3A_943, %scan3A_976 = %get3A_945) -> (vector<16xf32>, vector<16xf32>, vector<16xf32>, vector<16xf32>, vector<16xi32>, vector<16xi32>, vector<16xi32>, vector<16xi32>)  : i32 {
            %mul3A_977 = arith.constant 16 : i32
            %mul3A_978 = arith.muli %scan3A_853, %mul3A_977 : i32
            %add3A_979 = arith.addi %mul3A_978, %scan3A_968 : i32
            %mul3A_980 = arith.constant 16 : i32
            %mul3A_981 = arith.muli %add3A_979, %mul3A_980 : i32
            %get3A_982 = arith.index_cast %mul3A_981 : i32 to index
            %get3A_983 = tpu.vector_load %arg12[%get3A_982] {strides = array<i32>} : memref<4096xf32, #tpu.memory_space<vmem>>, vector<16xf32>,
            %mul3A_984 = arith.constant 16 : i32
            %mul3A_985 = arith.muli %add3A_979, %mul3A_984 : i32
            %add3A_986 = vector.broadcast %mul3A_985 : i32 to vector<16xi32>
            %add3A_987 = arith.addi %iota3A, %add3A_986 : vector<16xi32>
            %gt3A = arith.cmpf ogt, %get3A_983, %scan3A_969 : vector<16xf32>
            %gt3A_988 = arith.cmpf ogt, %get3A_983, %scan3A_970 : vector<16xf32>
            %gt3A_989 = arith.cmpf ogt, %get3A_983, %scan3A_971 : vector<16xf32>
            %gt3A_990 = arith.cmpf ogt, %get3A_983, %scan3A_972 : vector<16xf32>
            %select_n3A_991 = arith.select %gt3A, %get3A_983, %scan3A_969 : vector<16xi1>, vector<16xf32>
            %select_n3A_992 = arith.select %gt3A, %add3A_987, %scan3A_973 : vector<16xi1>, vector<16xi32>
            %select_n3A_993 = arith.select %gt3A_988, %get3A_983, %scan3A_970 : vector<16xi1>, vector<16xf32>
            %select_n3A_994 = arith.select %gt3A, %scan3A_969, %select_n3A_993 : vector<16xi1>, vector<16xf32>
            %select_n3A_995 = arith.select %gt3A_988, %add3A_987, %scan3A_974 : vector<16xi1>, vector<16xi32>
            %select_n3A_996 = arith.select %gt3A, %scan3A_973, %select_n3A_995 : vector<16xi1>, vector<16xi32>
            %select_n3A_997 = arith.select %gt3A_989, %get3A_983, %scan3A_971 : vector<16xi1>, vector<16xf32>
            %select_n3A_998 = arith.select %gt3A_988, %scan3A_970, %select_n3A_997 : vector<16xi1>, vector<16xf32>
            %select_n3A_999 = arith.select %gt3A_989, %add3A_987, %scan3A_975 : vector<16xi1>, vector<16xi32>
            %select_n3A_1000 = arith.select %gt3A_988, %scan3A_974, %select_n3A_999 : vector<16xi1>, vector<16xi32>
            %select_n3A_1001 = arith.select %gt3A_990, %get3A_983, %scan3A_972 : vector<16xi1>, vector<16xf32>
            %select_n3A_1002 = arith.select %gt3A_989, %scan3A_971, %select_n3A_1001 : vector<16xi1>, vector<16xf32>
            %select_n3A_1003 = arith.select %gt3A_990, %add3A_987, %scan3A_976 : vector<16xi1>, vector<16xi32>
            %select_n3A_1004 = arith.select %gt3A_989, %scan3A_975, %select_n3A_1003 : vector<16xi1>, vector<16xi32>
            %scan3A_1005 = arith.constant 1 : i32
            %scan3A_1006 = arith.addi %scan3A_968, %scan3A_1005 : i32
            %mul3A_1007 = arith.constant 16 : i32
            %mul3A_1008 = arith.muli %scan3A_853, %mul3A_1007 : i32
            %add3A_1009 = arith.addi %mul3A_1008, %scan3A_1006 : i32
            %mul3A_1010 = arith.constant 16 : i32
            %mul3A_1011 = arith.muli %add3A_1009, %mul3A_1010 : i32
            %get3A_1012 = arith.index_cast %mul3A_1011 : i32 to index
            %get3A_1013 = tpu.vector_load %arg12[%get3A_1012] {strides = array<i32>} : memref<4096xf32, #tpu.memory_space<vmem>>, vector<16xf32>,
            %mul3A_1014 = arith.constant 16 : i32
            %mul3A_1015 = arith.muli %add3A_1009, %mul3A_1014 : i32
            %add3A_1016 = vector.broadcast %mul3A_1015 : i32 to vector<16xi32>
            %add3A_1017 = arith.addi %iota3A, %add3A_1016 : vector<16xi32>
            %gt3A_1018 = arith.cmpf ogt, %get3A_1013, %select_n3A_991 : vector<16xf32>
            %gt3A_1019 = arith.cmpf ogt, %get3A_1013, %select_n3A_994 : vector<16xf32>
            %gt3A_1020 = arith.cmpf ogt, %get3A_1013, %select_n3A_998 : vector<16xf32>
            %gt3A_1021 = arith.cmpf ogt, %get3A_1013, %select_n3A_1002 : vector<16xf32>
            %select_n3A_1022 = arith.select %gt3A_1018, %get3A_1013, %select_n3A_991 : vector<16xi1>, vector<16xf32>
            %select_n3A_1023 = arith.select %gt3A_1018, %add3A_1017, %select_n3A_992 : vector<16xi1>, vector<16xi32>
            %select_n3A_1024 = arith.select %gt3A_1019, %get3A_1013, %select_n3A_994 : vector<16xi1>, vector<16xf32>
            %select_n3A_1025 = arith.select %gt3A_1018, %select_n3A_991, %select_n3A_1024 : vector<16xi1>, vector<16xf32>
            %select_n3A_1026 = arith.select %gt3A_1019, %add3A_1017, %select_n3A_996 : vector<16xi1>, vector<16xi32>
            %select_n3A_1027 = arith.select %gt3A_1018, %select_n3A_992, %select_n3A_1026 : vector<16xi1>, vector<16xi32>
            %select_n3A_1028 = arith.select %gt3A_1020, %get3A_1013, %select_n3A_998 : vector<16xi1>, vector<16xf32>
            %select_n3A_1029 = arith.select %gt3A_1019, %select_n3A_994, %select_n3A_1028 : vector<16xi1>, vector<16xf32>
            %select_n3A_1030 = arith.select %gt3A_1020, %add3A_1017, %select_n3A_1000 : vector<16xi1>, vector<16xi32>
            %select_n3A_1031 = arith.select %gt3A_1019, %select_n3A_996, %select_n3A_1030 : vector<16xi1>, vector<16xi32>
            %select_n3A_1032 = arith.select %gt3A_1021, %get3A_1013, %select_n3A_1002 : vector<16xi1>, vector<16xf32>
            %select_n3A_1033 = arith.select %gt3A_1020, %select_n3A_998, %select_n3A_1032 : vector<16xi1>, vector<16xf32>
            %select_n3A_1034 = arith.select %gt3A_1021, %add3A_1017, %select_n3A_1004 : vector<16xi1>, vector<16xi32>
            %select_n3A_1035 = arith.select %gt3A_1020, %select_n3A_1000, %select_n3A_1034 : vector<16xi1>, vector<16xi32>
            %scan3A_1036 = arith.constant 2 : i32
            %scan3A_1037 = arith.addi %scan3A_968, %scan3A_1036 : i32
            %mul3A_1038 = arith.constant 16 : i32
            %mul3A_1039 = arith.muli %scan3A_853, %mul3A_1038 : i32
            %add3A_1040 = arith.addi %mul3A_1039, %scan3A_1037 : i32
            %mul3A_1041 = arith.constant 16 : i32
            %mul3A_1042 = arith.muli %add3A_1040, %mul3A_1041 : i32
            %get3A_1043 = arith.index_cast %mul3A_1042 : i32 to index
            %get3A_1044 = tpu.vector_load %arg12[%get3A_1043] {strides = array<i32>} : memref<4096xf32, #tpu.memory_space<vmem>>, vector<16xf32>,
            %mul3A_1045 = arith.constant 16 : i32
            %mul3A_1046 = arith.muli %add3A_1040, %mul3A_1045 : i32
            %add3A_1047 = vector.broadcast %mul3A_1046 : i32 to vector<16xi32>
            %add3A_1048 = arith.addi %iota3A, %add3A_1047 : vector<16xi32>
            %gt3A_1049 = arith.cmpf ogt, %get3A_1044, %select_n3A_1022 : vector<16xf32>
            %gt3A_1050 = arith.cmpf ogt, %get3A_1044, %select_n3A_1025 : vector<16xf32>
            %gt3A_1051 = arith.cmpf ogt, %get3A_1044, %select_n3A_1029 : vector<16xf32>
            %gt3A_1052 = arith.cmpf ogt, %get3A_1044, %select_n3A_1033 : vector<16xf32>
            %select_n3A_1053 = arith.select %gt3A_1049, %get3A_1044, %select_n3A_1022 : vector<16xi1>, vector<16xf32>
            %select_n3A_1054 = arith.select %gt3A_1049, %add3A_1048, %select_n3A_1023 : vector<16xi1>, vector<16xi32>
            %select_n3A_1055 = arith.select %gt3A_1050, %get3A_1044, %select_n3A_1025 : vector<16xi1>, vector<16xf32>
            %select_n3A_1056 = arith.select %gt3A_1049, %select_n3A_1022, %select_n3A_1055 : vector<16xi1>, vector<16xf32>
            %select_n3A_1057 = arith.select %gt3A_1050, %add3A_1048, %select_n3A_1027 : vector<16xi1>, vector<16xi32>
            %select_n3A_1058 = arith.select %gt3A_1049, %select_n3A_1023, %select_n3A_1057 : vector<16xi1>, vector<16xi32>
            %select_n3A_1059 = arith.select %gt3A_1051, %get3A_1044, %select_n3A_1029 : vector<16xi1>, vector<16xf32>
            %select_n3A_1060 = arith.select %gt3A_1050, %select_n3A_1025, %select_n3A_1059 : vector<16xi1>, vector<16xf32>
            %select_n3A_1061 = arith.select %gt3A_1051, %add3A_1048, %select_n3A_1031 : vector<16xi1>, vector<16xi32>
            %select_n3A_1062 = arith.select %gt3A_1050, %select_n3A_1027, %select_n3A_1061 : vector<16xi1>, vector<16xi32>
            %select_n3A_1063 = arith.select %gt3A_1052, %get3A_1044, %select_n3A_1033 : vector<16xi1>, vector<16xf32>
            %select_n3A_1064 = arith.select %gt3A_1051, %select_n3A_1029, %select_n3A_1063 : vector<16xi1>, vector<16xf32>
            %select_n3A_1065 = arith.select %gt3A_1052, %add3A_1048, %select_n3A_1035 : vector<16xi1>, vector<16xi32>
            %select_n3A_1066 = arith.select %gt3A_1051, %select_n3A_1031, %select_n3A_1065 : vector<16xi1>, vector<16xi32>
            %scan3A_1067 = arith.constant 3 : i32
            %scan3A_1068 = arith.addi %scan3A_968, %scan3A_1067 : i32
            %mul3A_1069 = arith.constant 16 : i32
            %mul3A_1070 = arith.muli %scan3A_853, %mul3A_1069 : i32
            %add3A_1071 = arith.addi %mul3A_1070, %scan3A_1068 : i32
            %mul3A_1072 = arith.constant 16 : i32
            %mul3A_1073 = arith.muli %add3A_1071, %mul3A_1072 : i32
            %get3A_1074 = arith.index_cast %mul3A_1073 : i32 to index
            %get3A_1075 = tpu.vector_load %arg12[%get3A_1074] {strides = array<i32>} : memref<4096xf32, #tpu.memory_space<vmem>>, vector<16xf32>,
            %mul3A_1076 = arith.constant 16 : i32
            %mul3A_1077 = arith.muli %add3A_1071, %mul3A_1076 : i32
            %add3A_1078 = vector.broadcast %mul3A_1077 : i32 to vector<16xi32>
            %add3A_1079 = arith.addi %iota3A, %add3A_1078 : vector<16xi32>
            %gt3A_1080 = arith.cmpf ogt, %get3A_1075, %select_n3A_1053 : vector<16xf32>
            %gt3A_1081 = arith.cmpf ogt, %get3A_1075, %select_n3A_1056 : vector<16xf32>
            %gt3A_1082 = arith.cmpf ogt, %get3A_1075, %select_n3A_1060 : vector<16xf32>
            %gt3A_1083 = arith.cmpf ogt, %get3A_1075, %select_n3A_1064 : vector<16xf32>
            %select_n3A_1084 = arith.select %gt3A_1080, %get3A_1075, %select_n3A_1053 : vector<16xi1>, vector<16xf32>
            %select_n3A_1085 = arith.select %gt3A_1080, %add3A_1079, %select_n3A_1054 : vector<16xi1>, vector<16xi32>
            %select_n3A_1086 = arith.select %gt3A_1081, %get3A_1075, %select_n3A_1056 : vector<16xi1>, vector<16xf32>
            %select_n3A_1087 = arith.select %gt3A_1080, %select_n3A_1053, %select_n3A_1086 : vector<16xi1>, vector<16xf32>
            %select_n3A_1088 = arith.select %gt3A_1081, %add3A_1079, %select_n3A_1058 : vector<16xi1>, vector<16xi32>
            %select_n3A_1089 = arith.select %gt3A_1080, %select_n3A_1054, %select_n3A_1088 : vector<16xi1>, vector<16xi32>
            %select_n3A_1090 = arith.select %gt3A_1082, %get3A_1075, %select_n3A_1060 : vector<16xi1>, vector<16xf32>
            %select_n3A_1091 = arith.select %gt3A_1081, %select_n3A_1056, %select_n3A_1090 : vector<16xi1>, vector<16xf32>
            %select_n3A_1092 = arith.select %gt3A_1082, %add3A_1079, %select_n3A_1062 : vector<16xi1>, vector<16xi32>
            %select_n3A_1093 = arith.select %gt3A_1081, %select_n3A_1058, %select_n3A_1092 : vector<16xi1>, vector<16xi32>
            %select_n3A_1094 = arith.select %gt3A_1083, %get3A_1075, %select_n3A_1064 : vector<16xi1>, vector<16xf32>
            %select_n3A_1095 = arith.select %gt3A_1082, %select_n3A_1060, %select_n3A_1094 : vector<16xi1>, vector<16xf32>
            %select_n3A_1096 = arith.select %gt3A_1083, %add3A_1079, %select_n3A_1066 : vector<16xi1>, vector<16xi32>
            %select_n3A_1097 = arith.select %gt3A_1082, %select_n3A_1062, %select_n3A_1096 : vector<16xi1>, vector<16xi32>
            scf.yield %select_n3A_1084, %select_n3A_1087, %select_n3A_1091, %select_n3A_1095, %select_n3A_1085, %select_n3A_1089, %select_n3A_1093, %select_n3A_1097 : vector<16xf32>, vector<16xf32>, vector<16xf32>, vector<16xf32>, vector<16xi32>, vector<16xi32>, vector<16xi32>, vector<16xi32>
          }
          %scan3A_951 = arith.constant 16 : i32
          %swap3A_952 = arith.constant 64 : index
          %swap3A_953 = tpu.vector_load %arg20[%swap3A_952] {strides = array<i32>} : memref<256xf32, #tpu.memory_space<vmem>>, vector<16xf32>,
          tpu.vector_store %arg20[%swap3A_952], %scan3A_950#0 {strides = array<i32>} : memref<256xf32, #tpu.memory_space<vmem>>, vector<16xf32>,
          %swap3A_954 = arith.constant 80 : index
          %swap3A_955 = tpu.vector_load %arg20[%swap3A_954] {strides = array<i32>} : memref<256xf32, #tpu.memory_space<vmem>>, vector<16xf32>,
          tpu.vector_store %arg20[%swap3A_954], %scan3A_950#1 {strides = array<i32>} : memref<256xf32, #tpu.memory_space<vmem>>, vector<16xf32>,
          %swap3A_956 = arith.constant 96 : index
          %swap3A_957 = tpu.vector_load %arg20[%swap3A_956] {strides = array<i32>} : memref<256xf32, #tpu.memory_space<vmem>>, vector<16xf32>,
          tpu.vector_store %arg20[%swap3A_956], %scan3A_950#2 {strides = array<i32>} : memref<256xf32, #tpu.memory_space<vmem>>, vector<16xf32>,
          %swap3A_958 = arith.constant 112 : index
          %swap3A_959 = tpu.vector_load %arg20[%swap3A_958] {strides = array<i32>} : memref<256xf32, #tpu.memory_space<vmem>>, vector<16xf32>,
          tpu.vector_store %arg20[%swap3A_958], %scan3A_950#3 {strides = array<i32>} : memref<256xf32, #tpu.memory_space<vmem>>, vector<16xf32>,
          %swap3A_960 = arith.constant 64 : index
          %swap3A_961 = tpu.vector_load %arg21[%swap3A_960] {strides = array<i32>} : memref<256xi32, #tpu.memory_space<vmem>>, vector<16xi32>,
          tpu.vector_store %arg21[%swap3A_960], %scan3A_950#4 {strides = array<i32>} : memref<256xi32, #tpu.memory_space<vmem>>, vector<16xi32>,
          %swap3A_962 = arith.constant 80 : index
          %swap3A_963 = tpu.vector_load %arg21[%swap3A_962] {strides = array<i32>} : memref<256xi32, #tpu.memory_space<vmem>>, vector<16xi32>,
          tpu.vector_store %arg21[%swap3A_962], %scan3A_950#5 {strides = array<i32>} : memref<256xi32, #tpu.memory_space<vmem>>, vector<16xi32>,
          %swap3A_964 = arith.constant 96 : index
          %swap3A_965 = tpu.vector_load %arg21[%swap3A_964] {strides = array<i32>} : memref<256xi32, #tpu.memory_space<vmem>>, vector<16xi32>,
          tpu.vector_store %arg21[%swap3A_964], %scan3A_950#6 {strides = array<i32>} : memref<256xi32, #tpu.memory_space<vmem>>, vector<16xi32>,
          %swap3A_966 = arith.constant 112 : index
          %swap3A_967 = tpu.vector_load %arg21[%swap3A_966] {strides = array<i32>} : memref<256xi32, #tpu.memory_space<vmem>>, vector<16xi32>,
          tpu.vector_store %arg21[%swap3A_966], %scan3A_950#7 {strides = array<i32>} : memref<256xi32, #tpu.memory_space<vmem>>, vector<16xi32>,
        } else {
        }
        %mul3A_891 = arith.constant 16 : i32
        %mul3A_892 = arith.muli %scan3A_853, %mul3A_891 : i32
        %get3A_893 = arith.index_cast %mul3A_892 : i32 to index
        %get3A_894 = tpu.vector_load %arg18[%get3A_893] {strides = array<i32>} : memref<256xf32, #tpu.memory_space<vmem>>, vector<16xf32>,
        %ge3A_895 = arith.cmpf oge, %get3A_894, %gather3A_530 : vector<16xf32>
        %reduce_or3A_896 = arith.constant 1.000000e+00 : f32
        %reduce_or3A_897 = arith.constant 0.000000e+00 : f32
        %reduce_or3A_898 = vector.broadcast %reduce_or3A_896 : f32 to vector<16xf32>
        %reduce_or3A_899 = vector.broadcast %reduce_or3A_897 : f32 to vector<16xf32>
        %reduce_or3A_900 = arith.select %ge3A_895, %reduce_or3A_898, %reduce_or3A_899 : vector<16xi1>, vector<16xf32>
        %reduce_or3A_901 = arith.constant true
        %reduce_or3A_902 = vector.broadcast %reduce_or3A_901 : i1 to vector<16xi1>
        %reduce_or3A_903 = tpu.scan <max>, %reduce_or3A_900 masked %reduce_or3A_902 : vector<16xf32>, vector<16xi1> -> vector<16xf32>
        %reduce_or3A_904 = vector.extract %reduce_or3A_903[15] : f32 from vector<16xf32>
        %reduce_or3A_905 = arith.constant 0.000000e+00 : f32
        %reduce_or3A_906 = arith.cmpf ogt, %reduce_or3A_904, %reduce_or3A_905 : f32
        %convert_element_type3A_907 = arith.extui %reduce_or3A_906 : i1 to i32
        %cond3A_908 = arith.constant 0 : i32
        %cond3A_909 = arith.cmpi ne, %convert_element_type3A_907, %cond3A_908 : i32
        scf.if %cond3A_909 {
          %get3A_930 = arith.constant 128 : index
          %get3A_931 = tpu.vector_load %arg20[%get3A_930] {strides = array<i32>} : memref<256xf32, #tpu.memory_space<vmem>>, vector<16xf32>,
          %get3A_932 = arith.constant 144 : index
          %get3A_933 = tpu.vector_load %arg20[%get3A_932] {strides = array<i32>} : memref<256xf32, #tpu.memory_space<vmem>>, vector<16xf32>,
          %get3A_934 = arith.constant 160 : index
          %get3A_935 = tpu.vector_load %arg20[%get3A_934] {strides = array<i32>} : memref<256xf32, #tpu.memory_space<vmem>>, vector<16xf32>,
          %get3A_936 = arith.constant 176 : index
          %get3A_937 = tpu.vector_load %arg20[%get3A_936] {strides = array<i32>} : memref<256xf32, #tpu.memory_space<vmem>>, vector<16xf32>,
          %get3A_938 = arith.constant 128 : index
          %get3A_939 = tpu.vector_load %arg21[%get3A_938] {strides = array<i32>} : memref<256xi32, #tpu.memory_space<vmem>>, vector<16xi32>,
          %get3A_940 = arith.constant 144 : index
          %get3A_941 = tpu.vector_load %arg21[%get3A_940] {strides = array<i32>} : memref<256xi32, #tpu.memory_space<vmem>>, vector<16xi32>,
          %get3A_942 = arith.constant 160 : index
          %get3A_943 = tpu.vector_load %arg21[%get3A_942] {strides = array<i32>} : memref<256xi32, #tpu.memory_space<vmem>>, vector<16xi32>,
          %get3A_944 = arith.constant 176 : index
          %get3A_945 = tpu.vector_load %arg21[%get3A_944] {strides = array<i32>} : memref<256xi32, #tpu.memory_space<vmem>>, vector<16xi32>,
          %scan3A_946 = arith.constant 0 : i32
          %scan3A_947 = arith.constant 16 : i32
          %scan3A_948 = arith.addi %scan3A_946, %scan3A_947 : i32
          %scan3A_949 = arith.constant 4 : i32
          %scan3A_950:8 = scf.for %scan3A_968 = %scan3A_946 to %scan3A_948 step %scan3A_949 iter_args(%scan3A_969 = %get3A_931, %scan3A_970 = %get3A_933, %scan3A_971 = %get3A_935, %scan3A_972 = %get3A_937, %scan3A_973 = %get3A_939, %scan3A_974 = %get3A_941, %scan3A_975 = %get3A_943, %scan3A_976 = %get3A_945) -> (vector<16xf32>, vector<16xf32>, vector<16xf32>, vector<16xf32>, vector<16xi32>, vector<16xi32>, vector<16xi32>, vector<16xi32>)  : i32 {
            %mul3A_977 = arith.constant 16 : i32
            %mul3A_978 = arith.muli %scan3A_853, %mul3A_977 : i32
            %add3A_979 = arith.addi %mul3A_978, %scan3A_968 : i32
            %mul3A_980 = arith.constant 16 : i32
            %mul3A_981 = arith.muli %add3A_979, %mul3A_980 : i32
            %get3A_982 = arith.index_cast %mul3A_981 : i32 to index
            %get3A_983 = tpu.vector_load %arg13[%get3A_982] {strides = array<i32>} : memref<4096xf32, #tpu.memory_space<vmem>>, vector<16xf32>,
            %mul3A_984 = arith.constant 16 : i32
            %mul3A_985 = arith.muli %add3A_979, %mul3A_984 : i32
            %add3A_986 = vector.broadcast %mul3A_985 : i32 to vector<16xi32>
            %add3A_987 = arith.addi %iota3A, %add3A_986 : vector<16xi32>
            %gt3A = arith.cmpf ogt, %get3A_983, %scan3A_969 : vector<16xf32>
            %gt3A_988 = arith.cmpf ogt, %get3A_983, %scan3A_970 : vector<16xf32>
            %gt3A_989 = arith.cmpf ogt, %get3A_983, %scan3A_971 : vector<16xf32>
            %gt3A_990 = arith.cmpf ogt, %get3A_983, %scan3A_972 : vector<16xf32>
            %select_n3A_991 = arith.select %gt3A, %get3A_983, %scan3A_969 : vector<16xi1>, vector<16xf32>
            %select_n3A_992 = arith.select %gt3A, %add3A_987, %scan3A_973 : vector<16xi1>, vector<16xi32>
            %select_n3A_993 = arith.select %gt3A_988, %get3A_983, %scan3A_970 : vector<16xi1>, vector<16xf32>
            %select_n3A_994 = arith.select %gt3A, %scan3A_969, %select_n3A_993 : vector<16xi1>, vector<16xf32>
            %select_n3A_995 = arith.select %gt3A_988, %add3A_987, %scan3A_974 : vector<16xi1>, vector<16xi32>
            %select_n3A_996 = arith.select %gt3A, %scan3A_973, %select_n3A_995 : vector<16xi1>, vector<16xi32>
            %select_n3A_997 = arith.select %gt3A_989, %get3A_983, %scan3A_971 : vector<16xi1>, vector<16xf32>
            %select_n3A_998 = arith.select %gt3A_988, %scan3A_970, %select_n3A_997 : vector<16xi1>, vector<16xf32>
            %select_n3A_999 = arith.select %gt3A_989, %add3A_987, %scan3A_975 : vector<16xi1>, vector<16xi32>
            %select_n3A_1000 = arith.select %gt3A_988, %scan3A_974, %select_n3A_999 : vector<16xi1>, vector<16xi32>
            %select_n3A_1001 = arith.select %gt3A_990, %get3A_983, %scan3A_972 : vector<16xi1>, vector<16xf32>
            %select_n3A_1002 = arith.select %gt3A_989, %scan3A_971, %select_n3A_1001 : vector<16xi1>, vector<16xf32>
            %select_n3A_1003 = arith.select %gt3A_990, %add3A_987, %scan3A_976 : vector<16xi1>, vector<16xi32>
            %select_n3A_1004 = arith.select %gt3A_989, %scan3A_975, %select_n3A_1003 : vector<16xi1>, vector<16xi32>
            %scan3A_1005 = arith.constant 1 : i32
            %scan3A_1006 = arith.addi %scan3A_968, %scan3A_1005 : i32
            %mul3A_1007 = arith.constant 16 : i32
            %mul3A_1008 = arith.muli %scan3A_853, %mul3A_1007 : i32
            %add3A_1009 = arith.addi %mul3A_1008, %scan3A_1006 : i32
            %mul3A_1010 = arith.constant 16 : i32
            %mul3A_1011 = arith.muli %add3A_1009, %mul3A_1010 : i32
            %get3A_1012 = arith.index_cast %mul3A_1011 : i32 to index
            %get3A_1013 = tpu.vector_load %arg13[%get3A_1012] {strides = array<i32>} : memref<4096xf32, #tpu.memory_space<vmem>>, vector<16xf32>,
            %mul3A_1014 = arith.constant 16 : i32
            %mul3A_1015 = arith.muli %add3A_1009, %mul3A_1014 : i32
            %add3A_1016 = vector.broadcast %mul3A_1015 : i32 to vector<16xi32>
            %add3A_1017 = arith.addi %iota3A, %add3A_1016 : vector<16xi32>
            %gt3A_1018 = arith.cmpf ogt, %get3A_1013, %select_n3A_991 : vector<16xf32>
            %gt3A_1019 = arith.cmpf ogt, %get3A_1013, %select_n3A_994 : vector<16xf32>
            %gt3A_1020 = arith.cmpf ogt, %get3A_1013, %select_n3A_998 : vector<16xf32>
            %gt3A_1021 = arith.cmpf ogt, %get3A_1013, %select_n3A_1002 : vector<16xf32>
            %select_n3A_1022 = arith.select %gt3A_1018, %get3A_1013, %select_n3A_991 : vector<16xi1>, vector<16xf32>
            %select_n3A_1023 = arith.select %gt3A_1018, %add3A_1017, %select_n3A_992 : vector<16xi1>, vector<16xi32>
            %select_n3A_1024 = arith.select %gt3A_1019, %get3A_1013, %select_n3A_994 : vector<16xi1>, vector<16xf32>
            %select_n3A_1025 = arith.select %gt3A_1018, %select_n3A_991, %select_n3A_1024 : vector<16xi1>, vector<16xf32>
            %select_n3A_1026 = arith.select %gt3A_1019, %add3A_1017, %select_n3A_996 : vector<16xi1>, vector<16xi32>
            %select_n3A_1027 = arith.select %gt3A_1018, %select_n3A_992, %select_n3A_1026 : vector<16xi1>, vector<16xi32>
            %select_n3A_1028 = arith.select %gt3A_1020, %get3A_1013, %select_n3A_998 : vector<16xi1>, vector<16xf32>
            %select_n3A_1029 = arith.select %gt3A_1019, %select_n3A_994, %select_n3A_1028 : vector<16xi1>, vector<16xf32>
            %select_n3A_1030 = arith.select %gt3A_1020, %add3A_1017, %select_n3A_1000 : vector<16xi1>, vector<16xi32>
            %select_n3A_1031 = arith.select %gt3A_1019, %select_n3A_996, %select_n3A_1030 : vector<16xi1>, vector<16xi32>
            %select_n3A_1032 = arith.select %gt3A_1021, %get3A_1013, %select_n3A_1002 : vector<16xi1>, vector<16xf32>
            %select_n3A_1033 = arith.select %gt3A_1020, %select_n3A_998, %select_n3A_1032 : vector<16xi1>, vector<16xf32>
            %select_n3A_1034 = arith.select %gt3A_1021, %add3A_1017, %select_n3A_1004 : vector<16xi1>, vector<16xi32>
            %select_n3A_1035 = arith.select %gt3A_1020, %select_n3A_1000, %select_n3A_1034 : vector<16xi1>, vector<16xi32>
            %scan3A_1036 = arith.constant 2 : i32
            %scan3A_1037 = arith.addi %scan3A_968, %scan3A_1036 : i32
            %mul3A_1038 = arith.constant 16 : i32
            %mul3A_1039 = arith.muli %scan3A_853, %mul3A_1038 : i32
            %add3A_1040 = arith.addi %mul3A_1039, %scan3A_1037 : i32
            %mul3A_1041 = arith.constant 16 : i32
            %mul3A_1042 = arith.muli %add3A_1040, %mul3A_1041 : i32
            %get3A_1043 = arith.index_cast %mul3A_1042 : i32 to index
            %get3A_1044 = tpu.vector_load %arg13[%get3A_1043] {strides = array<i32>} : memref<4096xf32, #tpu.memory_space<vmem>>, vector<16xf32>,
            %mul3A_1045 = arith.constant 16 : i32
            %mul3A_1046 = arith.muli %add3A_1040, %mul3A_1045 : i32
            %add3A_1047 = vector.broadcast %mul3A_1046 : i32 to vector<16xi32>
            %add3A_1048 = arith.addi %iota3A, %add3A_1047 : vector<16xi32>
            %gt3A_1049 = arith.cmpf ogt, %get3A_1044, %select_n3A_1022 : vector<16xf32>
            %gt3A_1050 = arith.cmpf ogt, %get3A_1044, %select_n3A_1025 : vector<16xf32>
            %gt3A_1051 = arith.cmpf ogt, %get3A_1044, %select_n3A_1029 : vector<16xf32>
            %gt3A_1052 = arith.cmpf ogt, %get3A_1044, %select_n3A_1033 : vector<16xf32>
            %select_n3A_1053 = arith.select %gt3A_1049, %get3A_1044, %select_n3A_1022 : vector<16xi1>, vector<16xf32>
            %select_n3A_1054 = arith.select %gt3A_1049, %add3A_1048, %select_n3A_1023 : vector<16xi1>, vector<16xi32>
            %select_n3A_1055 = arith.select %gt3A_1050, %get3A_1044, %select_n3A_1025 : vector<16xi1>, vector<16xf32>
            %select_n3A_1056 = arith.select %gt3A_1049, %select_n3A_1022, %select_n3A_1055 : vector<16xi1>, vector<16xf32>
            %select_n3A_1057 = arith.select %gt3A_1050, %add3A_1048, %select_n3A_1027 : vector<16xi1>, vector<16xi32>
            %select_n3A_1058 = arith.select %gt3A_1049, %select_n3A_1023, %select_n3A_1057 : vector<16xi1>, vector<16xi32>
            %select_n3A_1059 = arith.select %gt3A_1051, %get3A_1044, %select_n3A_1029 : vector<16xi1>, vector<16xf32>
            %select_n3A_1060 = arith.select %gt3A_1050, %select_n3A_1025, %select_n3A_1059 : vector<16xi1>, vector<16xf32>
            %select_n3A_1061 = arith.select %gt3A_1051, %add3A_1048, %select_n3A_1031 : vector<16xi1>, vector<16xi32>
            %select_n3A_1062 = arith.select %gt3A_1050, %select_n3A_1027, %select_n3A_1061 : vector<16xi1>, vector<16xi32>
            %select_n3A_1063 = arith.select %gt3A_1052, %get3A_1044, %select_n3A_1033 : vector<16xi1>, vector<16xf32>
            %select_n3A_1064 = arith.select %gt3A_1051, %select_n3A_1029, %select_n3A_1063 : vector<16xi1>, vector<16xf32>
            %select_n3A_1065 = arith.select %gt3A_1052, %add3A_1048, %select_n3A_1035 : vector<16xi1>, vector<16xi32>
            %select_n3A_1066 = arith.select %gt3A_1051, %select_n3A_1031, %select_n3A_1065 : vector<16xi1>, vector<16xi32>
            %scan3A_1067 = arith.constant 3 : i32
            %scan3A_1068 = arith.addi %scan3A_968, %scan3A_1067 : i32
            %mul3A_1069 = arith.constant 16 : i32
            %mul3A_1070 = arith.muli %scan3A_853, %mul3A_1069 : i32
            %add3A_1071 = arith.addi %mul3A_1070, %scan3A_1068 : i32
            %mul3A_1072 = arith.constant 16 : i32
            %mul3A_1073 = arith.muli %add3A_1071, %mul3A_1072 : i32
            %get3A_1074 = arith.index_cast %mul3A_1073 : i32 to index
            %get3A_1075 = tpu.vector_load %arg13[%get3A_1074] {strides = array<i32>} : memref<4096xf32, #tpu.memory_space<vmem>>, vector<16xf32>,
            %mul3A_1076 = arith.constant 16 : i32
            %mul3A_1077 = arith.muli %add3A_1071, %mul3A_1076 : i32
            %add3A_1078 = vector.broadcast %mul3A_1077 : i32 to vector<16xi32>
            %add3A_1079 = arith.addi %iota3A, %add3A_1078 : vector<16xi32>
            %gt3A_1080 = arith.cmpf ogt, %get3A_1075, %select_n3A_1053 : vector<16xf32>
            %gt3A_1081 = arith.cmpf ogt, %get3A_1075, %select_n3A_1056 : vector<16xf32>
            %gt3A_1082 = arith.cmpf ogt, %get3A_1075, %select_n3A_1060 : vector<16xf32>
            %gt3A_1083 = arith.cmpf ogt, %get3A_1075, %select_n3A_1064 : vector<16xf32>
            %select_n3A_1084 = arith.select %gt3A_1080, %get3A_1075, %select_n3A_1053 : vector<16xi1>, vector<16xf32>
            %select_n3A_1085 = arith.select %gt3A_1080, %add3A_1079, %select_n3A_1054 : vector<16xi1>, vector<16xi32>
            %select_n3A_1086 = arith.select %gt3A_1081, %get3A_1075, %select_n3A_1056 : vector<16xi1>, vector<16xf32>
            %select_n3A_1087 = arith.select %gt3A_1080, %select_n3A_1053, %select_n3A_1086 : vector<16xi1>, vector<16xf32>
            %select_n3A_1088 = arith.select %gt3A_1081, %add3A_1079, %select_n3A_1058 : vector<16xi1>, vector<16xi32>
            %select_n3A_1089 = arith.select %gt3A_1080, %select_n3A_1054, %select_n3A_1088 : vector<16xi1>, vector<16xi32>
            %select_n3A_1090 = arith.select %gt3A_1082, %get3A_1075, %select_n3A_1060 : vector<16xi1>, vector<16xf32>
            %select_n3A_1091 = arith.select %gt3A_1081, %select_n3A_1056, %select_n3A_1090 : vector<16xi1>, vector<16xf32>
            %select_n3A_1092 = arith.select %gt3A_1082, %add3A_1079, %select_n3A_1062 : vector<16xi1>, vector<16xi32>
            %select_n3A_1093 = arith.select %gt3A_1081, %select_n3A_1058, %select_n3A_1092 : vector<16xi1>, vector<16xi32>
            %select_n3A_1094 = arith.select %gt3A_1083, %get3A_1075, %select_n3A_1064 : vector<16xi1>, vector<16xf32>
            %select_n3A_1095 = arith.select %gt3A_1082, %select_n3A_1060, %select_n3A_1094 : vector<16xi1>, vector<16xf32>
            %select_n3A_1096 = arith.select %gt3A_1083, %add3A_1079, %select_n3A_1066 : vector<16xi1>, vector<16xi32>
            %select_n3A_1097 = arith.select %gt3A_1082, %select_n3A_1062, %select_n3A_1096 : vector<16xi1>, vector<16xi32>
            scf.yield %select_n3A_1084, %select_n3A_1087, %select_n3A_1091, %select_n3A_1095, %select_n3A_1085, %select_n3A_1089, %select_n3A_1093, %select_n3A_1097 : vector<16xf32>, vector<16xf32>, vector<16xf32>, vector<16xf32>, vector<16xi32>, vector<16xi32>, vector<16xi32>, vector<16xi32>
          }
          %scan3A_951 = arith.constant 16 : i32
          %swap3A_952 = arith.constant 128 : index
          %swap3A_953 = tpu.vector_load %arg20[%swap3A_952] {strides = array<i32>} : memref<256xf32, #tpu.memory_space<vmem>>, vector<16xf32>,
          tpu.vector_store %arg20[%swap3A_952], %scan3A_950#0 {strides = array<i32>} : memref<256xf32, #tpu.memory_space<vmem>>, vector<16xf32>,
          %swap3A_954 = arith.constant 144 : index
          %swap3A_955 = tpu.vector_load %arg20[%swap3A_954] {strides = array<i32>} : memref<256xf32, #tpu.memory_space<vmem>>, vector<16xf32>,
          tpu.vector_store %arg20[%swap3A_954], %scan3A_950#1 {strides = array<i32>} : memref<256xf32, #tpu.memory_space<vmem>>, vector<16xf32>,
          %swap3A_956 = arith.constant 160 : index
          %swap3A_957 = tpu.vector_load %arg20[%swap3A_956] {strides = array<i32>} : memref<256xf32, #tpu.memory_space<vmem>>, vector<16xf32>,
          tpu.vector_store %arg20[%swap3A_956], %scan3A_950#2 {strides = array<i32>} : memref<256xf32, #tpu.memory_space<vmem>>, vector<16xf32>,
          %swap3A_958 = arith.constant 176 : index
          %swap3A_959 = tpu.vector_load %arg20[%swap3A_958] {strides = array<i32>} : memref<256xf32, #tpu.memory_space<vmem>>, vector<16xf32>,
          tpu.vector_store %arg20[%swap3A_958], %scan3A_950#3 {strides = array<i32>} : memref<256xf32, #tpu.memory_space<vmem>>, vector<16xf32>,
          %swap3A_960 = arith.constant 128 : index
          %swap3A_961 = tpu.vector_load %arg21[%swap3A_960] {strides = array<i32>} : memref<256xi32, #tpu.memory_space<vmem>>, vector<16xi32>,
          tpu.vector_store %arg21[%swap3A_960], %scan3A_950#4 {strides = array<i32>} : memref<256xi32, #tpu.memory_space<vmem>>, vector<16xi32>,
          %swap3A_962 = arith.constant 144 : index
          %swap3A_963 = tpu.vector_load %arg21[%swap3A_962] {strides = array<i32>} : memref<256xi32, #tpu.memory_space<vmem>>, vector<16xi32>,
          tpu.vector_store %arg21[%swap3A_962], %scan3A_950#5 {strides = array<i32>} : memref<256xi32, #tpu.memory_space<vmem>>, vector<16xi32>,
          %swap3A_964 = arith.constant 160 : index
          %swap3A_965 = tpu.vector_load %arg21[%swap3A_964] {strides = array<i32>} : memref<256xi32, #tpu.memory_space<vmem>>, vector<16xi32>,
          tpu.vector_store %arg21[%swap3A_964], %scan3A_950#6 {strides = array<i32>} : memref<256xi32, #tpu.memory_space<vmem>>, vector<16xi32>,
          %swap3A_966 = arith.constant 176 : index
          %swap3A_967 = tpu.vector_load %arg21[%swap3A_966] {strides = array<i32>} : memref<256xi32, #tpu.memory_space<vmem>>, vector<16xi32>,
          tpu.vector_store %arg21[%swap3A_966], %scan3A_950#7 {strides = array<i32>} : memref<256xi32, #tpu.memory_space<vmem>>, vector<16xi32>,
        } else {
        }
        %mul3A_910 = arith.constant 16 : i32
        %mul3A_911 = arith.muli %scan3A_853, %mul3A_910 : i32
        %get3A_912 = arith.index_cast %mul3A_911 : i32 to index
        %get3A_913 = tpu.vector_load %arg19[%get3A_912] {strides = array<i32>} : memref<256xf32, #tpu.memory_space<vmem>>, vector<16xf32>,
        %ge3A_914 = arith.cmpf oge, %get3A_913, %gather3A_544 : vector<16xf32>
        %reduce_or3A_915 = arith.constant 1.000000e+00 : f32
        %reduce_or3A_916 = arith.constant 0.000000e+00 : f32
        %reduce_or3A_917 = vector.broadcast %reduce_or3A_915 : f32 to vector<16xf32>
        %reduce_or3A_918 = vector.broadcast %reduce_or3A_916 : f32 to vector<16xf32>
        %reduce_or3A_919 = arith.select %ge3A_914, %reduce_or3A_917, %reduce_or3A_918 : vector<16xi1>, vector<16xf32>
        %reduce_or3A_920 = arith.constant true
        %reduce_or3A_921 = vector.broadcast %reduce_or3A_920 : i1 to vector<16xi1>
        %reduce_or3A_922 = tpu.scan <max>, %reduce_or3A_919 masked %reduce_or3A_921 : vector<16xf32>, vector<16xi1> -> vector<16xf32>
        %reduce_or3A_923 = vector.extract %reduce_or3A_922[15] : f32 from vector<16xf32>
        %reduce_or3A_924 = arith.constant 0.000000e+00 : f32
        %reduce_or3A_925 = arith.cmpf ogt, %reduce_or3A_923, %reduce_or3A_924 : f32
        %convert_element_type3A_926 = arith.extui %reduce_or3A_925 : i1 to i32
        %cond3A_927 = arith.constant 0 : i32
        %cond3A_928 = arith.cmpi ne, %convert_element_type3A_926, %cond3A_927 : i32
        scf.if %cond3A_928 {
          %get3A_930 = arith.constant 192 : index
          %get3A_931 = tpu.vector_load %arg20[%get3A_930] {strides = array<i32>} : memref<256xf32, #tpu.memory_space<vmem>>, vector<16xf32>,
          %get3A_932 = arith.constant 208 : index
          %get3A_933 = tpu.vector_load %arg20[%get3A_932] {strides = array<i32>} : memref<256xf32, #tpu.memory_space<vmem>>, vector<16xf32>,
          %get3A_934 = arith.constant 224 : index
          %get3A_935 = tpu.vector_load %arg20[%get3A_934] {strides = array<i32>} : memref<256xf32, #tpu.memory_space<vmem>>, vector<16xf32>,
          %get3A_936 = arith.constant 240 : index
          %get3A_937 = tpu.vector_load %arg20[%get3A_936] {strides = array<i32>} : memref<256xf32, #tpu.memory_space<vmem>>, vector<16xf32>,
          %get3A_938 = arith.constant 192 : index
          %get3A_939 = tpu.vector_load %arg21[%get3A_938] {strides = array<i32>} : memref<256xi32, #tpu.memory_space<vmem>>, vector<16xi32>,
          %get3A_940 = arith.constant 208 : index
          %get3A_941 = tpu.vector_load %arg21[%get3A_940] {strides = array<i32>} : memref<256xi32, #tpu.memory_space<vmem>>, vector<16xi32>,
          %get3A_942 = arith.constant 224 : index
          %get3A_943 = tpu.vector_load %arg21[%get3A_942] {strides = array<i32>} : memref<256xi32, #tpu.memory_space<vmem>>, vector<16xi32>,
          %get3A_944 = arith.constant 240 : index
          %get3A_945 = tpu.vector_load %arg21[%get3A_944] {strides = array<i32>} : memref<256xi32, #tpu.memory_space<vmem>>, vector<16xi32>,
          %scan3A_946 = arith.constant 0 : i32
          %scan3A_947 = arith.constant 16 : i32
          %scan3A_948 = arith.addi %scan3A_946, %scan3A_947 : i32
          %scan3A_949 = arith.constant 4 : i32
          %scan3A_950:8 = scf.for %scan3A_968 = %scan3A_946 to %scan3A_948 step %scan3A_949 iter_args(%scan3A_969 = %get3A_931, %scan3A_970 = %get3A_933, %scan3A_971 = %get3A_935, %scan3A_972 = %get3A_937, %scan3A_973 = %get3A_939, %scan3A_974 = %get3A_941, %scan3A_975 = %get3A_943, %scan3A_976 = %get3A_945) -> (vector<16xf32>, vector<16xf32>, vector<16xf32>, vector<16xf32>, vector<16xi32>, vector<16xi32>, vector<16xi32>, vector<16xi32>)  : i32 {
            %mul3A_977 = arith.constant 16 : i32
            %mul3A_978 = arith.muli %scan3A_853, %mul3A_977 : i32
            %add3A_979 = arith.addi %mul3A_978, %scan3A_968 : i32
            %mul3A_980 = arith.constant 16 : i32
            %mul3A_981 = arith.muli %add3A_979, %mul3A_980 : i32
            %get3A_982 = arith.index_cast %mul3A_981 : i32 to index
            %get3A_983 = tpu.vector_load %arg14[%get3A_982] {strides = array<i32>} : memref<4096xf32, #tpu.memory_space<vmem>>, vector<16xf32>,
            %mul3A_984 = arith.constant 16 : i32
            %mul3A_985 = arith.muli %add3A_979, %mul3A_984 : i32
            %add3A_986 = vector.broadcast %mul3A_985 : i32 to vector<16xi32>
            %add3A_987 = arith.addi %iota3A, %add3A_986 : vector<16xi32>
            %gt3A = arith.cmpf ogt, %get3A_983, %scan3A_969 : vector<16xf32>
            %gt3A_988 = arith.cmpf ogt, %get3A_983, %scan3A_970 : vector<16xf32>
            %gt3A_989 = arith.cmpf ogt, %get3A_983, %scan3A_971 : vector<16xf32>
            %gt3A_990 = arith.cmpf ogt, %get3A_983, %scan3A_972 : vector<16xf32>
            %select_n3A_991 = arith.select %gt3A, %get3A_983, %scan3A_969 : vector<16xi1>, vector<16xf32>
            %select_n3A_992 = arith.select %gt3A, %add3A_987, %scan3A_973 : vector<16xi1>, vector<16xi32>
            %select_n3A_993 = arith.select %gt3A_988, %get3A_983, %scan3A_970 : vector<16xi1>, vector<16xf32>
            %select_n3A_994 = arith.select %gt3A, %scan3A_969, %select_n3A_993 : vector<16xi1>, vector<16xf32>
            %select_n3A_995 = arith.select %gt3A_988, %add3A_987, %scan3A_974 : vector<16xi1>, vector<16xi32>
            %select_n3A_996 = arith.select %gt3A, %scan3A_973, %select_n3A_995 : vector<16xi1>, vector<16xi32>
            %select_n3A_997 = arith.select %gt3A_989, %get3A_983, %scan3A_971 : vector<16xi1>, vector<16xf32>
            %select_n3A_998 = arith.select %gt3A_988, %scan3A_970, %select_n3A_997 : vector<16xi1>, vector<16xf32>
            %select_n3A_999 = arith.select %gt3A_989, %add3A_987, %scan3A_975 : vector<16xi1>, vector<16xi32>
            %select_n3A_1000 = arith.select %gt3A_988, %scan3A_974, %select_n3A_999 : vector<16xi1>, vector<16xi32>
            %select_n3A_1001 = arith.select %gt3A_990, %get3A_983, %scan3A_972 : vector<16xi1>, vector<16xf32>
            %select_n3A_1002 = arith.select %gt3A_989, %scan3A_971, %select_n3A_1001 : vector<16xi1>, vector<16xf32>
            %select_n3A_1003 = arith.select %gt3A_990, %add3A_987, %scan3A_976 : vector<16xi1>, vector<16xi32>
            %select_n3A_1004 = arith.select %gt3A_989, %scan3A_975, %select_n3A_1003 : vector<16xi1>, vector<16xi32>
            %scan3A_1005 = arith.constant 1 : i32
            %scan3A_1006 = arith.addi %scan3A_968, %scan3A_1005 : i32
            %mul3A_1007 = arith.constant 16 : i32
            %mul3A_1008 = arith.muli %scan3A_853, %mul3A_1007 : i32
            %add3A_1009 = arith.addi %mul3A_1008, %scan3A_1006 : i32
            %mul3A_1010 = arith.constant 16 : i32
            %mul3A_1011 = arith.muli %add3A_1009, %mul3A_1010 : i32
            %get3A_1012 = arith.index_cast %mul3A_1011 : i32 to index
            %get3A_1013 = tpu.vector_load %arg14[%get3A_1012] {strides = array<i32>} : memref<4096xf32, #tpu.memory_space<vmem>>, vector<16xf32>,
            %mul3A_1014 = arith.constant 16 : i32
            %mul3A_1015 = arith.muli %add3A_1009, %mul3A_1014 : i32
            %add3A_1016 = vector.broadcast %mul3A_1015 : i32 to vector<16xi32>
            %add3A_1017 = arith.addi %iota3A, %add3A_1016 : vector<16xi32>
            %gt3A_1018 = arith.cmpf ogt, %get3A_1013, %select_n3A_991 : vector<16xf32>
            %gt3A_1019 = arith.cmpf ogt, %get3A_1013, %select_n3A_994 : vector<16xf32>
            %gt3A_1020 = arith.cmpf ogt, %get3A_1013, %select_n3A_998 : vector<16xf32>
            %gt3A_1021 = arith.cmpf ogt, %get3A_1013, %select_n3A_1002 : vector<16xf32>
            %select_n3A_1022 = arith.select %gt3A_1018, %get3A_1013, %select_n3A_991 : vector<16xi1>, vector<16xf32>
            %select_n3A_1023 = arith.select %gt3A_1018, %add3A_1017, %select_n3A_992 : vector<16xi1>, vector<16xi32>
            %select_n3A_1024 = arith.select %gt3A_1019, %get3A_1013, %select_n3A_994 : vector<16xi1>, vector<16xf32>
            %select_n3A_1025 = arith.select %gt3A_1018, %select_n3A_991, %select_n3A_1024 : vector<16xi1>, vector<16xf32>
            %select_n3A_1026 = arith.select %gt3A_1019, %add3A_1017, %select_n3A_996 : vector<16xi1>, vector<16xi32>
            %select_n3A_1027 = arith.select %gt3A_1018, %select_n3A_992, %select_n3A_1026 : vector<16xi1>, vector<16xi32>
            %select_n3A_1028 = arith.select %gt3A_1020, %get3A_1013, %select_n3A_998 : vector<16xi1>, vector<16xf32>
            %select_n3A_1029 = arith.select %gt3A_1019, %select_n3A_994, %select_n3A_1028 : vector<16xi1>, vector<16xf32>
            %select_n3A_1030 = arith.select %gt3A_1020, %add3A_1017, %select_n3A_1000 : vector<16xi1>, vector<16xi32>
            %select_n3A_1031 = arith.select %gt3A_1019, %select_n3A_996, %select_n3A_1030 : vector<16xi1>, vector<16xi32>
            %select_n3A_1032 = arith.select %gt3A_1021, %get3A_1013, %select_n3A_1002 : vector<16xi1>, vector<16xf32>
            %select_n3A_1033 = arith.select %gt3A_1020, %select_n3A_998, %select_n3A_1032 : vector<16xi1>, vector<16xf32>
            %select_n3A_1034 = arith.select %gt3A_1021, %add3A_1017, %select_n3A_1004 : vector<16xi1>, vector<16xi32>
            %select_n3A_1035 = arith.select %gt3A_1020, %select_n3A_1000, %select_n3A_1034 : vector<16xi1>, vector<16xi32>
            %scan3A_1036 = arith.constant 2 : i32
            %scan3A_1037 = arith.addi %scan3A_968, %scan3A_1036 : i32
            %mul3A_1038 = arith.constant 16 : i32
            %mul3A_1039 = arith.muli %scan3A_853, %mul3A_1038 : i32
            %add3A_1040 = arith.addi %mul3A_1039, %scan3A_1037 : i32
            %mul3A_1041 = arith.constant 16 : i32
            %mul3A_1042 = arith.muli %add3A_1040, %mul3A_1041 : i32
            %get3A_1043 = arith.index_cast %mul3A_1042 : i32 to index
            %get3A_1044 = tpu.vector_load %arg14[%get3A_1043] {strides = array<i32>} : memref<4096xf32, #tpu.memory_space<vmem>>, vector<16xf32>,
            %mul3A_1045 = arith.constant 16 : i32
            %mul3A_1046 = arith.muli %add3A_1040, %mul3A_1045 : i32
            %add3A_1047 = vector.broadcast %mul3A_1046 : i32 to vector<16xi32>
            %add3A_1048 = arith.addi %iota3A, %add3A_1047 : vector<16xi32>
            %gt3A_1049 = arith.cmpf ogt, %get3A_1044, %select_n3A_1022 : vector<16xf32>
            %gt3A_1050 = arith.cmpf ogt, %get3A_1044, %select_n3A_1025 : vector<16xf32>
            %gt3A_1051 = arith.cmpf ogt, %get3A_1044, %select_n3A_1029 : vector<16xf32>
            %gt3A_1052 = arith.cmpf ogt, %get3A_1044, %select_n3A_1033 : vector<16xf32>
            %select_n3A_1053 = arith.select %gt3A_1049, %get3A_1044, %select_n3A_1022 : vector<16xi1>, vector<16xf32>
            %select_n3A_1054 = arith.select %gt3A_1049, %add3A_1048, %select_n3A_1023 : vector<16xi1>, vector<16xi32>
            %select_n3A_1055 = arith.select %gt3A_1050, %get3A_1044, %select_n3A_1025 : vector<16xi1>, vector<16xf32>
            %select_n3A_1056 = arith.select %gt3A_1049, %select_n3A_1022, %select_n3A_1055 : vector<16xi1>, vector<16xf32>
            %select_n3A_1057 = arith.select %gt3A_1050, %add3A_1048, %select_n3A_1027 : vector<16xi1>, vector<16xi32>
            %select_n3A_1058 = arith.select %gt3A_1049, %select_n3A_1023, %select_n3A_1057 : vector<16xi1>, vector<16xi32>
            %select_n3A_1059 = arith.select %gt3A_1051, %get3A_1044, %select_n3A_1029 : vector<16xi1>, vector<16xf32>
            %select_n3A_1060 = arith.select %gt3A_1050, %select_n3A_1025, %select_n3A_1059 : vector<16xi1>, vector<16xf32>
            %select_n3A_1061 = arith.select %gt3A_1051, %add3A_1048, %select_n3A_1031 : vector<16xi1>, vector<16xi32>
            %select_n3A_1062 = arith.select %gt3A_1050, %select_n3A_1027, %select_n3A_1061 : vector<16xi1>, vector<16xi32>
            %select_n3A_1063 = arith.select %gt3A_1052, %get3A_1044, %select_n3A_1033 : vector<16xi1>, vector<16xf32>
            %select_n3A_1064 = arith.select %gt3A_1051, %select_n3A_1029, %select_n3A_1063 : vector<16xi1>, vector<16xf32>
            %select_n3A_1065 = arith.select %gt3A_1052, %add3A_1048, %select_n3A_1035 : vector<16xi1>, vector<16xi32>
            %select_n3A_1066 = arith.select %gt3A_1051, %select_n3A_1031, %select_n3A_1065 : vector<16xi1>, vector<16xi32>
            %scan3A_1067 = arith.constant 3 : i32
            %scan3A_1068 = arith.addi %scan3A_968, %scan3A_1067 : i32
            %mul3A_1069 = arith.constant 16 : i32
            %mul3A_1070 = arith.muli %scan3A_853, %mul3A_1069 : i32
            %add3A_1071 = arith.addi %mul3A_1070, %scan3A_1068 : i32
            %mul3A_1072 = arith.constant 16 : i32
            %mul3A_1073 = arith.muli %add3A_1071, %mul3A_1072 : i32
            %get3A_1074 = arith.index_cast %mul3A_1073 : i32 to index
            %get3A_1075 = tpu.vector_load %arg14[%get3A_1074] {strides = array<i32>} : memref<4096xf32, #tpu.memory_space<vmem>>, vector<16xf32>,
            %mul3A_1076 = arith.constant 16 : i32
            %mul3A_1077 = arith.muli %add3A_1071, %mul3A_1076 : i32
            %add3A_1078 = vector.broadcast %mul3A_1077 : i32 to vector<16xi32>
            %add3A_1079 = arith.addi %iota3A, %add3A_1078 : vector<16xi32>
            %gt3A_1080 = arith.cmpf ogt, %get3A_1075, %select_n3A_1053 : vector<16xf32>
            %gt3A_1081 = arith.cmpf ogt, %get3A_1075, %select_n3A_1056 : vector<16xf32>
            %gt3A_1082 = arith.cmpf ogt, %get3A_1075, %select_n3A_1060 : vector<16xf32>
            %gt3A_1083 = arith.cmpf ogt, %get3A_1075, %select_n3A_1064 : vector<16xf32>
            %select_n3A_1084 = arith.select %gt3A_1080, %get3A_1075, %select_n3A_1053 : vector<16xi1>, vector<16xf32>
            %select_n3A_1085 = arith.select %gt3A_1080, %add3A_1079, %select_n3A_1054 : vector<16xi1>, vector<16xi32>
            %select_n3A_1086 = arith.select %gt3A_1081, %get3A_1075, %select_n3A_1056 : vector<16xi1>, vector<16xf32>
            %select_n3A_1087 = arith.select %gt3A_1080, %select_n3A_1053, %select_n3A_1086 : vector<16xi1>, vector<16xf32>
            %select_n3A_1088 = arith.select %gt3A_1081, %add3A_1079, %select_n3A_1058 : vector<16xi1>, vector<16xi32>
            %select_n3A_1089 = arith.select %gt3A_1080, %select_n3A_1054, %select_n3A_1088 : vector<16xi1>, vector<16xi32>
            %select_n3A_1090 = arith.select %gt3A_1082, %get3A_1075, %select_n3A_1060 : vector<16xi1>, vector<16xf32>
            %select_n3A_1091 = arith.select %gt3A_1081, %select_n3A_1056, %select_n3A_1090 : vector<16xi1>, vector<16xf32>
            %select_n3A_1092 = arith.select %gt3A_1082, %add3A_1079, %select_n3A_1062 : vector<16xi1>, vector<16xi32>
            %select_n3A_1093 = arith.select %gt3A_1081, %select_n3A_1058, %select_n3A_1092 : vector<16xi1>, vector<16xi32>
            %select_n3A_1094 = arith.select %gt3A_1083, %get3A_1075, %select_n3A_1064 : vector<16xi1>, vector<16xf32>
            %select_n3A_1095 = arith.select %gt3A_1082, %select_n3A_1060, %select_n3A_1094 : vector<16xi1>, vector<16xf32>
            %select_n3A_1096 = arith.select %gt3A_1083, %add3A_1079, %select_n3A_1066 : vector<16xi1>, vector<16xi32>
            %select_n3A_1097 = arith.select %gt3A_1082, %select_n3A_1062, %select_n3A_1096 : vector<16xi1>, vector<16xi32>
            scf.yield %select_n3A_1084, %select_n3A_1087, %select_n3A_1091, %select_n3A_1095, %select_n3A_1085, %select_n3A_1089, %select_n3A_1093, %select_n3A_1097 : vector<16xf32>, vector<16xf32>, vector<16xf32>, vector<16xf32>, vector<16xi32>, vector<16xi32>, vector<16xi32>, vector<16xi32>
          }
          %scan3A_951 = arith.constant 16 : i32
          %swap3A_952 = arith.constant 192 : index
          %swap3A_953 = tpu.vector_load %arg20[%swap3A_952] {strides = array<i32>} : memref<256xf32, #tpu.memory_space<vmem>>, vector<16xf32>,
          tpu.vector_store %arg20[%swap3A_952], %scan3A_950#0 {strides = array<i32>} : memref<256xf32, #tpu.memory_space<vmem>>, vector<16xf32>,
          %swap3A_954 = arith.constant 208 : index
          %swap3A_955 = tpu.vector_load %arg20[%swap3A_954] {strides = array<i32>} : memref<256xf32, #tpu.memory_space<vmem>>, vector<16xf32>,
          tpu.vector_store %arg20[%swap3A_954], %scan3A_950#1 {strides = array<i32>} : memref<256xf32, #tpu.memory_space<vmem>>, vector<16xf32>,
          %swap3A_956 = arith.constant 224 : index
          %swap3A_957 = tpu.vector_load %arg20[%swap3A_956] {strides = array<i32>} : memref<256xf32, #tpu.memory_space<vmem>>, vector<16xf32>,
          tpu.vector_store %arg20[%swap3A_956], %scan3A_950#2 {strides = array<i32>} : memref<256xf32, #tpu.memory_space<vmem>>, vector<16xf32>,
          %swap3A_958 = arith.constant 240 : index
          %swap3A_959 = tpu.vector_load %arg20[%swap3A_958] {strides = array<i32>} : memref<256xf32, #tpu.memory_space<vmem>>, vector<16xf32>,
          tpu.vector_store %arg20[%swap3A_958], %scan3A_950#3 {strides = array<i32>} : memref<256xf32, #tpu.memory_space<vmem>>, vector<16xf32>,
          %swap3A_960 = arith.constant 192 : index
          %swap3A_961 = tpu.vector_load %arg21[%swap3A_960] {strides = array<i32>} : memref<256xi32, #tpu.memory_space<vmem>>, vector<16xi32>,
          tpu.vector_store %arg21[%swap3A_960], %scan3A_950#4 {strides = array<i32>} : memref<256xi32, #tpu.memory_space<vmem>>, vector<16xi32>,
          %swap3A_962 = arith.constant 208 : index
          %swap3A_963 = tpu.vector_load %arg21[%swap3A_962] {strides = array<i32>} : memref<256xi32, #tpu.memory_space<vmem>>, vector<16xi32>,
          tpu.vector_store %arg21[%swap3A_962], %scan3A_950#5 {strides = array<i32>} : memref<256xi32, #tpu.memory_space<vmem>>, vector<16xi32>,
          %swap3A_964 = arith.constant 224 : index
          %swap3A_965 = tpu.vector_load %arg21[%swap3A_964] {strides = array<i32>} : memref<256xi32, #tpu.memory_space<vmem>>, vector<16xi32>,
          tpu.vector_store %arg21[%swap3A_964], %scan3A_950#6 {strides = array<i32>} : memref<256xi32, #tpu.memory_space<vmem>>, vector<16xi32>,
          %swap3A_966 = arith.constant 240 : index
          %swap3A_967 = tpu.vector_load %arg21[%swap3A_966] {strides = array<i32>} : memref<256xi32, #tpu.memory_space<vmem>>, vector<16xi32>,
          tpu.vector_store %arg21[%swap3A_966], %scan3A_950#7 {strides = array<i32>} : memref<256xi32, #tpu.memory_space<vmem>>, vector<16xi32>,
        } else {
        }
        %scan3A_929 = arith.constant 0 : i32
        scf.yield %scan3A_929 : i32
      }
      %scan3A_615 = arith.constant 16 : i32
      %add3A_616 = arith.constant 0 : i32
      %add3A_617 = arith.addi %add3A_448, %add3A_616 : i32
      %broadcast_in_dim3A_618 = vector.broadcast %add3A_617 : i32 to vector<16xi32>
      %gather3A_619 = tpu.vector_load_idx %arg15[%broadcast_in_dim3A_618] : memref<128xi32, #tpu.memory_space<vmem>>[vector<16xi32>], vector<16xi32>,
      %gather3A_620 = tpu.vector_load_idx %arg11[%gather3A_619] : memref<4096xf32, #tpu.memory_space<vmem>>[vector<16xi32>], vector<16xf32>,
      %add3A_621 = arith.constant 0 : i32
      %add3A_622 = arith.addi %add3A_448, %add3A_621 : i32
      %mul3A_623 = arith.constant 16 : i32
      %mul3A_624 = arith.muli %add3A_622, %mul3A_623 : i32
      %swap3A_625 = arith.index_cast %mul3A_624 : i32 to index
      %swap3A_626 = tpu.vector_load %arg22[%swap3A_625] {strides = array<i32>} : memref<2048xf32, #tpu.memory_space<vmem>>, vector<16xf32>,
      tpu.vector_store %arg22[%swap3A_625], %gather3A_620 {strides = array<i32>} : memref<2048xf32, #tpu.memory_space<vmem>>, vector<16xf32>,
      %add3A_627 = arith.constant 0 : i32
      %add3A_628 = arith.addi %add3A_448, %add3A_627 : i32
      %mul3A_629 = arith.constant 64 : i32
      %mul3A_630 = arith.muli %add3A_628, %mul3A_629 : i32
      %get3A_631 = arith.constant 0 : index
      %get3A_632 = tpu.vector_load %arg20[%get3A_631] {strides = array<i32>} : memref<256xf32, #tpu.memory_space<vmem>>, vector<16xf32>,
      %swap3A_633 = arith.index_cast %mul3A_630 : i32 to index
      %swap3A_634 = tpu.vector_load %arg23[%swap3A_633] {strides = array<i32>} : memref<8192xf32, #tpu.memory_space<vmem>>, vector<16xf32>,
      tpu.vector_store %arg23[%swap3A_633], %get3A_632 {strides = array<i32>} : memref<8192xf32, #tpu.memory_space<vmem>>, vector<16xf32>,
      %get3A_635 = arith.constant 16 : index
      %get3A_636 = tpu.vector_load %arg20[%get3A_635] {strides = array<i32>} : memref<256xf32, #tpu.memory_space<vmem>>, vector<16xf32>,
      %add3A_637 = arith.constant 16 : i32
      %add3A_638 = arith.addi %mul3A_630, %add3A_637 : i32
      %swap3A_639 = arith.index_cast %add3A_638 : i32 to index
      %swap3A_640 = tpu.vector_load %arg23[%swap3A_639] {strides = array<i32>} : memref<8192xf32, #tpu.memory_space<vmem>>, vector<16xf32>,
      tpu.vector_store %arg23[%swap3A_639], %get3A_636 {strides = array<i32>} : memref<8192xf32, #tpu.memory_space<vmem>>, vector<16xf32>,
      %get3A_641 = arith.constant 32 : index
      %get3A_642 = tpu.vector_load %arg20[%get3A_641] {strides = array<i32>} : memref<256xf32, #tpu.memory_space<vmem>>, vector<16xf32>,
      %add3A_643 = arith.constant 32 : i32
      %add3A_644 = arith.addi %mul3A_630, %add3A_643 : i32
      %swap3A_645 = arith.index_cast %add3A_644 : i32 to index
      %swap3A_646 = tpu.vector_load %arg23[%swap3A_645] {strides = array<i32>} : memref<8192xf32, #tpu.memory_space<vmem>>, vector<16xf32>,
      tpu.vector_store %arg23[%swap3A_645], %get3A_642 {strides = array<i32>} : memref<8192xf32, #tpu.memory_space<vmem>>, vector<16xf32>,
      %get3A_647 = arith.constant 48 : index
      %get3A_648 = tpu.vector_load %arg20[%get3A_647] {strides = array<i32>} : memref<256xf32, #tpu.memory_space<vmem>>, vector<16xf32>,
      %add3A_649 = arith.constant 48 : i32
      %add3A_650 = arith.addi %mul3A_630, %add3A_649 : i32
      %swap3A_651 = arith.index_cast %add3A_650 : i32 to index
      %swap3A_652 = tpu.vector_load %arg23[%swap3A_651] {strides = array<i32>} : memref<8192xf32, #tpu.memory_space<vmem>>, vector<16xf32>,
      tpu.vector_store %arg23[%swap3A_651], %get3A_648 {strides = array<i32>} : memref<8192xf32, #tpu.memory_space<vmem>>, vector<16xf32>,
      %get3A_653 = arith.constant 0 : index
      %get3A_654 = tpu.vector_load %arg21[%get3A_653] {strides = array<i32>} : memref<256xi32, #tpu.memory_space<vmem>>, vector<16xi32>,
      %swap3A_655 = arith.index_cast %mul3A_630 : i32 to index
      %swap3A_656 = tpu.vector_load %arg24[%swap3A_655] {strides = array<i32>} : memref<8192xi32, #tpu.memory_space<vmem>>, vector<16xi32>,
      tpu.vector_store %arg24[%swap3A_655], %get3A_654 {strides = array<i32>} : memref<8192xi32, #tpu.memory_space<vmem>>, vector<16xi32>,
      %get3A_657 = arith.constant 16 : index
      %get3A_658 = tpu.vector_load %arg21[%get3A_657] {strides = array<i32>} : memref<256xi32, #tpu.memory_space<vmem>>, vector<16xi32>,
      %add3A_659 = arith.constant 16 : i32
      %add3A_660 = arith.addi %mul3A_630, %add3A_659 : i32
      %swap3A_661 = arith.index_cast %add3A_660 : i32 to index
      %swap3A_662 = tpu.vector_load %arg24[%swap3A_661] {strides = array<i32>} : memref<8192xi32, #tpu.memory_space<vmem>>, vector<16xi32>,
      tpu.vector_store %arg24[%swap3A_661], %get3A_658 {strides = array<i32>} : memref<8192xi32, #tpu.memory_space<vmem>>, vector<16xi32>,
      %get3A_663 = arith.constant 32 : index
      %get3A_664 = tpu.vector_load %arg21[%get3A_663] {strides = array<i32>} : memref<256xi32, #tpu.memory_space<vmem>>, vector<16xi32>,
      %add3A_665 = arith.constant 32 : i32
      %add3A_666 = arith.addi %mul3A_630, %add3A_665 : i32
      %swap3A_667 = arith.index_cast %add3A_666 : i32 to index
      %swap3A_668 = tpu.vector_load %arg24[%swap3A_667] {strides = array<i32>} : memref<8192xi32, #tpu.memory_space<vmem>>, vector<16xi32>,
      tpu.vector_store %arg24[%swap3A_667], %get3A_664 {strides = array<i32>} : memref<8192xi32, #tpu.memory_space<vmem>>, vector<16xi32>,
      %get3A_669 = arith.constant 48 : index
      %get3A_670 = tpu.vector_load %arg21[%get3A_669] {strides = array<i32>} : memref<256xi32, #tpu.memory_space<vmem>>, vector<16xi32>,
      %add3A_671 = arith.constant 48 : i32
      %add3A_672 = arith.addi %mul3A_630, %add3A_671 : i32
      %swap3A_673 = arith.index_cast %add3A_672 : i32 to index
      %swap3A_674 = tpu.vector_load %arg24[%swap3A_673] {strides = array<i32>} : memref<8192xi32, #tpu.memory_space<vmem>>, vector<16xi32>,
      tpu.vector_store %arg24[%swap3A_673], %get3A_670 {strides = array<i32>} : memref<8192xi32, #tpu.memory_space<vmem>>, vector<16xi32>,
      %add3A_675 = arith.constant 1 : i32
      %add3A_676 = arith.addi %add3A_448, %add3A_675 : i32
      %broadcast_in_dim3A_677 = vector.broadcast %add3A_676 : i32 to vector<16xi32>
      %gather3A_678 = tpu.vector_load_idx %arg15[%broadcast_in_dim3A_677] : memref<128xi32, #tpu.memory_space<vmem>>[vector<16xi32>], vector<16xi32>,
      %gather3A_679 = tpu.vector_load_idx %arg12[%gather3A_678] : memref<4096xf32, #tpu.memory_space<vmem>>[vector<16xi32>], vector<16xf32>,
      %add3A_680 = arith.constant 1 : i32
      %add3A_681 = arith.addi %add3A_448, %add3A_680 : i32
      %mul3A_682 = arith.constant 16 : i32
      %mul3A_683 = arith.muli %add3A_681, %mul3A_682 : i32
      %swap3A_684 = arith.index_cast %mul3A_683 : i32 to index
      %swap3A_685 = tpu.vector_load %arg22[%swap3A_684] {strides = array<i32>} : memref<2048xf32, #tpu.memory_space<vmem>>, vector<16xf32>,
      tpu.vector_store %arg22[%swap3A_684], %gather3A_679 {strides = array<i32>} : memref<2048xf32, #tpu.memory_space<vmem>>, vector<16xf32>,
      %add3A_686 = arith.constant 1 : i32
      %add3A_687 = arith.addi %add3A_448, %add3A_686 : i32
      %mul3A_688 = arith.constant 64 : i32
      %mul3A_689 = arith.muli %add3A_687, %mul3A_688 : i32
      %get3A_690 = arith.constant 64 : index
      %get3A_691 = tpu.vector_load %arg20[%get3A_690] {strides = array<i32>} : memref<256xf32, #tpu.memory_space<vmem>>, vector<16xf32>,
      %swap3A_692 = arith.index_cast %mul3A_689 : i32 to index
      %swap3A_693 = tpu.vector_load %arg23[%swap3A_692] {strides = array<i32>} : memref<8192xf32, #tpu.memory_space<vmem>>, vector<16xf32>,
      tpu.vector_store %arg23[%swap3A_692], %get3A_691 {strides = array<i32>} : memref<8192xf32, #tpu.memory_space<vmem>>, vector<16xf32>,
      %get3A_694 = arith.constant 80 : index
      %get3A_695 = tpu.vector_load %arg20[%get3A_694] {strides = array<i32>} : memref<256xf32, #tpu.memory_space<vmem>>, vector<16xf32>,
      %add3A_696 = arith.constant 16 : i32
      %add3A_697 = arith.addi %mul3A_689, %add3A_696 : i32
      %swap3A_698 = arith.index_cast %add3A_697 : i32 to index
      %swap3A_699 = tpu.vector_load %arg23[%swap3A_698] {strides = array<i32>} : memref<8192xf32, #tpu.memory_space<vmem>>, vector<16xf32>,
      tpu.vector_store %arg23[%swap3A_698], %get3A_695 {strides = array<i32>} : memref<8192xf32, #tpu.memory_space<vmem>>, vector<16xf32>,
      %get3A_700 = arith.constant 96 : index
      %get3A_701 = tpu.vector_load %arg20[%get3A_700] {strides = array<i32>} : memref<256xf32, #tpu.memory_space<vmem>>, vector<16xf32>,
      %add3A_702 = arith.constant 32 : i32
      %add3A_703 = arith.addi %mul3A_689, %add3A_702 : i32
      %swap3A_704 = arith.index_cast %add3A_703 : i32 to index
      %swap3A_705 = tpu.vector_load %arg23[%swap3A_704] {strides = array<i32>} : memref<8192xf32, #tpu.memory_space<vmem>>, vector<16xf32>,
      tpu.vector_store %arg23[%swap3A_704], %get3A_701 {strides = array<i32>} : memref<8192xf32, #tpu.memory_space<vmem>>, vector<16xf32>,
      %get3A_706 = arith.constant 112 : index
      %get3A_707 = tpu.vector_load %arg20[%get3A_706] {strides = array<i32>} : memref<256xf32, #tpu.memory_space<vmem>>, vector<16xf32>,
      %add3A_708 = arith.constant 48 : i32
      %add3A_709 = arith.addi %mul3A_689, %add3A_708 : i32
      %swap3A_710 = arith.index_cast %add3A_709 : i32 to index
      %swap3A_711 = tpu.vector_load %arg23[%swap3A_710] {strides = array<i32>} : memref<8192xf32, #tpu.memory_space<vmem>>, vector<16xf32>,
      tpu.vector_store %arg23[%swap3A_710], %get3A_707 {strides = array<i32>} : memref<8192xf32, #tpu.memory_space<vmem>>, vector<16xf32>,
      %get3A_712 = arith.constant 64 : index
      %get3A_713 = tpu.vector_load %arg21[%get3A_712] {strides = array<i32>} : memref<256xi32, #tpu.memory_space<vmem>>, vector<16xi32>,
      %swap3A_714 = arith.index_cast %mul3A_689 : i32 to index
      %swap3A_715 = tpu.vector_load %arg24[%swap3A_714] {strides = array<i32>} : memref<8192xi32, #tpu.memory_space<vmem>>, vector<16xi32>,
      tpu.vector_store %arg24[%swap3A_714], %get3A_713 {strides = array<i32>} : memref<8192xi32, #tpu.memory_space<vmem>>, vector<16xi32>,
      %get3A_716 = arith.constant 80 : index
      %get3A_717 = tpu.vector_load %arg21[%get3A_716] {strides = array<i32>} : memref<256xi32, #tpu.memory_space<vmem>>, vector<16xi32>,
      %add3A_718 = arith.constant 16 : i32
      %add3A_719 = arith.addi %mul3A_689, %add3A_718 : i32
      %swap3A_720 = arith.index_cast %add3A_719 : i32 to index
      %swap3A_721 = tpu.vector_load %arg24[%swap3A_720] {strides = array<i32>} : memref<8192xi32, #tpu.memory_space<vmem>>, vector<16xi32>,
      tpu.vector_store %arg24[%swap3A_720], %get3A_717 {strides = array<i32>} : memref<8192xi32, #tpu.memory_space<vmem>>, vector<16xi32>,
      %get3A_722 = arith.constant 96 : index
      %get3A_723 = tpu.vector_load %arg21[%get3A_722] {strides = array<i32>} : memref<256xi32, #tpu.memory_space<vmem>>, vector<16xi32>,
      %add3A_724 = arith.constant 32 : i32
      %add3A_725 = arith.addi %mul3A_689, %add3A_724 : i32
      %swap3A_726 = arith.index_cast %add3A_725 : i32 to index
      %swap3A_727 = tpu.vector_load %arg24[%swap3A_726] {strides = array<i32>} : memref<8192xi32, #tpu.memory_space<vmem>>, vector<16xi32>,
      tpu.vector_store %arg24[%swap3A_726], %get3A_723 {strides = array<i32>} : memref<8192xi32, #tpu.memory_space<vmem>>, vector<16xi32>,
      %get3A_728 = arith.constant 112 : index
      %get3A_729 = tpu.vector_load %arg21[%get3A_728] {strides = array<i32>} : memref<256xi32, #tpu.memory_space<vmem>>, vector<16xi32>,
      %add3A_730 = arith.constant 48 : i32
      %add3A_731 = arith.addi %mul3A_689, %add3A_730 : i32
      %swap3A_732 = arith.index_cast %add3A_731 : i32 to index
      %swap3A_733 = tpu.vector_load %arg24[%swap3A_732] {strides = array<i32>} : memref<8192xi32, #tpu.memory_space<vmem>>, vector<16xi32>,
      tpu.vector_store %arg24[%swap3A_732], %get3A_729 {strides = array<i32>} : memref<8192xi32, #tpu.memory_space<vmem>>, vector<16xi32>,
      %add3A_734 = arith.constant 2 : i32
      %add3A_735 = arith.addi %add3A_448, %add3A_734 : i32
      %broadcast_in_dim3A_736 = vector.broadcast %add3A_735 : i32 to vector<16xi32>
      %gather3A_737 = tpu.vector_load_idx %arg15[%broadcast_in_dim3A_736] : memref<128xi32, #tpu.memory_space<vmem>>[vector<16xi32>], vector<16xi32>,
      %gather3A_738 = tpu.vector_load_idx %arg13[%gather3A_737] : memref<4096xf32, #tpu.memory_space<vmem>>[vector<16xi32>], vector<16xf32>,
      %add3A_739 = arith.constant 2 : i32
      %add3A_740 = arith.addi %add3A_448, %add3A_739 : i32
      %mul3A_741 = arith.constant 16 : i32
      %mul3A_742 = arith.muli %add3A_740, %mul3A_741 : i32
      %swap3A_743 = arith.index_cast %mul3A_742 : i32 to index
      %swap3A_744 = tpu.vector_load %arg22[%swap3A_743] {strides = array<i32>} : memref<2048xf32, #tpu.memory_space<vmem>>, vector<16xf32>,
      tpu.vector_store %arg22[%swap3A_743], %gather3A_738 {strides = array<i32>} : memref<2048xf32, #tpu.memory_space<vmem>>, vector<16xf32>,
      %add3A_745 = arith.constant 2 : i32
      %add3A_746 = arith.addi %add3A_448, %add3A_745 : i32
      %mul3A_747 = arith.constant 64 : i32
      %mul3A_748 = arith.muli %add3A_746, %mul3A_747 : i32
      %get3A_749 = arith.constant 128 : index
      %get3A_750 = tpu.vector_load %arg20[%get3A_749] {strides = array<i32>} : memref<256xf32, #tpu.memory_space<vmem>>, vector<16xf32>,
      %swap3A_751 = arith.index_cast %mul3A_748 : i32 to index
      %swap3A_752 = tpu.vector_load %arg23[%swap3A_751] {strides = array<i32>} : memref<8192xf32, #tpu.memory_space<vmem>>, vector<16xf32>,
      tpu.vector_store %arg23[%swap3A_751], %get3A_750 {strides = array<i32>} : memref<8192xf32, #tpu.memory_space<vmem>>, vector<16xf32>,
      %get3A_753 = arith.constant 144 : index
      %get3A_754 = tpu.vector_load %arg20[%get3A_753] {strides = array<i32>} : memref<256xf32, #tpu.memory_space<vmem>>, vector<16xf32>,
      %add3A_755 = arith.constant 16 : i32
      %add3A_756 = arith.addi %mul3A_748, %add3A_755 : i32
      %swap3A_757 = arith.index_cast %add3A_756 : i32 to index
      %swap3A_758 = tpu.vector_load %arg23[%swap3A_757] {strides = array<i32>} : memref<8192xf32, #tpu.memory_space<vmem>>, vector<16xf32>,
      tpu.vector_store %arg23[%swap3A_757], %get3A_754 {strides = array<i32>} : memref<8192xf32, #tpu.memory_space<vmem>>, vector<16xf32>,
      %get3A_759 = arith.constant 160 : index
      %get3A_760 = tpu.vector_load %arg20[%get3A_759] {strides = array<i32>} : memref<256xf32, #tpu.memory_space<vmem>>, vector<16xf32>,
      %add3A_761 = arith.constant 32 : i32
      %add3A_762 = arith.addi %mul3A_748, %add3A_761 : i32
      %swap3A_763 = arith.index_cast %add3A_762 : i32 to index
      %swap3A_764 = tpu.vector_load %arg23[%swap3A_763] {strides = array<i32>} : memref<8192xf32, #tpu.memory_space<vmem>>, vector<16xf32>,
      tpu.vector_store %arg23[%swap3A_763], %get3A_760 {strides = array<i32>} : memref<8192xf32, #tpu.memory_space<vmem>>, vector<16xf32>,
      %get3A_765 = arith.constant 176 : index
      %get3A_766 = tpu.vector_load %arg20[%get3A_765] {strides = array<i32>} : memref<256xf32, #tpu.memory_space<vmem>>, vector<16xf32>,
      %add3A_767 = arith.constant 48 : i32
      %add3A_768 = arith.addi %mul3A_748, %add3A_767 : i32
      %swap3A_769 = arith.index_cast %add3A_768 : i32 to index
      %swap3A_770 = tpu.vector_load %arg23[%swap3A_769] {strides = array<i32>} : memref<8192xf32, #tpu.memory_space<vmem>>, vector<16xf32>,
      tpu.vector_store %arg23[%swap3A_769], %get3A_766 {strides = array<i32>} : memref<8192xf32, #tpu.memory_space<vmem>>, vector<16xf32>,
      %get3A_771 = arith.constant 128 : index
      %get3A_772 = tpu.vector_load %arg21[%get3A_771] {strides = array<i32>} : memref<256xi32, #tpu.memory_space<vmem>>, vector<16xi32>,
      %swap3A_773 = arith.index_cast %mul3A_748 : i32 to index
      %swap3A_774 = tpu.vector_load %arg24[%swap3A_773] {strides = array<i32>} : memref<8192xi32, #tpu.memory_space<vmem>>, vector<16xi32>,
      tpu.vector_store %arg24[%swap3A_773], %get3A_772 {strides = array<i32>} : memref<8192xi32, #tpu.memory_space<vmem>>, vector<16xi32>,
      %get3A_775 = arith.constant 144 : index
      %get3A_776 = tpu.vector_load %arg21[%get3A_775] {strides = array<i32>} : memref<256xi32, #tpu.memory_space<vmem>>, vector<16xi32>,
      %add3A_777 = arith.constant 16 : i32
      %add3A_778 = arith.addi %mul3A_748, %add3A_777 : i32
      %swap3A_779 = arith.index_cast %add3A_778 : i32 to index
      %swap3A_780 = tpu.vector_load %arg24[%swap3A_779] {strides = array<i32>} : memref<8192xi32, #tpu.memory_space<vmem>>, vector<16xi32>,
      tpu.vector_store %arg24[%swap3A_779], %get3A_776 {strides = array<i32>} : memref<8192xi32, #tpu.memory_space<vmem>>, vector<16xi32>,
      %get3A_781 = arith.constant 160 : index
      %get3A_782 = tpu.vector_load %arg21[%get3A_781] {strides = array<i32>} : memref<256xi32, #tpu.memory_space<vmem>>, vector<16xi32>,
      %add3A_783 = arith.constant 32 : i32
      %add3A_784 = arith.addi %mul3A_748, %add3A_783 : i32
      %swap3A_785 = arith.index_cast %add3A_784 : i32 to index
      %swap3A_786 = tpu.vector_load %arg24[%swap3A_785] {strides = array<i32>} : memref<8192xi32, #tpu.memory_space<vmem>>, vector<16xi32>,
      tpu.vector_store %arg24[%swap3A_785], %get3A_782 {strides = array<i32>} : memref<8192xi32, #tpu.memory_space<vmem>>, vector<16xi32>,
      %get3A_787 = arith.constant 176 : index
      %get3A_788 = tpu.vector_load %arg21[%get3A_787] {strides = array<i32>} : memref<256xi32, #tpu.memory_space<vmem>>, vector<16xi32>,
      %add3A_789 = arith.constant 48 : i32
      %add3A_790 = arith.addi %mul3A_748, %add3A_789 : i32
      %swap3A_791 = arith.index_cast %add3A_790 : i32 to index
      %swap3A_792 = tpu.vector_load %arg24[%swap3A_791] {strides = array<i32>} : memref<8192xi32, #tpu.memory_space<vmem>>, vector<16xi32>,
      tpu.vector_store %arg24[%swap3A_791], %get3A_788 {strides = array<i32>} : memref<8192xi32, #tpu.memory_space<vmem>>, vector<16xi32>,
      %add3A_793 = arith.constant 3 : i32
      %add3A_794 = arith.addi %add3A_448, %add3A_793 : i32
      %broadcast_in_dim3A_795 = vector.broadcast %add3A_794 : i32 to vector<16xi32>
      %gather3A_796 = tpu.vector_load_idx %arg15[%broadcast_in_dim3A_795] : memref<128xi32, #tpu.memory_space<vmem>>[vector<16xi32>], vector<16xi32>,
      %gather3A_797 = tpu.vector_load_idx %arg14[%gather3A_796] : memref<4096xf32, #tpu.memory_space<vmem>>[vector<16xi32>], vector<16xf32>,
      %add3A_798 = arith.constant 3 : i32
      %add3A_799 = arith.addi %add3A_448, %add3A_798 : i32
      %mul3A_800 = arith.constant 16 : i32
      %mul3A_801 = arith.muli %add3A_799, %mul3A_800 : i32
      %swap3A_802 = arith.index_cast %mul3A_801 : i32 to index
      %swap3A_803 = tpu.vector_load %arg22[%swap3A_802] {strides = array<i32>} : memref<2048xf32, #tpu.memory_space<vmem>>, vector<16xf32>,
      tpu.vector_store %arg22[%swap3A_802], %gather3A_797 {strides = array<i32>} : memref<2048xf32, #tpu.memory_space<vmem>>, vector<16xf32>,
      %add3A_804 = arith.constant 3 : i32
      %add3A_805 = arith.addi %add3A_448, %add3A_804 : i32
      %mul3A_806 = arith.constant 64 : i32
      %mul3A_807 = arith.muli %add3A_805, %mul3A_806 : i32
      %get3A_808 = arith.constant 192 : index
      %get3A_809 = tpu.vector_load %arg20[%get3A_808] {strides = array<i32>} : memref<256xf32, #tpu.memory_space<vmem>>, vector<16xf32>,
      %swap3A_810 = arith.index_cast %mul3A_807 : i32 to index
      %swap3A_811 = tpu.vector_load %arg23[%swap3A_810] {strides = array<i32>} : memref<8192xf32, #tpu.memory_space<vmem>>, vector<16xf32>,
      tpu.vector_store %arg23[%swap3A_810], %get3A_809 {strides = array<i32>} : memref<8192xf32, #tpu.memory_space<vmem>>, vector<16xf32>,
      %get3A_812 = arith.constant 208 : index
      %get3A_813 = tpu.vector_load %arg20[%get3A_812] {strides = array<i32>} : memref<256xf32, #tpu.memory_space<vmem>>, vector<16xf32>,
      %add3A_814 = arith.constant 16 : i32
      %add3A_815 = arith.addi %mul3A_807, %add3A_814 : i32
      %swap3A_816 = arith.index_cast %add3A_815 : i32 to index
      %swap3A_817 = tpu.vector_load %arg23[%swap3A_816] {strides = array<i32>} : memref<8192xf32, #tpu.memory_space<vmem>>, vector<16xf32>,
      tpu.vector_store %arg23[%swap3A_816], %get3A_813 {strides = array<i32>} : memref<8192xf32, #tpu.memory_space<vmem>>, vector<16xf32>,
      %get3A_818 = arith.constant 224 : index
      %get3A_819 = tpu.vector_load %arg20[%get3A_818] {strides = array<i32>} : memref<256xf32, #tpu.memory_space<vmem>>, vector<16xf32>,
      %add3A_820 = arith.constant 32 : i32
      %add3A_821 = arith.addi %mul3A_807, %add3A_820 : i32
      %swap3A_822 = arith.index_cast %add3A_821 : i32 to index
      %swap3A_823 = tpu.vector_load %arg23[%swap3A_822] {strides = array<i32>} : memref<8192xf32, #tpu.memory_space<vmem>>, vector<16xf32>,
      tpu.vector_store %arg23[%swap3A_822], %get3A_819 {strides = array<i32>} : memref<8192xf32, #tpu.memory_space<vmem>>, vector<16xf32>,
      %get3A_824 = arith.constant 240 : index
      %get3A_825 = tpu.vector_load %arg20[%get3A_824] {strides = array<i32>} : memref<256xf32, #tpu.memory_space<vmem>>, vector<16xf32>,
      %add3A_826 = arith.constant 48 : i32
      %add3A_827 = arith.addi %mul3A_807, %add3A_826 : i32
      %swap3A_828 = arith.index_cast %add3A_827 : i32 to index
      %swap3A_829 = tpu.vector_load %arg23[%swap3A_828] {strides = array<i32>} : memref<8192xf32, #tpu.memory_space<vmem>>, vector<16xf32>,
      tpu.vector_store %arg23[%swap3A_828], %get3A_825 {strides = array<i32>} : memref<8192xf32, #tpu.memory_space<vmem>>, vector<16xf32>,
      %get3A_830 = arith.constant 192 : index
      %get3A_831 = tpu.vector_load %arg21[%get3A_830] {strides = array<i32>} : memref<256xi32, #tpu.memory_space<vmem>>, vector<16xi32>,
      %swap3A_832 = arith.index_cast %mul3A_807 : i32 to index
      %swap3A_833 = tpu.vector_load %arg24[%swap3A_832] {strides = array<i32>} : memref<8192xi32, #tpu.memory_space<vmem>>, vector<16xi32>,
      tpu.vector_store %arg24[%swap3A_832], %get3A_831 {strides = array<i32>} : memref<8192xi32, #tpu.memory_space<vmem>>, vector<16xi32>,
      %get3A_834 = arith.constant 208 : index
      %get3A_835 = tpu.vector_load %arg21[%get3A_834] {strides = array<i32>} : memref<256xi32, #tpu.memory_space<vmem>>, vector<16xi32>,
      %add3A_836 = arith.constant 16 : i32
      %add3A_837 = arith.addi %mul3A_807, %add3A_836 : i32
      %swap3A_838 = arith.index_cast %add3A_837 : i32 to index
      %swap3A_839 = tpu.vector_load %arg24[%swap3A_838] {strides = array<i32>} : memref<8192xi32, #tpu.memory_space<vmem>>, vector<16xi32>,
      tpu.vector_store %arg24[%swap3A_838], %get3A_835 {strides = array<i32>} : memref<8192xi32, #tpu.memory_space<vmem>>, vector<16xi32>,
      %get3A_840 = arith.constant 224 : index
      %get3A_841 = tpu.vector_load %arg21[%get3A_840] {strides = array<i32>} : memref<256xi32, #tpu.memory_space<vmem>>, vector<16xi32>,
      %add3A_842 = arith.constant 32 : i32
      %add3A_843 = arith.addi %mul3A_807, %add3A_842 : i32
      %swap3A_844 = arith.index_cast %add3A_843 : i32 to index
      %swap3A_845 = tpu.vector_load %arg24[%swap3A_844] {strides = array<i32>} : memref<8192xi32, #tpu.memory_space<vmem>>, vector<16xi32>,
      tpu.vector_store %arg24[%swap3A_844], %get3A_841 {strides = array<i32>} : memref<8192xi32, #tpu.memory_space<vmem>>, vector<16xi32>,
      %get3A_846 = arith.constant 240 : index
      %get3A_847 = tpu.vector_load %arg21[%get3A_846] {strides = array<i32>} : memref<256xi32, #tpu.memory_space<vmem>>, vector<16xi32>,
      %add3A_848 = arith.constant 48 : i32
      %add3A_849 = arith.addi %mul3A_807, %add3A_848 : i32
      %swap3A_850 = arith.index_cast %add3A_849 : i32 to index
      %swap3A_851 = tpu.vector_load %arg24[%swap3A_850] {strides = array<i32>} : memref<8192xi32, #tpu.memory_space<vmem>>, vector<16xi32>,
      tpu.vector_store %arg24[%swap3A_850], %get3A_847 {strides = array<i32>} : memref<8192xi32, #tpu.memory_space<vmem>>, vector<16xi32>,
      %scan3A_852 = arith.constant 0 : i32
      scf.yield %scan3A_852 : i32
    }
    %scan3A_40 = arith.constant 16 : i32
    %mul3A_41 = arith.constant 16 : i32
    %mul3A_42 = arith.muli %mul3A_2, %mul3A_41 : i32
    "tpu.region"() ({
      %run_scoped3A = tpu.sem_alloc : memref<!tpu.dma_semaphore, #tpu.memory_space<semaphore_mem>>
      %dma_start3A_47 = tpu.memref_slice %arg4[%mul3A_42] : memref<65536xf32, #tpu.memory_space<hbm>> -> memref<2048xf32, #tpu.memory_space<hbm>>
      %dma_start3A_48 = tpu.memref_slice %arg4[%mul3A_42] : memref<65536xf32, #tpu.memory_space<hbm>> -> memref<2048xf32, #tpu.memory_space<hbm>>
      tpu.enqueue_dma source(%arg22 : memref<2048xf32, #tpu.memory_space<vmem>>) target(%dma_start3A_48 : memref<2048xf32, #tpu.memory_space<hbm>>) target_semaphore(%run_scoped3A : memref<!tpu.dma_semaphore, #tpu.memory_space<semaphore_mem>>)
      %dma_wait3A = tpu.memref_slice %arg4[%mul3A_42] : memref<65536xf32, #tpu.memory_space<hbm>> -> memref<2048xf32, #tpu.memory_space<hbm>>
      %dma_wait3A_49 = tpu.memref_slice %arg4[%mul3A_42] : memref<65536xf32, #tpu.memory_space<hbm>> -> memref<2048xf32, #tpu.memory_space<hbm>>
      tpu.wait_dma2 semaphore(%run_scoped3A : memref<!tpu.dma_semaphore, #tpu.memory_space<semaphore_mem>>) src(%arg22 : memref<2048xf32, #tpu.memory_space<vmem>>) dst(%dma_wait3A_49 : memref<2048xf32, #tpu.memory_space<hbm>>)
      tpu.yield
    }) : () -> ()
    %mul3A_43 = arith.constant 64 : i32
    %mul3A_44 = arith.muli %mul3A_2, %mul3A_43 : i32
    "tpu.region"() ({
      %run_scoped3A = tpu.sem_alloc : memref<!tpu.dma_semaphore, #tpu.memory_space<semaphore_mem>>
      %dma_start3A_47 = tpu.memref_slice %arg5[%mul3A_44] : memref<262144xf32, #tpu.memory_space<hbm>> -> memref<8192xf32, #tpu.memory_space<hbm>>
      %dma_start3A_48 = tpu.memref_slice %arg5[%mul3A_44] : memref<262144xf32, #tpu.memory_space<hbm>> -> memref<8192xf32, #tpu.memory_space<hbm>>
      tpu.enqueue_dma source(%arg23 : memref<8192xf32, #tpu.memory_space<vmem>>) target(%dma_start3A_48 : memref<8192xf32, #tpu.memory_space<hbm>>) target_semaphore(%run_scoped3A : memref<!tpu.dma_semaphore, #tpu.memory_space<semaphore_mem>>)
      %dma_wait3A = tpu.memref_slice %arg5[%mul3A_44] : memref<262144xf32, #tpu.memory_space<hbm>> -> memref<8192xf32, #tpu.memory_space<hbm>>
      %dma_wait3A_49 = tpu.memref_slice %arg5[%mul3A_44] : memref<262144xf32, #tpu.memory_space<hbm>> -> memref<8192xf32, #tpu.memory_space<hbm>>
      tpu.wait_dma2 semaphore(%run_scoped3A : memref<!tpu.dma_semaphore, #tpu.memory_space<semaphore_mem>>) src(%arg23 : memref<8192xf32, #tpu.memory_space<vmem>>) dst(%dma_wait3A_49 : memref<8192xf32, #tpu.memory_space<hbm>>)
      tpu.yield
    }) : () -> ()
    %mul3A_45 = arith.constant 64 : i32
    %mul3A_46 = arith.muli %mul3A_2, %mul3A_45 : i32
    "tpu.region"() ({
      %run_scoped3A = tpu.sem_alloc : memref<!tpu.dma_semaphore, #tpu.memory_space<semaphore_mem>>
      %dma_start3A_47 = tpu.memref_slice %arg6[%mul3A_46] : memref<262144xi32, #tpu.memory_space<hbm>> -> memref<8192xi32, #tpu.memory_space<hbm>>
      %dma_start3A_48 = tpu.memref_slice %arg6[%mul3A_46] : memref<262144xi32, #tpu.memory_space<hbm>> -> memref<8192xi32, #tpu.memory_space<hbm>>
      tpu.enqueue_dma source(%arg24 : memref<8192xi32, #tpu.memory_space<vmem>>) target(%dma_start3A_48 : memref<8192xi32, #tpu.memory_space<hbm>>) target_semaphore(%run_scoped3A : memref<!tpu.dma_semaphore, #tpu.memory_space<semaphore_mem>>)
      %dma_wait3A = tpu.memref_slice %arg6[%mul3A_46] : memref<262144xi32, #tpu.memory_space<hbm>> -> memref<8192xi32, #tpu.memory_space<hbm>>
      %dma_wait3A_49 = tpu.memref_slice %arg6[%mul3A_46] : memref<262144xi32, #tpu.memory_space<hbm>> -> memref<8192xi32, #tpu.memory_space<hbm>>
      tpu.wait_dma2 semaphore(%run_scoped3A : memref<!tpu.dma_semaphore, #tpu.memory_space<semaphore_mem>>) src(%arg24 : memref<8192xi32, #tpu.memory_space<vmem>>) dst(%dma_wait3A_49 : memref<8192xi32, #tpu.memory_space<hbm>>)
      tpu.yield
    }) : () -> ()
    return
  }
}

module attributes {stable_mosaic.version = 14 : i64} {
  func.func @_dense_body(%arg0: i32, %arg1: memref<256x4096xf32, #tpu.memory_space<vmem>>, %arg2: memref<8x256xf32, #tpu.memory_space<vmem>>) attributes {dimension_semantics = [#tpu.dimension_semantics<arbitrary>], iteration_bounds = array<i64: 16>, scalar_prefetch = 0 : i64, scratch_operands = 0 : i64, tpu.core_type = #tpu.core_type<tc>, window_params = [{transform_indices = @transform_0, window_bounds = array<i64: 256, 4096>}, {transform_indices = @transform_1, window_bounds = array<i64: 8, 256>}]} {
    %get3A = arith.constant 0 : index
    %get3A_0 = arith.constant 0 : index
    %get3A_1 = vector.load %arg1[%get3A, %get3A_0] : memref<256x4096xf32, #tpu.memory_space<vmem>>, vector<256x4096xf32>
    %reduce_max3A = arith.constant dense<0xFF800000> : vector<256xf32>
    %reduce_max3A_2 = vector.multi_reduction <maximumf>, %get3A_1, %reduce_max3A [1] : vector<256x4096xf32> to vector<256xf32>
    %broadcast_in_dim3A = vector.shape_cast %reduce_max3A_2 : vector<256xf32> to vector<256x1xf32>
    %sub3A = vector.broadcast %broadcast_in_dim3A : vector<256x1xf32> to vector<256x4096xf32>
    %sub3A_3 = arith.subf %get3A_1, %sub3A : vector<256x4096xf32>
    %exp3A = math.exp %sub3A_3 : vector<256x4096xf32>
    %reduce_sum3A = arith.constant dense<0.000000e+00> : vector<256xf32>
    %reduce_sum3A_4 = vector.multi_reduction <add>, %exp3A, %reduce_sum3A [1] : vector<256x4096xf32> to vector<256xf32>
    %reduce_sum3A_5 = arith.constant dense<0.000000e+00> : vector<256xf32>
    %reduce_sum3A_6 = vector.multi_reduction <add>, %get3A_1, %reduce_sum3A_5 [1] : vector<256x4096xf32> to vector<256xf32>
    %broadcast_in_dim3A_7 = arith.constant 0.000000e+00 : f32
    %broadcast_in_dim3A_8 = vector.broadcast %broadcast_in_dim3A_7 : f32 to vector<256xf32>
    %stack3A = vector.shape_cast %reduce_max3A_2 : vector<256xf32> to vector<1x256xf32>
    %stack3A_9 = vector.shape_cast %reduce_sum3A_4 : vector<256xf32> to vector<1x256xf32>
    %stack3A_10 = vector.shape_cast %reduce_sum3A_6 : vector<256xf32> to vector<1x256xf32>
    %stack3A_11 = vector.shape_cast %broadcast_in_dim3A_8 : vector<256xf32> to vector<1x256xf32>
    %stack3A_12 = vector.shape_cast %broadcast_in_dim3A_8 : vector<256xf32> to vector<1x256xf32>
    %stack3A_13 = vector.shape_cast %broadcast_in_dim3A_8 : vector<256xf32> to vector<1x256xf32>
    %stack3A_14 = vector.shape_cast %broadcast_in_dim3A_8 : vector<256xf32> to vector<1x256xf32>
    %stack3A_15 = vector.shape_cast %broadcast_in_dim3A_8 : vector<256xf32> to vector<1x256xf32>
    %stack3A_16 = tpu.concatenate %stack3A, %stack3A_9, %stack3A_10, %stack3A_11, %stack3A_12, %stack3A_13, %stack3A_14, %stack3A_15 in 0 : vector<1x256xf32>, vector<1x256xf32>, vector<1x256xf32>, vector<1x256xf32>, vector<1x256xf32>, vector<1x256xf32>, vector<1x256xf32>, vector<1x256xf32> -> vector<8x256xf32>
    %swap3A = arith.constant 0 : index
    %swap3A_17 = arith.constant 0 : index
    %swap3A_18 = vector.load %arg2[%swap3A, %swap3A_17] : memref<8x256xf32, #tpu.memory_space<vmem>>, vector<8x256xf32>
    tpu.vector_store %arg2[%swap3A, %swap3A_17], %stack3A_16 {strides = array<i32>} : memref<8x256xf32, #tpu.memory_space<vmem>>, vector<8x256xf32>,
    return
  }
  func.func @transform_0(%arg0: i32) -> (i32, i32) {
    %c0_i32 = arith.constant 0 : i32
    %c0_i32_0 = arith.constant 0 : i32
    return %arg0, %c0_i32 : i32, i32
  }
  func.func @transform_1(%arg0: i32) -> (i32, i32) {
    %c0_i32 = arith.constant 0 : i32
    %c0_i32_0 = arith.constant 0 : i32
    return %c0_i32, %arg0 : i32, i32
  }
}

module attributes {stable_mosaic.version = 14 : i64} {
  func.func @_fin_body(%arg0: i32, %arg1: memref<8x512xf32, #tpu.memory_space<vmem>>, %arg2: memref<512x16xf32, #tpu.memory_space<vmem>>, %arg3: memref<512x64xf32, #tpu.memory_space<vmem>>, %arg4: memref<512x64xi32, #tpu.memory_space<vmem>>, %arg5: memref<512x1xi32, #tpu.memory_space<vmem>>, %arg6: memref<1x1xf32, #tpu.memory_space<vmem>>) attributes {dimension_semantics = [#tpu.dimension_semantics<arbitrary>], iteration_bounds = array<i64: 8>, scalar_prefetch = 0 : i64, scratch_operands = 0 : i64, tpu.core_type = #tpu.core_type<tc>, window_params = [{transform_indices = @transform_0, window_bounds = array<i64: 8, 512>}, {transform_indices = @transform_1, window_bounds = array<i64: 512, 16>}, {transform_indices = @transform_2, window_bounds = array<i64: 512, 64>}, {transform_indices = @transform_3, window_bounds = array<i64: 512, 64>}, {transform_indices = @transform_4, window_bounds = array<i64: 512, 1>}, {pipeline_mode = #tpu.pipeline_mode<synchronous>, transform_indices = @transform_5, window_bounds = array<i64: 1, 1>}]} {
    %get3A = arith.constant 0 : index
    %get3A_0 = arith.constant 0 : index
    %get3A_1 = vector.load %arg1[%get3A, %get3A_0] : memref<8x512xf32, #tpu.memory_space<vmem>>, vector<8x512xf32>
    %slice3A = vector.extract_strided_slice %get3A_1 {offsets = [0, 0], sizes = [1, 512], strides = [1, 1]} : vector<8x512xf32> to vector<1x512xf32>
    %squeeze3A = vector.shape_cast %slice3A : vector<1x512xf32> to vector<512xf32>
    %slice3A_2 = vector.extract_strided_slice %get3A_1 {offsets = [1, 0], sizes = [1, 512], strides = [1, 1]} : vector<8x512xf32> to vector<1x512xf32>
    %squeeze3A_3 = vector.shape_cast %slice3A_2 : vector<1x512xf32> to vector<512xf32>
    %slice3A_4 = vector.extract_strided_slice %get3A_1 {offsets = [2, 0], sizes = [1, 512], strides = [1, 1]} : vector<8x512xf32> to vector<1x512xf32>
    %squeeze3A_5 = vector.shape_cast %slice3A_4 : vector<1x512xf32> to vector<512xf32>
    %get3A_6 = arith.constant 0 : index
    %get3A_7 = arith.constant 0 : index
    %get3A_8 = vector.load %arg2[%get3A_6, %get3A_7] : memref<512x16xf32, #tpu.memory_space<vmem>>, vector<512x16xf32>
    %reduce_max3A = arith.constant dense<0xFF800000> : vector<512xf32>
    %reduce_max3A_9 = vector.multi_reduction <maximumf>, %get3A_8, %reduce_max3A [1] : vector<512x16xf32> to vector<512xf32>
    %log3A = math.log %squeeze3A_3 : vector<512xf32>
    %add3A = arith.addf %squeeze3A, %log3A : vector<512xf32>
    %mul3A = arith.constant 4.096000e+03 : f32
    %mul3A_10 = vector.broadcast %mul3A : f32 to vector<512xf32>
    %mul3A_11 = arith.mulf %mul3A_10, %add3A : vector<512xf32>
    %sub3A = arith.subf %squeeze3A_5, %mul3A_11 : vector<512xf32>
    %mul3A_12 = arith.constant 2.44200237E-5 : f32
    %mul3A_13 = vector.broadcast %mul3A_12 : f32 to vector<512xf32>
    %mul3A_14 = arith.mulf %mul3A_13, %sub3A : vector<512xf32>
    %sub3A_15 = arith.subf %reduce_max3A_9, %add3A : vector<512xf32>
    %mul3A_16 = arith.constant 0.899975597 : f32
    %mul3A_17 = vector.broadcast %mul3A_16 : f32 to vector<512xf32>
    %mul3A_18 = arith.mulf %mul3A_17, %sub3A_15 : vector<512xf32>
    %add3A_19 = arith.addf %mul3A_14, %mul3A_18 : vector<512xf32>
    %get3A_20 = arith.constant 0 : index
    %get3A_21 = arith.constant 0 : index
    %get3A_22 = vector.load %arg3[%get3A_20, %get3A_21] : memref<512x64xf32, #tpu.memory_space<vmem>>, vector<512x64xf32>
    %get3A_23 = arith.constant 0 : index
    %get3A_24 = arith.constant 0 : index
    %get3A_25 = vector.load %arg4[%get3A_23, %get3A_24] : memref<512x64xi32, #tpu.memory_space<vmem>>, vector<512x64xi32>
    %broadcast_in_dim3A = arith.constant true
    %broadcast_in_dim3A_26 = vector.broadcast %broadcast_in_dim3A : i1 to vector<512x64xi1>
    %jit3A = arith.constant 0xFF800000 : f32
    %broadcast_in_dim3A_27 = vector.broadcast %jit3A : f32 to vector<512x64xf32>
    %select_n3A = arith.select %broadcast_in_dim3A_26, %get3A_22, %broadcast_in_dim3A_27 : vector<512x64xi1>, vector<512x64xf32>
    %reduce_max3A_28 = arith.constant dense<0xFF800000> : vector<512xf32>
    %reduce_max3A_29 = vector.multi_reduction <maximumf>, %select_n3A, %reduce_max3A_28 [1] : vector<512x64xf32> to vector<512xf32>
    %broadcast_in_dim3A_30 = vector.shape_cast %reduce_max3A_29 : vector<512xf32> to vector<512x1xf32>
    %eq3A = vector.broadcast %broadcast_in_dim3A_30 : vector<512x1xf32> to vector<512x64xf32>
    %eq3A_31 = arith.cmpf oeq, %select_n3A, %eq3A : vector<512x64xf32>
    %jit3A_32 = arith.constant 4096 : i32
    %broadcast_in_dim3A_33 = vector.broadcast %jit3A_32 : i32 to vector<512x64xi32>
    %select_n3A_34 = arith.select %eq3A_31, %get3A_25, %broadcast_in_dim3A_33 : vector<512x64xi1>, vector<512x64xi32>
    %reduce_min3A = arith.constant dense<2147483647> : vector<512xi32>
    %reduce_min3A_35 = vector.multi_reduction <minsi>, %select_n3A_34, %reduce_min3A [1] : vector<512x64xi32> to vector<512xi32>
    %broadcast_in_dim3A_36 = vector.shape_cast %reduce_min3A_35 : vector<512xi32> to vector<512x1xi32>
    %eq3A_37 = vector.broadcast %broadcast_in_dim3A_36 : vector<512x1xi32> to vector<512x64xi32>
    %eq3A_38 = arith.cmpi eq, %get3A_25, %eq3A_37 : vector<512x64xi32>
    %and3A = arith.andi %eq3A_31, %eq3A_38 : vector<512x64xi1>
    %not3A = arith.constant dense<true> : vector<512x64xi1>
    %not3A_39 = arith.xori %and3A, %not3A : vector<512x64xi1>
    %and3A_40 = arith.andi %broadcast_in_dim3A_26, %not3A_39 : vector<512x64xi1>
    %jit3A_41 = arith.constant 0xFF800000 : f32
    %broadcast_in_dim3A_42 = vector.broadcast %jit3A_41 : f32 to vector<512x64xf32>
    %select_n3A_43 = arith.select %and3A_40, %get3A_22, %broadcast_in_dim3A_42 : vector<512x64xi1>, vector<512x64xf32>
    %reduce_max3A_44 = arith.constant dense<0xFF800000> : vector<512xf32>
    %reduce_max3A_45 = vector.multi_reduction <maximumf>, %select_n3A_43, %reduce_max3A_44 [1] : vector<512x64xf32> to vector<512xf32>
    %broadcast_in_dim3A_46 = vector.shape_cast %reduce_max3A_45 : vector<512xf32> to vector<512x1xf32>
    %eq3A_47 = vector.broadcast %broadcast_in_dim3A_46 : vector<512x1xf32> to vector<512x64xf32>
    %eq3A_48 = arith.cmpf oeq, %select_n3A_43, %eq3A_47 : vector<512x64xf32>
    %jit3A_49 = arith.constant 4096 : i32
    %broadcast_in_dim3A_50 = vector.broadcast %jit3A_49 : i32 to vector<512x64xi32>
    %select_n3A_51 = arith.select %eq3A_48, %get3A_25, %broadcast_in_dim3A_50 : vector<512x64xi1>, vector<512x64xi32>
    %reduce_min3A_52 = arith.constant dense<2147483647> : vector<512xi32>
    %reduce_min3A_53 = vector.multi_reduction <minsi>, %select_n3A_51, %reduce_min3A_52 [1] : vector<512x64xi32> to vector<512xi32>
    %broadcast_in_dim3A_54 = vector.shape_cast %reduce_min3A_53 : vector<512xi32> to vector<512x1xi32>
    %eq3A_55 = vector.broadcast %broadcast_in_dim3A_54 : vector<512x1xi32> to vector<512x64xi32>
    %eq3A_56 = arith.cmpi eq, %get3A_25, %eq3A_55 : vector<512x64xi32>
    %and3A_57 = arith.andi %eq3A_48, %eq3A_56 : vector<512x64xi1>
    %not3A_58 = arith.constant dense<true> : vector<512x64xi1>
    %not3A_59 = arith.xori %and3A_57, %not3A_58 : vector<512x64xi1>
    %and3A_60 = arith.andi %and3A_40, %not3A_59 : vector<512x64xi1>
    %jit3A_61 = arith.constant 0xFF800000 : f32
    %broadcast_in_dim3A_62 = vector.broadcast %jit3A_61 : f32 to vector<512x64xf32>
    %select_n3A_63 = arith.select %and3A_60, %get3A_22, %broadcast_in_dim3A_62 : vector<512x64xi1>, vector<512x64xf32>
    %reduce_max3A_64 = arith.constant dense<0xFF800000> : vector<512xf32>
    %reduce_max3A_65 = vector.multi_reduction <maximumf>, %select_n3A_63, %reduce_max3A_64 [1] : vector<512x64xf32> to vector<512xf32>
    %broadcast_in_dim3A_66 = vector.shape_cast %reduce_max3A_65 : vector<512xf32> to vector<512x1xf32>
    %eq3A_67 = vector.broadcast %broadcast_in_dim3A_66 : vector<512x1xf32> to vector<512x64xf32>
    %eq3A_68 = arith.cmpf oeq, %select_n3A_63, %eq3A_67 : vector<512x64xf32>
    %jit3A_69 = arith.constant 4096 : i32
    %broadcast_in_dim3A_70 = vector.broadcast %jit3A_69 : i32 to vector<512x64xi32>
    %select_n3A_71 = arith.select %eq3A_68, %get3A_25, %broadcast_in_dim3A_70 : vector<512x64xi1>, vector<512x64xi32>
    %reduce_min3A_72 = arith.constant dense<2147483647> : vector<512xi32>
    %reduce_min3A_73 = vector.multi_reduction <minsi>, %select_n3A_71, %reduce_min3A_72 [1] : vector<512x64xi32> to vector<512xi32>
    %broadcast_in_dim3A_74 = vector.shape_cast %reduce_min3A_73 : vector<512xi32> to vector<512x1xi32>
    %eq3A_75 = vector.broadcast %broadcast_in_dim3A_74 : vector<512x1xi32> to vector<512x64xi32>
    %eq3A_76 = arith.cmpi eq, %get3A_25, %eq3A_75 : vector<512x64xi32>
    %and3A_77 = arith.andi %eq3A_68, %eq3A_76 : vector<512x64xi1>
    %not3A_78 = arith.constant dense<true> : vector<512x64xi1>
    %not3A_79 = arith.xori %and3A_77, %not3A_78 : vector<512x64xi1>
    %and3A_80 = arith.andi %and3A_60, %not3A_79 : vector<512x64xi1>
    %jit3A_81 = arith.constant 0xFF800000 : f32
    %broadcast_in_dim3A_82 = vector.broadcast %jit3A_81 : f32 to vector<512x64xf32>
    %select_n3A_83 = arith.select %and3A_80, %get3A_22, %broadcast_in_dim3A_82 : vector<512x64xi1>, vector<512x64xf32>
    %reduce_max3A_84 = arith.constant dense<0xFF800000> : vector<512xf32>
    %reduce_max3A_85 = vector.multi_reduction <maximumf>, %select_n3A_83, %reduce_max3A_84 [1] : vector<512x64xf32> to vector<512xf32>
    %broadcast_in_dim3A_86 = vector.shape_cast %reduce_max3A_85 : vector<512xf32> to vector<512x1xf32>
    %eq3A_87 = vector.broadcast %broadcast_in_dim3A_86 : vector<512x1xf32> to vector<512x64xf32>
    %eq3A_88 = arith.cmpf oeq, %select_n3A_83, %eq3A_87 : vector<512x64xf32>
    %jit3A_89 = arith.constant 4096 : i32
    %broadcast_in_dim3A_90 = vector.broadcast %jit3A_89 : i32 to vector<512x64xi32>
    %select_n3A_91 = arith.select %eq3A_88, %get3A_25, %broadcast_in_dim3A_90 : vector<512x64xi1>, vector<512x64xi32>
    %reduce_min3A_92 = arith.constant dense<2147483647> : vector<512xi32>
    %reduce_min3A_93 = vector.multi_reduction <minsi>, %select_n3A_91, %reduce_min3A_92 [1] : vector<512x64xi32> to vector<512xi32>
    %mul3A_94 = arith.constant 512 : i32
    %mul3A_95 = arith.muli %arg0, %mul3A_94 : i32
    %iota3A = tpu.iota {dimensions = array<i32: 1>} : vector<1x512xi32>
    %iota3A_96 = vector.shape_cast %iota3A : vector<1x512xi32> to vector<512xi32>
    %add3A_97 = vector.broadcast %mul3A_95 : i32 to vector<512xi32>
    %add3A_98 = arith.addi %add3A_97, %iota3A_96 : vector<512xi32>
    %eq3A_99 = arith.cmpi eq, %reduce_min3A_35, %add3A_98 : vector<512xi32>
    %eq3A_100 = arith.cmpi eq, %reduce_min3A_53, %add3A_98 : vector<512xi32>
    %eq3A_101 = arith.cmpi eq, %reduce_min3A_73, %add3A_98 : vector<512xi32>
    %get3A_102 = arith.constant 0 : index
    %get3A_103 = arith.constant 0 : index
    %get3A_104 = vector.load %arg5[%get3A_102, %get3A_103] : memref<512x1xi32, #tpu.memory_space<vmem>>, vector<512x1xi32>
    %get3A_105 = vector.shape_cast %get3A_104 : vector<512x1xi32> to vector<512xi32>
    %eq3A_106 = arith.cmpi eq, %reduce_min3A_53, %get3A_105 : vector<512xi32>
    %jit3A_107 = arith.constant 0.899999976 : f32
    %jit3A_108 = arith.constant 2.44200237E-5 : f32
    %broadcast_in_dim3A_109 = vector.broadcast %jit3A_107 : f32 to vector<512xf32>
    %broadcast_in_dim3A_110 = vector.broadcast %jit3A_108 : f32 to vector<512xf32>
    %select_n3A_111 = arith.select %eq3A_106, %broadcast_in_dim3A_109, %broadcast_in_dim3A_110 : vector<512xi1>, vector<512xf32>
    %sub3A_112 = arith.subf %reduce_max3A_45, %add3A : vector<512xf32>
    %mul3A_113 = arith.mulf %select_n3A_111, %sub3A_112 : vector<512xf32>
    %eq3A_114 = arith.cmpi eq, %reduce_min3A_35, %get3A_105 : vector<512xi32>
    %jit3A_115 = arith.constant 0.899999976 : f32
    %jit3A_116 = arith.constant 2.44200237E-5 : f32
    %broadcast_in_dim3A_117 = vector.broadcast %jit3A_115 : f32 to vector<512xf32>
    %broadcast_in_dim3A_118 = vector.broadcast %jit3A_116 : f32 to vector<512xf32>
    %select_n3A_119 = arith.select %eq3A_114, %broadcast_in_dim3A_117, %broadcast_in_dim3A_118 : vector<512xi1>, vector<512xf32>
    %sub3A_120 = arith.subf %reduce_max3A_29, %add3A : vector<512xf32>
    %mul3A_121 = arith.mulf %select_n3A_119, %sub3A_120 : vector<512xf32>
    %select_n3A_122 = arith.select %eq3A_99, %mul3A_113, %mul3A_121 : vector<512xi1>, vector<512xf32>
    %or3A = arith.ori %eq3A_99, %eq3A_100 : vector<512xi1>
    %eq3A_123 = arith.cmpi eq, %reduce_min3A_73, %get3A_105 : vector<512xi32>
    %jit3A_124 = arith.constant 0.899999976 : f32
    %jit3A_125 = arith.constant 2.44200237E-5 : f32
    %broadcast_in_dim3A_126 = vector.broadcast %jit3A_124 : f32 to vector<512xf32>
    %broadcast_in_dim3A_127 = vector.broadcast %jit3A_125 : f32 to vector<512xf32>
    %select_n3A_128 = arith.select %eq3A_123, %broadcast_in_dim3A_126, %broadcast_in_dim3A_127 : vector<512xi1>, vector<512xf32>
    %sub3A_129 = arith.subf %reduce_max3A_65, %add3A : vector<512xf32>
    %mul3A_130 = arith.mulf %select_n3A_128, %sub3A_129 : vector<512xf32>
    %eq3A_131 = arith.cmpi eq, %reduce_min3A_53, %get3A_105 : vector<512xi32>
    %jit3A_132 = arith.constant 0.899999976 : f32
    %jit3A_133 = arith.constant 2.44200237E-5 : f32
    %broadcast_in_dim3A_134 = vector.broadcast %jit3A_132 : f32 to vector<512xf32>
    %broadcast_in_dim3A_135 = vector.broadcast %jit3A_133 : f32 to vector<512xf32>
    %select_n3A_136 = arith.select %eq3A_131, %broadcast_in_dim3A_134, %broadcast_in_dim3A_135 : vector<512xi1>, vector<512xf32>
    %sub3A_137 = arith.subf %reduce_max3A_45, %add3A : vector<512xf32>
    %mul3A_138 = arith.mulf %select_n3A_136, %sub3A_137 : vector<512xf32>
    %select_n3A_139 = arith.select %or3A, %mul3A_130, %mul3A_138 : vector<512xi1>, vector<512xf32>
    %or3A_140 = arith.ori %eq3A_99, %eq3A_100 : vector<512xi1>
    %or3A_141 = arith.ori %or3A_140, %eq3A_101 : vector<512xi1>
    %eq3A_142 = arith.cmpi eq, %reduce_min3A_93, %get3A_105 : vector<512xi32>
    %jit3A_143 = arith.constant 0.899999976 : f32
    %jit3A_144 = arith.constant 2.44200237E-5 : f32
    %broadcast_in_dim3A_145 = vector.broadcast %jit3A_143 : f32 to vector<512xf32>
    %broadcast_in_dim3A_146 = vector.broadcast %jit3A_144 : f32 to vector<512xf32>
    %select_n3A_147 = arith.select %eq3A_142, %broadcast_in_dim3A_145, %broadcast_in_dim3A_146 : vector<512xi1>, vector<512xf32>
    %sub3A_148 = arith.subf %reduce_max3A_85, %add3A : vector<512xf32>
    %mul3A_149 = arith.mulf %select_n3A_147, %sub3A_148 : vector<512xf32>
    %eq3A_150 = arith.cmpi eq, %reduce_min3A_73, %get3A_105 : vector<512xi32>
    %jit3A_151 = arith.constant 0.899999976 : f32
    %jit3A_152 = arith.constant 2.44200237E-5 : f32
    %broadcast_in_dim3A_153 = vector.broadcast %jit3A_151 : f32 to vector<512xf32>
    %broadcast_in_dim3A_154 = vector.broadcast %jit3A_152 : f32 to vector<512xf32>
    %select_n3A_155 = arith.select %eq3A_150, %broadcast_in_dim3A_153, %broadcast_in_dim3A_154 : vector<512xi1>, vector<512xf32>
    %sub3A_156 = arith.subf %reduce_max3A_65, %add3A : vector<512xf32>
    %mul3A_157 = arith.mulf %select_n3A_155, %sub3A_156 : vector<512xf32>
    %select_n3A_158 = arith.select %or3A_141, %mul3A_149, %mul3A_157 : vector<512xi1>, vector<512xf32>
    %add3A_159 = arith.addf %select_n3A_122, %select_n3A_139 : vector<512xf32>
    %add3A_160 = arith.addf %add3A_159, %select_n3A_158 : vector<512xf32>
    %sub3A_161 = arith.subf %add3A_19, %add3A_160 : vector<512xf32>
    %neg3A = arith.constant 0.000000e+00 : f32
    %neg3A_162 = vector.broadcast %neg3A : f32 to vector<512xf32>
    %neg3A_163 = arith.subf %neg3A_162, %sub3A_161 : vector<512xf32>
    %reduce_sum3A = vector.shape_cast %neg3A_163 : vector<512xf32> to vector<1x512xf32>
    %reduce_sum3A_164 = arith.constant dense<0.000000e+00> : vector<1xf32>
    %reduce_sum3A_165 = vector.multi_reduction <add>, %reduce_sum3A, %reduce_sum3A_164 [1] : vector<1x512xf32> to vector<1xf32>
    %reduce_sum3A_166 = vector.shape_cast %reduce_sum3A_165 : vector<1xf32> to vector<1x1xf32>
    %reduce_sum3A_167 = vector.extract %reduce_sum3A_166[0, 0] : f32 from vector<1x1xf32>
    %mul3A_168 = arith.constant 2.44140625E-4 : f32
    %mul3A_169 = arith.mulf %reduce_sum3A_167, %mul3A_168 : f32
    %reshape3A = vector.broadcast %mul3A_169 : f32 to vector<1x1xf32>
    %eq3A_170 = arith.constant 0 : i32
    %eq3A_171 = arith.cmpi eq, %arg0, %eq3A_170 : i32
    %convert_element_type3A = arith.extui %eq3A_171 : i1 to i32
    %cond3A = arith.constant 0 : i32
    %cond3A_172 = arith.cmpi ne, %convert_element_type3A, %cond3A : i32
    scf.if %cond3A_172 {
      %broadcast_in_dim3A_179 = arith.constant 0.000000e+00 : f32
      %broadcast_in_dim3A_180 = vector.broadcast %broadcast_in_dim3A_179 : f32 to vector<1x1xf32>
      %swap3A_181 = arith.constant 0 : index
      %swap3A_182 = arith.constant 0 : index
      %swap3A_183 = vector.load %arg6[%swap3A_181, %swap3A_182] : memref<1x1xf32, #tpu.memory_space<vmem>>, vector<1x1xf32>
      tpu.vector_store %arg6[%swap3A_181, %swap3A_182], %broadcast_in_dim3A_180 {strides = array<i32>} : memref<1x1xf32, #tpu.memory_space<vmem>>, vector<1x1xf32>,
    } else {
    }
    %get3A_173 = arith.constant 0 : index
    %get3A_174 = arith.constant 0 : index
    %get3A_175 = vector.load %arg6[%get3A_173, %get3A_174] : memref<1x1xf32, #tpu.memory_space<vmem>>, vector<1x1xf32>
    %add3A_176 = arith.addf %get3A_175, %reshape3A : vector<1x1xf32>
    %swap3A = arith.constant 0 : index
    %swap3A_177 = arith.constant 0 : index
    %swap3A_178 = vector.load %arg6[%swap3A, %swap3A_177] : memref<1x1xf32, #tpu.memory_space<vmem>>, vector<1x1xf32>
    tpu.vector_store %arg6[%swap3A, %swap3A_177], %add3A_176 {strides = array<i32>} : memref<1x1xf32, #tpu.memory_space<vmem>>, vector<1x1xf32>,
    return
  }
  func.func @transform_0(%arg0: i32) -> (i32, i32) {
    %c0_i32 = arith.constant 0 : i32
    %c0_i32_0 = arith.constant 0 : i32
    return %c0_i32, %arg0 : i32, i32
  }
  func.func @transform_1(%arg0: i32) -> (i32, i32) {
    %c0_i32 = arith.constant 0 : i32
    %c0_i32_0 = arith.constant 0 : i32
    return %arg0, %c0_i32 : i32, i32
  }
  func.func @transform_2(%arg0: i32) -> (i32, i32) {
    %c0_i32 = arith.constant 0 : i32
    %c0_i32_0 = arith.constant 0 : i32
    return %arg0, %c0_i32 : i32, i32
  }
  func.func @transform_3(%arg0: i32) -> (i32, i32) {
    %c0_i32 = arith.constant 0 : i32
    %c0_i32_0 = arith.constant 0 : i32
    return %arg0, %c0_i32 : i32, i32
  }
  func.func @transform_4(%arg0: i32) -> (i32, i32) {
    %c0_i32 = arith.constant 0 : i32
    %c0_i32_0 = arith.constant 0 : i32
    return %arg0, %c0_i32 : i32, i32
  }
  func.func @transform_5(%arg0: i32) -> (i32, i32) {
    %c0_i32 = arith.constant 0 : i32
    %c0_i32_0 = arith.constant 0 : i32
    %c0_i32_1 = arith.constant 0 : i32
    return %c0_i32, %c0_i32_0 : i32, i32
  }
}

</mosaic_0001>

<sc_bundles>
// kernel: kernel.5.cloned.1.call-start
scs
__scs_entry_jumppad:
0x0: {  	(pc) =	sbr.rel $0x88, $3  }
0x1: {  	(tag) =	ssettag $0x0;
	lr =	simm.s32 $0x1  }
0x2: {  	[smem:$0x3F9F] =	sst lr;
	_ =	strace $0xD0000000  }
0x3: {  	_ = 	snop  }
0x4: {  	_ = 	snop  }
0x5: {  	_ = 	snop  }
0x6: {  	_ = 	snop  }
0x7: {  	_ = 	snop  }
__scs_overlays_trampoline_lowered:
0x8: {  	[smem:$0x3FAE] =	sst s0  }
0x9: {  	[smem:$0x3FAF] =	sst s1  }
0xa: {  	[smem:$0x3FB0] =	sst s2  }
0xb: {  	[smem:$0x3FB1] =	sst s3  }
0xc: {  	[smem:$0x3FB2] =	sst s4  }
0xd: {  	[smem:$0x3FB3] =	sst s5  }
0xe: {  	[smem:$0x3FB4] =	sst s6  }
0xf: {  	[smem:$0x3FB5] =	sst s7  }
0x10: {  	[smem:$0x3FB6] =	sst s8  }
0x11: {  	[smem:$0x3FB7] =	sst s9;
	s0 =	simm.s32 @!p0 $0x0  }
0x12: {  	s1 =	sld [smem:$0x3F9D];
	s0 =	simm.s32 @p0 $0x1  }
0x13: {  	[smem:$0x3FB8] =	sst s0;
	s0 =	simm.s32 @!p1 $0x0  }
0x14: {  	s2 =	sld [smem:$0x3F9C];
	s0 =	simm.s32 @p1 $0x1  }
0x15: {  	[smem:$0x3FB9] =	sst s0;
	s0 =	simm.s32 @!p2 $0x0  }
0x16: {  	s3 =	sld [smem:$0x3FDB];
	s0 =	simm.s32 @p2 $0x1  }
0x17: {  	s4 =	simm.s32 $0x1BF5;
	[smem:$0x3FBB] =	sst s0  }
0x18: {  	s0 =	sld [smem:$0x3F9E];
	_ =	swait.ge [sflag:s4], $0x0  }
0x19: {  	s7 =	sld [smem:$0x3F9F]  }
0x1a: {  	s8 =	sadd.s32 $0xFFFFE003, lr  }
0x1b: {  	s9 =	sadd.s32 $0xFFFFFEF7, lr;
	s5 =	simm.s32 $0xFFFFFFFF;
	p2 =	slt.u32 s8, $0xFFFFF086  }
0x1c: {  	p1 =	slt.u32 s9, $0xF7A;
	s5 =	simm.s32 @!p2 $0x0  }
0x1d: {  	s5 =	simm.s32 @p1 $0x1;
	p0 =	seq.s32 s7, s2  }
0x1e: {  	s7 =	smul.u32 @!p0 $0xF7A, s2;
	p2 =	seq.s32 @!p0 s5, $0x0  }
0x1f: {  	s9 =	smul.u32 $0xF7A, s1;
	s8 =	simm.s32 @!p0 $0x1BF5;
	p2 =	por !p2, p0  }
0x20: {  	[sflag:s8] =	ssyncset.s32 @!p0 $0xFFFFF086;
	s6 =	sadd.s32 @!p0 s3, s7;
	s7 =	simm.s32 @!p0 $0x108  }
0x21: {  	s3 =	sadd.s32 s3, s9;
	s6 =	sadd.s32 @!p0 $0x88, s6;
	s7 =	simm.s32 @p2 $0x1082  }
0x22: {  	[simem:s7], [sflag:s8] =	dma.local @!p0 [hbm:s6], $0xF7A  }
0x23: {  	s9 =	sor.u32 $0xD0000000, s2;
	s6 =	simm.s32 $0x108;
	_ =	swait.ge @!p0 [sflag:s8], $0x0  }
0x24: {  	s3 =	sadd.s32 $0x88, s3;
	s6 =	simm.s32 @!p1 $0x1082;
	[sflag:s4] =	ssyncset.s32 $0xFFFFF086  }
0x25: {  	[simem:s6], [sflag:s4] =	dma.local [hbm:s3], $0xF7A  }
0x26: {  	[smem:$0x3F9F] =	sst s1;
	(tag) =	ssettag s2;
	_ =	strace s9  }
0x27: {  	s1 =	sld [smem:$0x3FAF]  }
0x28: {  	s2 =	sld [smem:$0x3FB0]  }
0x29: {  	s4 =	sld [smem:$0x3FB2]  }
0x2a: {  	p0 =	seq.s32 s5, $0x0;
	s5 =	sld [smem:$0x3FB3]  }
0x2b: {  	s6 =	sld [smem:$0x3FB4]  }
0x2c: {  	s7 =	sld [smem:$0x3FB5]  }
0x2d: {  	s3 =	simm.s32 $0x108;
	s8 =	sld [smem:$0x3FB6]  }
0x2e: {  	s3 =	simm.s32 @!p0 $0x1082;
	s9 =	sld [smem:$0x3FB7]  }
0x2f: {  	lr =	sadd.s32 s0, s3;
	s0 =	sld [smem:$0x3FAE]  }
0x30: {  	s3 =	sld [smem:$0x3FB1]  }
0x31: {  	[smem:$0x3FBA] =	sst s10  }
0x32: {  	s10 =	sld [smem:$0x3FB8];
	_ =	sdelay $0x3  }
0x33: {  	p0 =	seq.s32 s10, $0x1;
	s10 =	sld [smem:$0x3FBA];
	_ =	sdelay $0x3  }
0x34: {  	[smem:$0x3FBA] =	sst s10  }
0x35: {  	s10 =	sld [smem:$0x3FB9];
	_ =	sdelay $0x3  }
0x36: {  	p1 =	seq.s32 s10, $0x1;
	s10 =	sld [smem:$0x3FBA];
	_ =	sdelay $0x3  }
0x37: {  	[smem:$0x3FBA] =	sst s10  }
0x38: {  	s10 =	sld [smem:$0x3FBB]  }
0x39: {  	_ = 	snop;
	(pc) =	sbr.ind lr, $3  }
0x3a: {  	_ = 	snop  }
0x3b: {  	_ = 	snop  }
0x3c: {  	p2 =	seq.s32 s10, $0x1;
	s10 =	sld [smem:$0x3FBA]  }
0x3d: {  	_ =	shalt  }
0x3e: {  	_ =	shalt  }
0x3f: {  	_ =	shalt  }
0x40: {  	_ =	shalt  }
0x41: {  	_ =	shalt  }
0x42: {  	_ =	shalt  }
0x43: {  	_ =	shalt  }
0x44: {  	_ =	shalt  }
0x45: {  	_ =	shalt  }
0x46: {  	_ =	shalt  }
0x47: {  	_ =	shalt  }
0x48: {  	_ =	shalt  }
0x49: {  	_ =	shalt  }
0x4a: {  	_ =	shalt  }
0x4b: {  	_ =	shalt  }
0x4c: {  	_ =	shalt  }
0x4d: {  	_ =	shalt  }
0x4e: {  	_ =	shalt  }
0x4f: {  	_ =	shalt  }
0x50: {  	_ =	shalt  }
0x51: {  	_ =	shalt  }
0x52: {  	_ =	shalt  }
0x53: {  	_ =	shalt  }
0x54: {  	_ =	shalt  }
0x55: {  	_ =	shalt  }
0x56: {  	_ =	shalt  }
0x57: {  	_ =	shalt  }
0x58: {  	_ =	shalt  }
0x59: {  	_ =	shalt  }
0x5a: {  	_ =	shalt  }
0x5b: {  	_ =	shalt  }
0x5c: {  	_ =	shalt  }
0x5d: {  	_ =	shalt  }
0x5e: {  	_ =	shalt  }
0x5f: {  	_ =	shalt  }
0x60: {  	_ =	shalt  }
0x61: {  	_ =	shalt  }
0x62: {  	_ =	shalt  }
0x63: {  	_ =	shalt  }
0x64: {  	_ =	shalt  }
0x65: {  	_ =	shalt  }
0x66: {  	_ =	shalt  }
0x67: {  	_ =	shalt  }
0x68: {  	_ =	shalt  }
0x69: {  	_ =	shalt  }
0x6a: {  	_ =	shalt  }
0x6b: {  	_ =	shalt  }
0x6c: {  	_ =	shalt  }
0x6d: {  	_ =	shalt  }
0x6e: {  	_ =	shalt  }
0x6f: {  	_ =	shalt  }
0x70: {  	_ =	shalt  }
0x71: {  	_ =	shalt  }
0x72: {  	_ =	shalt  }
0x73: {  	_ =	shalt  }
0x74: {  	_ =	shalt  }
0x75: {  	_ =	shalt  }
0x76: {  	_ =	shalt  }
0x77: {  	_ =	shalt  }
0x78: {  	_ =	shalt  }
0x79: {  	_ =	shalt  }
0x7a: {  	_ =	shalt  }
0x7b: {  	_ =	shalt  }
0x7c: {  	_ =	shalt  }
0x7d: {  	_ =	shalt  }
0x7e: {  	_ =	shalt  }
0x7f: {  	_ =	shalt  }
0x80: {  	_ =	shalt  }
0x81: {  	_ =	shalt  }
0x82: {  	_ =	shalt  }
0x83: {  	_ =	shalt  }
0x84: {  	_ =	shalt  }
0x85: {  	_ =	shalt  }
0x86: {  	_ =	shalt  }
0x87: {  	_ =	shalt  }
.Lfunc_end0:
.L_simem_size_0:
called_computation_lowered:
.L_overlay_start_0:
0x88: {  	s2 =	sld [smem:$0x3FD9]  }
0x89: {  	s3 =	sld [smem:$0x3FFE];
	_ =	sdelay $0x1  }
0x8a: {  	s1 =	srdreg.scid  }
0x8b: {  	s0 =	sand.u32 $0x1, s1  }
0x8c: {  	s17 =	sshll.u32 s0, $0xA;
	s2 =	sadd.s32 s3, s2  }
0x8d: {  	s2 =	sadd.s32 s2, s17  }
0x8e: {  	[smem:$0x3FC6] =	sst s2  }
0x8f: {  	_ = 	snop  }
0x90: {  	s2 =	sld [smem:$0x3FC9]  }
0x91: {  	s18 =	sld [smem:$0x3FC8];
	(tm) =	ssettm $0x1  }
0x92: {  	s4 =	sld [smem:$0x3FFB];
	_ =	sdelay $0x3  }
0x93: {  	_ =	strace s4  }
0x94: {  	s4 =	sld [smem:$0x3FFC];
	_ =	sdelay $0x3  }
0x95: {  	_ =	strace s4  }
0x96: {  	s4 =	sld [smem:$0x3FFD];
	_ =	sdelay $0x3  }
0x97: {  	_ =	strace s4  }
0x98: {  	_ =	strace $0x8FFFFFFF  }
0x99: {  	s19 =	sld [smem:$0x3FDB];
	_ =	sdelay $0x1  }
0x9a: {  	s5 =	simm.s32 $_scs_section_size  }
0x9b: {  	s6 =	simm.s32 $_size__tile_overlayer_lowered;
	s7 =	simm.s32 $_tile_overlayer_lowered  }
0x9c: {  	s22 =	simm.s32 $0x1BFF;
	s21 =	sshll.u32 s7, $0x1;
	s4 =	sadd.s32 s5, s19  }
0x9d: {  	s8 =	simm.s32 $0x0;
	s20 =	sshll.u32 s6, $0x1;
	s6 =	sadd.s32 s21, s4  }
0x9e: {  	[timem:s8], [sflag:s22] =	dma.local [hbm:s6], s20  }
0x9f: {  	_ =	swait.ge [sflag:s22], s20  }
0xa0: {  	s5 =	ssub.s32 $0x0, s20;
	[sflag:s22] =	ssyncset.done $0x0  }
0xa1: {  	[sflag:s22] =	ssyncadd.s32 s5;
	_ =	sdelay $0x1  }
0xa2: {  	s23 =	simm.s32 $0x1B8B  }
0xa3: {  	_ =	swait.ge [sflag:s23], $0x1  }
0xa4: {  	[sflag:s23] =	ssyncset.done $0x0  }
0xa5: {  	s25 =	simm.s32 $0x1B8E;
	s24 =	sld [smem:$0x3FFE];
	[sflag:s23] =	ssyncadd.s32 $0xFFFFFFFF  }
0xa6: {  	s26 =	simm.s32 $execute0_lowered;
	[smem:$0x3FD2] =	sst s25  }
0xa7: {  	s6 =	sshll.u32 s26, $0x1;
	_ =	strace $0x80000046;
	[dreg:$0x1] =	wrdreg $0xFFFFFFFF  }
0xa8: {  	s28 =	simm.s32 $_size_execute0_lowered;
	s4 =	sadd.s32 s4, s6;
	[dreg:$0x0] =	wrdreg $0x0  }
0xa9: {  	s6 =	sshll.u32 s28, $0x1;
	[dreg:$0x2] =	wrdreg s4  }
0xaa: {  	[dreg:$0x3] =	wrdreg s6  }
0xab: {  	[dreg:$0x4] =	wrdreg $0xC0  }
0xac: {  	_ =	task [dreg:s8], $0x5FFFF  }
0xad: {  	[dreg:$0x1] =	wrdreg $0xFFFFFFFF  }
0xae: {  	[dreg:$0x0] =	wrdreg $0x60  }
0xaf: {  	[dreg:$0x2] =	wrdreg s2  }
0xb0: {  	[dreg:$0x3] =	wrdreg s18  }
0xb1: {  	[dreg:$0x4] =	wrdreg s24  }
0xb2: {  	[dreg:$0x5] =	wrdreg $0x9  }
0xb3: {  	_ =	task.clear_ibuf [dreg:s8], $0x6FFFF;
	_ =	strace $0x90000046  }
0xb4: {  	s29 =	simm.s32 $0x9;
	_ =	strace $0x80000048  }
0xb5: {  	_ =	swait.ge [sflag:s29], $0x1  }
0xb6: {  	[sflag:s29] =	ssyncadd.s32 $0xFFFFFFFF  }
0xb7: {  	_ =	strace $0x90000048  }
0xb8: {  	_ =	sfence  }
0xb9: {  	s30 =	sld [smem:$0x0];
	_ =	sdelay $0x2  }
0xba: {  	s31 =	sshll.u32 s1, $0xD;
	s1 =	sshrl.u32 s1, $0x2  }
0xbb: {  	s3 =	sand.u32 $0x4000, s31;
	s1 =	sadd.s32 s1, s30  }
0xbc: {  	s0 =	sor.u32 s3, s0;
	s1 =	sshll.u32 s1, $0x11  }
0xbd: {  	s0 =	sor.u32 s1, s0  }
0xbe: {  	s0 =	sadd.s32 $0x8F2B, s0  }
0xbf: {  	[sflag:s0] =	ssyncadd.remote.s32 $0x1  }
0xc0: {  	_ =	sfence.sel $0xFFFF  }
0xc1: {  	[dreg:$0x0] =	wrdreg $0xFFFFFFFF;
	(pc) =	sbr.abs _section_cstart, $3  }
0xc2: {  	[dreg:$0x1] =	wrdreg $0xFFFFFFFF  }
0xc3: {  	_ =	task.clear_ibuf [dreg:s8], $0x2FFFF;
	_ =	strace $0x9FFFFFFF  }
0xc4: {  	(tm) =	ssettm $0x7FFFFFFF  }
0xc5: {  	_ =	shalt  }
tec
execute0_lowered:
.L_overlay_start_1:
0x0: {  	(tag) =	ssettag $0x1  }
0x1: {  	s0 =	rddreg [dreg:$0x0]  }
0x2: {  	s1 =	rddreg [dreg:$0x1]  }
0x3: {  	s2 =	rddreg [dreg:$0x2];
	s3 =	srdreg.scid  }
0x4: {  	s4 =	stileid.u32;
	s8 =	simm.s32 $0x0;
	s29 =	simm.s32 $0x1  }
0x5: {  	s30 =	simm.s32 $0x4000;
	s31 =	simm.s32 $0x5000;
	s3 =	sand.u32 $0x1, s3  }
0x6: {  	s4 =	sshll.u32 s4, $0x1;
	[smem:$0x7FF] =	sst s8;
	s22 =	sadd.s32 $0x40, s0  }
0x7: {  	s23 =	sadd.s32 $0x50, s0;
	s11 =	sadd.s32 $0x60, s0;
	s12 =	sadd.s32 $0x70, s0  }
0x8: {  	s13 =	sadd.s32 $0x800, s0;
	s14 =	sadd.s32 $0x810, s0;
	s4 =	sor.u32 s3, s4  }
0x9: {  	_ =	strace $0x80000047;
	s3 =	ssub.s32 $0x2, s3;
	[dreg:$0x9] =	wrdreg s22  }
0xa: {  	[dreg:$0xa] =	wrdreg s23;
	s5 =	sshll.u32 s4, $0x8;
	s7 =	sshrl.u32 s3, $0x1  }
0xb: {  	s6 =	sshll.u32 s4, $0xA;
	s18 =	sshll.u32 s4, $0x10;
	s17 =	ssub.s32 s3, s7  }
0xc: {  	s3 =	sshll.u32 s4, $0x7;
	s4 =	sshll.u32 s4, $0x4;
	s7 =	sadd.s32 s0, s18  }
0xd: {  	s15 =	sadd.s32 $0x820, s0;
	s1 =	sadd.s32 s1, s4;
	[dreg:$0x4] =	wrdreg s7  }
0xe: {  	s16 =	sadd.s32 $0x830, s0;
	s19 =	sadd.s32 $0x10, s7;
	[dreg:$0x5] =	wrdreg s1  }
0xf: {  	s23 =	simm.s32 $0x80;
	s20 =	sadd.s32 $0x20, s7;
	[dreg:$0x6] =	wrdreg s19  }
0x10: {  	s5 =	sadd.s32 s5, s2;
	s21 =	sadd.s32 $0x30, s7;
	[dreg:$0x7] =	wrdreg s20  }
0x11: {  	s2 =	sadd.s32 s6, s2;
	s24 =	sadd.s32 $0xE00, s5;
	[dreg:$0x8] =	wrdreg s21  }
.Ltmp0:
0x12: {  	s25 =	sadd.s32 $0x2E00, s2;
	[dreg:$0xb] =	wrdreg s24;
	(pc) =	sbr.rel .LBB2_1-.Ltmp0, $4  }
0x13: {  	s0 =	simm.s32 $0x6000;
	s26 =	sadd.s32 $0xAE00, s2;
	[dreg:$0xc] =	wrdreg s25  }
0x14: {  	s6 =	simm.s32 $0x0;
	s28 =	smax.u32 s17, $0x1;
	[dreg:$0xd] =	wrdreg s26  }
0x15: {  	v0 =	vimm.s32 $0x3;
	v1 =	vimm.f32 $-Inf;
	s4 =	simm.s32 $0x3;
	s5 =	simm.s32 $0x2;
	[dreg:$0xe] =	wrdreg s28  }
0x16: {  	v2 =	vimm.s32 $0x0;
	v3 =	vimm.f32 $0.0e+00;
	v4 =	vlaneseq.u32;
	s21 =	simm.s32 $0x8000;
	s24 =	simm.s32 $0x400;
	s1 =	simm.s32 $0x7000  }
.LBB2_47:
0x17: {  	s8 =	simm.s32 $0x0;
	s2 =	rddreg [dreg:$0xb];
	s4 =	simm.s32 $0x8680  }
0x18: {  	[hbm4b:s2+s8] =	stream.linear.scatter [tilespmem:s4], [sflag:$0x3], $0x800, $0x38;
	[tilespmem:$0xCE80] =	vst v63  }
0x19: {  	s4 =	simm.s32 $0x3  }
0x1a: {  	_ =	swait.ge [sflag:s4], $0x800  }
0x1b: {  	[sflag:s4] =	ssyncset.done $0x0  }
0x1c: {  	s6 =	simm.s32 $0x8E80;
	s20 =	rddreg [dreg:$0xc];
	[sflag:s4] =	ssyncadd.s32 $0xFFFFF800  }
0x1d: {  	[hbm4b:s20+s8] =	stream.linear.scatter [tilespmem:s6], [sflag:$0x3], $0x2000, $0x38;
	[tilespmem:$0xCE80] =	vst v63  }
0x1e: {  	_ =	swait.ge [sflag:s4], $0x2000  }
0x1f: {  	[sflag:s4] =	ssyncset.done $0x0  }
0x20: {  	s25 =	simm.s32 $0xAE80;
	s22 =	rddreg [dreg:$0xd];
	[sflag:s4] =	ssyncadd.s32 $0xFFFFE000  }
0x21: {  	[hbm4b:s22+s8] =	stream.linear.scatter [tilespmem:s25], [sflag:$0x3], $0x2000, $0x38;
	[tilespmem:$0xCE80] =	vst v63  }
0x22: {  	_ =	swait.ge [sflag:s4], $0x2000  }
0x23: {  	s26 =	rddreg [dreg:$0xf]  }
0x24: {  	s28 =	rddreg [dreg:$0xe];
	s6 =	sadd.s32 $0x1, s26  }
0x25: {  	p0 =	sne.s32 s6, s28  }
.Ltmp1:
0x26: {  	_ = 	snop;
	(pc) =	sbr.rel @!p0 .LBB2_48-.Ltmp1, $3  }
0x27: {  	_ =	sdelay $0x1  }
0x28: {  	[sflag:s4] =	ssyncset.done $0x0  }
0x29: {  	[sflag:s4] =	ssyncadd.s32 $0xFFFFE000  }
.LBB2_1:
0x2a: {  	[dreg:$0xf] =	wrdreg s6  }
0x2b: {  	s2 =	rddreg [dreg:$0x5]  }
0x2c: {  	[tilespmem:s21], [sflag:$0x3] =	stream.linear.gather [hbm4b:s2+s8], $0x80, $0x38;
	[tilespmem:$0xCE80] =	vst v63  }
0x2d: {  	_ =	swait.ge [sflag:s4], $0x80  }
0x2e: {  	[sflag:s4] =	ssyncset.done $0x0  }
0x2f: {  	s18 =	rddreg [dreg:$0x4];
	[sflag:s4] =	ssyncadd.s32 $0xFFFFFF80  }
0x30: {  	[tilespmem:s8], [sflag:$0x1] =	stream.strided.gather [hbm4b:s18+s23], $0x1000, s24, s23, $0x38;
	[tilespmem:$0xCE80] =	vst v63  }
0x31: {  	s20 =	simm.s32 $0x1000;
	s19 =	rddreg [dreg:$0x6]  }
0x32: {  	[tilespmem:s20], [sflag:$0x1] =	stream.strided.gather [hbm4b:s19+s23], $0x1000, s24, s23, $0x38;
	[tilespmem:$0xCE80] =	vst v63  }
.Ltmp2:
0x33: {  	_ = 	snop;
	(pc) =	sbr.rel .LBB2_2-.Ltmp2, $4  }
0x34: {  	s25 =	simm.s32 $0x2000;
	s22 =	rddreg [dreg:$0x7]  }
0x35: {  	[tilespmem:s25], [sflag:$0x1] =	stream.strided.gather [hbm4b:s22+s23], $0x1000, s24, s23, $0x38;
	[tilespmem:$0xCE80] =	vst v63  }
0x36: {  	s28 =	simm.s32 $0x3000;
	s7 =	simm.s32 $0x0;
	s26 =	rddreg [dreg:$0x8]  }
0x37: {  	[tilespmem:s28], [sflag:$0x1] =	stream.strided.gather [hbm4b:s26+s23], $0x1000, s24, s23, $0x38;
	[tilespmem:$0xCE80] =	vst v63  }
.LBB2_46:
0x38: {  	v5 =	vmov s18  }
0x39: {  	v5 =	vand.u32 $0xFFFFFFFC, v5  }
0x3a: {  	v5 =	vbroadcast v5, $0x0;
	_ =	sdelay $0x5  }
0x3b: {  	v5 =	vld.idx.msk [tilespmem:v5+s21+$0x0], $0xffff;
	_ =	sdelay $0x7  }
0x3c: {  	v5 =	vld.idx.msk [tilespmem:v5+s30+$0x0], $0xffff;
	_ =	sdelay $0x4  }
0x3d: {  	[tilespmem:s17+$0x86C0] =	vst v5  }
0x3e: {  	v5 =	vld [tilespmem:$0x8480];
	_ =	sdelay $0x3  }
0x3f: {  	s2 =	sshll.u32 s18, $0x6  }
0x40: {  	[tilespmem:s2+$0x8E80] =	vst v5  }
0x41: {  	v5 =	vld [tilespmem:$0x8490];
	_ =	sdelay $0x4  }
0x42: {  	[tilespmem:s2+$0x8E90] =	vst v5  }
0x43: {  	v5 =	vld [tilespmem:$0x84A0];
	_ =	sdelay $0x4  }
0x44: {  	[tilespmem:s2+$0x8EA0] =	vst v5  }
0x45: {  	v5 =	vld [tilespmem:$0x84B0];
	_ =	sdelay $0x4  }
0x46: {  	[tilespmem:s2+$0x8EB0] =	vst v5  }
0x47: {  	v5 =	vld [tilespmem:$0x8580];
	_ =	sdelay $0x4  }
0x48: {  	[tilespmem:s2+$0xAE80] =	vst v5  }
0x49: {  	v5 =	vld [tilespmem:$0x8590];
	_ =	sdelay $0x4  }
0x4a: {  	[tilespmem:s2+$0xAE90] =	vst v5  }
0x4b: {  	v5 =	vld [tilespmem:$0x85A0];
	_ =	sdelay $0x2  }
0x4c: {  	s4 =	sor.u32 $0x5, s8  }
0x4d: {  	v6 =	vmov s4  }
0x4e: {  	[tilespmem:s2+$0xAEA0] =	vst v5;
	v5 =	vand.u32 $0xFFFFFFFD, v6  }
0x4f: {  	v6 =	vld [tilespmem:$0x85B0];
	v5 =	vbroadcast v5, $0x0;
	_ =	sdelay $0x4  }
0x50: {  	[tilespmem:s2+$0xAEB0] =	vst v6  }
0x51: {  	v5 =	vld.idx.msk [tilespmem:v5+s21+$0x0], $0xffff;
	_ =	sdelay $0x7  }
0x52: {  	v5 =	vld.idx.msk [tilespmem:v5+s31+$0x0], $0xffff;
	_ =	sdelay $0x4  }
0x53: {  	[tilespmem:s17+$0x86D0] =	vst v5  }
0x54: {  	v5 =	vld [tilespmem:$0x84C0];
	_ =	sdelay $0x3  }
0x55: {  	s19 =	sshll.u32 s4, $0x6  }
0x56: {  	[tilespmem:s19+$0x8E80] =	vst v5  }
0x57: {  	v5 =	vld [tilespmem:$0x84D0];
	_ =	sdelay $0x3  }
0x58: {  	s4 =	sor.u32 $0x50, s19  }
0x59: {  	[tilespmem:s4+$0x8E80] =	vst v5  }
0x5a: {  	v5 =	vld [tilespmem:$0x84E0];
	_ =	sdelay $0x3  }
0x5b: {  	s6 =	sor.u32 $0x60, s19  }
0x5c: {  	[tilespmem:s6+$0x8E80] =	vst v5  }
0x5d: {  	v5 =	vld [tilespmem:$0x84F0];
	_ =	sdelay $0x3  }
0x5e: {  	s9 =	sor.u32 $0x70, s19  }
0x5f: {  	[tilespmem:s9+$0x8E80] =	vst v5  }
0x60: {  	v5 =	vld [tilespmem:$0x85C0];
	_ =	sdelay $0x4  }
0x61: {  	[tilespmem:s19+$0xAE80] =	vst v5  }
0x62: {  	v5 =	vld [tilespmem:$0x85D0];
	_ =	sdelay $0x4  }
0x63: {  	[tilespmem:s4+$0xAE80] =	vst v5  }
0x64: {  	v5 =	vld [tilespmem:$0x85E0];
	_ =	sdelay $0x2  }
0x65: {  	s20 =	sor.u32 $0x6, s8  }
0x66: {  	v6 =	vmov s20  }
0x67: {  	[tilespmem:s6+$0xAE80] =	vst v5;
	v5 =	vand.u32 $0xFFFFFFFE, v6  }
0x68: {  	v6 =	vld [tilespmem:$0x85F0];
	v5 =	vbroadcast v5, $0x0;
	_ =	sdelay $0x4  }
0x69: {  	[tilespmem:s9+$0xAE80] =	vst v6  }
0x6a: {  	v5 =	vld.idx.msk [tilespmem:v5+s21+$0x0], $0xffff;
	_ =	sdelay $0x7  }
0x6b: {  	v5 =	vld.idx.msk [tilespmem:v5+s0+$0x0], $0xffff;
	_ =	sdelay $0x4  }
0x6c: {  	[tilespmem:s17+$0x86E0] =	vst v5  }
0x6d: {  	v5 =	vld [tilespmem:$0x8500];
	_ =	sdelay $0x3  }
0x6e: {  	s2 =	sshll.u32 s20, $0x6  }
0x6f: {  	[tilespmem:s2+$0x8E80] =	vst v5  }
0x70: {  	v5 =	vld [tilespmem:$0x8510];
	_ =	sdelay $0x4  }
0x71: {  	[tilespmem:s2+$0x8E90] =	vst v5  }
0x72: {  	v5 =	vld [tilespmem:$0x8520];
	_ =	sdelay $0x4  }
0x73: {  	[tilespmem:s2+$0x8EA0] =	vst v5  }
0x74: {  	v5 =	vld [tilespmem:$0x8530];
	_ =	sdelay $0x4  }
0x75: {  	[tilespmem:s2+$0x8EB0] =	vst v5  }
0x76: {  	v5 =	vld [tilespmem:$0x8600];
	_ =	sdelay $0x4  }
0x77: {  	[tilespmem:s2+$0xAE80] =	vst v5  }
0x78: {  	v5 =	vld [tilespmem:$0x8610];
	_ =	sdelay $0x4  }
0x79: {  	[tilespmem:s2+$0xAE90] =	vst v5  }
0x7a: {  	v5 =	vld [tilespmem:$0x8620];
	_ =	sdelay $0x4  }
0x7b: {  	[tilespmem:s2+$0xAEA0] =	vst v5  }
0x7c: {  	s22 =	sor.u32 $0x7, s8;
	v5 =	vld [tilespmem:$0x8630]  }
0x7d: {  	v6 =	vmov s22;
	_ =	sdelay $0x3  }
0x7e: {  	[tilespmem:s2+$0xAEB0] =	vst v5  }
0x7f: {  	v5 =	vld.idx.msk [tilespmem:v6+s21+$0x0], $0xffff;
	_ =	sdelay $0x7  }
0x80: {  	v5 =	vld.idx.msk [tilespmem:v5+s1+$0x0], $0xffff;
	_ =	sdelay $0x4  }
0x81: {  	[tilespmem:s17+$0x86F0] =	vst v5  }
0x82: {  	v5 =	vld [tilespmem:$0x8540];
	_ =	sdelay $0x3  }
0x83: {  	s25 =	sshll.u32 s22, $0x6  }
0x84: {  	[tilespmem:s25+$0x8E80] =	vst v5  }
0x85: {  	v5 =	vld [tilespmem:$0x8550];
	_ =	sdelay $0x3  }
0x86: {  	s4 =	sor.u32 $0x50, s25  }
0x87: {  	[tilespmem:s4+$0x8E80] =	vst v5  }
0x88: {  	v5 =	vld [tilespmem:$0x8560];
	_ =	sdelay $0x3  }
0x89: {  	s26 =	sor.u32 $0x60, s25  }
0x8a: {  	[tilespmem:s26+$0x8E80] =	vst v5  }
0x8b: {  	v5 =	vld [tilespmem:$0x8570];
	_ =	sdelay $0x3  }
0x8c: {  	s28 =	sor.u32 $0x70, s25  }
0x8d: {  	[tilespmem:s28+$0x8E80] =	vst v5  }
0x8e: {  	v5 =	vld [tilespmem:$0x8640];
	_ =	sdelay $0x4  }
0x8f: {  	[tilespmem:s25+$0xAE80] =	vst v5  }
0x90: {  	v5 =	vld [tilespmem:$0x8650];
	_ =	sdelay $0x4  }
0x91: {  	[tilespmem:s4+$0xAE80] =	vst v5  }
0x92: {  	v5 =	vld [tilespmem:$0x8660];
	_ =	sdelay $0x4  }
0x93: {  	s7 =	sadd.s32 $0x1, s7;
	[tilespmem:s26+$0xAE80] =	vst v5  }
0x94: {  	p0 =	sne.s32 s7, $0x10;
	v5 =	vld [tilespmem:$0x8670]  }
.Ltmp3:
0x95: {  	_ = 	snop;
	(pc) =	sbr.rel @!p0 .LBB2_47-.Ltmp3, $2  }
0x96: {  	_ =	sdelay $0x2  }
0x97: {  	[tilespmem:s28+$0xAE80] =	vst v5  }
.LBB2_2:
0x98: {  	_ =	swait.ge [sflag:s29], $0x1000  }
0x99: {  	[sflag:s29] =	ssyncset.done $0x0  }
0x9a: {  	[sflag:s29] =	ssyncadd.s32 $0xFFFFF000  }
0x9b: {  	_ =	swait.ge [sflag:s29], $0x1000  }
0x9c: {  	[sflag:s29] =	ssyncset.done $0x0  }
0x9d: {  	[sflag:s29] =	ssyncadd.s32 $0xFFFFF000  }
0x9e: {  	_ =	swait.ge [sflag:s29], $0x1000  }
0x9f: {  	[sflag:s29] =	ssyncset.done $0x0  }
0xa0: {  	s8 =	sshll.u32 s7, $0x3;
	[sflag:s29] =	ssyncadd.s32 $0xFFFFF000  }
0xa1: {  	s2 =	sadd.s32 s3, s8;
	_ =	swait.ge [sflag:s29], $0x1000  }
0xa2: {  	s2 =	sshll.u32 s2, $0x9;
	[sflag:s29] =	ssyncset.done $0x0;
	s4 =	rddreg [dreg:$0x9]  }
0xa3: {  	s26 =	rddreg [dreg:$0xa];
	[sflag:s29] =	ssyncadd.s32 $0xFFFFF000;
	s4 =	sadd.s32 s2, s4  }
0xa4: {  	[tilespmem:s30], [sflag:$0x2] =	stream.strided.gather [hbm4b:s4+s23], $0x1000, s24, s23, $0x38;
	[tilespmem:$0xCE80] =	vst v63  }
0xa5: {  	s4 =	sadd.s32 s2, s26  }
0xa6: {  	[tilespmem:s31], [sflag:$0x2] =	stream.strided.gather [hbm4b:s4+s23], $0x1000, s24, s23, $0x38;
	[tilespmem:$0xCE80] =	vst v63  }
0xa7: {  	s28 =	sadd.s32 s2, s11  }
0xa8: {  	[tilespmem:s0], [sflag:$0x2] =	stream.strided.gather [hbm4b:s28+s23], $0x1000, s24, s23, $0x38;
	[tilespmem:$0xCE80] =	vst v63  }
0xa9: {  	s2 =	sadd.s32 s2, s12  }
0xaa: {  	v5 =	vimm.f32 $-Inf;
	[tilespmem:s1], [sflag:$0x2] =	stream.strided.gather [hbm4b:s2+s23], $0x1000, s24, s23, $0x38;
	[tilespmem:$0xCE80] =	vst v63  }
0xab: {  	v6 =	vimm.f32 $-Inf;
	v7 =	vimm.f32 $-Inf;
	v8 =	vimm.f32 $-Inf;
	s2 =	simm.s32 $0x0  }
.LBB2_3:
0xac: {  	v9 =	vimm.f32 $-Inf  }
0xad: {  	s4 =	sshll.u32 s2, $0x4;
	p0 =	por $0x1, $0x1;
	v10 =	vimm.f32 $-Inf;
	v11 =	vimm.f32 $-Inf;
	v12 =	vimm.f32 $-Inf;
	s6 =	simm.s32 $0x0  }
.LBB2_4:
0xae: {  	s6 =	sor.u32 s4, s6  }
0xaf: {  	s6 =	sshll.u32 s6, $0x4  }
0xb0: {  	v13 =	vld [tilespmem:s6+$0x0]  }
0xb1: {  	v14 =	vld [tilespmem:s6+$0x1000]  }
0xb2: {  	v15 =	vld [tilespmem:s6+$0x2000]  }
0xb3: {  	v16 =	vld [tilespmem:s6+$0x3000]  }
0xb4: {  	v18 =	vld [tilespmem:s6+$0x1010]  }
0xb5: {  	v19 =	vld [tilespmem:s6+$0x2010]  }
0xb6: {  	v20 =	vld [tilespmem:s6+$0x3010]  }
0xb7: {  	v22 =	vld [tilespmem:s6+$0x1020]  }
0xb8: {  	v23 =	vld [tilespmem:s6+$0x2020]  }
0xb9: {  	v24 =	vld [tilespmem:s6+$0x3020]  }
0xba: {  	v26 =	vld [tilespmem:s6+$0x1030]  }
0xbb: {  	v27 =	vld [tilespmem:s6+$0x2030]  }
0xbc: {  	v28 =	vld [tilespmem:s6+$0x3030]  }
0xbd: {  	v30 =	vld [tilespmem:s6+$0x1040]  }
0xbe: {  	v31 =	vld [tilespmem:s6+$0x2040]  }
0xbf: {  	v32 =	vld [tilespmem:s6+$0x3040]  }
0xc0: {  	v34 =	vld [tilespmem:s6+$0x1050]  }
0xc1: {  	v35 =	vld [tilespmem:s6+$0x2050]  }
0xc2: {  	v36 =	vld [tilespmem:s6+$0x3050]  }
0xc3: {  	v38 =	vld [tilespmem:s6+$0x1060]  }
0xc4: {  	v61 =	vld [tilespmem:s6+$0x1070]  }
0xc5: {  	s9 =	sor.u32 $0x10, s6;
	v62 =	vld [tilespmem:s6+$0x2070]  }
0xc6: {  	s19 =	sor.u32 $0x20, s6;
	v17 =	vld [tilespmem:s9+$0x0]  }
0xc7: {  	s20 =	sor.u32 $0x30, s6;
	v21 =	vld [tilespmem:s19+$0x0]  }
0xc8: {  	s22 =	sor.u32 $0x40, s6;
	v25 =	vld [tilespmem:s20+$0x0]  }
0xc9: {  	s25 =	sor.u32 $0x50, s6;
	v29 =	vld [tilespmem:s22+$0x0]  }
0xca: {  	s26 =	sor.u32 $0x60, s6;
	v33 =	vld [tilespmem:s25+$0x0];
	v12 =	vmax.f32 v12, v13;
	v11 =	vmax.f32 v11, v14  }
0xcb: {  	v37 =	vld [tilespmem:s26+$0x0];
	v10 =	vmax.f32 v10, v15;
	v9 =	vmax.f32 v9, v16;
	v12 =	vmax.f32 v12, v17  }
0xcc: {  	v13 =	vld [tilespmem:s6+$0x2060];
	v11 =	vmax.f32 v11, v18;
	v10 =	vmax.f32 v10, v19;
	v9 =	vmax.f32 v9, v20  }
0xcd: {  	s28 =	sor.u32 $0x70, s6;
	v14 =	vld [tilespmem:s6+$0x3060];
	v12 =	vmax.f32 v12, v21;
	v11 =	vmax.f32 v11, v22;
	v10 =	vmax.f32 v10, v23  }
0xce: {  	v15 =	vld [tilespmem:s28+$0x0];
	v9 =	vmax.f32 v9, v24;
	v12 =	vmax.f32 v12, v25;
	v11 =	vmax.f32 v11, v26  }
0xcf: {  	p1 =	por p0, p0;
	v63 =	vld [tilespmem:s6+$0x3070];
	v10 =	vmax.f32 v10, v27;
	v9 =	vmax.f32 v9, v28;
	v12 =	vmax.f32 v12, v29  }
.Ltmp4:
0xd0: {  	v11 =	vmax.f32 v11, v30;
	v10 =	vmax.f32 v10, v31;
	v9 =	vmax.f32 v9, v32;
	(pc) =	sbr.rel @p1 .LBB2_4-.Ltmp4, $4  }
0xd1: {  	v12 =	vmax.f32 v12, v33;
	v11 =	vmax.f32 v11, v34;
	v10 =	vmax.f32 v10, v35  }
0xd2: {  	v9 =	vmax.f32 v9, v36;
	v12 =	vmax.f32 v12, v37;
	v11 =	vmax.f32 v11, v38  }
0xd3: {  	v10 =	vmax.f32 v10, v13;
	v9 =	vmax.f32 v9, v14;
	v12 =	vmax.f32 v12, v15  }
0xd4: {  	p0 =	por $0x0, $0x0;
	s6 =	simm.s32 $0x8;
	v11 =	vmax.f32 v11, v61;
	v10 =	vmax.f32 v10, v62;
	v9 =	vmax.f32 v9, v63  }
0xd5: {  	s2 =	sadd.s32 $0x1, s2  }
0xd6: {  	p0 =	sne.s32 s2, $0x10  }
.Ltmp5:
0xd7: {  	_ = 	snop;
	(pc) =	sbr.rel @p0 .LBB2_3-.Ltmp5, $4  }
0xd8: {  	[tilespmem:s4+$0x8080] =	vst v12  }
0xd9: {  	[tilespmem:s4+$0x8180] =	vst v11  }
0xda: {  	[tilespmem:s4+$0x8280] =	vst v10;
	v8 =	vmax.f32 v8, v12  }
0xdb: {  	[tilespmem:s4+$0x8380] =	vst v9;
	v7 =	vmax.f32 v7, v11;
	v6 =	vmax.f32 v6, v10;
	v5 =	vmax.f32 v5, v9  }
0xdc: {  	[tilespmem:$0x8480] =	vst v1  }
0xdd: {  	[tilespmem:$0x8580] =	vst v2  }
0xde: {  	[tilespmem:$0x8490] =	vst v1  }
0xdf: {  	[tilespmem:$0x8590] =	vst v2  }
0xe0: {  	[tilespmem:$0x84A0] =	vst v1  }
0xe1: {  	[tilespmem:$0x85A0] =	vst v2  }
0xe2: {  	[tilespmem:$0x84B0] =	vst v1  }
0xe3: {  	[tilespmem:$0x85B0] =	vst v2  }
0xe4: {  	[tilespmem:$0x84C0] =	vst v1  }
0xe5: {  	[tilespmem:$0x85C0] =	vst v2  }
0xe6: {  	[tilespmem:$0x84D0] =	vst v1  }
0xe7: {  	[tilespmem:$0x85D0] =	vst v2  }
0xe8: {  	[tilespmem:$0x84E0] =	vst v1  }
0xe9: {  	(xrf1) =	vsort.dscd.msk.f32 $0xffff, v8, v8;
	[tilespmem:$0x85E0] =	vst v2  }
0xea: {  	[tilespmem:$0x84F0] =	vst v1;
	(xrf1) =	vsort.dscd.msk.f32 $0xffff, v7, v7  }
0xeb: {  	[tilespmem:$0x85F0] =	vst v2;
	(xrf1) =	vsort.dscd.msk.f32 $0xffff, v6, v6  }
0xec: {  	[tilespmem:$0x8500] =	vst v1;
	(xrf1) =	vsort.dscd.msk.f32 $0xffff, v5, v5  }
0xed: {  	[tilespmem:$0x8600] =	vst v2  }
0xee: {  	[tilespmem:$0x8510] =	vst v1  }
0xef: {  	[tilespmem:$0x8610] =	vst v2  }
0xf0: {  	[tilespmem:$0x8520] =	vst v1  }
0xf1: {  	[tilespmem:$0x8620] =	vst v2  }
0xf2: {  	[tilespmem:$0x8530] =	vst v1  }
0xf3: {  	[tilespmem:$0x8630] =	vst v2  }
0xf4: {  	[tilespmem:$0x8540] =	vst v1  }
0xf5: {  	[tilespmem:$0x8640] =	vst v2  }
0xf6: {  	[tilespmem:$0x8550] =	vst v1  }
.Ltmp6:
0xf7: {  	[tilespmem:$0x8650] =	vst v2;
	v5, _, _ =	vpop (xrf1);
	(pc) =	sbr.rel .LBB2_7-.Ltmp6, $4  }
0xf8: {  	[tilespmem:$0x8560] =	vst v1;
	v6, _, _ =	vpop (xrf1)  }
0xf9: {  	[tilespmem:$0x8660] =	vst v2;
	v7, _, _ =	vpop (xrf1)  }
0xfa: {  	[tilespmem:$0x8570] =	vst v1;
	s17 =	simm.s32 $0x0;
	s18 =	simm.s32 $0x30;
	s19 =	simm.s32 $0x20;
	v5 =	vperm.xlane v5, v0;
	v6 =	vperm.xlane v6, v0;
	v8, _, _ =	vpop (xrf1)  }
0xfb: {  	[tilespmem:$0x8670] =	vst v2;
	s4 =	simm.s32 $0x1020;
	s20 =	simm.s32 $0x2020;
	s6 =	simm.s32 $0x3020;
	v7 =	vperm.xlane v7, v0;
	v8 =	vperm.xlane v8, v0  }
.LBB2_22:
0xfc: {  	v10 =	vsel vm2, v10, v20;
	vm3 =	vgt.f32 v13, v18;
	v60 =	vsel vm0, v16, v17  }
0xfd: {  	v59 =	vsel vm0, v13, v16;
	vm4 =	vgt.f32 v13, v10;
	v57 =	vsel vm3, v13, v18;
	[tilespmem:$0x8570] =	vst v60  }
0xfe: {  	v21 =	vsel vm4, v13, v10;
	[tilespmem:$0x8540] =	vst v57;
	v10 =	vsel vm4, v10, v59  }
0xff: {  	v11 =	vsel vm2, v11, v19;
	v58 =	vsel vm3, v18, v21;
	[tilespmem:$0x8560] =	vst v10  }
0x100: {  	v61 =	vsel vm4, v9, v11;
	v10 =	vsel vm3, v9, v15;
	[tilespmem:$0x8550] =	vst v58  }
0x101: {  	v63 =	vsel vm0, v9, v14;
	v62 =	vsel vm3, v15, v61;
	[tilespmem:$0x8640] =	vst v10  }
0x102: {  	v9 =	vsel vm1, v9, v12;
	v10 =	vsel vm4, v11, v63;
	[tilespmem:$0x8650] =	vst v62  }
0x103: {  	v9 =	vsel vm0, v14, v9;
	[tilespmem:$0x8660] =	vst v10  }
0x104: {  	[tilespmem:$0x8670] =	vst v9  }
.LBB2_23:
0x105: {  	s17 =	sadd.s32 $0x1, s17  }
0x106: {  	p0 =	sne.s32 s17, $0x10  }
.Ltmp7:
0x107: {  	_ = 	snop;
	(pc) =	sbr.rel @!p0 .LBB2_24-.Ltmp7, $3  }
0x108: {  	_ =	sdelay $0x1  }
0x109: {  	s18 =	sadd.s32 $0x100, s18;
	s19 =	sadd.s32 $0x100, s19  }
0x10a: {  	s4 =	sadd.s32 $0x100, s4;
	s20 =	sadd.s32 $0x100, s20;
	s6 =	sadd.s32 $0x100, s6  }
.LBB2_7:
0x10b: {  	s22 =	sshll.u32 s17, $0x4  }
0x10c: {  	v9 =	vld [tilespmem:s22+$0x8080];
	_ =	sdelay $0x4  }
0x10d: {  	vm0 =	vge.f32 v9, v5  }
0x10e: {  	v9 =	vsel vm0, $0x3F800000, v3  }
0x10f: {  	(xrf0) =	vmax.scan.msk.f32 $0xffff, v9;
	_ =	sdelay $0x5  }
0x110: {  	v9, _, _ =	vpop (xrf0)  }
0x111: {  	(v2sf) =	vpush v9, $0xF;
	_ =	sdelay $0xe  }
0x112: {  	s2 =	spop (v2sf)  }
0x113: {  	p0 =	sgt.f32 s2, $0.0e+00  }
.Ltmp8:
0x114: {  	_ = 	snop;
	(pc) =	sbr.rel @!p0 .LBB2_11-.Ltmp8, $1  }
0x115: {  	_ =	sdelay $0x3  }
0x116: {  	v9 =	vld [tilespmem:$0x8480]  }
0x117: {  	v10 =	vld [tilespmem:$0x8490]  }
0x118: {  	v11 =	vld [tilespmem:$0x84A0]  }
0x119: {  	v12 =	vld [tilespmem:$0x84B0]  }
0x11a: {  	v13 =	vld [tilespmem:s19+$0xFFFFFFE0]  }
0x11b: {  	v15 =	vld [tilespmem:$0x8590]  }
0x11c: {  	v17 =	vld [tilespmem:$0x85B0]  }
0x11d: {  	s2 =	sadd.s32 $0xFFFFFFD0, s18;
	v18 =	vld [tilespmem:$0x85A0];
	s26 =	sadd.s32 $0xFFFFFFE0, s18  }
0x11e: {  	v14 =	vld [tilespmem:$0x8580];
	v19 =	vor.u32 s2, v4;
	v22 =	vor.u32 s26, v4  }
0x11f: {  	v16 =	vld [tilespmem:s19+$0xFFFFFFF0];
	vm0 =	vgt.f32 v13, v10;
	vm1 =	vgt.f32 v13, v12;
	vm2 =	vgt.f32 v13, v9  }
0x120: {  	vm4 =	vgt.f32 v13, v11;
	v20 =	vsel vm0, v13, v10;
	v12 =	vsel vm1, v13, v12  }
0x121: {  	v21 =	vsel vm0, v19, v15;
	v17 =	vsel vm1, v19, v17;
	v24 =	vsel vm4, v13, v11  }
0x122: {  	v25 =	vsel vm4, v19, v18;
	v20 =	vsel vm2, v9, v20;
	v11 =	vsel vm4, v11, v12  }
0x123: {  	v12 =	vsel vm2, v14, v21;
	v10 =	vsel vm0, v10, v24;
	v15 =	vsel vm0, v15, v25  }
0x124: {  	v9 =	vsel vm2, v13, v9;
	v13 =	vsel vm4, v18, v17;
	vm3 =	vgt.f32 v16, v20  }
0x125: {  	vm0 =	vgt.f32 v16, v10;
	vm1 =	vgt.f32 v16, v11;
	vm15 =	vgt.f32 v16, v9  }
0x126: {  	v21 =	vld [tilespmem:s19+$0x0];
	v23 =	vsel vm3, v16, v20;
	v11 =	vsel vm1, v16, v11;
	v17 =	vsel vm3, v22, v12  }
0x127: {  	v18 =	vsel vm0, v16, v10;
	v24 =	vsel vm0, v10, v11;
	v11 =	vsel vm2, v19, v14  }
0x128: {  	s28 =	sadd.s32 $0xFFFFFFF0, s18;
	v10 =	vsel vm15, v16, v9;
	v14 =	vsel vm15, v9, v23;
	v16 =	vsel vm0, v22, v15  }
0x129: {  	v9 =	vor.u32 s18, v4;
	v19 =	vor.u32 s28, v4;
	v23 =	vsel vm15, v11, v17  }
0x12a: {  	v12 =	vsel vm3, v12, v16;
	v11 =	vsel vm15, v22, v11;
	v16 =	vsel vm1, v22, v13  }
0x12b: {  	v13 =	vld [tilespmem:s19+$0x10];
	v17 =	vsel vm3, v20, v18;
	v15 =	vsel vm0, v15, v16;
	vm0 =	vgt.f32 v21, v24  }
0x12c: {  	vm1 =	vgt.f32 v21, v17;
	vm2 =	vgt.f32 v21, v10;
	vm3 =	vgt.f32 v21, v14  }
0x12d: {  	v16 =	vsel vm0, v21, v24;
	v15 =	vsel vm0, v19, v15;
	v18 =	vsel vm1, v21, v17  }
0x12e: {  	v22 =	vsel vm1, v19, v12;
	v20 =	vsel vm3, v21, v14;
	v17 =	vsel vm1, v17, v16  }
0x12f: {  	v12 =	vsel vm1, v12, v15;
	v15 =	vsel vm2, v19, v11;
	v16 =	vsel vm3, v14, v18  }
0x130: {  	v18 =	vsel vm2, v21, v10;
	v19 =	vsel vm3, v19, v23;
	vm1 =	vgt.f32 v13, v17  }
0x131: {  	s25 =	simm.s32 $0x0;
	s26 =	sadd.s32 $0x40, s19;
	s2 =	smov.u32 s18;
	v14 =	vsel vm3, v23, v22;
	vm0 =	vgt.f32 v13, v16;
	v17 =	vsel vm1, v13, v17  }
.LBB2_9:
0x132: {  	v21 =	vld [tilespmem:s26+$0xFFFFFFE0];
	s25 =	sadd.s32 $0x4, s25;
	v10 =	vsel vm2, v10, v20;
	vm3 =	vgt.f32 v13, v18;
	v20 =	vsel vm0, v13, v16;
	s2 =	sadd.s32 $0x40, s2  }
0x133: {  	v11 =	vsel vm2, v11, v19;
	p0 =	slt.u32 s25, $0xC;
	vm2 =	vgt.f32 v13, v10;
	v19 =	vsel vm3, v9, v15  }
0x134: {  	v22 =	vsel vm3, v13, v18;
	v13 =	vsel vm2, v13, v10;
	v10 =	vsel vm2, v10, v20  }
0x135: {  	v16 =	vsel vm0, v16, v17;
	s9 =	sadd.s32 $0xFFFFFFD0, s2;
	v20 =	vld [tilespmem:s26+$0xFFFFFFF0];
	v13 =	vsel vm3, v18, v13;
	v18 =	vsel vm2, v9, v11  }
0x136: {  	v17 =	vor.u32 s9, v4;
	v15 =	vsel vm3, v15, v18;
	v18 =	vsel vm0, v9, v14  }
0x137: {  	vm3 =	vgt.f32 v21, v13;
	vm4 =	vgt.f32 v21, v16;
	v11 =	vsel vm2, v11, v18  }
0x138: {  	v9 =	vsel vm1, v9, v12;
	vm2 =	vgt.f32 v21, v22;
	v18 =	vsel vm3, v21, v13  }
0x139: {  	s9 =	sadd.s32 $0xFFFFFFE0, s2;
	v9 =	vsel vm0, v14, v9;
	v16 =	vsel vm4, v21, v16;
	v12 =	vsel vm2, v22, v18  }
0x13a: {  	v14 =	vsel vm3, v17, v15;
	v18 =	vor.u32 s9, v4;
	vm0 =	vgt.f32 v20, v12  }
0x13b: {  	vm1 =	vgt.f32 v21, v10;
	v9 =	vsel vm4, v17, v9;
	v23 =	vsel vm0, v20, v12  }
0x13c: {  	v24 =	vsel vm1, v21, v10;
	v25 =	vsel vm1, v17, v11;
	v10 =	vsel vm1, v10, v16  }
0x13d: {  	v14 =	vsel vm2, v19, v14;
	v13 =	vsel vm3, v13, v24;
	v15 =	vsel vm3, v15, v25  }
0x13e: {  	v16 =	vsel vm2, v21, v22;
	vm3 =	vgt.f32 v20, v13;
	vm4 =	vgt.f32 v20, v10  }
0x13f: {  	v21 =	vsel vm1, v11, v9;
	vm1 =	vgt.f32 v20, v16;
	v9 =	vsel vm4, v20, v10  }
0x140: {  	v11 =	vsel vm0, v18, v14;
	v22 =	vsel vm3, v20, v13;
	v24 =	vsel vm3, v13, v9;
	v25 =	vld [tilespmem:s26+$0x0]  }
0x141: {  	v10 =	vsel vm1, v20, v16;
	v13 =	vsel vm2, v17, v19;
	v19 =	vsel vm1, v16, v23  }
0x142: {  	v9 =	vor.u32 s2, v4;
	v23 =	vsel vm1, v13, v11;
	v11 =	vsel vm3, v18, v15  }
0x143: {  	s9 =	sadd.s32 $0xFFFFFFF0, s2;
	v14 =	vsel vm0, v14, v11  }
0x144: {  	v16 =	vsel vm4, v18, v21;
	v21 =	vor.u32 s9, v4;
	v11 =	vsel vm1, v18, v13;
	v13 =	vld [tilespmem:s26+$0x10]  }
0x145: {  	v12 =	vsel vm0, v12, v22;
	v15 =	vsel vm3, v15, v16;
	vm0 =	vgt.f32 v25, v24  }
0x146: {  	vm1 =	vgt.f32 v25, v12;
	v16 =	vsel vm0, v25, v24;
	v15 =	vsel vm0, v21, v15  }
.Ltmp9:
0x147: {  	v17 =	vsel vm1, v25, v12;
	v22 =	vsel vm1, v21, v14;
	v20 =	vsel vm1, v12, v16;
	(pc) =	sbr.rel @p0 .LBB2_9-.Ltmp9, $4  }
0x148: {  	vm2 =	vgt.f32 v25, v10;
	vm3 =	vgt.f32 v25, v19;
	v12 =	vsel vm1, v14, v15  }
0x149: {  	v15 =	vsel vm2, v21, v11;
	v16 =	vsel vm3, v19, v17;
	vm1 =	vgt.f32 v13, v20  }
0x14a: {  	v18 =	vsel vm2, v25, v10;
	vm0 =	vgt.f32 v13, v16;
	v17 =	vsel vm1, v13, v20  }
0x14b: {  	s26 =	sadd.s32 $0x40, s26;
	v14 =	vsel vm3, v23, v22;
	v20 =	vsel vm3, v25, v19;
	v19 =	vsel vm3, v21, v23  }
0x14c: {  	v10 =	vsel vm2, v10, v20;
	vm3 =	vgt.f32 v13, v18;
	v60 =	vsel vm0, v16, v17  }
0x14d: {  	v59 =	vsel vm0, v13, v16;
	vm4 =	vgt.f32 v13, v10;
	v57 =	vsel vm3, v13, v18;
	[tilespmem:$0x84B0] =	vst v60  }
0x14e: {  	v21 =	vsel vm4, v13, v10;
	[tilespmem:$0x8480] =	vst v57;
	v10 =	vsel vm4, v10, v59  }
0x14f: {  	v11 =	vsel vm2, v11, v19;
	v58 =	vsel vm3, v18, v21;
	[tilespmem:$0x84A0] =	vst v10  }
0x150: {  	v61 =	vsel vm4, v9, v11;
	v10 =	vsel vm3, v9, v15;
	[tilespmem:$0x8490] =	vst v58  }
0x151: {  	v63 =	vsel vm0, v9, v14;
	v62 =	vsel vm3, v15, v61;
	[tilespmem:$0x8580] =	vst v10  }
0x152: {  	v9 =	vsel vm1, v9, v12;
	v10 =	vsel vm4, v11, v63;
	[tilespmem:$0x8590] =	vst v62  }
0x153: {  	v9 =	vsel vm0, v14, v9;
	[tilespmem:$0x85A0] =	vst v10  }
0x154: {  	[tilespmem:$0x85B0] =	vst v9  }
.LBB2_11:
0x155: {  	v9 =	vld [tilespmem:s22+$0x8180];
	_ =	sdelay $0x4  }
0x156: {  	vm0 =	vge.f32 v9, v6  }
0x157: {  	v9 =	vsel vm0, $0x3F800000, v3  }
0x158: {  	(xrf0) =	vmax.scan.msk.f32 $0xffff, v9;
	_ =	sdelay $0x5  }
0x159: {  	v9, _, _ =	vpop (xrf0)  }
0x15a: {  	(v2sf) =	vpush v9, $0xF;
	_ =	sdelay $0xe  }
0x15b: {  	s2 =	spop (v2sf)  }
0x15c: {  	p0 =	sgt.f32 s2, $0.0e+00  }
.Ltmp10:
0x15d: {  	_ = 	snop;
	(pc) =	sbr.rel @!p0 .LBB2_15-.Ltmp10, $1  }
0x15e: {  	_ =	sdelay $0x3  }
0x15f: {  	v9 =	vld [tilespmem:$0x84C0]  }
0x160: {  	v10 =	vld [tilespmem:$0x84D0]  }
0x161: {  	v11 =	vld [tilespmem:$0x84E0]  }
0x162: {  	v12 =	vld [tilespmem:$0x84F0]  }
0x163: {  	v13 =	vld [tilespmem:s4+$0xFFFFFFE0]  }
0x164: {  	v15 =	vld [tilespmem:$0x85D0]  }
0x165: {  	v17 =	vld [tilespmem:$0x85F0]  }
0x166: {  	s2 =	sadd.s32 $0xFFFFFFD0, s18;
	v18 =	vld [tilespmem:$0x85E0];
	s26 =	sadd.s32 $0xFFFFFFE0, s18  }
0x167: {  	v14 =	vld [tilespmem:$0x85C0];
	v19 =	vor.u32 s2, v4;
	v22 =	vor.u32 s26, v4  }
0x168: {  	v16 =	vld [tilespmem:s4+$0xFFFFFFF0];
	vm0 =	vgt.f32 v13, v10;
	vm1 =	vgt.f32 v13, v12;
	vm2 =	vgt.f32 v13, v9  }
0x169: {  	vm4 =	vgt.f32 v13, v11;
	v20 =	vsel vm0, v13, v10;
	v12 =	vsel vm1, v13, v12  }
0x16a: {  	v21 =	vsel vm0, v19, v15;
	v17 =	vsel vm1, v19, v17;
	v24 =	vsel vm4, v13, v11  }
0x16b: {  	v25 =	vsel vm4, v19, v18;
	v20 =	vsel vm2, v9, v20;
	v11 =	vsel vm4, v11, v12  }
0x16c: {  	v12 =	vsel vm2, v14, v21;
	v10 =	vsel vm0, v10, v24;
	v15 =	vsel vm0, v15, v25  }
0x16d: {  	v9 =	vsel vm2, v13, v9;
	v13 =	vsel vm4, v18, v17;
	vm3 =	vgt.f32 v16, v20  }
0x16e: {  	vm0 =	vgt.f32 v16, v10;
	vm1 =	vgt.f32 v16, v11;
	vm15 =	vgt.f32 v16, v9  }
0x16f: {  	v21 =	vld [tilespmem:s4+$0x0];
	v23 =	vsel vm3, v16, v20;
	v11 =	vsel vm1, v16, v11;
	v17 =	vsel vm3, v22, v12  }
0x170: {  	v18 =	vsel vm0, v16, v10;
	v24 =	vsel vm0, v10, v11;
	v11 =	vsel vm2, v19, v14  }
0x171: {  	s28 =	sadd.s32 $0xFFFFFFF0, s18;
	v10 =	vsel vm15, v16, v9;
	v14 =	vsel vm15, v9, v23;
	v16 =	vsel vm0, v22, v15  }
0x172: {  	v9 =	vor.u32 s18, v4;
	v19 =	vor.u32 s28, v4;
	v23 =	vsel vm15, v11, v17  }
0x173: {  	v12 =	vsel vm3, v12, v16;
	v11 =	vsel vm15, v22, v11;
	v16 =	vsel vm1, v22, v13  }
0x174: {  	v13 =	vld [tilespmem:s4+$0x10];
	v17 =	vsel vm3, v20, v18;
	v15 =	vsel vm0, v15, v16;
	vm0 =	vgt.f32 v21, v24  }
0x175: {  	vm1 =	vgt.f32 v21, v17;
	vm2 =	vgt.f32 v21, v10;
	vm3 =	vgt.f32 v21, v14  }
0x176: {  	v16 =	vsel vm0, v21, v24;
	v15 =	vsel vm0, v19, v15;
	v18 =	vsel vm1, v21, v17  }
0x177: {  	v22 =	vsel vm1, v19, v12;
	v20 =	vsel vm3, v21, v14;
	v17 =	vsel vm1, v17, v16  }
0x178: {  	v12 =	vsel vm1, v12, v15;
	v15 =	vsel vm2, v19, v11;
	v16 =	vsel vm3, v14, v18  }
0x179: {  	v18 =	vsel vm2, v21, v10;
	v19 =	vsel vm3, v19, v23;
	vm1 =	vgt.f32 v13, v17  }
0x17a: {  	s25 =	simm.s32 $0x0;
	s26 =	sadd.s32 $0x40, s4;
	s2 =	smov.u32 s18;
	v14 =	vsel vm3, v23, v22;
	vm0 =	vgt.f32 v13, v16;
	v17 =	vsel vm1, v13, v17  }
.LBB2_13:
0x17b: {  	v21 =	vld [tilespmem:s26+$0xFFFFFFE0];
	s25 =	sadd.s32 $0x4, s25;
	v10 =	vsel vm2, v10, v20;
	vm3 =	vgt.f32 v13, v18;
	v20 =	vsel vm0, v13, v16;
	s2 =	sadd.s32 $0x40, s2  }
0x17c: {  	v11 =	vsel vm2, v11, v19;
	p0 =	slt.u32 s25, $0xC;
	vm2 =	vgt.f32 v13, v10;
	v19 =	vsel vm3, v9, v15  }
0x17d: {  	v22 =	vsel vm3, v13, v18;
	v13 =	vsel vm2, v13, v10;
	v10 =	vsel vm2, v10, v20  }
0x17e: {  	v16 =	vsel vm0, v16, v17;
	s9 =	sadd.s32 $0xFFFFFFD0, s2;
	v20 =	vld [tilespmem:s26+$0xFFFFFFF0];
	v13 =	vsel vm3, v18, v13;
	v18 =	vsel vm2, v9, v11  }
0x17f: {  	v17 =	vor.u32 s9, v4;
	v15 =	vsel vm3, v15, v18;
	v18 =	vsel vm0, v9, v14  }
0x180: {  	vm3 =	vgt.f32 v21, v13;
	vm4 =	vgt.f32 v21, v16;
	v11 =	vsel vm2, v11, v18  }
0x181: {  	v9 =	vsel vm1, v9, v12;
	vm2 =	vgt.f32 v21, v22;
	v18 =	vsel vm3, v21, v13  }
0x182: {  	s9 =	sadd.s32 $0xFFFFFFE0, s2;
	v9 =	vsel vm0, v14, v9;
	v16 =	vsel vm4, v21, v16;
	v12 =	vsel vm2, v22, v18  }
0x183: {  	v14 =	vsel vm3, v17, v15;
	v18 =	vor.u32 s9, v4;
	vm0 =	vgt.f32 v20, v12  }
0x184: {  	vm1 =	vgt.f32 v21, v10;
	v9 =	vsel vm4, v17, v9;
	v23 =	vsel vm0, v20, v12  }
0x185: {  	v24 =	vsel vm1, v21, v10;
	v25 =	vsel vm1, v17, v11;
	v10 =	vsel vm1, v10, v16  }
0x186: {  	v14 =	vsel vm2, v19, v14;
	v13 =	vsel vm3, v13, v24;
	v15 =	vsel vm3, v15, v25  }
0x187: {  	v16 =	vsel vm2, v21, v22;
	vm3 =	vgt.f32 v20, v13;
	vm4 =	vgt.f32 v20, v10  }
0x188: {  	v21 =	vsel vm1, v11, v9;
	vm1 =	vgt.f32 v20, v16;
	v9 =	vsel vm4, v20, v10  }
0x189: {  	v11 =	vsel vm0, v18, v14;
	v22 =	vsel vm3, v20, v13;
	v24 =	vsel vm3, v13, v9;
	v25 =	vld [tilespmem:s26+$0x0]  }
0x18a: {  	v10 =	vsel vm1, v20, v16;
	v13 =	vsel vm2, v17, v19;
	v19 =	vsel vm1, v16, v23  }
0x18b: {  	v9 =	vor.u32 s2, v4;
	v23 =	vsel vm1, v13, v11;
	v11 =	vsel vm3, v18, v15  }
0x18c: {  	s9 =	sadd.s32 $0xFFFFFFF0, s2;
	v14 =	vsel vm0, v14, v11  }
0x18d: {  	v16 =	vsel vm4, v18, v21;
	v21 =	vor.u32 s9, v4;
	v11 =	vsel vm1, v18, v13;
	v13 =	vld [tilespmem:s26+$0x10]  }
0x18e: {  	v12 =	vsel vm0, v12, v22;
	v15 =	vsel vm3, v15, v16;
	vm0 =	vgt.f32 v25, v24  }
0x18f: {  	vm1 =	vgt.f32 v25, v12;
	v16 =	vsel vm0, v25, v24;
	v15 =	vsel vm0, v21, v15  }
.Ltmp11:
0x190: {  	v17 =	vsel vm1, v25, v12;
	v22 =	vsel vm1, v21, v14;
	v20 =	vsel vm1, v12, v16;
	(pc) =	sbr.rel @p0 .LBB2_13-.Ltmp11, $4  }
0x191: {  	vm2 =	vgt.f32 v25, v10;
	vm3 =	vgt.f32 v25, v19;
	v12 =	vsel vm1, v14, v15  }
0x192: {  	v15 =	vsel vm2, v21, v11;
	v16 =	vsel vm3, v19, v17;
	vm1 =	vgt.f32 v13, v20  }
0x193: {  	v18 =	vsel vm2, v25, v10;
	vm0 =	vgt.f32 v13, v16;
	v17 =	vsel vm1, v13, v20  }
0x194: {  	s26 =	sadd.s32 $0x40, s26;
	v14 =	vsel vm3, v23, v22;
	v20 =	vsel vm3, v25, v19;
	v19 =	vsel vm3, v21, v23  }
0x195: {  	v10 =	vsel vm2, v10, v20;
	vm3 =	vgt.f32 v13, v18;
	v60 =	vsel vm0, v16, v17  }
0x196: {  	v59 =	vsel vm0, v13, v16;
	vm4 =	vgt.f32 v13, v10;
	v57 =	vsel vm3, v13, v18;
	[tilespmem:$0x84F0] =	vst v60  }
0x197: {  	v21 =	vsel vm4, v13, v10;
	[tilespmem:$0x84C0] =	vst v57;
	v10 =	vsel vm4, v10, v59  }
0x198: {  	v11 =	vsel vm2, v11, v19;
	v58 =	vsel vm3, v18, v21;
	[tilespmem:$0x84E0] =	vst v10  }
0x199: {  	v61 =	vsel vm4, v9, v11;
	v10 =	vsel vm3, v9, v15;
	[tilespmem:$0x84D0] =	vst v58  }
0x19a: {  	v63 =	vsel vm0, v9, v14;
	v62 =	vsel vm3, v15, v61;
	[tilespmem:$0x85C0] =	vst v10  }
0x19b: {  	v9 =	vsel vm1, v9, v12;
	v10 =	vsel vm4, v11, v63;
	[tilespmem:$0x85D0] =	vst v62  }
0x19c: {  	v9 =	vsel vm0, v14, v9;
	[tilespmem:$0x85E0] =	vst v10  }
0x19d: {  	[tilespmem:$0x85F0] =	vst v9  }
.LBB2_15:
0x19e: {  	v9 =	vld [tilespmem:s22+$0x8280];
	_ =	sdelay $0x4  }
0x19f: {  	vm0 =	vge.f32 v9, v7  }
0x1a0: {  	v9 =	vsel vm0, $0x3F800000, v3  }
0x1a1: {  	(xrf0) =	vmax.scan.msk.f32 $0xffff, v9;
	_ =	sdelay $0x5  }
0x1a2: {  	v9, _, _ =	vpop (xrf0)  }
0x1a3: {  	(v2sf) =	vpush v9, $0xF;
	_ =	sdelay $0xe  }
0x1a4: {  	s2 =	spop (v2sf)  }
0x1a5: {  	p0 =	sgt.f32 s2, $0.0e+00  }
.Ltmp12:
0x1a6: {  	_ = 	snop;
	(pc) =	sbr.rel @!p0 .LBB2_19-.Ltmp12, $1  }
0x1a7: {  	_ =	sdelay $0x3  }
0x1a8: {  	v9 =	vld [tilespmem:$0x8500]  }
0x1a9: {  	v10 =	vld [tilespmem:$0x8510]  }
0x1aa: {  	v11 =	vld [tilespmem:$0x8520]  }
0x1ab: {  	v12 =	vld [tilespmem:$0x8530]  }
0x1ac: {  	v13 =	vld [tilespmem:s20+$0xFFFFFFE0]  }
0x1ad: {  	v15 =	vld [tilespmem:$0x8610]  }
0x1ae: {  	v17 =	vld [tilespmem:$0x8630]  }
0x1af: {  	s2 =	sadd.s32 $0xFFFFFFD0, s18;
	v18 =	vld [tilespmem:$0x8620];
	s26 =	sadd.s32 $0xFFFFFFE0, s18  }
0x1b0: {  	v14 =	vld [tilespmem:$0x8600];
	v19 =	vor.u32 s2, v4;
	v22 =	vor.u32 s26, v4  }
0x1b1: {  	v16 =	vld [tilespmem:s20+$0xFFFFFFF0];
	vm0 =	vgt.f32 v13, v10;
	vm1 =	vgt.f32 v13, v12;
	vm2 =	vgt.f32 v13, v9  }
0x1b2: {  	vm4 =	vgt.f32 v13, v11;
	v20 =	vsel vm0, v13, v10;
	v12 =	vsel vm1, v13, v12  }
0x1b3: {  	v21 =	vsel vm0, v19, v15;
	v17 =	vsel vm1, v19, v17;
	v24 =	vsel vm4, v13, v11  }
0x1b4: {  	v25 =	vsel vm4, v19, v18;
	v20 =	vsel vm2, v9, v20;
	v11 =	vsel vm4, v11, v12  }
0x1b5: {  	v12 =	vsel vm2, v14, v21;
	v10 =	vsel vm0, v10, v24;
	v15 =	vsel vm0, v15, v25  }
0x1b6: {  	v9 =	vsel vm2, v13, v9;
	v13 =	vsel vm4, v18, v17;
	vm3 =	vgt.f32 v16, v20  }
0x1b7: {  	vm0 =	vgt.f32 v16, v10;
	vm1 =	vgt.f32 v16, v11;
	vm15 =	vgt.f32 v16, v9  }
0x1b8: {  	v21 =	vld [tilespmem:s20+$0x0];
	v23 =	vsel vm3, v16, v20;
	v11 =	vsel vm1, v16, v11;
	v17 =	vsel vm3, v22, v12  }
0x1b9: {  	v18 =	vsel vm0, v16, v10;
	v24 =	vsel vm0, v10, v11;
	v11 =	vsel vm2, v19, v14  }
0x1ba: {  	s28 =	sadd.s32 $0xFFFFFFF0, s18;
	v10 =	vsel vm15, v16, v9;
	v14 =	vsel vm15, v9, v23;
	v16 =	vsel vm0, v22, v15  }
0x1bb: {  	v9 =	vor.u32 s18, v4;
	v19 =	vor.u32 s28, v4;
	v23 =	vsel vm15, v11, v17  }
0x1bc: {  	v12 =	vsel vm3, v12, v16;
	v11 =	vsel vm15, v22, v11;
	v16 =	vsel vm1, v22, v13  }
0x1bd: {  	v13 =	vld [tilespmem:s20+$0x10];
	v17 =	vsel vm3, v20, v18;
	v15 =	vsel vm0, v15, v16;
	vm0 =	vgt.f32 v21, v24  }
0x1be: {  	vm1 =	vgt.f32 v21, v17;
	vm2 =	vgt.f32 v21, v10;
	vm3 =	vgt.f32 v21, v14  }
0x1bf: {  	v16 =	vsel vm0, v21, v24;
	v15 =	vsel vm0, v19, v15;
	v18 =	vsel vm1, v21, v17  }
0x1c0: {  	v22 =	vsel vm1, v19, v12;
	v20 =	vsel vm3, v21, v14;
	v17 =	vsel vm1, v17, v16  }
0x1c1: {  	v12 =	vsel vm1, v12, v15;
	v15 =	vsel vm2, v19, v11;
	v16 =	vsel vm3, v14, v18  }
0x1c2: {  	v18 =	vsel vm2, v21, v10;
	v19 =	vsel vm3, v19, v23;
	vm1 =	vgt.f32 v13, v17  }
0x1c3: {  	s25 =	simm.s32 $0x0;
	s26 =	sadd.s32 $0x40, s20;
	s2 =	smov.u32 s18;
	v14 =	vsel vm3, v23, v22;
	vm0 =	vgt.f32 v13, v16;
	v17 =	vsel vm1, v13, v17  }
.LBB2_17:
0x1c4: {  	v21 =	vld [tilespmem:s26+$0xFFFFFFE0];
	s25 =	sadd.s32 $0x4, s25;
	v10 =	vsel vm2, v10, v20;
	vm3 =	vgt.f32 v13, v18;
	v20 =	vsel vm0, v13, v16;
	s2 =	sadd.s32 $0x40, s2  }
0x1c5: {  	v11 =	vsel vm2, v11, v19;
	p0 =	slt.u32 s25, $0xC;
	vm2 =	vgt.f32 v13, v10;
	v19 =	vsel vm3, v9, v15  }
0x1c6: {  	v22 =	vsel vm3, v13, v18;
	v13 =	vsel vm2, v13, v10;
	v10 =	vsel vm2, v10, v20  }
0x1c7: {  	v16 =	vsel vm0, v16, v17;
	s9 =	sadd.s32 $0xFFFFFFD0, s2;
	v20 =	vld [tilespmem:s26+$0xFFFFFFF0];
	v13 =	vsel vm3, v18, v13;
	v18 =	vsel vm2, v9, v11  }
0x1c8: {  	v17 =	vor.u32 s9, v4;
	v15 =	vsel vm3, v15, v18;
	v18 =	vsel vm0, v9, v14  }
0x1c9: {  	vm3 =	vgt.f32 v21, v13;
	vm4 =	vgt.f32 v21, v16;
	v11 =	vsel vm2, v11, v18  }
0x1ca: {  	v9 =	vsel vm1, v9, v12;
	vm2 =	vgt.f32 v21, v22;
	v18 =	vsel vm3, v21, v13  }
0x1cb: {  	s9 =	sadd.s32 $0xFFFFFFE0, s2;
	v9 =	vsel vm0, v14, v9;
	v16 =	vsel vm4, v21, v16;
	v12 =	vsel vm2, v22, v18  }
0x1cc: {  	v14 =	vsel vm3, v17, v15;
	v18 =	vor.u32 s9, v4;
	vm0 =	vgt.f32 v20, v12  }
0x1cd: {  	vm1 =	vgt.f32 v21, v10;
	v9 =	vsel vm4, v17, v9;
	v23 =	vsel vm0, v20, v12  }
0x1ce: {  	v24 =	vsel vm1, v21, v10;
	v25 =	vsel vm1, v17, v11;
	v10 =	vsel vm1, v10, v16  }
0x1cf: {  	v14 =	vsel vm2, v19, v14;
	v13 =	vsel vm3, v13, v24;
	v15 =	vsel vm3, v15, v25  }
0x1d0: {  	v16 =	vsel vm2, v21, v22;
	vm3 =	vgt.f32 v20, v13;
	vm4 =	vgt.f32 v20, v10  }
0x1d1: {  	v21 =	vsel vm1, v11, v9;
	vm1 =	vgt.f32 v20, v16;
	v9 =	vsel vm4, v20, v10  }
0x1d2: {  	v11 =	vsel vm0, v18, v14;
	v22 =	vsel vm3, v20, v13;
	v24 =	vsel vm3, v13, v9;
	v25 =	vld [tilespmem:s26+$0x0]  }
0x1d3: {  	v10 =	vsel vm1, v20, v16;
	v13 =	vsel vm2, v17, v19;
	v19 =	vsel vm1, v16, v23  }
0x1d4: {  	v9 =	vor.u32 s2, v4;
	v23 =	vsel vm1, v13, v11;
	v11 =	vsel vm3, v18, v15  }
0x1d5: {  	s9 =	sadd.s32 $0xFFFFFFF0, s2;
	v14 =	vsel vm0, v14, v11  }
0x1d6: {  	v16 =	vsel vm4, v18, v21;
	v21 =	vor.u32 s9, v4;
	v11 =	vsel vm1, v18, v13;
	v13 =	vld [tilespmem:s26+$0x10]  }
0x1d7: {  	v12 =	vsel vm0, v12, v22;
	v15 =	vsel vm3, v15, v16;
	vm0 =	vgt.f32 v25, v24  }
0x1d8: {  	vm1 =	vgt.f32 v25, v12;
	v16 =	vsel vm0, v25, v24;
	v15 =	vsel vm0, v21, v15  }
.Ltmp13:
0x1d9: {  	v17 =	vsel vm1, v25, v12;
	v22 =	vsel vm1, v21, v14;
	v20 =	vsel vm1, v12, v16;
	(pc) =	sbr.rel @p0 .LBB2_17-.Ltmp13, $4  }
0x1da: {  	vm2 =	vgt.f32 v25, v10;
	vm3 =	vgt.f32 v25, v19;
	v12 =	vsel vm1, v14, v15  }
0x1db: {  	v15 =	vsel vm2, v21, v11;
	v16 =	vsel vm3, v19, v17;
	vm1 =	vgt.f32 v13, v20  }
0x1dc: {  	v18 =	vsel vm2, v25, v10;
	vm0 =	vgt.f32 v13, v16;
	v17 =	vsel vm1, v13, v20  }
0x1dd: {  	s26 =	sadd.s32 $0x40, s26;
	v14 =	vsel vm3, v23, v22;
	v20 =	vsel vm3, v25, v19;
	v19 =	vsel vm3, v21, v23  }
0x1de: {  	v10 =	vsel vm2, v10, v20;
	vm3 =	vgt.f32 v13, v18;
	v60 =	vsel vm0, v16, v17  }
0x1df: {  	v59 =	vsel vm0, v13, v16;
	vm4 =	vgt.f32 v13, v10;
	v57 =	vsel vm3, v13, v18;
	[tilespmem:$0x8530] =	vst v60  }
0x1e0: {  	v21 =	vsel vm4, v13, v10;
	[tilespmem:$0x8500] =	vst v57;
	v10 =	vsel vm4, v10, v59  }
0x1e1: {  	v11 =	vsel vm2, v11, v19;
	v58 =	vsel vm3, v18, v21;
	[tilespmem:$0x8520] =	vst v10  }
0x1e2: {  	v61 =	vsel vm4, v9, v11;
	v10 =	vsel vm3, v9, v15;
	[tilespmem:$0x8510] =	vst v58  }
0x1e3: {  	v63 =	vsel vm0, v9, v14;
	v62 =	vsel vm3, v15, v61;
	[tilespmem:$0x8600] =	vst v10  }
0x1e4: {  	v9 =	vsel vm1, v9, v12;
	v10 =	vsel vm4, v11, v63;
	[tilespmem:$0x8610] =	vst v62  }
0x1e5: {  	v9 =	vsel vm0, v14, v9;
	[tilespmem:$0x8620] =	vst v10  }
0x1e6: {  	[tilespmem:$0x8630] =	vst v9  }
.LBB2_19:
0x1e7: {  	v9 =	vld [tilespmem:s22+$0x8380];
	_ =	sdelay $0x4  }
0x1e8: {  	vm0 =	vge.f32 v9, v8  }
0x1e9: {  	v9 =	vsel vm0, $0x3F800000, v3  }
0x1ea: {  	(xrf0) =	vmax.scan.msk.f32 $0xffff, v9;
	_ =	sdelay $0x5  }
0x1eb: {  	v9, _, _ =	vpop (xrf0)  }
0x1ec: {  	(v2sf) =	vpush v9, $0xF;
	_ =	sdelay $0xe  }
0x1ed: {  	s2 =	spop (v2sf)  }
0x1ee: {  	p0 =	sgt.f32 s2, $0.0e+00  }
.Ltmp14:
0x1ef: {  	_ = 	snop;
	(pc) =	sbr.rel @!p0 .LBB2_23-.Ltmp14, $1  }
0x1f0: {  	_ =	sdelay $0x3  }
0x1f1: {  	v9 =	vld [tilespmem:$0x8540]  }
0x1f2: {  	v10 =	vld [tilespmem:$0x8550]  }
0x1f3: {  	v11 =	vld [tilespmem:$0x8560]  }
0x1f4: {  	v12 =	vld [tilespmem:$0x8570]  }
0x1f5: {  	v13 =	vld [tilespmem:s6+$0xFFFFFFE0]  }
0x1f6: {  	v15 =	vld [tilespmem:$0x8650]  }
0x1f7: {  	v17 =	vld [tilespmem:$0x8670]  }
0x1f8: {  	s2 =	sadd.s32 $0xFFFFFFD0, s18;
	v18 =	vld [tilespmem:$0x8660];
	s26 =	sadd.s32 $0xFFFFFFE0, s18  }
0x1f9: {  	v14 =	vld [tilespmem:$0x8640];
	v19 =	vor.u32 s2, v4;
	v22 =	vor.u32 s26, v4  }
0x1fa: {  	v16 =	vld [tilespmem:s6+$0xFFFFFFF0];
	vm0 =	vgt.f32 v13, v10;
	vm1 =	vgt.f32 v13, v12;
	vm2 =	vgt.f32 v13, v9  }
0x1fb: {  	vm4 =	vgt.f32 v13, v11;
	v20 =	vsel vm0, v13, v10;
	v12 =	vsel vm1, v13, v12  }
0x1fc: {  	v21 =	vsel vm0, v19, v15;
	v17 =	vsel vm1, v19, v17;
	v24 =	vsel vm4, v13, v11  }
0x1fd: {  	v25 =	vsel vm4, v19, v18;
	v20 =	vsel vm2, v9, v20;
	v11 =	vsel vm4, v11, v12  }
0x1fe: {  	v12 =	vsel vm2, v14, v21;
	v10 =	vsel vm0, v10, v24;
	v15 =	vsel vm0, v15, v25  }
0x1ff: {  	v9 =	vsel vm2, v13, v9;
	v13 =	vsel vm4, v18, v17;
	vm3 =	vgt.f32 v16, v20  }
0x200: {  	vm0 =	vgt.f32 v16, v10;
	vm1 =	vgt.f32 v16, v11;
	vm15 =	vgt.f32 v16, v9  }
0x201: {  	v21 =	vld [tilespmem:s6+$0x0];
	v23 =	vsel vm3, v16, v20;
	v11 =	vsel vm1, v16, v11;
	v17 =	vsel vm3, v22, v12  }
0x202: {  	v18 =	vsel vm0, v16, v10;
	v24 =	vsel vm0, v10, v11;
	v11 =	vsel vm2, v19, v14  }
0x203: {  	s28 =	sadd.s32 $0xFFFFFFF0, s18;
	v10 =	vsel vm15, v16, v9;
	v14 =	vsel vm15, v9, v23;
	v16 =	vsel vm0, v22, v15  }
0x204: {  	v9 =	vor.u32 s18, v4;
	v19 =	vor.u32 s28, v4;
	v23 =	vsel vm15, v11, v17  }
0x205: {  	v12 =	vsel vm3, v12, v16;
	v11 =	vsel vm15, v22, v11;
	v16 =	vsel vm1, v22, v13  }
0x206: {  	v13 =	vld [tilespmem:s6+$0x10];
	v17 =	vsel vm3, v20, v18;
	v15 =	vsel vm0, v15, v16;
	vm0 =	vgt.f32 v21, v24  }
0x207: {  	vm1 =	vgt.f32 v21, v17;
	vm2 =	vgt.f32 v21, v10;
	vm3 =	vgt.f32 v21, v14  }
0x208: {  	v16 =	vsel vm0, v21, v24;
	v15 =	vsel vm0, v19, v15;
	v18 =	vsel vm1, v21, v17  }
0x209: {  	v22 =	vsel vm1, v19, v12;
	v20 =	vsel vm3, v21, v14;
	v17 =	vsel vm1, v17, v16  }
0x20a: {  	v12 =	vsel vm1, v12, v15;
	v15 =	vsel vm2, v19, v11;
	v16 =	vsel vm3, v14, v18  }
0x20b: {  	v18 =	vsel vm2, v21, v10;
	v19 =	vsel vm3, v19, v23;
	vm1 =	vgt.f32 v13, v17  }
0x20c: {  	s22 =	simm.s32 $0x0;
	s25 =	sadd.s32 $0x40, s6;
	s2 =	smov.u32 s18;
	v14 =	vsel vm3, v23, v22;
	vm0 =	vgt.f32 v13, v16;
	v17 =	vsel vm1, v13, v17  }
.LBB2_21:
0x20d: {  	v21 =	vld [tilespmem:s25+$0xFFFFFFE0];
	s22 =	sadd.s32 $0x4, s22;
	v10 =	vsel vm2, v10, v20;
	vm3 =	vgt.f32 v13, v18;
	v20 =	vsel vm0, v13, v16;
	s2 =	sadd.s32 $0x40, s2  }
0x20e: {  	v11 =	vsel vm2, v11, v19;
	p0 =	slt.u32 s22, $0xC;
	vm2 =	vgt.f32 v13, v10;
	v19 =	vsel vm3, v9, v15  }
0x20f: {  	v22 =	vsel vm3, v13, v18;
	v13 =	vsel vm2, v13, v10;
	v10 =	vsel vm2, v10, v20  }
0x210: {  	v16 =	vsel vm0, v16, v17;
	s9 =	sadd.s32 $0xFFFFFFD0, s2;
	v20 =	vld [tilespmem:s25+$0xFFFFFFF0];
	v13 =	vsel vm3, v18, v13;
	v18 =	vsel vm2, v9, v11  }
0x211: {  	v17 =	vor.u32 s9, v4;
	v15 =	vsel vm3, v15, v18;
	v18 =	vsel vm0, v9, v14  }
0x212: {  	vm3 =	vgt.f32 v21, v13;
	vm4 =	vgt.f32 v21, v16;
	v11 =	vsel vm2, v11, v18  }
0x213: {  	v9 =	vsel vm1, v9, v12;
	vm2 =	vgt.f32 v21, v22;
	v18 =	vsel vm3, v21, v13  }
0x214: {  	s9 =	sadd.s32 $0xFFFFFFE0, s2;
	v9 =	vsel vm0, v14, v9;
	v16 =	vsel vm4, v21, v16;
	v12 =	vsel vm2, v22, v18  }
0x215: {  	v14 =	vsel vm3, v17, v15;
	v18 =	vor.u32 s9, v4;
	vm0 =	vgt.f32 v20, v12  }
0x216: {  	vm1 =	vgt.f32 v21, v10;
	v9 =	vsel vm4, v17, v9;
	v23 =	vsel vm0, v20, v12  }
0x217: {  	v24 =	vsel vm1, v21, v10;
	v25 =	vsel vm1, v17, v11;
	v10 =	vsel vm1, v10, v16  }
0x218: {  	v14 =	vsel vm2, v19, v14;
	v13 =	vsel vm3, v13, v24;
	v15 =	vsel vm3, v15, v25  }
0x219: {  	v16 =	vsel vm2, v21, v22;
	vm3 =	vgt.f32 v20, v13;
	vm4 =	vgt.f32 v20, v10  }
0x21a: {  	v21 =	vsel vm1, v11, v9;
	vm1 =	vgt.f32 v20, v16;
	v9 =	vsel vm4, v20, v10  }
0x21b: {  	v11 =	vsel vm0, v18, v14;
	v22 =	vsel vm3, v20, v13;
	v24 =	vsel vm3, v13, v9;
	v25 =	vld [tilespmem:s25+$0x0]  }
0x21c: {  	v10 =	vsel vm1, v20, v16;
	v13 =	vsel vm2, v17, v19;
	v19 =	vsel vm1, v16, v23  }
0x21d: {  	v9 =	vor.u32 s2, v4;
	v23 =	vsel vm1, v13, v11;
	v11 =	vsel vm3, v18, v15  }
0x21e: {  	s9 =	sadd.s32 $0xFFFFFFF0, s2;
	v14 =	vsel vm0, v14, v11  }
0x21f: {  	v16 =	vsel vm4, v18, v21;
	v21 =	vor.u32 s9, v4;
	v11 =	vsel vm1, v18, v13;
	v13 =	vld [tilespmem:s25+$0x10]  }
0x220: {  	v12 =	vsel vm0, v12, v22;
	v15 =	vsel vm3, v15, v16;
	vm0 =	vgt.f32 v25, v24  }
0x221: {  	vm1 =	vgt.f32 v25, v12;
	v16 =	vsel vm0, v25, v24;
	v15 =	vsel vm0, v21, v15  }
.Ltmp15:
0x222: {  	v17 =	vsel vm1, v25, v12;
	v22 =	vsel vm1, v21, v14;
	v20 =	vsel vm1, v12, v16;
	(pc) =	sbr.rel @p0 .LBB2_21-.Ltmp15, $4  }
0x223: {  	vm2 =	vgt.f32 v25, v10;
	vm3 =	vgt.f32 v25, v19;
	v12 =	vsel vm1, v14, v15  }
0x224: {  	v15 =	vsel vm2, v21, v11;
	v16 =	vsel vm3, v19, v17;
	vm1 =	vgt.f32 v13, v20  }
0x225: {  	v18 =	vsel vm2, v25, v10;
	vm0 =	vgt.f32 v13, v16;
	v17 =	vsel vm1, v13, v20  }
0x226: {  	s25 =	sadd.s32 $0x40, s25;
	v14 =	vsel vm3, v23, v22;
	v20 =	vsel vm3, v25, v19;
	v19 =	vsel vm3, v21, v23  }
.Ltmp16:
0x227: {  	_ = 	snop;
	(pc) =	sbr.rel .LBB2_22-.Ltmp16, $1  }
0x228: {  	_ =	sdelay $0x3  }
.LBB2_24:
0x229: {  	v5 =	vmov s8  }
0x22a: {  	v5 =	vand.u32 $0xFFFFFFF8, v5  }
0x22b: {  	v5 =	vbroadcast v5, $0x0;
	_ =	sdelay $0x5  }
0x22c: {  	v5 =	vld.idx.msk [tilespmem:v5+s21+$0x0], $0xffff;
	_ =	sdelay $0x6  }
0x22d: {  	s2 =	simm.s32 $0x0  }
0x22e: {  	v5 =	vld.idx.msk [tilespmem:v5+s2+$0x0], $0xffff;
	_ =	sdelay $0x2  }
0x22f: {  	s6 =	sshll.u32 s7, $0x9  }
0x230: {  	s17 =	sshrl.u32 s6, $0x2  }
0x231: {  	[tilespmem:s17+$0x8680] =	vst v5  }
0x232: {  	v5 =	vld [tilespmem:$0x8480];
	_ =	sdelay $0x4  }
0x233: {  	[tilespmem:s6+$0x8E80] =	vst v5  }
0x234: {  	v5 =	vld [tilespmem:$0x8490];
	_ =	sdelay $0x4  }
0x235: {  	[tilespmem:s6+$0x8E90] =	vst v5  }
0x236: {  	v5 =	vld [tilespmem:$0x84A0];
	_ =	sdelay $0x4  }
0x237: {  	[tilespmem:s6+$0x8EA0] =	vst v5  }
0x238: {  	v5 =	vld [tilespmem:$0x84B0];
	_ =	sdelay $0x4  }
0x239: {  	[tilespmem:s6+$0x8EB0] =	vst v5  }
0x23a: {  	v5 =	vld [tilespmem:$0x8580];
	_ =	sdelay $0x4  }
0x23b: {  	[tilespmem:s6+$0xAE80] =	vst v5  }
0x23c: {  	v5 =	vld [tilespmem:$0x8590];
	_ =	sdelay $0x4  }
0x23d: {  	[tilespmem:s6+$0xAE90] =	vst v5  }
0x23e: {  	v5 =	vld [tilespmem:$0x85A0];
	_ =	sdelay $0x2  }
0x23f: {  	s4 =	sor.u32 $0x1, s8  }
0x240: {  	v6 =	vmov s4  }
0x241: {  	[tilespmem:s6+$0xAEA0] =	vst v5;
	v5 =	vand.u32 $0xFFFFFFF9, v6  }
0x242: {  	v6 =	vld [tilespmem:$0x85B0];
	v5 =	vbroadcast v5, $0x0;
	_ =	sdelay $0x4  }
0x243: {  	[tilespmem:s6+$0xAEB0] =	vst v6  }
0x244: {  	v5 =	vld.idx.msk [tilespmem:v5+s21+$0x0], $0xffff;
	_ =	sdelay $0x6  }
0x245: {  	s9 =	simm.s32 $0x1000  }
0x246: {  	v5 =	vld.idx.msk [tilespmem:v5+s9+$0x0], $0xffff;
	_ =	sdelay $0x4  }
0x247: {  	[tilespmem:s17+$0x8690] =	vst v5  }
0x248: {  	v5 =	vld [tilespmem:$0x84C0];
	_ =	sdelay $0x3  }
0x249: {  	s10 =	sshll.u32 s4, $0x6  }
0x24a: {  	[tilespmem:s10+$0x8E80] =	vst v5  }
0x24b: {  	v5 =	vld [tilespmem:$0x84D0];
	_ =	sdelay $0x3  }
0x24c: {  	s4 =	sor.u32 $0x50, s10  }
0x24d: {  	[tilespmem:s4+$0x8E80] =	vst v5  }
0x24e: {  	v5 =	vld [tilespmem:$0x84E0];
	_ =	sdelay $0x3  }
0x24f: {  	s6 =	sor.u32 $0x60, s10  }
0x250: {  	[tilespmem:s6+$0x8E80] =	vst v5  }
0x251: {  	v5 =	vld [tilespmem:$0x84F0];
	_ =	sdelay $0x3  }
0x252: {  	s9 =	sor.u32 $0x70, s10  }
0x253: {  	[tilespmem:s9+$0x8E80] =	vst v5  }
0x254: {  	v5 =	vld [tilespmem:$0x85C0];
	_ =	sdelay $0x4  }
0x255: {  	[tilespmem:s10+$0xAE80] =	vst v5  }
0x256: {  	v5 =	vld [tilespmem:$0x85D0];
	_ =	sdelay $0x4  }
0x257: {  	[tilespmem:s4+$0xAE80] =	vst v5  }
0x258: {  	v5 =	vld [tilespmem:$0x85E0];
	_ =	sdelay $0x2  }
0x259: {  	s18 =	sor.u32 $0x2, s8  }
0x25a: {  	v6 =	vmov s18  }
0x25b: {  	[tilespmem:s6+$0xAE80] =	vst v5;
	v5 =	vand.u32 $0xFFFFFFFA, v6  }
0x25c: {  	v6 =	vld [tilespmem:$0x85F0];
	v5 =	vbroadcast v5, $0x0;
	_ =	sdelay $0x4  }
0x25d: {  	[tilespmem:s9+$0xAE80] =	vst v6  }
0x25e: {  	v5 =	vld.idx.msk [tilespmem:v5+s21+$0x0], $0xffff;
	_ =	sdelay $0x6  }
0x25f: {  	s19 =	simm.s32 $0x2000  }
0x260: {  	v5 =	vld.idx.msk [tilespmem:v5+s19+$0x0], $0xffff;
	_ =	sdelay $0x4  }
0x261: {  	[tilespmem:s17+$0x86A0] =	vst v5  }
0x262: {  	v5 =	vld [tilespmem:$0x8500];
	_ =	sdelay $0x3  }
0x263: {  	s2 =	sshll.u32 s18, $0x6  }
0x264: {  	[tilespmem:s2+$0x8E80] =	vst v5  }
0x265: {  	v5 =	vld [tilespmem:$0x8510];
	_ =	sdelay $0x4  }
0x266: {  	[tilespmem:s2+$0x8E90] =	vst v5  }
0x267: {  	v5 =	vld [tilespmem:$0x8520];
	_ =	sdelay $0x4  }
0x268: {  	[tilespmem:s2+$0x8EA0] =	vst v5  }
0x269: {  	v5 =	vld [tilespmem:$0x8530];
	_ =	sdelay $0x4  }
0x26a: {  	[tilespmem:s2+$0x8EB0] =	vst v5  }
0x26b: {  	v5 =	vld [tilespmem:$0x8600];
	_ =	sdelay $0x4  }
0x26c: {  	[tilespmem:s2+$0xAE80] =	vst v5  }
0x26d: {  	v5 =	vld [tilespmem:$0x8610];
	_ =	sdelay $0x4  }
0x26e: {  	[tilespmem:s2+$0xAE90] =	vst v5  }
0x26f: {  	v5 =	vld [tilespmem:$0x8620];
	_ =	sdelay $0x2  }
0x270: {  	s20 =	sor.u32 $0x3, s8  }
0x271: {  	v6 =	vmov s20  }
0x272: {  	[tilespmem:s2+$0xAEA0] =	vst v5;
	v5 =	vand.u32 $0xFFFFFFFB, v6  }
0x273: {  	v6 =	vld [tilespmem:$0x8630];
	v5 =	vbroadcast v5, $0x0;
	_ =	sdelay $0x4  }
0x274: {  	[tilespmem:s2+$0xAEB0] =	vst v6  }
0x275: {  	v5 =	vld.idx.msk [tilespmem:v5+s21+$0x0], $0xffff;
	_ =	sdelay $0x6  }
0x276: {  	s22 =	simm.s32 $0x3000  }
0x277: {  	v5 =	vld.idx.msk [tilespmem:v5+s22+$0x0], $0xffff;
	_ =	sdelay $0x4  }
0x278: {  	[tilespmem:s17+$0x86B0] =	vst v5  }
0x279: {  	v5 =	vld [tilespmem:$0x8540];
	_ =	sdelay $0x3  }
0x27a: {  	s25 =	sshll.u32 s20, $0x6  }
0x27b: {  	[tilespmem:s25+$0x8E80] =	vst v5  }
0x27c: {  	v5 =	vld [tilespmem:$0x8550];
	_ =	sdelay $0x3  }
0x27d: {  	s4 =	sor.u32 $0x50, s25  }
0x27e: {  	[tilespmem:s4+$0x8E80] =	vst v5  }
0x27f: {  	v5 =	vld [tilespmem:$0x8560];
	_ =	sdelay $0x3  }
0x280: {  	s26 =	sor.u32 $0x60, s25  }
0x281: {  	[tilespmem:s26+$0x8E80] =	vst v5  }
0x282: {  	v5 =	vld [tilespmem:$0x8570];
	_ =	sdelay $0x3  }
0x283: {  	s28 =	sor.u32 $0x70, s25  }
0x284: {  	[tilespmem:s28+$0x8E80] =	vst v5  }
0x285: {  	v5 =	vld [tilespmem:$0x8640];
	_ =	sdelay $0x4  }
0x286: {  	[tilespmem:s25+$0xAE80] =	vst v5  }
0x287: {  	v5 =	vld [tilespmem:$0x8650];
	_ =	sdelay $0x4  }
0x288: {  	[tilespmem:s4+$0xAE80] =	vst v5  }
0x289: {  	v5 =	vld [tilespmem:$0x8660];
	_ =	sdelay $0x4  }
0x28a: {  	[tilespmem:s26+$0xAE80] =	vst v5  }
0x28b: {  	v5 =	vld [tilespmem:$0x8670];
	_ =	sdelay $0x4  }
0x28c: {  	[tilespmem:s28+$0xAE80] =	vst v5  }
0x28d: {  	_ =	swait.ge [sflag:s5], $0x1000  }
0x28e: {  	[sflag:s5] =	ssyncset.done $0x0  }
0x28f: {  	[sflag:s5] =	ssyncadd.s32 $0xFFFFF000  }
0x290: {  	_ =	swait.ge [sflag:s5], $0x1000  }
0x291: {  	[sflag:s5] =	ssyncset.done $0x0  }
0x292: {  	[sflag:s5] =	ssyncadd.s32 $0xFFFFF000  }
0x293: {  	_ =	swait.ge [sflag:s5], $0x1000  }
0x294: {  	[sflag:s5] =	ssyncset.done $0x0  }
0x295: {  	p0 =	seq.s32 s7, $0xF;
	s18 =	sor.u32 $0x4, s8;
	[sflag:s5] =	ssyncadd.s32 $0xFFFFF000  }
0x296: {  	s6 =	simm.s32 @!p0 $0x80;
	s2 =	sor.u32 @!p0 s3, s18;
	_ =	swait.ge [sflag:s5], $0x1000  }
0x297: {  	s9 =	simm.s32 @!p0 $0x400;
	s2 =	sshll.u32 @!p0 s2, $0x9;
	[sflag:s5] =	ssyncset.done $0x0  }
0x298: {  	s19 =	simm.s32 @!p0 $0x0;
	s4 =	sadd.s32 @!p0 s2, s13;
	[sflag:s5] =	ssyncadd.s32 $0xFFFFF000  }
0x299: {  	[tilespmem:s19], [sflag:$0x1] =	stream.strided.gather @!p0 [hbm4b:s4+s6], $0x1000, s9, s6, $0x38;
	[tilespmem:$0xCE80] =	vst v63  }
0x29a: {  	s4 =	sadd.s32 @!p0 s2, s14;
	s19 =	simm.s32 @!p0 $0x1000  }
0x29b: {  	[tilespmem:s19], [sflag:$0x1] =	stream.strided.gather @!p0 [hbm4b:s4+s6], $0x1000, s9, s6, $0x38;
	[tilespmem:$0xCE80] =	vst v63  }
0x29c: {  	s4 =	sadd.s32 @!p0 s2, s15;
	s19 =	simm.s32 @!p0 $0x2000  }
0x29d: {  	[tilespmem:s19], [sflag:$0x1] =	stream.strided.gather @!p0 [hbm4b:s4+s6], $0x1000, s9, s6, $0x38;
	[tilespmem:$0xCE80] =	vst v63  }
0x29e: {  	s2 =	sadd.s32 @!p0 s2, s16;
	s4 =	simm.s32 @!p0 $0x3000  }
0x29f: {  	v7 =	vimm.f32 $-Inf;
	[tilespmem:s4], [sflag:$0x1] =	stream.strided.gather @!p0 [hbm4b:s2+s6], $0x1000, s9, s6, $0x38;
	[tilespmem:$0xCE80] =	vst v63  }
0x2a0: {  	v8 =	vimm.f32 $-Inf;
	v6 =	vimm.f32 $-Inf;
	v5 =	vimm.f32 $-Inf;
	s2 =	simm.s32 $0x0  }
.LBB2_25:
0x2a1: {  	v9 =	vimm.f32 $-Inf  }
0x2a2: {  	s4 =	sshll.u32 s2, $0x4;
	p0 =	por $0x1, $0x1;
	v10 =	vimm.f32 $-Inf;
	v11 =	vimm.f32 $-Inf;
	v12 =	vimm.f32 $-Inf;
	s6 =	simm.s32 $0x0  }
.LBB2_26:
0x2a3: {  	s6 =	sor.u32 s4, s6  }
0x2a4: {  	s6 =	sshll.u32 s6, $0x4  }
0x2a5: {  	v13 =	vld [tilespmem:s6+$0x4000]  }
0x2a6: {  	v14 =	vld [tilespmem:s6+$0x5000]  }
0x2a7: {  	v15 =	vld [tilespmem:s6+$0x6000]  }
0x2a8: {  	v16 =	vld [tilespmem:s6+$0x7000]  }
0x2a9: {  	v17 =	vld [tilespmem:s6+$0x4010]  }
0x2aa: {  	v18 =	vld [tilespmem:s6+$0x5010]  }
0x2ab: {  	v19 =	vld [tilespmem:s6+$0x6010]  }
0x2ac: {  	v20 =	vld [tilespmem:s6+$0x7010]  }
0x2ad: {  	v21 =	vld [tilespmem:s6+$0x4020]  }
0x2ae: {  	v22 =	vld [tilespmem:s6+$0x5020]  }
0x2af: {  	v23 =	vld [tilespmem:s6+$0x6020]  }
0x2b0: {  	v24 =	vld [tilespmem:s6+$0x7020]  }
0x2b1: {  	v25 =	vld [tilespmem:s6+$0x4030]  }
0x2b2: {  	v26 =	vld [tilespmem:s6+$0x5030]  }
0x2b3: {  	v27 =	vld [tilespmem:s6+$0x6030]  }
0x2b4: {  	v28 =	vld [tilespmem:s6+$0x7030]  }
0x2b5: {  	v29 =	vld [tilespmem:s6+$0x4040]  }
0x2b6: {  	v30 =	vld [tilespmem:s6+$0x5040]  }
0x2b7: {  	v31 =	vld [tilespmem:s6+$0x6040]  }
0x2b8: {  	v32 =	vld [tilespmem:s6+$0x7040]  }
0x2b9: {  	v33 =	vld [tilespmem:s6+$0x4050]  }
0x2ba: {  	v34 =	vld [tilespmem:s6+$0x5050]  }
0x2bb: {  	v35 =	vld [tilespmem:s6+$0x6050]  }
0x2bc: {  	v36 =	vld [tilespmem:s6+$0x7050]  }
0x2bd: {  	v37 =	vld [tilespmem:s6+$0x4060]  }
0x2be: {  	v38 =	vld [tilespmem:s6+$0x5060]  }
0x2bf: {  	v61 =	vld [tilespmem:s6+$0x5070];
	v12 =	vmax.f32 v12, v13;
	v11 =	vmax.f32 v11, v14  }
0x2c0: {  	v62 =	vld [tilespmem:s6+$0x6070];
	v10 =	vmax.f32 v10, v15;
	v9 =	vmax.f32 v9, v16;
	v12 =	vmax.f32 v12, v17  }
0x2c1: {  	v13 =	vld [tilespmem:s6+$0x6060];
	v11 =	vmax.f32 v11, v18;
	v10 =	vmax.f32 v10, v19;
	v9 =	vmax.f32 v9, v20  }
0x2c2: {  	v14 =	vld [tilespmem:s6+$0x7060];
	v12 =	vmax.f32 v12, v21;
	v11 =	vmax.f32 v11, v22;
	v10 =	vmax.f32 v10, v23  }
0x2c3: {  	v15 =	vld [tilespmem:s6+$0x4070];
	v9 =	vmax.f32 v9, v24;
	v12 =	vmax.f32 v12, v25;
	v11 =	vmax.f32 v11, v26  }
0x2c4: {  	p1 =	por p0, p0;
	v63 =	vld [tilespmem:s6+$0x7070];
	v10 =	vmax.f32 v10, v27;
	v9 =	vmax.f32 v9, v28;
	v12 =	vmax.f32 v12, v29  }
.Ltmp17:
0x2c5: {  	v11 =	vmax.f32 v11, v30;
	v10 =	vmax.f32 v10, v31;
	v9 =	vmax.f32 v9, v32;
	(pc) =	sbr.rel @p1 .LBB2_26-.Ltmp17, $4  }
0x2c6: {  	v12 =	vmax.f32 v12, v33;
	v11 =	vmax.f32 v11, v34;
	v10 =	vmax.f32 v10, v35  }
0x2c7: {  	v9 =	vmax.f32 v9, v36;
	v12 =	vmax.f32 v12, v37;
	v11 =	vmax.f32 v11, v38  }
0x2c8: {  	v10 =	vmax.f32 v10, v13;
	v9 =	vmax.f32 v9, v14;
	v12 =	vmax.f32 v12, v15  }
0x2c9: {  	p0 =	por $0x0, $0x0;
	s6 =	simm.s32 $0x8;
	v11 =	vmax.f32 v11, v61;
	v10 =	vmax.f32 v10, v62;
	v9 =	vmax.f32 v9, v63  }
0x2ca: {  	s2 =	sadd.s32 $0x1, s2  }
0x2cb: {  	p0 =	sne.s32 s2, $0x10  }
.Ltmp18:
0x2cc: {  	_ = 	snop;
	(pc) =	sbr.rel @p0 .LBB2_25-.Ltmp18, $4  }
0x2cd: {  	[tilespmem:s4+$0x8080] =	vst v12  }
0x2ce: {  	[tilespmem:s4+$0x8180] =	vst v11  }
0x2cf: {  	[tilespmem:s4+$0x8280] =	vst v10;
	v8 =	vmax.f32 v8, v12  }
0x2d0: {  	[tilespmem:s4+$0x8380] =	vst v9;
	v7 =	vmax.f32 v7, v11;
	v6 =	vmax.f32 v6, v10;
	v5 =	vmax.f32 v5, v9  }
0x2d1: {  	[tilespmem:$0x8480] =	vst v1  }
0x2d2: {  	[tilespmem:$0x8580] =	vst v2  }
0x2d3: {  	[tilespmem:$0x8490] =	vst v1  }
0x2d4: {  	[tilespmem:$0x8590] =	vst v2  }
0x2d5: {  	[tilespmem:$0x84A0] =	vst v1  }
0x2d6: {  	[tilespmem:$0x85A0] =	vst v2  }
0x2d7: {  	[tilespmem:$0x84B0] =	vst v1  }
0x2d8: {  	[tilespmem:$0x85B0] =	vst v2  }
0x2d9: {  	[tilespmem:$0x84C0] =	vst v1  }
0x2da: {  	[tilespmem:$0x85C0] =	vst v2  }
0x2db: {  	[tilespmem:$0x84D0] =	vst v1  }
0x2dc: {  	[tilespmem:$0x85D0] =	vst v2  }
0x2dd: {  	[tilespmem:$0x84E0] =	vst v1  }
0x2de: {  	(xrf1) =	vsort.dscd.msk.f32 $0xffff, v8, v8;
	[tilespmem:$0x85E0] =	vst v2  }
0x2df: {  	[tilespmem:$0x84F0] =	vst v1;
	(xrf1) =	vsort.dscd.msk.f32 $0xffff, v7, v7  }
0x2e0: {  	[tilespmem:$0x85F0] =	vst v2;
	(xrf1) =	vsort.dscd.msk.f32 $0xffff, v6, v6  }
0x2e1: {  	[tilespmem:$0x8500] =	vst v1;
	(xrf1) =	vsort.dscd.msk.f32 $0xffff, v5, v5  }
0x2e2: {  	[tilespmem:$0x8600] =	vst v2  }
0x2e3: {  	[tilespmem:$0x8510] =	vst v1  }
0x2e4: {  	[tilespmem:$0x8610] =	vst v2  }
0x2e5: {  	[tilespmem:$0x8520] =	vst v1  }
0x2e6: {  	[tilespmem:$0x8620] =	vst v2  }
0x2e7: {  	[tilespmem:$0x8530] =	vst v1  }
0x2e8: {  	[tilespmem:$0x8630] =	vst v2  }
0x2e9: {  	[tilespmem:$0x8540] =	vst v1  }
0x2ea: {  	[tilespmem:$0x8640] =	vst v2  }
0x2eb: {  	[tilespmem:$0x8550] =	vst v1  }
.Ltmp19:
0x2ec: {  	[tilespmem:$0x8650] =	vst v2;
	v5, _, _ =	vpop (xrf1);
	(pc) =	sbr.rel .LBB2_29-.Ltmp19, $4  }
0x2ed: {  	[tilespmem:$0x8560] =	vst v1;
	v6, _, _ =	vpop (xrf1)  }
0x2ee: {  	[tilespmem:$0x8660] =	vst v2;
	v7, _, _ =	vpop (xrf1)  }
0x2ef: {  	[tilespmem:$0x8570] =	vst v1;
	s19 =	simm.s32 $0x0;
	s9 =	simm.s32 $0x30;
	s4 =	simm.s32 $0x4020;
	v5 =	vperm.xlane v5, v0;
	v6 =	vperm.xlane v6, v0;
	v8, _, _ =	vpop (xrf1)  }
0x2f0: {  	[tilespmem:$0x8670] =	vst v2;
	s22 =	simm.s32 $0x5020;
	s6 =	simm.s32 $0x6020;
	s25 =	simm.s32 $0x7020;
	v7 =	vperm.xlane v7, v0;
	v8 =	vperm.xlane v8, v0  }
.LBB2_44:
0x2f1: {  	v10 =	vsel vm2, v10, v20;
	vm3 =	vgt.f32 v13, v18;
	v60 =	vsel vm0, v16, v17  }
0x2f2: {  	v59 =	vsel vm0, v13, v16;
	vm4 =	vgt.f32 v13, v10;
	v57 =	vsel vm3, v13, v18;
	[tilespmem:$0x8570] =	vst v60  }
0x2f3: {  	v21 =	vsel vm4, v13, v10;
	[tilespmem:$0x8540] =	vst v57;
	v10 =	vsel vm4, v10, v59  }
0x2f4: {  	v11 =	vsel vm2, v11, v19;
	v58 =	vsel vm3, v18, v21;
	[tilespmem:$0x8560] =	vst v10  }
0x2f5: {  	v61 =	vsel vm4, v9, v11;
	v10 =	vsel vm3, v9, v15;
	[tilespmem:$0x8550] =	vst v58  }
0x2f6: {  	v63 =	vsel vm0, v9, v14;
	v62 =	vsel vm3, v15, v61;
	[tilespmem:$0x8640] =	vst v10  }
0x2f7: {  	v9 =	vsel vm1, v9, v12;
	v10 =	vsel vm4, v11, v63;
	[tilespmem:$0x8650] =	vst v62  }
0x2f8: {  	v9 =	vsel vm0, v14, v9;
	[tilespmem:$0x8660] =	vst v10  }
0x2f9: {  	[tilespmem:$0x8670] =	vst v9  }
.LBB2_45:
0x2fa: {  	s19 =	sadd.s32 $0x1, s19  }
0x2fb: {  	p0 =	sne.s32 s19, $0x10  }
.Ltmp20:
0x2fc: {  	_ = 	snop;
	(pc) =	sbr.rel @!p0 .LBB2_46-.Ltmp20, $3  }
0x2fd: {  	_ =	sdelay $0x1  }
0x2fe: {  	s9 =	sadd.s32 $0x100, s9;
	s4 =	sadd.s32 $0x100, s4  }
0x2ff: {  	s22 =	sadd.s32 $0x100, s22;
	s6 =	sadd.s32 $0x100, s6;
	s25 =	sadd.s32 $0x100, s25  }
.LBB2_29:
0x300: {  	s26 =	sshll.u32 s19, $0x4  }
0x301: {  	v9 =	vld [tilespmem:s26+$0x8080];
	_ =	sdelay $0x4  }
0x302: {  	vm0 =	vge.f32 v9, v5  }
0x303: {  	v9 =	vsel vm0, $0x3F800000, v3  }
0x304: {  	(xrf0) =	vmax.scan.msk.f32 $0xffff, v9;
	_ =	sdelay $0x5  }
0x305: {  	v9, _, _ =	vpop (xrf0)  }
0x306: {  	(v2sf) =	vpush v9, $0xF;
	_ =	sdelay $0xe  }
0x307: {  	s2 =	spop (v2sf)  }
0x308: {  	p0 =	sgt.f32 s2, $0.0e+00  }
.Ltmp21:
0x309: {  	_ = 	snop;
	(pc) =	sbr.rel @!p0 .LBB2_33-.Ltmp21, $1  }
0x30a: {  	_ =	sdelay $0x3  }
0x30b: {  	v9 =	vld [tilespmem:$0x8480]  }
0x30c: {  	v10 =	vld [tilespmem:$0x8490]  }
0x30d: {  	v11 =	vld [tilespmem:$0x84A0]  }
0x30e: {  	v12 =	vld [tilespmem:$0x84B0]  }
0x30f: {  	v13 =	vld [tilespmem:s4+$0xFFFFFFE0]  }
0x310: {  	v15 =	vld [tilespmem:$0x8590]  }
0x311: {  	v17 =	vld [tilespmem:$0x85B0]  }
0x312: {  	s2 =	sadd.s32 $0xFFFFFFD0, s9;
	v18 =	vld [tilespmem:$0x85A0];
	s10 =	sadd.s32 $0xFFFFFFE0, s9  }
0x313: {  	v14 =	vld [tilespmem:$0x8580];
	v19 =	vor.u32 s2, v4;
	v22 =	vor.u32 s10, v4  }
0x314: {  	v16 =	vld [tilespmem:s4+$0xFFFFFFF0];
	vm0 =	vgt.f32 v13, v10;
	vm1 =	vgt.f32 v13, v12;
	vm2 =	vgt.f32 v13, v9  }
0x315: {  	vm4 =	vgt.f32 v13, v11;
	v20 =	vsel vm0, v13, v10;
	v12 =	vsel vm1, v13, v12  }
0x316: {  	v21 =	vsel vm0, v19, v15;
	v17 =	vsel vm1, v19, v17;
	v24 =	vsel vm4, v13, v11  }
0x317: {  	v25 =	vsel vm4, v19, v18;
	v20 =	vsel vm2, v9, v20;
	v11 =	vsel vm4, v11, v12  }
0x318: {  	v12 =	vsel vm2, v14, v21;
	v10 =	vsel vm0, v10, v24;
	v15 =	vsel vm0, v15, v25  }
0x319: {  	v9 =	vsel vm2, v13, v9;
	v13 =	vsel vm4, v18, v17;
	vm3 =	vgt.f32 v16, v20  }
0x31a: {  	vm0 =	vgt.f32 v16, v10;
	vm1 =	vgt.f32 v16, v11;
	vm15 =	vgt.f32 v16, v9  }
0x31b: {  	v21 =	vld [tilespmem:s4+$0x0];
	v23 =	vsel vm3, v16, v20;
	v11 =	vsel vm1, v16, v11;
	v17 =	vsel vm3, v22, v12  }
0x31c: {  	v18 =	vsel vm0, v16, v10;
	v24 =	vsel vm0, v10, v11;
	v11 =	vsel vm2, v19, v14  }
0x31d: {  	s20 =	sadd.s32 $0xFFFFFFF0, s9;
	v10 =	vsel vm15, v16, v9;
	v14 =	vsel vm15, v9, v23;
	v16 =	vsel vm0, v22, v15  }
0x31e: {  	v9 =	vor.u32 s9, v4;
	v19 =	vor.u32 s20, v4;
	v23 =	vsel vm15, v11, v17  }
0x31f: {  	v12 =	vsel vm3, v12, v16;
	v11 =	vsel vm15, v22, v11;
	v16 =	vsel vm1, v22, v13  }
0x320: {  	v13 =	vld [tilespmem:s4+$0x10];
	v17 =	vsel vm3, v20, v18;
	v15 =	vsel vm0, v15, v16;
	vm0 =	vgt.f32 v21, v24  }
0x321: {  	vm1 =	vgt.f32 v21, v17;
	vm2 =	vgt.f32 v21, v10;
	vm3 =	vgt.f32 v21, v14  }
0x322: {  	v16 =	vsel vm0, v21, v24;
	v15 =	vsel vm0, v19, v15;
	v18 =	vsel vm1, v21, v17  }
0x323: {  	v22 =	vsel vm1, v19, v12;
	v20 =	vsel vm3, v21, v14;
	v17 =	vsel vm1, v17, v16  }
0x324: {  	v12 =	vsel vm1, v12, v15;
	v15 =	vsel vm2, v19, v11;
	v16 =	vsel vm3, v14, v18  }
0x325: {  	v18 =	vsel vm2, v21, v10;
	v19 =	vsel vm3, v19, v23;
	vm1 =	vgt.f32 v13, v17  }
0x326: {  	s28 =	simm.s32 $0x0;
	s2 =	sadd.s32 $0x40, s4;
	s20 =	smov.u32 s9;
	v14 =	vsel vm3, v23, v22;
	vm0 =	vgt.f32 v13, v16;
	v17 =	vsel vm1, v13, v17  }
.LBB2_31:
0x327: {  	v21 =	vld [tilespmem:s2+$0xFFFFFFE0];
	s28 =	sadd.s32 $0x4, s28;
	v10 =	vsel vm2, v10, v20;
	vm3 =	vgt.f32 v13, v18;
	v20 =	vsel vm0, v13, v16;
	s20 =	sadd.s32 $0x40, s20  }
0x328: {  	v11 =	vsel vm2, v11, v19;
	p0 =	slt.u32 s28, $0xC;
	vm2 =	vgt.f32 v13, v10;
	v19 =	vsel vm3, v9, v15  }
0x329: {  	v22 =	vsel vm3, v13, v18;
	v13 =	vsel vm2, v13, v10;
	v10 =	vsel vm2, v10, v20  }
0x32a: {  	v16 =	vsel vm0, v16, v17;
	s10 =	sadd.s32 $0xFFFFFFD0, s20;
	v20 =	vld [tilespmem:s2+$0xFFFFFFF0];
	v13 =	vsel vm3, v18, v13;
	v18 =	vsel vm2, v9, v11  }
0x32b: {  	v17 =	vor.u32 s10, v4;
	v15 =	vsel vm3, v15, v18;
	v18 =	vsel vm0, v9, v14  }
0x32c: {  	vm3 =	vgt.f32 v21, v13;
	vm4 =	vgt.f32 v21, v16;
	v11 =	vsel vm2, v11, v18  }
0x32d: {  	v9 =	vsel vm1, v9, v12;
	vm2 =	vgt.f32 v21, v22;
	v18 =	vsel vm3, v21, v13  }
0x32e: {  	s10 =	sadd.s32 $0xFFFFFFE0, s20;
	v9 =	vsel vm0, v14, v9;
	v16 =	vsel vm4, v21, v16;
	v12 =	vsel vm2, v22, v18  }
0x32f: {  	v14 =	vsel vm3, v17, v15;
	v18 =	vor.u32 s10, v4;
	vm0 =	vgt.f32 v20, v12  }
0x330: {  	vm1 =	vgt.f32 v21, v10;
	v9 =	vsel vm4, v17, v9;
	v23 =	vsel vm0, v20, v12  }
0x331: {  	v24 =	vsel vm1, v21, v10;
	v25 =	vsel vm1, v17, v11;
	v10 =	vsel vm1, v10, v16  }
0x332: {  	v14 =	vsel vm2, v19, v14;
	v13 =	vsel vm3, v13, v24;
	v15 =	vsel vm3, v15, v25  }
0x333: {  	v16 =	vsel vm2, v21, v22;
	vm3 =	vgt.f32 v20, v13;
	vm4 =	vgt.f32 v20, v10  }
0x334: {  	v21 =	vsel vm1, v11, v9;
	vm1 =	vgt.f32 v20, v16;
	v9 =	vsel vm4, v20, v10  }
0x335: {  	v11 =	vsel vm0, v18, v14;
	v22 =	vsel vm3, v20, v13;
	v24 =	vsel vm3, v13, v9;
	v25 =	vld [tilespmem:s2+$0x0]  }
0x336: {  	v10 =	vsel vm1, v20, v16;
	v13 =	vsel vm2, v17, v19;
	v19 =	vsel vm1, v16, v23  }
0x337: {  	v9 =	vor.u32 s20, v4;
	v23 =	vsel vm1, v13, v11;
	v11 =	vsel vm3, v18, v15  }
0x338: {  	s10 =	sadd.s32 $0xFFFFFFF0, s20;
	v14 =	vsel vm0, v14, v11  }
0x339: {  	v16 =	vsel vm4, v18, v21;
	v21 =	vor.u32 s10, v4;
	v11 =	vsel vm1, v18, v13;
	v13 =	vld [tilespmem:s2+$0x10]  }
0x33a: {  	v12 =	vsel vm0, v12, v22;
	v15 =	vsel vm3, v15, v16;
	vm0 =	vgt.f32 v25, v24  }
0x33b: {  	vm1 =	vgt.f32 v25, v12;
	v16 =	vsel vm0, v25, v24;
	v15 =	vsel vm0, v21, v15  }
.Ltmp22:
0x33c: {  	v17 =	vsel vm1, v25, v12;
	v22 =	vsel vm1, v21, v14;
	v20 =	vsel vm1, v12, v16;
	(pc) =	sbr.rel @p0 .LBB2_31-.Ltmp22, $4  }
0x33d: {  	vm2 =	vgt.f32 v25, v10;
	vm3 =	vgt.f32 v25, v19;
	v12 =	vsel vm1, v14, v15  }
0x33e: {  	v15 =	vsel vm2, v21, v11;
	v16 =	vsel vm3, v19, v17;
	vm1 =	vgt.f32 v13, v20  }
0x33f: {  	v18 =	vsel vm2, v25, v10;
	vm0 =	vgt.f32 v13, v16;
	v17 =	vsel vm1, v13, v20  }
0x340: {  	s2 =	sadd.s32 $0x40, s2;
	v14 =	vsel vm3, v23, v22;
	v20 =	vsel vm3, v25, v19;
	v19 =	vsel vm3, v21, v23  }
0x341: {  	v10 =	vsel vm2, v10, v20;
	vm3 =	vgt.f32 v13, v18;
	v60 =	vsel vm0, v16, v17  }
0x342: {  	v59 =	vsel vm0, v13, v16;
	vm4 =	vgt.f32 v13, v10;
	v57 =	vsel vm3, v13, v18;
	[tilespmem:$0x84B0] =	vst v60  }
0x343: {  	v21 =	vsel vm4, v13, v10;
	[tilespmem:$0x8480] =	vst v57;
	v10 =	vsel vm4, v10, v59  }
0x344: {  	v11 =	vsel vm2, v11, v19;
	v58 =	vsel vm3, v18, v21;
	[tilespmem:$0x84A0] =	vst v10  }
0x345: {  	v61 =	vsel vm4, v9, v11;
	v10 =	vsel vm3, v9, v15;
	[tilespmem:$0x8490] =	vst v58  }
0x346: {  	v63 =	vsel vm0, v9, v14;
	v62 =	vsel vm3, v15, v61;
	[tilespmem:$0x8580] =	vst v10  }
0x347: {  	v9 =	vsel vm1, v9, v12;
	v10 =	vsel vm4, v11, v63;
	[tilespmem:$0x8590] =	vst v62  }
0x348: {  	v9 =	vsel vm0, v14, v9;
	[tilespmem:$0x85A0] =	vst v10  }
0x349: {  	[tilespmem:$0x85B0] =	vst v9  }
.LBB2_33:
0x34a: {  	v9 =	vld [tilespmem:s26+$0x8180];
	_ =	sdelay $0x4  }
0x34b: {  	vm0 =	vge.f32 v9, v6  }
0x34c: {  	v9 =	vsel vm0, $0x3F800000, v3  }
0x34d: {  	(xrf0) =	vmax.scan.msk.f32 $0xffff, v9;
	_ =	sdelay $0x5  }
0x34e: {  	v9, _, _ =	vpop (xrf0)  }
0x34f: {  	(v2sf) =	vpush v9, $0xF;
	_ =	sdelay $0xe  }
0x350: {  	s2 =	spop (v2sf)  }
0x351: {  	p0 =	sgt.f32 s2, $0.0e+00  }
.Ltmp23:
0x352: {  	_ = 	snop;
	(pc) =	sbr.rel @!p0 .LBB2_37-.Ltmp23, $1  }
0x353: {  	_ =	sdelay $0x3  }
0x354: {  	v9 =	vld [tilespmem:$0x84C0]  }
0x355: {  	v10 =	vld [tilespmem:$0x84D0]  }
0x356: {  	v11 =	vld [tilespmem:$0x84E0]  }
0x357: {  	v12 =	vld [tilespmem:$0x84F0]  }
0x358: {  	v13 =	vld [tilespmem:s22+$0xFFFFFFE0]  }
0x359: {  	v15 =	vld [tilespmem:$0x85D0]  }
0x35a: {  	v17 =	vld [tilespmem:$0x85F0]  }
0x35b: {  	s2 =	sadd.s32 $0xFFFFFFD0, s9;
	v18 =	vld [tilespmem:$0x85E0];
	s10 =	sadd.s32 $0xFFFFFFE0, s9  }
0x35c: {  	v14 =	vld [tilespmem:$0x85C0];
	v19 =	vor.u32 s2, v4;
	v22 =	vor.u32 s10, v4  }
0x35d: {  	v16 =	vld [tilespmem:s22+$0xFFFFFFF0];
	vm0 =	vgt.f32 v13, v10;
	vm1 =	vgt.f32 v13, v12;
	vm2 =	vgt.f32 v13, v9  }
0x35e: {  	vm4 =	vgt.f32 v13, v11;
	v20 =	vsel vm0, v13, v10;
	v12 =	vsel vm1, v13, v12  }
0x35f: {  	v21 =	vsel vm0, v19, v15;
	v17 =	vsel vm1, v19, v17;
	v24 =	vsel vm4, v13, v11  }
0x360: {  	v25 =	vsel vm4, v19, v18;
	v20 =	vsel vm2, v9, v20;
	v11 =	vsel vm4, v11, v12  }
0x361: {  	v12 =	vsel vm2, v14, v21;
	v10 =	vsel vm0, v10, v24;
	v15 =	vsel vm0, v15, v25  }
0x362: {  	v9 =	vsel vm2, v13, v9;
	v13 =	vsel vm4, v18, v17;
	vm3 =	vgt.f32 v16, v20  }
0x363: {  	vm0 =	vgt.f32 v16, v10;
	vm1 =	vgt.f32 v16, v11;
	vm15 =	vgt.f32 v16, v9  }
0x364: {  	v21 =	vld [tilespmem:s22+$0x0];
	v23 =	vsel vm3, v16, v20;
	v11 =	vsel vm1, v16, v11;
	v17 =	vsel vm3, v22, v12  }
0x365: {  	v18 =	vsel vm0, v16, v10;
	v24 =	vsel vm0, v10, v11;
	v11 =	vsel vm2, v19, v14  }
0x366: {  	s20 =	sadd.s32 $0xFFFFFFF0, s9;
	v10 =	vsel vm15, v16, v9;
	v14 =	vsel vm15, v9, v23;
	v16 =	vsel vm0, v22, v15  }
0x367: {  	v9 =	vor.u32 s9, v4;
	v19 =	vor.u32 s20, v4;
	v23 =	vsel vm15, v11, v17  }
0x368: {  	v12 =	vsel vm3, v12, v16;
	v11 =	vsel vm15, v22, v11;
	v16 =	vsel vm1, v22, v13  }
0x369: {  	v13 =	vld [tilespmem:s22+$0x10];
	v17 =	vsel vm3, v20, v18;
	v15 =	vsel vm0, v15, v16;
	vm0 =	vgt.f32 v21, v24  }
0x36a: {  	vm1 =	vgt.f32 v21, v17;
	vm2 =	vgt.f32 v21, v10;
	vm3 =	vgt.f32 v21, v14  }
0x36b: {  	v16 =	vsel vm0, v21, v24;
	v15 =	vsel vm0, v19, v15;
	v18 =	vsel vm1, v21, v17  }
0x36c: {  	v22 =	vsel vm1, v19, v12;
	v20 =	vsel vm3, v21, v14;
	v17 =	vsel vm1, v17, v16  }
0x36d: {  	v12 =	vsel vm1, v12, v15;
	v15 =	vsel vm2, v19, v11;
	v16 =	vsel vm3, v14, v18  }
0x36e: {  	v18 =	vsel vm2, v21, v10;
	v19 =	vsel vm3, v19, v23;
	vm1 =	vgt.f32 v13, v17  }
0x36f: {  	s28 =	simm.s32 $0x0;
	s2 =	sadd.s32 $0x40, s22;
	s20 =	smov.u32 s9;
	v14 =	vsel vm3, v23, v22;
	vm0 =	vgt.f32 v13, v16;
	v17 =	vsel vm1, v13, v17  }
.LBB2_35:
0x370: {  	v21 =	vld [tilespmem:s2+$0xFFFFFFE0];
	s28 =	sadd.s32 $0x4, s28;
	v10 =	vsel vm2, v10, v20;
	vm3 =	vgt.f32 v13, v18;
	v20 =	vsel vm0, v13, v16;
	s20 =	sadd.s32 $0x40, s20  }
0x371: {  	v11 =	vsel vm2, v11, v19;
	p0 =	slt.u32 s28, $0xC;
	vm2 =	vgt.f32 v13, v10;
	v19 =	vsel vm3, v9, v15  }
0x372: {  	v22 =	vsel vm3, v13, v18;
	v13 =	vsel vm2, v13, v10;
	v10 =	vsel vm2, v10, v20  }
0x373: {  	v16 =	vsel vm0, v16, v17;
	s10 =	sadd.s32 $0xFFFFFFD0, s20;
	v20 =	vld [tilespmem:s2+$0xFFFFFFF0];
	v13 =	vsel vm3, v18, v13;
	v18 =	vsel vm2, v9, v11  }
0x374: {  	v17 =	vor.u32 s10, v4;
	v15 =	vsel vm3, v15, v18;
	v18 =	vsel vm0, v9, v14  }
0x375: {  	vm3 =	vgt.f32 v21, v13;
	vm4 =	vgt.f32 v21, v16;
	v11 =	vsel vm2, v11, v18  }
0x376: {  	v9 =	vsel vm1, v9, v12;
	vm2 =	vgt.f32 v21, v22;
	v18 =	vsel vm3, v21, v13  }
0x377: {  	s10 =	sadd.s32 $0xFFFFFFE0, s20;
	v9 =	vsel vm0, v14, v9;
	v16 =	vsel vm4, v21, v16;
	v12 =	vsel vm2, v22, v18  }
0x378: {  	v14 =	vsel vm3, v17, v15;
	v18 =	vor.u32 s10, v4;
	vm0 =	vgt.f32 v20, v12  }
0x379: {  	vm1 =	vgt.f32 v21, v10;
	v9 =	vsel vm4, v17, v9;
	v23 =	vsel vm0, v20, v12  }
0x37a: {  	v24 =	vsel vm1, v21, v10;
	v25 =	vsel vm1, v17, v11;
	v10 =	vsel vm1, v10, v16  }
0x37b: {  	v14 =	vsel vm2, v19, v14;
	v13 =	vsel vm3, v13, v24;
	v15 =	vsel vm3, v15, v25  }
0x37c: {  	v16 =	vsel vm2, v21, v22;
	vm3 =	vgt.f32 v20, v13;
	vm4 =	vgt.f32 v20, v10  }
0x37d: {  	v21 =	vsel vm1, v11, v9;
	vm1 =	vgt.f32 v20, v16;
	v9 =	vsel vm4, v20, v10  }
0x37e: {  	v11 =	vsel vm0, v18, v14;
	v22 =	vsel vm3, v20, v13;
	v24 =	vsel vm3, v13, v9;
	v25 =	vld [tilespmem:s2+$0x0]  }
0x37f: {  	v10 =	vsel vm1, v20, v16;
	v13 =	vsel vm2, v17, v19;
	v19 =	vsel vm1, v16, v23  }
0x380: {  	v9 =	vor.u32 s20, v4;
	v23 =	vsel vm1, v13, v11;
	v11 =	vsel vm3, v18, v15  }
0x381: {  	s10 =	sadd.s32 $0xFFFFFFF0, s20;
	v14 =	vsel vm0, v14, v11  }
0x382: {  	v16 =	vsel vm4, v18, v21;
	v21 =	vor.u32 s10, v4;
	v11 =	vsel vm1, v18, v13;
	v13 =	vld [tilespmem:s2+$0x10]  }
0x383: {  	v12 =	vsel vm0, v12, v22;
	v15 =	vsel vm3, v15, v16;
	vm0 =	vgt.f32 v25, v24  }
0x384: {  	vm1 =	vgt.f32 v25, v12;
	v16 =	vsel vm0, v25, v24;
	v15 =	vsel vm0, v21, v15  }
.Ltmp24:
0x385: {  	v17 =	vsel vm1, v25, v12;
	v22 =	vsel vm1, v21, v14;
	v20 =	vsel vm1, v12, v16;
	(pc) =	sbr.rel @p0 .LBB2_35-.Ltmp24, $4  }
0x386: {  	vm2 =	vgt.f32 v25, v10;
	vm3 =	vgt.f32 v25, v19;
	v12 =	vsel vm1, v14, v15  }
0x387: {  	v15 =	vsel vm2, v21, v11;
	v16 =	vsel vm3, v19, v17;
	vm1 =	vgt.f32 v13, v20  }
0x388: {  	v18 =	vsel vm2, v25, v10;
	vm0 =	vgt.f32 v13, v16;
	v17 =	vsel vm1, v13, v20  }
0x389: {  	s2 =	sadd.s32 $0x40, s2;
	v14 =	vsel vm3, v23, v22;
	v20 =	vsel vm3, v25, v19;
	v19 =	vsel vm3, v21, v23  }
0x38a: {  	v10 =	vsel vm2, v10, v20;
	vm3 =	vgt.f32 v13, v18;
	v60 =	vsel vm0, v16, v17  }
0x38b: {  	v59 =	vsel vm0, v13, v16;
	vm4 =	vgt.f32 v13, v10;
	v57 =	vsel vm3, v13, v18;
	[tilespmem:$0x84F0] =	vst v60  }
0x38c: {  	v21 =	vsel vm4, v13, v10;
	[tilespmem:$0x84C0] =	vst v57;
	v10 =	vsel vm4, v10, v59  }
0x38d: {  	v11 =	vsel vm2, v11, v19;
	v58 =	vsel vm3, v18, v21;
	[tilespmem:$0x84E0] =	vst v10  }
0x38e: {  	v61 =	vsel vm4, v9, v11;
	v10 =	vsel vm3, v9, v15;
	[tilespmem:$0x84D0] =	vst v58  }
0x38f: {  	v63 =	vsel vm0, v9, v14;
	v62 =	vsel vm3, v15, v61;
	[tilespmem:$0x85C0] =	vst v10  }
0x390: {  	v9 =	vsel vm1, v9, v12;
	v10 =	vsel vm4, v11, v63;
	[tilespmem:$0x85D0] =	vst v62  }
0x391: {  	v9 =	vsel vm0, v14, v9;
	[tilespmem:$0x85E0] =	vst v10  }
0x392: {  	[tilespmem:$0x85F0] =	vst v9  }
.LBB2_37:
0x393: {  	v9 =	vld [tilespmem:s26+$0x8280];
	_ =	sdelay $0x4  }
0x394: {  	vm0 =	vge.f32 v9, v7  }
0x395: {  	v9 =	vsel vm0, $0x3F800000, v3  }
0x396: {  	(xrf0) =	vmax.scan.msk.f32 $0xffff, v9;
	_ =	sdelay $0x5  }
0x397: {  	v9, _, _ =	vpop (xrf0)  }
0x398: {  	(v2sf) =	vpush v9, $0xF;
	_ =	sdelay $0xe  }
0x399: {  	s2 =	spop (v2sf)  }
0x39a: {  	p0 =	sgt.f32 s2, $0.0e+00  }
.Ltmp25:
0x39b: {  	_ = 	snop;
	(pc) =	sbr.rel @!p0 .LBB2_41-.Ltmp25, $1  }
0x39c: {  	_ =	sdelay $0x3  }
0x39d: {  	v9 =	vld [tilespmem:$0x8500]  }
0x39e: {  	v10 =	vld [tilespmem:$0x8510]  }
0x39f: {  	v11 =	vld [tilespmem:$0x8520]  }
0x3a0: {  	v12 =	vld [tilespmem:$0x8530]  }
0x3a1: {  	v13 =	vld [tilespmem:s6+$0xFFFFFFE0]  }
0x3a2: {  	v15 =	vld [tilespmem:$0x8610]  }
0x3a3: {  	v17 =	vld [tilespmem:$0x8630]  }
0x3a4: {  	s2 =	sadd.s32 $0xFFFFFFD0, s9;
	v18 =	vld [tilespmem:$0x8620];
	s10 =	sadd.s32 $0xFFFFFFE0, s9  }
0x3a5: {  	v14 =	vld [tilespmem:$0x8600];
	v19 =	vor.u32 s2, v4;
	v22 =	vor.u32 s10, v4  }
0x3a6: {  	v16 =	vld [tilespmem:s6+$0xFFFFFFF0];
	vm0 =	vgt.f32 v13, v10;
	vm1 =	vgt.f32 v13, v12;
	vm2 =	vgt.f32 v13, v9  }
0x3a7: {  	vm4 =	vgt.f32 v13, v11;
	v20 =	vsel vm0, v13, v10;
	v12 =	vsel vm1, v13, v12  }
0x3a8: {  	v21 =	vsel vm0, v19, v15;
	v17 =	vsel vm1, v19, v17;
	v24 =	vsel vm4, v13, v11  }
0x3a9: {  	v25 =	vsel vm4, v19, v18;
	v20 =	vsel vm2, v9, v20;
	v11 =	vsel vm4, v11, v12  }
0x3aa: {  	v12 =	vsel vm2, v14, v21;
	v10 =	vsel vm0, v10, v24;
	v15 =	vsel vm0, v15, v25  }
0x3ab: {  	v9 =	vsel vm2, v13, v9;
	v13 =	vsel vm4, v18, v17;
	vm3 =	vgt.f32 v16, v20  }
0x3ac: {  	vm0 =	vgt.f32 v16, v10;
	vm1 =	vgt.f32 v16, v11;
	vm15 =	vgt.f32 v16, v9  }
0x3ad: {  	v21 =	vld [tilespmem:s6+$0x0];
	v23 =	vsel vm3, v16, v20;
	v11 =	vsel vm1, v16, v11;
	v17 =	vsel vm3, v22, v12  }
0x3ae: {  	v18 =	vsel vm0, v16, v10;
	v24 =	vsel vm0, v10, v11;
	v11 =	vsel vm2, v19, v14  }
0x3af: {  	s20 =	sadd.s32 $0xFFFFFFF0, s9;
	v10 =	vsel vm15, v16, v9;
	v14 =	vsel vm15, v9, v23;
	v16 =	vsel vm0, v22, v15  }
0x3b0: {  	v9 =	vor.u32 s9, v4;
	v19 =	vor.u32 s20, v4;
	v23 =	vsel vm15, v11, v17  }
0x3b1: {  	v12 =	vsel vm3, v12, v16;
	v11 =	vsel vm15, v22, v11;
	v16 =	vsel vm1, v22, v13  }
0x3b2: {  	v13 =	vld [tilespmem:s6+$0x10];
	v17 =	vsel vm3, v20, v18;
	v15 =	vsel vm0, v15, v16;
	vm0 =	vgt.f32 v21, v24  }
0x3b3: {  	vm1 =	vgt.f32 v21, v17;
	vm2 =	vgt.f32 v21, v10;
	vm3 =	vgt.f32 v21, v14  }
0x3b4: {  	v16 =	vsel vm0, v21, v24;
	v15 =	vsel vm0, v19, v15;
	v18 =	vsel vm1, v21, v17  }
0x3b5: {  	v22 =	vsel vm1, v19, v12;
	v20 =	vsel vm3, v21, v14;
	v17 =	vsel vm1, v17, v16  }
0x3b6: {  	v12 =	vsel vm1, v12, v15;
	v15 =	vsel vm2, v19, v11;
	v16 =	vsel vm3, v14, v18  }
0x3b7: {  	v18 =	vsel vm2, v21, v10;
	v19 =	vsel vm3, v19, v23;
	vm1 =	vgt.f32 v13, v17  }
0x3b8: {  	s28 =	simm.s32 $0x0;
	s2 =	sadd.s32 $0x40, s6;
	s20 =	smov.u32 s9;
	v14 =	vsel vm3, v23, v22;
	vm0 =	vgt.f32 v13, v16;
	v17 =	vsel vm1, v13, v17  }
.LBB2_39:
0x3b9: {  	v21 =	vld [tilespmem:s2+$0xFFFFFFE0];
	s28 =	sadd.s32 $0x4, s28;
	v10 =	vsel vm2, v10, v20;
	vm3 =	vgt.f32 v13, v18;
	v20 =	vsel vm0, v13, v16;
	s20 =	sadd.s32 $0x40, s20  }
0x3ba: {  	v11 =	vsel vm2, v11, v19;
	p0 =	slt.u32 s28, $0xC;
	vm2 =	vgt.f32 v13, v10;
	v19 =	vsel vm3, v9, v15  }
0x3bb: {  	v22 =	vsel vm3, v13, v18;
	v13 =	vsel vm2, v13, v10;
	v10 =	vsel vm2, v10, v20  }
0x3bc: {  	v16 =	vsel vm0, v16, v17;
	s10 =	sadd.s32 $0xFFFFFFD0, s20;
	v20 =	vld [tilespmem:s2+$0xFFFFFFF0];
	v13 =	vsel vm3, v18, v13;
	v18 =	vsel vm2, v9, v11  }
0x3bd: {  	v17 =	vor.u32 s10, v4;
	v15 =	vsel vm3, v15, v18;
	v18 =	vsel vm0, v9, v14  }
0x3be: {  	vm3 =	vgt.f32 v21, v13;
	vm4 =	vgt.f32 v21, v16;
	v11 =	vsel vm2, v11, v18  }
0x3bf: {  	v9 =	vsel vm1, v9, v12;
	vm2 =	vgt.f32 v21, v22;
	v18 =	vsel vm3, v21, v13  }
0x3c0: {  	s10 =	sadd.s32 $0xFFFFFFE0, s20;
	v9 =	vsel vm0, v14, v9;
	v16 =	vsel vm4, v21, v16;
	v12 =	vsel vm2, v22, v18  }
0x3c1: {  	v14 =	vsel vm3, v17, v15;
	v18 =	vor.u32 s10, v4;
	vm0 =	vgt.f32 v20, v12  }
0x3c2: {  	vm1 =	vgt.f32 v21, v10;
	v9 =	vsel vm4, v17, v9;
	v23 =	vsel vm0, v20, v12  }
0x3c3: {  	v24 =	vsel vm1, v21, v10;
	v25 =	vsel vm1, v17, v11;
	v10 =	vsel vm1, v10, v16  }
0x3c4: {  	v14 =	vsel vm2, v19, v14;
	v13 =	vsel vm3, v13, v24;
	v15 =	vsel vm3, v15, v25  }
0x3c5: {  	v16 =	vsel vm2, v21, v22;
	vm3 =	vgt.f32 v20, v13;
	vm4 =	vgt.f32 v20, v10  }
0x3c6: {  	v21 =	vsel vm1, v11, v9;
	vm1 =	vgt.f32 v20, v16;
	v9 =	vsel vm4, v20, v10  }
0x3c7: {  	v11 =	vsel vm0, v18, v14;
	v22 =	vsel vm3, v20, v13;
	v24 =	vsel vm3, v13, v9;
	v25 =	vld [tilespmem:s2+$0x0]  }
0x3c8: {  	v10 =	vsel vm1, v20, v16;
	v13 =	vsel vm2, v17, v19;
	v19 =	vsel vm1, v16, v23  }
0x3c9: {  	v9 =	vor.u32 s20, v4;
	v23 =	vsel vm1, v13, v11;
	v11 =	vsel vm3, v18, v15  }
0x3ca: {  	s10 =	sadd.s32 $0xFFFFFFF0, s20;
	v14 =	vsel vm0, v14, v11  }
0x3cb: {  	v16 =	vsel vm4, v18, v21;
	v21 =	vor.u32 s10, v4;
	v11 =	vsel vm1, v18, v13;
	v13 =	vld [tilespmem:s2+$0x10]  }
0x3cc: {  	v12 =	vsel vm0, v12, v22;
	v15 =	vsel vm3, v15, v16;
	vm0 =	vgt.f32 v25, v24  }
0x3cd: {  	vm1 =	vgt.f32 v25, v12;
	v16 =	vsel vm0, v25, v24;
	v15 =	vsel vm0, v21, v15  }
.Ltmp26:
0x3ce: {  	v17 =	vsel vm1, v25, v12;
	v22 =	vsel vm1, v21, v14;
	v20 =	vsel vm1, v12, v16;
	(pc) =	sbr.rel @p0 .LBB2_39-.Ltmp26, $4  }
0x3cf: {  	vm2 =	vgt.f32 v25, v10;
	vm3 =	vgt.f32 v25, v19;
	v12 =	vsel vm1, v14, v15  }
0x3d0: {  	v15 =	vsel vm2, v21, v11;
	v16 =	vsel vm3, v19, v17;
	vm1 =	vgt.f32 v13, v20  }
0x3d1: {  	v18 =	vsel vm2, v25, v10;
	vm0 =	vgt.f32 v13, v16;
	v17 =	vsel vm1, v13, v20  }
0x3d2: {  	s2 =	sadd.s32 $0x40, s2;
	v14 =	vsel vm3, v23, v22;
	v20 =	vsel vm3, v25, v19;
	v19 =	vsel vm3, v21, v23  }
0x3d3: {  	v10 =	vsel vm2, v10, v20;
	vm3 =	vgt.f32 v13, v18;
	v60 =	vsel vm0, v16, v17  }
0x3d4: {  	v59 =	vsel vm0, v13, v16;
	vm4 =	vgt.f32 v13, v10;
	v57 =	vsel vm3, v13, v18;
	[tilespmem:$0x8530] =	vst v60  }
0x3d5: {  	v21 =	vsel vm4, v13, v10;
	[tilespmem:$0x8500] =	vst v57;
	v10 =	vsel vm4, v10, v59  }
0x3d6: {  	v11 =	vsel vm2, v11, v19;
	v58 =	vsel vm3, v18, v21;
	[tilespmem:$0x8520] =	vst v10  }
0x3d7: {  	v61 =	vsel vm4, v9, v11;
	v10 =	vsel vm3, v9, v15;
	[tilespmem:$0x8510] =	vst v58  }
0x3d8: {  	v63 =	vsel vm0, v9, v14;
	v62 =	vsel vm3, v15, v61;
	[tilespmem:$0x8600] =	vst v10  }
0x3d9: {  	v9 =	vsel vm1, v9, v12;
	v10 =	vsel vm4, v11, v63;
	[tilespmem:$0x8610] =	vst v62  }
0x3da: {  	v9 =	vsel vm0, v14, v9;
	[tilespmem:$0x8620] =	vst v10  }
0x3db: {  	[tilespmem:$0x8630] =	vst v9  }
.LBB2_41:
0x3dc: {  	v9 =	vld [tilespmem:s26+$0x8380];
	_ =	sdelay $0x4  }
0x3dd: {  	vm0 =	vge.f32 v9, v8  }
0x3de: {  	v9 =	vsel vm0, $0x3F800000, v3  }
0x3df: {  	(xrf0) =	vmax.scan.msk.f32 $0xffff, v9;
	_ =	sdelay $0x5  }
0x3e0: {  	v9, _, _ =	vpop (xrf0)  }
0x3e1: {  	(v2sf) =	vpush v9, $0xF;
	_ =	sdelay $0xe  }
0x3e2: {  	s2 =	spop (v2sf)  }
0x3e3: {  	p0 =	sgt.f32 s2, $0.0e+00  }
.Ltmp27:
0x3e4: {  	_ = 	snop;
	(pc) =	sbr.rel @!p0 .LBB2_45-.Ltmp27, $1  }
0x3e5: {  	_ =	sdelay $0x3  }
0x3e6: {  	v9 =	vld [tilespmem:$0x8540]  }
0x3e7: {  	v10 =	vld [tilespmem:$0x8550]  }
0x3e8: {  	v11 =	vld [tilespmem:$0x8560]  }
0x3e9: {  	v12 =	vld [tilespmem:$0x8570]  }
0x3ea: {  	v13 =	vld [tilespmem:s25+$0xFFFFFFE0]  }
0x3eb: {  	v15 =	vld [tilespmem:$0x8650]  }
0x3ec: {  	v17 =	vld [tilespmem:$0x8670]  }
0x3ed: {  	s2 =	sadd.s32 $0xFFFFFFD0, s9;
	v18 =	vld [tilespmem:$0x8660];
	s26 =	sadd.s32 $0xFFFFFFE0, s9  }
0x3ee: {  	v14 =	vld [tilespmem:$0x8640];
	v19 =	vor.u32 s2, v4;
	v22 =	vor.u32 s26, v4  }
0x3ef: {  	v16 =	vld [tilespmem:s25+$0xFFFFFFF0];
	vm0 =	vgt.f32 v13, v10;
	vm1 =	vgt.f32 v13, v12;
	vm2 =	vgt.f32 v13, v9  }
0x3f0: {  	vm4 =	vgt.f32 v13, v11;
	v20 =	vsel vm0, v13, v10;
	v12 =	vsel vm1, v13, v12  }
0x3f1: {  	v21 =	vsel vm0, v19, v15;
	v17 =	vsel vm1, v19, v17;
	v24 =	vsel vm4, v13, v11  }
0x3f2: {  	v25 =	vsel vm4, v19, v18;
	v20 =	vsel vm2, v9, v20;
	v11 =	vsel vm4, v11, v12  }
0x3f3: {  	v12 =	vsel vm2, v14, v21;
	v10 =	vsel vm0, v10, v24;
	v15 =	vsel vm0, v15, v25  }
0x3f4: {  	v9 =	vsel vm2, v13, v9;
	v13 =	vsel vm4, v18, v17;
	vm3 =	vgt.f32 v16, v20  }
0x3f5: {  	vm0 =	vgt.f32 v16, v10;
	vm1 =	vgt.f32 v16, v11;
	vm15 =	vgt.f32 v16, v9  }
0x3f6: {  	v21 =	vld [tilespmem:s25+$0x0];
	v23 =	vsel vm3, v16, v20;
	v11 =	vsel vm1, v16, v11;
	v17 =	vsel vm3, v22, v12  }
0x3f7: {  	v18 =	vsel vm0, v16, v10;
	v24 =	vsel vm0, v10, v11;
	v11 =	vsel vm2, v19, v14  }
0x3f8: {  	s28 =	sadd.s32 $0xFFFFFFF0, s9;
	v10 =	vsel vm15, v16, v9;
	v14 =	vsel vm15, v9, v23;
	v16 =	vsel vm0, v22, v15  }
0x3f9: {  	v9 =	vor.u32 s9, v4;
	v19 =	vor.u32 s28, v4;
	v23 =	vsel vm15, v11, v17  }
0x3fa: {  	v12 =	vsel vm3, v12, v16;
	v11 =	vsel vm15, v22, v11;
	v16 =	vsel vm1, v22, v13  }
0x3fb: {  	v13 =	vld [tilespmem:s25+$0x10];
	v17 =	vsel vm3, v20, v18;
	v15 =	vsel vm0, v15, v16;
	vm0 =	vgt.f32 v21, v24  }
0x3fc: {  	vm1 =	vgt.f32 v21, v17;
	vm2 =	vgt.f32 v21, v10;
	vm3 =	vgt.f32 v21, v14  }
0x3fd: {  	v16 =	vsel vm0, v21, v24;
	v15 =	vsel vm0, v19, v15;
	v18 =	vsel vm1, v21, v17  }
0x3fe: {  	v22 =	vsel vm1, v19, v12;
	v20 =	vsel vm3, v21, v14;
	v17 =	vsel vm1, v17, v16  }
0x3ff: {  	v12 =	vsel vm1, v12, v15;
	v15 =	vsel vm2, v19, v11;
	v16 =	vsel vm3, v14, v18  }
0x400: {  	v18 =	vsel vm2, v21, v10;
	v19 =	vsel vm3, v19, v23;
	vm1 =	vgt.f32 v13, v17  }
0x401: {  	s20 =	smov.u32 s9;
	s26 =	simm.s32 $0x0;
	s2 =	sadd.s32 $0x40, s25;
	v14 =	vsel vm3, v23, v22;
	vm0 =	vgt.f32 v13, v16;
	v17 =	vsel vm1, v13, v17  }
.LBB2_43:
0x402: {  	v21 =	vld [tilespmem:s2+$0xFFFFFFE0];
	s26 =	sadd.s32 $0x4, s26;
	v10 =	vsel vm2, v10, v20;
	vm3 =	vgt.f32 v13, v18;
	v20 =	vsel vm0, v13, v16;
	s20 =	sadd.s32 $0x40, s20  }
0x403: {  	v11 =	vsel vm2, v11, v19;
	p0 =	slt.u32 s26, $0xC;
	vm2 =	vgt.f32 v13, v10;
	v19 =	vsel vm3, v9, v15  }
0x404: {  	v22 =	vsel vm3, v13, v18;
	v13 =	vsel vm2, v13, v10;
	v10 =	vsel vm2, v10, v20  }
0x405: {  	v16 =	vsel vm0, v16, v17;
	s10 =	sadd.s32 $0xFFFFFFD0, s20;
	v20 =	vld [tilespmem:s2+$0xFFFFFFF0];
	v13 =	vsel vm3, v18, v13;
	v18 =	vsel vm2, v9, v11  }
0x406: {  	v17 =	vor.u32 s10, v4;
	v15 =	vsel vm3, v15, v18;
	v18 =	vsel vm0, v9, v14  }
0x407: {  	vm3 =	vgt.f32 v21, v13;
	vm4 =	vgt.f32 v21, v16;
	v11 =	vsel vm2, v11, v18  }
0x408: {  	v9 =	vsel vm1, v9, v12;
	vm2 =	vgt.f32 v21, v22;
	v18 =	vsel vm3, v21, v13  }
0x409: {  	s10 =	sadd.s32 $0xFFFFFFE0, s20;
	v9 =	vsel vm0, v14, v9;
	v16 =	vsel vm4, v21, v16;
	v12 =	vsel vm2, v22, v18  }
0x40a: {  	v14 =	vsel vm3, v17, v15;
	v18 =	vor.u32 s10, v4;
	vm0 =	vgt.f32 v20, v12  }
0x40b: {  	vm1 =	vgt.f32 v21, v10;
	v9 =	vsel vm4, v17, v9;
	v23 =	vsel vm0, v20, v12  }
0x40c: {  	v24 =	vsel vm1, v21, v10;
	v25 =	vsel vm1, v17, v11;
	v10 =	vsel vm1, v10, v16  }
0x40d: {  	v14 =	vsel vm2, v19, v14;
	v13 =	vsel vm3, v13, v24;
	v15 =	vsel vm3, v15, v25  }
0x40e: {  	v16 =	vsel vm2, v21, v22;
	vm3 =	vgt.f32 v20, v13;
	vm4 =	vgt.f32 v20, v10  }
0x40f: {  	v21 =	vsel vm1, v11, v9;
	vm1 =	vgt.f32 v20, v16;
	v9 =	vsel vm4, v20, v10  }
0x410: {  	v11 =	vsel vm0, v18, v14;
	v22 =	vsel vm3, v20, v13;
	v24 =	vsel vm3, v13, v9;
	v25 =	vld [tilespmem:s2+$0x0]  }
0x411: {  	v10 =	vsel vm1, v20, v16;
	v13 =	vsel vm2, v17, v19;
	v19 =	vsel vm1, v16, v23  }
0x412: {  	v9 =	vor.u32 s20, v4;
	v23 =	vsel vm1, v13, v11;
	v11 =	vsel vm3, v18, v15  }
0x413: {  	s10 =	sadd.s32 $0xFFFFFFF0, s20;
	v14 =	vsel vm0, v14, v11  }
0x414: {  	v16 =	vsel vm4, v18, v21;
	v21 =	vor.u32 s10, v4;
	v11 =	vsel vm1, v18, v13;
	v13 =	vld [tilespmem:s2+$0x10]  }
0x415: {  	v12 =	vsel vm0, v12, v22;
	v15 =	vsel vm3, v15, v16;
	vm0 =	vgt.f32 v25, v24  }
0x416: {  	vm1 =	vgt.f32 v25, v12;
	v16 =	vsel vm0, v25, v24;
	v15 =	vsel vm0, v21, v15  }
.Ltmp28:
0x417: {  	v17 =	vsel vm1, v25, v12;
	v22 =	vsel vm1, v21, v14;
	v20 =	vsel vm1, v12, v16;
	(pc) =	sbr.rel @p0 .LBB2_43-.Ltmp28, $4  }
0x418: {  	vm2 =	vgt.f32 v25, v10;
	vm3 =	vgt.f32 v25, v19;
	v12 =	vsel vm1, v14, v15  }
0x419: {  	v15 =	vsel vm2, v21, v11;
	v16 =	vsel vm3, v19, v17;
	vm1 =	vgt.f32 v13, v20  }
0x41a: {  	v18 =	vsel vm2, v25, v10;
	vm0 =	vgt.f32 v13, v16;
	v17 =	vsel vm1, v13, v20  }
0x41b: {  	s2 =	sadd.s32 $0x40, s2;
	v14 =	vsel vm3, v23, v22;
	v20 =	vsel vm3, v25, v19;
	v19 =	vsel vm3, v21, v23  }
.Ltmp29:
0x41c: {  	_ = 	snop;
	(pc) =	sbr.rel .LBB2_44-.Ltmp29, $1  }
0x41d: {  	_ =	sdelay $0x3  }
.LBB2_48:
0x41e: {  	_ =	sfence.sel $0x180000  }
0x41f: {  	[bflag:$0x0] =	sbarrier.arrive $0xFFFF  }
0x420: {  	_ =	strace $0x90000047  }
0x421: {  	s0 =	stileid.u32;
	[bflag:$0x2] =	sbarrier.arrive $0xFFFF  }
0x422: {  	p0 =	sne.s32 s0, $0x0;
	s0 =	rddreg [dreg:$0x3]  }
0x423: {  	s0 =	sadd.s32 @!p0 $0x100000, s0  }
0x424: {  	[sflag:s0] =	ssyncadd.tile.s32 @!p0 $0x1;
	_ =	shalt  }
.Lfunc_end2:
_tile_overlayer_lowered:
.L_overlay_start_2:
0x425: {  	(tag) =	ssettag $0x2  }
0x426: {  	s0 =	rddreg [dreg:$0x0];
	s2 =	stileid.u32  }
0x427: {  	s1 =	rddreg [dreg:$0x1];
	p0 =	sne.s32 s2, $0x0  }
0x428: {  	s3 =	rddreg [dreg:$0x2];
	[bflag:$0x3] =	sbarrier.arrive $0xFFFF;
	s2 =	simm.s32 @!p0 $0x1C03  }
0x429: {  	[timem:s3], [sflag:s2] =	dma.local @!p0 [hbm:s0], s1  }
0x42a: {  	s0 =	simm.s32 @!p0 $0x3  }
0x42b: {  	_ =	swait.ge @!p0 [sflag:s0], s1  }
0x42c: {  	s1 =	ssub.s32 @!p0 $0x0, s1;
	[sflag:s0] =	ssyncset.done @!p0 $0x0  }
0x42d: {  	[sflag:s0] =	ssyncadd.s32 @!p0 s1  }
0x42e: {  	[bflag:$0x3] =	sbarrier.arrive $0xFFFF  }
0x42f: {  	_ =	shalt  }

</sc_bundles>
